<compile_context>
chip_gen: v7x
topology: tpu7x:2x2x1
jax: 0.10.2.dev20260603
libtpu: 0.0.44.dev20260713+nightly
codegen_flags: <defaults>
</compile_context>

<pallas_src>
import functools

import jax
import jax.numpy as jnp
from jax import lax
from jax.experimental import pallas as pl
from jax.experimental.pallas import tpu as pltpu
from jax.experimental.pallas import tpu_sc as plsc

HID = 128
N = 10000
NP = 10240
E = 320000
CB = 160
EPB = CB * 128 * 16
NI = 16384
EI = 262144
CI = 192
BINS = 2 * NP + 3 * NI
SD = BINS // 16
TRASH = 10001
DEGC = 352
DEG_EDGES = DEGC * 128 * 32

NC, NS = 2, 16


def _sc_mesh():
  return plsc.VectorSubcoreMesh(core_axis_name="c", subcore_axis_name="s",
                                num_cores=NC, num_subcores=NS)


def _deg_body(dstbins, zeros_hbm, out, idx_v, ones_v, acc_sh):
  c = lax.axis_index("c")
  s = lax.axis_index("s")
  wid = c * NS + s
  for t in range(8):
    ones_v[pl.ds(t * 16, 16)] = jnp.full((16,), 1.0, jnp.float32)
  pltpu.sync_copy(zeros_hbm, acc_sh.at[pl.ds(s * SD, SD)])
  pltpu.sync_copy(dstbins.at[pl.ds(wid * DEGC, DEGC)], idx_v)
  plsc.subcore_barrier()

  def body(j, carry):
    pltpu.sync_copy(ones_v, acc_sh.at[idx_v.at[j]], add=True)
    return carry

  lax.fori_loop(0, DEGC, body, 0)
  plsc.subcore_barrier()
  pltpu.sync_copy(acc_sh.at[pl.ds(s * SD, SD)],
                  out.at[pl.ds(c * BINS + s * SD, SD)])


_deg_kernel = functools.partial(
    pl.kernel,
    out_type=jax.ShapeDtypeStruct((2 * BINS,), jnp.float32),
    scratch_types=[
        pltpu.VMEM((DEGC, 128), jnp.int32),
        pltpu.VMEM((128,), jnp.float32),
        pltpu.VMEM_SHARED((BINS,), jnp.float32),
    ],
)


IG = 8
NG = CB // IG


def _conv_body(g2, src, dst, out, si0, di0, si1, di1, rows0, rows1, dumidx,
               gsem0, gsem1, isem0, isem1, ssem0, ssem1, acc_sh):
  c = lax.axis_index("c")
  s = lax.axis_index("s")
  stripe = NP // NS
  base = (c * NS + s) * CB

  pltpu.sync_copy(src.at[pl.ds(base, IG)], si0)
  pltpu.sync_copy(dst.at[pl.ds(base, IG)], di0)
  pltpu.async_copy(src.at[pl.ds(base + IG, IG)], si1, isem1)
  pltpu.async_copy(dst.at[pl.ds(base + IG, IG)], di1, isem1)
  for t in range(8):
    dumidx[pl.ds(t * 16, 16)] = jnp.full((16,), N, jnp.int32)
  pltpu.sync_copy(g2.at[pl.ds(c * NP + s * stripe, stripe)],
                  acc_sh.at[pl.ds(s * stripe, stripe)])
  plsc.subcore_barrier()

  pltpu.async_copy(g2.at[pl.ds(c * NP, 128)], rows0, gsem0)
  pltpu.async_copy(rows1, acc_sh.at[dumidx], ssem1, add=True)

  slots = ((si0, di0, isem0), (si1, di1, isem1))

  def sbody(m, carry):
    for q in (0, 1):
      g = 2 * m + q
      si_q, di_q, isem_q = slots[q]
      si_o, di_o, isem_o = slots[1 - q]
      for k in range(IG):
        if k % 2 == 0:
          rbuf, rsem, ssem = rows0, gsem0, ssem0
          nbuf, nrsem, nssem = rows1, gsem1, ssem1
        else:
          rbuf, rsem, ssem = rows1, gsem1, ssem1
          nbuf, nrsem, nssem = rows0, gsem0, ssem0
        pltpu.make_async_copy(g2.at[si_q.at[k]], rbuf, rsem).wait()
        pltpu.async_copy(rbuf, acc_sh.at[pl.ds(s * stripe, 128)], ssem)
        pltpu.make_async_copy(nbuf, acc_sh.at[pl.ds(s * stripe, 128)],
                              nssem).wait()
        if k < IG - 1:
          pltpu.async_copy(g2.at[pl.ds(c * NP, 128)], nbuf, nrsem)
        else:
          nb = base + (g + 1) * IG
          pltpu.make_async_copy(src.at[pl.ds(nb, IG)], si_o, isem_o).wait()
          pltpu.make_async_copy(dst.at[pl.ds(nb, IG)], di_o, isem_o).wait()
          fb = base + (g + 2) * IG
          pltpu.async_copy(src.at[pl.ds(fb, IG)], si_q, isem_q)
          pltpu.async_copy(dst.at[pl.ds(fb, IG)], di_q, isem_q)
          pltpu.async_copy(g2.at[pl.ds(c * NP, 128)], nbuf, nrsem)
    return carry

  lax.fori_loop(0, NG // 2, sbody, 0)
  pltpu.make_async_copy(g2.at[si0.at[0]], rows0, gsem0).wait()
  pltpu.make_async_copy(rows1, acc_sh.at[di1.at[0]], ssem1).wait()
  nb = base + (NG + 1) * IG
  pltpu.make_async_copy(src.at[pl.ds(nb, IG)], si1, isem1).wait()
  pltpu.make_async_copy(dst.at[pl.ds(nb, IG)], di1, isem1).wait()

  plsc.subcore_barrier()
  pltpu.sync_copy(acc_sh.at[pl.ds(s * stripe, stripe)],
                  out.at[pl.ds(c * NP + s * stripe, stripe)])


_conv_kernel = functools.partial(
    pl.kernel,
    out_type=jax.ShapeDtypeStruct((2 * NP, HID), jnp.float32),
    scratch_types=[
        pltpu.VMEM((IG, 128), jnp.int32),
        pltpu.VMEM((IG, 128), jnp.int32),
        pltpu.VMEM((IG, 128), jnp.int32),
        pltpu.VMEM((IG, 128), jnp.int32),
        pltpu.VMEM((128, HID), jnp.float32),
        pltpu.VMEM((128, HID), jnp.float32),
        pltpu.VMEM((128,), jnp.int32),
        pltpu.SemaphoreType.DMA,
        pltpu.SemaphoreType.DMA,
        pltpu.SemaphoreType.DMA,
        pltpu.SemaphoreType.DMA,
        pltpu.SemaphoreType.DMA,
        pltpu.SemaphoreType.DMA,
        pltpu.VMEM_SHARED((NP, HID), jnp.float32),
    ],
)


def _inter_body(g, src, dst, zeros_hbm, out, srcv, dstv, vals0, vals1,
                sem0, sem1, acc_sh):
  c = lax.axis_index("c")
  s = lax.axis_index("s")
  stripe = 3 * NI // NS
  pltpu.sync_copy(zeros_hbm.at[pl.ds(0, stripe)],
                  acc_sh.at[pl.ds(s * stripe, stripe)])
  base = (c * NS + s) * CI
  pltpu.sync_copy(src.at[pl.ds(base, CI)], srcv)
  pltpu.sync_copy(dst.at[pl.ds(base, CI)], dstv)
  plsc.subcore_barrier()

  pltpu.async_copy(g.at[srcv.at[0]], vals0, sem0)

  def body(i, carry):
    j = 2 * i
    pltpu.make_async_copy(g.at[srcv.at[j]], vals0, sem0).wait()
    pltpu.async_copy(g.at[srcv.at[j + 1]], vals1, sem1)
    pltpu.sync_copy(vals0, acc_sh.at[dstv.at[j]], add=True)
    pltpu.make_async_copy(g.at[srcv.at[j + 1]], vals1, sem1).wait()
    pltpu.async_copy(g.at[srcv.at[j + 2]], vals0, sem0)
    pltpu.sync_copy(vals1, acc_sh.at[dstv.at[j + 1]], add=True)
    return carry

  lax.fori_loop(0, CI // 2 - 1, body, 0)
  j = CI - 2
  pltpu.make_async_copy(g.at[srcv.at[j]], vals0, sem0).wait()
  pltpu.async_copy(g.at[srcv.at[j + 1]], vals1, sem1)
  pltpu.sync_copy(vals0, acc_sh.at[dstv.at[j]], add=True)
  pltpu.make_async_copy(g.at[srcv.at[j + 1]], vals1, sem1).wait()
  pltpu.sync_copy(vals1, acc_sh.at[dstv.at[j + 1]], add=True)

  plsc.subcore_barrier()
  pltpu.sync_copy(acc_sh.at[pl.ds(s * stripe, stripe)],
                  out.at[pl.ds(c * 3 * NI + s * stripe, stripe)])


_inter_kernel = functools.partial(
    pl.kernel,
    out_type=jax.ShapeDtypeStruct((2 * 3 * NI,), jnp.float32),
    scratch_types=[
        pltpu.VMEM((CI, 128), jnp.int32),
        pltpu.VMEM((CI, 128), jnp.int32),
        pltpu.VMEM((128,), jnp.float32),
        pltpu.VMEM((128,), jnp.float32),
        pltpu.SemaphoreType.DMA,
        pltpu.SemaphoreType.DMA,
        pltpu.VMEM_SHARED((3 * NI,), jnp.float32),
    ],
)


_BLK = 1280


def _tc_pre_body(x_ref, pdeg_ref, w_ref, o_ref):
  deg = pdeg_ref[0, :] + pdeg_ref[1, :] + 1.0
  dis = lax.rsqrt(deg)
  m = jnp.dot(x_ref[...], w_ref[...], preferred_element_type=jnp.float32)
  o_ref[...] = dis[:, None] * m


def _tc_mid_body(acc_ref, pdeg_ref, b_ref, w_ref, o_ref):
  deg = pdeg_ref[0, :] + pdeg_ref[1, :] + 1.0
  dis = lax.rsqrt(deg)
  h = jnp.maximum(dis[:, None] * acc_ref[...] + b_ref[...], 0.0)
  m = jnp.dot(h, w_ref[...], preferred_element_type=jnp.float32)
  o_ref[...] = dis[:, None] * m


def _tc_pool_body(acc_ref, pdeg_ref, pdegi_ref, b_ref, o_ref, sums_ref):
  i = pl.program_id(0)
  deg = pdeg_ref[0, :] + pdeg_ref[1, :] + 1.0
  dis = lax.rsqrt(deg)
  h = jnp.maximum(dis[:, None] * acc_ref[...] + b_ref[...], 0.0)
  lrow = (i % 8) * _BLK + lax.broadcasted_iota(jnp.int32, (_BLK, 1), 0)
  h = jnp.where(lrow < N, h, 0.0)
  sums_ref[pl.ds(i, 1), :] = jnp.sum(h, axis=0, keepdims=True)

  @pl.when(i == 15)
  def _():
    allsums = sums_ref[...]
    h1m = jnp.sum(allsums[0:8], axis=0) * (1.0 / N)
    h2m = jnp.sum(allsums[8:16], axis=0) * (1.0 / N)
    degi = pdegi_ref[0] + pdegi_ref[1] + 1.0
    disi = lax.rsqrt(degi)
    outer = h1m[:, None] * h2m[None, :]
    o_ref[...] = disi * outer[None, :, :]


def _tc_head_body(ps_ref, g_ref, pdegi_ref, wi_ref, bi_ref, fcw_ref,
                  fcb_ref, o_ref, acc_ref):
  i = pl.program_id(0)

  @pl.when(i == 0)
  def _():
    acc_ref[...] = jnp.zeros((8, HID), jnp.float32)

  degi = pdegi_ref[0] + pdegi_ref[1] + 1.0
  disi = lax.rsqrt(degi)
  s = disi * (ps_ref[0] + ps_ref[1] + g_ref[...])
  for k in range(3):
    sk = s[k, :]
    contrib = jnp.maximum(sk[:, None] * wi_ref[k, :][None, :]
                          + bi_ref[k, :][None, :], 0.0)
    acc_ref[k, :] = acc_ref[k, :] + jnp.sum(contrib, axis=0)

  @pl.when(i == 15)
  def _():
    v = (acc_ref[0, :] + acc_ref[1, :] + acc_ref[2, :]) * (1.0 / (3.0 * NI))
    o_ref[...] = jnp.dot(v[None, :], fcw_ref[...],
                         preferred_element_type=jnp.float32) + fcb_ref[...]


def _pad_edges(idx, pad_val, total):
  pad = jnp.full((total - idx.shape[0],), pad_val, jnp.int32)
  return jnp.concatenate([idx.astype(jnp.int32), pad])


def kernel(x_lig, x_tar, W1, b1, W2, b2, Wi1, bi1, Wi2, bi2, Wi3, bi3,
           fcW, fcb, lig_e_idx, tar_e_idx, inter_idx1, inter_idx2,
           inter_idx3):
  f32 = jnp.float32
  mesh = _sc_mesh()

  x = jnp.concatenate([
      jnp.pad(x_lig.astype(f32), ((0, NP - N), (0, 0))),
      jnp.pad(x_tar.astype(f32), ((0, NP - N), (0, 0))),
  ])

  lig_src = lig_e_idx[0].astype(jnp.int32)
  lig_dst = lig_e_idx[1].astype(jnp.int32)
  tar_src = tar_e_idx[0].astype(jnp.int32)
  tar_dst = tar_e_idx[1].astype(jnp.int32)
  i_src = [e[0].astype(jnp.int32) for e in (inter_idx1, inter_idx2,
                                            inter_idx3)]
  i_dst = [e[1].astype(jnp.int32) for e in (inter_idx1, inter_idx2,
                                            inter_idx3)]

  conv_src = jnp.pad(jnp.concatenate([
      _pad_edges(lig_src, N, EPB),
      _pad_edges(tar_src + NP, NP + N, EPB),
  ]).reshape(2 * NS * CB, 128), ((0, 2 * IG), (0, 0)))
  conv_dst = jnp.pad(jnp.concatenate([
      _pad_edges(lig_dst, N, EPB),
      _pad_edges(tar_dst, N, EPB),
  ]).reshape(2 * NS * CB, 128), ((0, 2 * IG), (0, 0)))

  deg_bins = jnp.concatenate([
      lig_dst, tar_dst + NP,
      i_dst[0] + 2 * NP, i_dst[1] + 2 * NP + NI, i_dst[2] + 2 * NP + 2 * NI,
      jnp.full((DEG_EDGES - 2 * E - 3 * EI,), TRASH, jnp.int32),
  ]).reshape(32 * DEGC, 128)

  int_src = jnp.concatenate(
      [i_src[k] + k * NI for k in range(3)]).reshape(32 * CI, 128)
  int_dst = jnp.concatenate(
      [i_dst[k] + k * NI for k in range(3)]).reshape(32 * CI, 128)

  zeros_hbm = jnp.zeros((SD,), f32)

  pdeg_flat = _deg_kernel(_deg_body, mesh=mesh)(deg_bins, zeros_hbm)
  pdeg = pdeg_flat.reshape(2, BINS)
  pdeg_nodes = pdeg[:, :2 * NP]
  pdeg_inter = pdeg[:, 2 * NP:].reshape(2, 3, NI)
  pdeg_inter4 = pdeg_inter.reshape(2, 3, 128, 128)

  grid16 = 16
  spec_x = pl.BlockSpec((_BLK, HID), lambda i: (i, 0))
  spec_pdeg = pl.BlockSpec((2, _BLK), lambda i: (0, i))
  spec_w = pl.BlockSpec((HID, HID), lambda i: (0, 0))
  spec_b = pl.BlockSpec((1, HID), lambda i: (0, 0))

  g1 = pl.pallas_call(
      _tc_pre_body,
      grid=(grid16,),
      in_specs=[spec_x, spec_pdeg, spec_w],
      out_specs=spec_x,
      out_shape=jax.ShapeDtypeStruct((2 * NP, HID), f32),
  )(x, pdeg_nodes, W1.astype(f32))

  acc1 = _conv_kernel(_conv_body, mesh=mesh)(g1, conv_src, conv_dst)

  g2 = pl.pallas_call(
      _tc_mid_body,
      grid=(grid16,),
      in_specs=[spec_x, spec_pdeg, spec_b, spec_w],
      out_specs=spec_x,
      out_shape=jax.ShapeDtypeStruct((2 * NP, HID), f32),
  )(acc1, pdeg_nodes, b1.astype(f32).reshape(1, HID), W2.astype(f32))

  acc2 = _conv_kernel(_conv_body, mesh=mesh)(g2, conv_src, conv_dst)

  g_all = pl.pallas_call(
      _tc_pool_body,
      grid=(grid16,),
      in_specs=[
          spec_x, spec_pdeg,
          pl.BlockSpec((2, 3, 128, 128), lambda i: (0, 0, 0, 0)),
          spec_b,
      ],
      out_specs=pl.BlockSpec((3, 128, 128), lambda i: (0, 0, 0)),
      out_shape=jax.ShapeDtypeStruct((3, 128, 128), f32),
      scratch_shapes=[pltpu.VMEM((16, HID), f32)],
  )(acc2, pdeg_nodes, pdeg_inter4, b2.astype(f32).reshape(1, HID))
  g_flat = g_all.reshape(3 * NI)

  ps_flat = _inter_kernel(_inter_body, mesh=mesh)(
      g_flat, int_src, int_dst, zeros_hbm)
  ps = ps_flat.reshape(2, 3, NI)

  wi = jnp.concatenate([Wi1, Wi2, Wi3]).astype(f32)
  bi = jnp.stack([bi1, bi2, bi3]).astype(f32)
  ib = 1024
  y = pl.pallas_call(
      _tc_head_body,
      grid=(grid16,),
      in_specs=[
          pl.BlockSpec((2, 3, ib), lambda i: (0, 0, i)),
          pl.BlockSpec((3, ib), lambda i: (0, i)),
          pl.BlockSpec((2, 3, ib), lambda i: (0, 0, i)),
          pl.BlockSpec((3, HID), lambda i: (0, 0)),
          pl.BlockSpec((3, HID), lambda i: (0, 0)),
          pl.BlockSpec((HID, HID), lambda i: (0, 0)),
          pl.BlockSpec((1, HID), lambda i: (0, 0)),
      ],
      out_specs=pl.BlockSpec((1, HID), lambda i: (0, 0)),
      out_shape=jax.ShapeDtypeStruct((1, HID), f32),
      scratch_shapes=[pltpu.VMEM((8, HID), f32)],
  )(ps, g_flat.reshape(3, NI), pdeg_inter, wi, bi, fcW.astype(f32),
    fcb.astype(f32).reshape(1, HID))
  return y

# --- scband reference (transcript-rebuilt; emitter-appended) ---
"""Pipeline reference for scband-gnn-8976481648794 (READ-ONLY COPY).

The authoritative reference and input builder live on the scoring server;
editing this copy changes nothing except your own understanding.
"""

import jax, jax.numpy as jnp
import numpy as np

HID = 128


def gcn_conv(x, edge_index, W, b):
    n = x.shape[0]
    loop = jnp.arange(n, dtype=edge_index.dtype)
    src = jnp.concatenate([edge_index[0], loop])
    dst = jnp.concatenate([edge_index[1], loop])
    deg = jnp.zeros((n,), x.dtype).at[dst].add(1.0)
    dis = jnp.where(deg > 0, 1.0 / jnp.sqrt(deg), 0.0)
    norm = dis[src] * dis[dst]
    h = x @ W
    out = jnp.zeros((n, W.shape[1]), x.dtype).at[dst].add(h[src] * norm[:, None])
    return out + b


def setup_inputs(seed: int = 0) -> dict:
    key = jax.random.key(seed)
    ks = jax.random.split(key, 24)
    N, E, D = 10000, 320000, 128
    NI, EI = HID * HID, 262144
    OUT = 128
    inp = {}
    inp['x_lig'] = jax.random.normal(ks[0], (N, D), jnp.float32)
    inp['x_tar'] = jax.random.normal(ks[1], (N, D), jnp.float32)
    inp['W1'] = jax.random.normal(ks[2], (D, HID), jnp.float32) * 0.05
    inp['b1'] = jnp.zeros((HID,), jnp.float32)
    inp['W2'] = jax.random.normal(ks[3], (HID, HID), jnp.float32) * 0.05
    inp['b2'] = jnp.zeros((HID,), jnp.float32)
    inp['Wi1'] = jax.random.normal(ks[4], (1, HID), jnp.float32) * 0.05
    inp['bi1'] = jnp.zeros((HID,), jnp.float32)
    inp['Wi2'] = jax.random.normal(ks[5], (1, HID), jnp.float32) * 0.05
    inp['bi2'] = jnp.zeros((HID,), jnp.float32)
    inp['Wi3'] = jax.random.normal(ks[6], (1, HID), jnp.float32) * 0.05
    inp['bi3'] = jnp.zeros((HID,), jnp.float32)
    inp['fcW'] = jax.random.normal(ks[7], (HID, OUT), jnp.float32) * 0.05
    inp['fcb'] = jnp.zeros((OUT,), jnp.float32)
    inp['lig_e_idx'] = jax.random.randint(ks[8], (2, E), 0, N, dtype=jnp.int64)
    inp['tar_e_idx'] = jax.random.randint(ks[9], (2, E), 0, N, dtype=jnp.int64)
    inp['inter_idx1'] = jax.random.randint(ks[10], (2, EI), 0, NI, dtype=jnp.int64)
    inp['inter_idx2'] = jax.random.randint(ks[11], (2, EI), 0, NI, dtype=jnp.int64)
    inp['inter_idx3'] = jax.random.randint(ks[12], (2, EI), 0, NI, dtype=jnp.int64)
    return inp


def reference(x_lig, x_tar, W1, b1, W2, b2, Wi1, bi1, Wi2, bi2, Wi3, bi3, fcW, fcb, lig_e_idx, tar_e_idx, inter_idx1, inter_idx2, inter_idx3):
    # ligand branch
    h1 = jax.nn.relu(gcn_conv(x_lig, lig_e_idx, W1, b1))
    h1 = jax.nn.relu(gcn_conv(h1, lig_e_idx, W2, b2))
    h1 = jnp.mean(h1, axis=0, keepdims=True)  # global_mean_pool, single graph -> [1, HID]
    # target branch
    h2 = jax.nn.relu(gcn_conv(x_tar, tar_e_idx, W1, b1))
    h2 = jax.nn.relu(gcn_conv(h2, tar_e_idx, W2, b2))
    h2 = jnp.mean(h2, axis=0, keepdims=True)  # [1, HID]
    inter = jnp.einsum('bi,bj->bij', h1, h2)  # [1, HID, HID]
    inter = inter.reshape(inter.shape[0], -1)  # [1, HID*HID]
    interT = inter.T  # [HID*HID, 1]
    inter1 = jax.nn.relu(gcn_conv(interT, inter_idx1, Wi1, bi1))
    inter2 = jax.nn.relu(gcn_conv(interT, inter_idx2, Wi2, bi2))
    inter3 = jax.nn.relu(gcn_conv(interT, inter_idx3, Wi3, bi3))
    inter_ = jnp.stack([inter1, inter2, inter3], axis=1)  # [HID*HID, 3, HID]
    inter_ = jnp.mean(inter_, axis=1)  # [HID*HID, HID]
    inter_ = jnp.mean(inter_.T, axis=1, keepdims=True)  # [HID, 1]
    h_ = inter_.T @ fcW + fcb  # [1, OUT]
    return h_

if __name__ == "__main__":
    import jax
    _d = setup_inputs()
    print(jax.jit(kernel)(*tuple(_d.values())))

</pallas_src>

<mosaic_0001>
#map = affine_map<(d0, d1) -> (0, 0)>
module attributes {stable_mosaic.version = 14 : i64} {
  func.func @_conv_body(%arg0: i32, %arg1: i32, %arg2: memref<20480x128xf32, #tpu.memory_space<hbm>>, %arg3: memref<5136x128xi32, #tpu.memory_space<hbm>>, %arg4: memref<5136x128xi32, #tpu.memory_space<hbm>>, %arg5: memref<20480x128xf32, #tpu.memory_space<hbm>>, %arg6: memref<8x128xi32, #tpu.memory_space<vmem>>, %arg7: memref<8x128xi32, #tpu.memory_space<vmem>>, %arg8: memref<8x128xi32, #tpu.memory_space<vmem>>, %arg9: memref<8x128xi32, #tpu.memory_space<vmem>>, %arg10: memref<128x128xf32, #tpu.memory_space<vmem>>, %arg11: memref<128x128xf32, #tpu.memory_space<vmem>>, %arg12: memref<128xi32, #tpu.memory_space<vmem>>, %arg13: memref<!tpu.dma_semaphore, #tpu.memory_space<semaphore_mem>>, %arg14: memref<!tpu.dma_semaphore, #tpu.memory_space<semaphore_mem>>, %arg15: memref<!tpu.dma_semaphore, #tpu.memory_space<semaphore_mem>>, %arg16: memref<!tpu.dma_semaphore, #tpu.memory_space<semaphore_mem>>, %arg17: memref<!tpu.dma_semaphore, #tpu.memory_space<semaphore_mem>>, %arg18: memref<!tpu.dma_semaphore, #tpu.memory_space<semaphore_mem>>, %arg19: memref<10240x128xf32, #tpu.memory_space<vmem_shared>>) attributes {dimension_semantics = [#tpu.dimension_semantics<core_parallel>, #tpu.dimension_semantics<subcore_parallel>], iteration_bounds = array<i64: 2, 16>, scalar_prefetch = 0 : i64, scratch_operands = 14 : i64, tpu.core_type = #tpu.core_type<sc_vector_subcore>, window_params = [{transform_indices = #map}, {transform_indices = #map}, {transform_indices = #map}, {transform_indices = #map}]} {
    %mul3A = arith.constant 16 : i32
    %mul3A_0 = arith.muli %arg0, %mul3A : i32
    %add3A = arith.addi %mul3A_0, %arg1 : i32
    %mul3A_1 = arith.constant 160 : i32
    %mul3A_2 = arith.muli %add3A, %mul3A_1 : i32
    "tpu.region"() ({
      %run_scoped3A = tpu.sem_alloc : memref<!tpu.dma_semaphore, #tpu.memory_space<semaphore_mem>>
      %dma_start3A_112 = arith.constant 0 : i32
      %dma_start3A_113 = tpu.memref_slice %arg3[%mul3A_2, %dma_start3A_112] : memref<5136x128xi32, #tpu.memory_space<hbm>> -> memref<8x128xi32, #tpu.memory_space<hbm>>
      %dma_start3A_114 = arith.constant 0 : i32
      %dma_start3A_115 = tpu.memref_slice %arg3[%mul3A_2, %dma_start3A_114] : memref<5136x128xi32, #tpu.memory_space<hbm>> -> memref<8x128xi32, #tpu.memory_space<hbm>>
      tpu.enqueue_dma source(%dma_start3A_115 : memref<8x128xi32, #tpu.memory_space<hbm>>) target(%arg6 : memref<8x128xi32, #tpu.memory_space<vmem>>) target_semaphore(%run_scoped3A : memref<!tpu.dma_semaphore, #tpu.memory_space<semaphore_mem>>)
      %dma_wait3A_116 = arith.constant 0 : i32
      %dma_wait3A_117 = tpu.memref_slice %arg3[%mul3A_2, %dma_wait3A_116] : memref<5136x128xi32, #tpu.memory_space<hbm>> -> memref<8x128xi32, #tpu.memory_space<hbm>>
      %dma_wait3A_118 = arith.constant 0 : i32
      %dma_wait3A_119 = tpu.memref_slice %arg3[%mul3A_2, %dma_wait3A_118] : memref<5136x128xi32, #tpu.memory_space<hbm>> -> memref<8x128xi32, #tpu.memory_space<hbm>>
      tpu.wait_dma2 semaphore(%run_scoped3A : memref<!tpu.dma_semaphore, #tpu.memory_space<semaphore_mem>>) src(%dma_wait3A_119 : memref<8x128xi32, #tpu.memory_space<hbm>>) dst(%arg6 : memref<8x128xi32, #tpu.memory_space<vmem>>)
      tpu.yield
    }) : () -> ()
    "tpu.region"() ({
      %run_scoped3A = tpu.sem_alloc : memref<!tpu.dma_semaphore, #tpu.memory_space<semaphore_mem>>
      %dma_start3A_112 = arith.constant 0 : i32
      %dma_start3A_113 = tpu.memref_slice %arg4[%mul3A_2, %dma_start3A_112] : memref<5136x128xi32, #tpu.memory_space<hbm>> -> memref<8x128xi32, #tpu.memory_space<hbm>>
      %dma_start3A_114 = arith.constant 0 : i32
      %dma_start3A_115 = tpu.memref_slice %arg4[%mul3A_2, %dma_start3A_114] : memref<5136x128xi32, #tpu.memory_space<hbm>> -> memref<8x128xi32, #tpu.memory_space<hbm>>
      tpu.enqueue_dma source(%dma_start3A_115 : memref<8x128xi32, #tpu.memory_space<hbm>>) target(%arg7 : memref<8x128xi32, #tpu.memory_space<vmem>>) target_semaphore(%run_scoped3A : memref<!tpu.dma_semaphore, #tpu.memory_space<semaphore_mem>>)
      %dma_wait3A_116 = arith.constant 0 : i32
      %dma_wait3A_117 = tpu.memref_slice %arg4[%mul3A_2, %dma_wait3A_116] : memref<5136x128xi32, #tpu.memory_space<hbm>> -> memref<8x128xi32, #tpu.memory_space<hbm>>
      %dma_wait3A_118 = arith.constant 0 : i32
      %dma_wait3A_119 = tpu.memref_slice %arg4[%mul3A_2, %dma_wait3A_118] : memref<5136x128xi32, #tpu.memory_space<hbm>> -> memref<8x128xi32, #tpu.memory_space<hbm>>
      tpu.wait_dma2 semaphore(%run_scoped3A : memref<!tpu.dma_semaphore, #tpu.memory_space<semaphore_mem>>) src(%dma_wait3A_119 : memref<8x128xi32, #tpu.memory_space<hbm>>) dst(%arg7 : memref<8x128xi32, #tpu.memory_space<vmem>>)
      tpu.yield
    }) : () -> ()
    %add3A_3 = arith.constant 8 : i32
    %add3A_4 = arith.addi %mul3A_2, %add3A_3 : i32
    %dma_start3A = arith.constant 0 : i32
    %dma_start3A_5 = tpu.memref_slice %arg3[%add3A_4, %dma_start3A] : memref<5136x128xi32, #tpu.memory_space<hbm>> -> memref<8x128xi32, #tpu.memory_space<hbm>>
    %dma_start3A_6 = arith.constant 0 : i32
    %dma_start3A_7 = tpu.memref_slice %arg3[%add3A_4, %dma_start3A_6] : memref<5136x128xi32, #tpu.memory_space<hbm>> -> memref<8x128xi32, #tpu.memory_space<hbm>>
    tpu.enqueue_dma source(%dma_start3A_7 : memref<8x128xi32, #tpu.memory_space<hbm>>) target(%arg8 : memref<8x128xi32, #tpu.memory_space<vmem>>) target_semaphore(%arg16 : memref<!tpu.dma_semaphore, #tpu.memory_space<semaphore_mem>>)
    %add3A_8 = arith.constant 8 : i32
    %add3A_9 = arith.addi %mul3A_2, %add3A_8 : i32
    %dma_start3A_10 = arith.constant 0 : i32
    %dma_start3A_11 = tpu.memref_slice %arg4[%add3A_9, %dma_start3A_10] : memref<5136x128xi32, #tpu.memory_space<hbm>> -> memref<8x128xi32, #tpu.memory_space<hbm>>
    %dma_start3A_12 = arith.constant 0 : i32
    %dma_start3A_13 = tpu.memref_slice %arg4[%add3A_9, %dma_start3A_12] : memref<5136x128xi32, #tpu.memory_space<hbm>> -> memref<8x128xi32, #tpu.memory_space<hbm>>
    tpu.enqueue_dma source(%dma_start3A_13 : memref<8x128xi32, #tpu.memory_space<hbm>>) target(%arg9 : memref<8x128xi32, #tpu.memory_space<vmem>>) target_semaphore(%arg16 : memref<!tpu.dma_semaphore, #tpu.memory_space<semaphore_mem>>)
    %broadcast_in_dim3A = arith.constant 10000 : i32
    %broadcast_in_dim3A_14 = vector.broadcast %broadcast_in_dim3A : i32 to vector<16xi32>
    %swap3A = arith.constant 0 : index
    %swap3A_15 = tpu.vector_load %arg12[%swap3A] {strides = array<i32>} : memref<128xi32, #tpu.memory_space<vmem>>, vector<16xi32>,
    %swap3A_16 = vector.shape_cast %swap3A_15 : vector<16xi32> to vector<16xi32>
    %swap3A_17 = vector.shape_cast %broadcast_in_dim3A_14 : vector<16xi32> to vector<16xi32>
    tpu.vector_store %arg12[%swap3A], %swap3A_17 {strides = array<i32>} : memref<128xi32, #tpu.memory_space<vmem>>, vector<16xi32>,
    %broadcast_in_dim3A_18 = arith.constant 10000 : i32
    %broadcast_in_dim3A_19 = vector.broadcast %broadcast_in_dim3A_18 : i32 to vector<16xi32>
    %swap3A_20 = arith.constant 16 : index
    %swap3A_21 = tpu.vector_load %arg12[%swap3A_20] {strides = array<i32>} : memref<128xi32, #tpu.memory_space<vmem>>, vector<16xi32>,
    %swap3A_22 = vector.shape_cast %swap3A_21 : vector<16xi32> to vector<16xi32>
    %swap3A_23 = vector.shape_cast %broadcast_in_dim3A_19 : vector<16xi32> to vector<16xi32>
    tpu.vector_store %arg12[%swap3A_20], %swap3A_23 {strides = array<i32>} : memref<128xi32, #tpu.memory_space<vmem>>, vector<16xi32>,
    %broadcast_in_dim3A_24 = arith.constant 10000 : i32
    %broadcast_in_dim3A_25 = vector.broadcast %broadcast_in_dim3A_24 : i32 to vector<16xi32>
    %swap3A_26 = arith.constant 32 : index
    %swap3A_27 = tpu.vector_load %arg12[%swap3A_26] {strides = array<i32>} : memref<128xi32, #tpu.memory_space<vmem>>, vector<16xi32>,
    %swap3A_28 = vector.shape_cast %swap3A_27 : vector<16xi32> to vector<16xi32>
    %swap3A_29 = vector.shape_cast %broadcast_in_dim3A_25 : vector<16xi32> to vector<16xi32>
    tpu.vector_store %arg12[%swap3A_26], %swap3A_29 {strides = array<i32>} : memref<128xi32, #tpu.memory_space<vmem>>, vector<16xi32>,
    %broadcast_in_dim3A_30 = arith.constant 10000 : i32
    %broadcast_in_dim3A_31 = vector.broadcast %broadcast_in_dim3A_30 : i32 to vector<16xi32>
    %swap3A_32 = arith.constant 48 : index
    %swap3A_33 = tpu.vector_load %arg12[%swap3A_32] {strides = array<i32>} : memref<128xi32, #tpu.memory_space<vmem>>, vector<16xi32>,
    %swap3A_34 = vector.shape_cast %swap3A_33 : vector<16xi32> to vector<16xi32>
    %swap3A_35 = vector.shape_cast %broadcast_in_dim3A_31 : vector<16xi32> to vector<16xi32>
    tpu.vector_store %arg12[%swap3A_32], %swap3A_35 {strides = array<i32>} : memref<128xi32, #tpu.memory_space<vmem>>, vector<16xi32>,
    %broadcast_in_dim3A_36 = arith.constant 10000 : i32
    %broadcast_in_dim3A_37 = vector.broadcast %broadcast_in_dim3A_36 : i32 to vector<16xi32>
    %swap3A_38 = arith.constant 64 : index
    %swap3A_39 = tpu.vector_load %arg12[%swap3A_38] {strides = array<i32>} : memref<128xi32, #tpu.memory_space<vmem>>, vector<16xi32>,
    %swap3A_40 = vector.shape_cast %swap3A_39 : vector<16xi32> to vector<16xi32>
    %swap3A_41 = vector.shape_cast %broadcast_in_dim3A_37 : vector<16xi32> to vector<16xi32>
    tpu.vector_store %arg12[%swap3A_38], %swap3A_41 {strides = array<i32>} : memref<128xi32, #tpu.memory_space<vmem>>, vector<16xi32>,
    %broadcast_in_dim3A_42 = arith.constant 10000 : i32
    %broadcast_in_dim3A_43 = vector.broadcast %broadcast_in_dim3A_42 : i32 to vector<16xi32>
    %swap3A_44 = arith.constant 80 : index
    %swap3A_45 = tpu.vector_load %arg12[%swap3A_44] {strides = array<i32>} : memref<128xi32, #tpu.memory_space<vmem>>, vector<16xi32>,
    %swap3A_46 = vector.shape_cast %swap3A_45 : vector<16xi32> to vector<16xi32>
    %swap3A_47 = vector.shape_cast %broadcast_in_dim3A_43 : vector<16xi32> to vector<16xi32>
    tpu.vector_store %arg12[%swap3A_44], %swap3A_47 {strides = array<i32>} : memref<128xi32, #tpu.memory_space<vmem>>, vector<16xi32>,
    %broadcast_in_dim3A_48 = arith.constant 10000 : i32
    %broadcast_in_dim3A_49 = vector.broadcast %broadcast_in_dim3A_48 : i32 to vector<16xi32>
    %swap3A_50 = arith.constant 96 : index
    %swap3A_51 = tpu.vector_load %arg12[%swap3A_50] {strides = array<i32>} : memref<128xi32, #tpu.memory_space<vmem>>, vector<16xi32>,
    %swap3A_52 = vector.shape_cast %swap3A_51 : vector<16xi32> to vector<16xi32>
    %swap3A_53 = vector.shape_cast %broadcast_in_dim3A_49 : vector<16xi32> to vector<16xi32>
    tpu.vector_store %arg12[%swap3A_50], %swap3A_53 {strides = array<i32>} : memref<128xi32, #tpu.memory_space<vmem>>, vector<16xi32>,
    %broadcast_in_dim3A_54 = arith.constant 10000 : i32
    %broadcast_in_dim3A_55 = vector.broadcast %broadcast_in_dim3A_54 : i32 to vector<16xi32>
    %swap3A_56 = arith.constant 112 : index
    %swap3A_57 = tpu.vector_load %arg12[%swap3A_56] {strides = array<i32>} : memref<128xi32, #tpu.memory_space<vmem>>, vector<16xi32>,
    %swap3A_58 = vector.shape_cast %swap3A_57 : vector<16xi32> to vector<16xi32>
    %swap3A_59 = vector.shape_cast %broadcast_in_dim3A_55 : vector<16xi32> to vector<16xi32>
    tpu.vector_store %arg12[%swap3A_56], %swap3A_59 {strides = array<i32>} : memref<128xi32, #tpu.memory_space<vmem>>, vector<16xi32>,
    %mul3A_60 = arith.constant 10240 : i32
    %mul3A_61 = arith.muli %arg0, %mul3A_60 : i32
    %mul3A_62 = arith.constant 640 : i32
    %mul3A_63 = arith.muli %arg1, %mul3A_62 : i32
    %add3A_64 = arith.addi %mul3A_61, %mul3A_63 : i32
    %mul3A_65 = arith.constant 640 : i32
    %mul3A_66 = arith.muli %arg1, %mul3A_65 : i32
    "tpu.region"() ({
      %run_scoped3A = tpu.sem_alloc : memref<!tpu.dma_semaphore, #tpu.memory_space<semaphore_mem>>
      %dma_start3A_112 = arith.constant 0 : i32
      %dma_start3A_113 = tpu.memref_slice %arg19[%mul3A_66, %dma_start3A_112] : memref<10240x128xf32, #tpu.memory_space<vmem_shared>> -> memref<640x128xf32, #tpu.memory_space<vmem_shared>>
      %dma_start3A_114 = arith.constant 0 : i32
      %dma_start3A_115 = tpu.memref_slice %arg2[%add3A_64, %dma_start3A_114] : memref<20480x128xf32, #tpu.memory_space<hbm>> -> memref<640x128xf32, #tpu.memory_space<hbm>>
      tpu.enqueue_dma source(%dma_start3A_115 : memref<640x128xf32, #tpu.memory_space<hbm>>) target(%dma_start3A_113 : memref<640x128xf32, #tpu.memory_space<vmem_shared>>) target_semaphore(%run_scoped3A : memref<!tpu.dma_semaphore, #tpu.memory_space<semaphore_mem>>)
      %dma_wait3A_116 = arith.constant 0 : i32
      %dma_wait3A_117 = tpu.memref_slice %arg19[%mul3A_66, %dma_wait3A_116] : memref<10240x128xf32, #tpu.memory_space<vmem_shared>> -> memref<640x128xf32, #tpu.memory_space<vmem_shared>>
      %dma_wait3A_118 = arith.constant 0 : i32
      %dma_wait3A_119 = tpu.memref_slice %arg2[%add3A_64, %dma_wait3A_118] : memref<20480x128xf32, #tpu.memory_space<hbm>> -> memref<640x128xf32, #tpu.memory_space<hbm>>
      tpu.wait_dma2 semaphore(%run_scoped3A : memref<!tpu.dma_semaphore, #tpu.memory_space<semaphore_mem>>) src(%dma_wait3A_119 : memref<640x128xf32, #tpu.memory_space<hbm>>) dst(%dma_wait3A_117 : memref<640x128xf32, #tpu.memory_space<vmem_shared>>)
      tpu.yield
    }) : () -> ()
    %barrier3A = arith.constant 0 : index
    tpu.barrier barrier_id(%barrier3A)
    %mul3A_67 = arith.constant 10240 : i32
    %mul3A_68 = arith.muli %arg0, %mul3A_67 : i32
    %dma_start3A_69 = arith.constant 0 : i32
    %dma_start3A_70 = tpu.memref_slice %arg2[%mul3A_68, %dma_start3A_69] : memref<20480x128xf32, #tpu.memory_space<hbm>> -> memref<128x128xf32, #tpu.memory_space<hbm>>
    %dma_start3A_71 = arith.constant 0 : i32
    %dma_start3A_72 = tpu.memref_slice %arg2[%mul3A_68, %dma_start3A_71] : memref<20480x128xf32, #tpu.memory_space<hbm>> -> memref<128x128xf32, #tpu.memory_space<hbm>>
    tpu.enqueue_dma source(%dma_start3A_72 : memref<128x128xf32, #tpu.memory_space<hbm>>) target(%arg10 : memref<128x128xf32, #tpu.memory_space<vmem>>) target_semaphore(%arg13 : memref<!tpu.dma_semaphore, #tpu.memory_space<semaphore_mem>>)
    %dma_start3A_73 = arith.constant 0 : i32
    %dma_start3A_74 = arith.constant 0 : i32
    %dma_start3A_75 = tpu.memref_slice %arg19[%dma_start3A_73, %dma_start3A_74] : memref<10240x128xf32, #tpu.memory_space<vmem_shared>> -> memref<10240x128xf32, #tpu.memory_space<vmem_shared>>
    tpu.enqueue_indirect_dma source(%arg11 : memref<128x128xf32, #tpu.memory_space<vmem>>) target(%dma_start3A_75 : memref<10240x128xf32, #tpu.memory_space<vmem_shared>>) offsets(%arg12 : memref<128xi32, #tpu.memory_space<vmem>>) semaphore(%arg18 : memref<!tpu.dma_semaphore, #tpu.memory_space<semaphore_mem>>) {add = true}
    %scan3A = arith.constant 0 : i32
    %scan3A_76 = arith.constant 0 : i32
    %scan3A_77 = arith.constant 10 : i32
    %scan3A_78 = arith.addi %scan3A_76, %scan3A_77 : i32
    %scan3A_79 = arith.constant 1 : i32
    scf.for %scan3A_112 = %scan3A_76 to %scan3A_78 step %scan3A_79  : i32 {
      %mul3A_113 = arith.constant 2 : i32
      %mul3A_114 = arith.muli %mul3A_113, %scan3A_112 : i32
      %add3A_115 = arith.constant 0 : i32
      %add3A_116 = arith.addi %mul3A_114, %add3A_115 : i32
      %dma_wait3A_117 = arith.constant 0 : i32
      %dma_wait3A_118 = arith.constant 0 : i32
      %dma_wait3A_119 = tpu.memref_slice %arg6[%dma_wait3A_117, %dma_wait3A_118] : memref<8x128xi32, #tpu.memory_space<vmem>> -> memref<1x128xi32, #tpu.memory_space<vmem>>
      %dma_wait3A_120 = tpu.memref_squeeze %dma_wait3A_119 : memref<1x128xi32, #tpu.memory_space<vmem>> -> memref<128xi32, #tpu.memory_space<vmem>>
      %dma_wait3A_121 = arith.constant 0 : i32
      %dma_wait3A_122 = arith.constant 0 : i32
      %dma_wait3A_123 = tpu.memref_slice %arg2[%dma_wait3A_121, %dma_wait3A_122] : memref<20480x128xf32, #tpu.memory_space<hbm>> -> memref<20480x128xf32, #tpu.memory_space<hbm>>
      tpu.wait_indirect_dma semaphore(%arg13 : memref<!tpu.dma_semaphore, #tpu.memory_space<semaphore_mem>>) src(%dma_wait3A_123 : memref<20480x128xf32, #tpu.memory_space<hbm>>) dst(%arg10 : memref<128x128xf32, #tpu.memory_space<vmem>>)
      %mul3A_124 = arith.constant 640 : i32
      %mul3A_125 = arith.muli %arg1, %mul3A_124 : i32
      %dma_start3A_126 = arith.constant 0 : i32
      %dma_start3A_127 = tpu.memref_slice %arg19[%mul3A_125, %dma_start3A_126] : memref<10240x128xf32, #tpu.memory_space<vmem_shared>> -> memref<128x128xf32, #tpu.memory_space<vmem_shared>>
      %dma_start3A_128 = arith.constant 0 : i32
      %dma_start3A_129 = tpu.memref_slice %arg19[%mul3A_125, %dma_start3A_128] : memref<10240x128xf32, #tpu.memory_space<vmem_shared>> -> memref<128x128xf32, #tpu.memory_space<vmem_shared>>
      tpu.enqueue_dma source(%arg10 : memref<128x128xf32, #tpu.memory_space<vmem>>) target(%dma_start3A_129 : memref<128x128xf32, #tpu.memory_space<vmem_shared>>) target_semaphore(%arg17 : memref<!tpu.dma_semaphore, #tpu.memory_space<semaphore_mem>>)
      %mul3A_130 = arith.constant 640 : i32
      %mul3A_131 = arith.muli %arg1, %mul3A_130 : i32
      %dma_wait3A_132 = arith.constant 0 : i32
      %dma_wait3A_133 = tpu.memref_slice %arg19[%mul3A_131, %dma_wait3A_132] : memref<10240x128xf32, #tpu.memory_space<vmem_shared>> -> memref<128x128xf32, #tpu.memory_space<vmem_shared>>
      %dma_wait3A_134 = arith.constant 0 : i32
      %dma_wait3A_135 = tpu.memref_slice %arg19[%mul3A_131, %dma_wait3A_134] : memref<10240x128xf32, #tpu.memory_space<vmem_shared>> -> memref<128x128xf32, #tpu.memory_space<vmem_shared>>
      tpu.wait_dma2 semaphore(%arg18 : memref<!tpu.dma_semaphore, #tpu.memory_space<semaphore_mem>>) src(%arg11 : memref<128x128xf32, #tpu.memory_space<vmem>>) dst(%dma_wait3A_135 : memref<128x128xf32, #tpu.memory_space<vmem_shared>>)
      %mul3A_136 = arith.constant 10240 : i32
      %mul3A_137 = arith.muli %arg0, %mul3A_136 : i32
      %dma_start3A_138 = arith.constant 0 : i32
      %dma_start3A_139 = tpu.memref_slice %arg2[%mul3A_137, %dma_start3A_138] : memref<20480x128xf32, #tpu.memory_space<hbm>> -> memref<128x128xf32, #tpu.memory_space<hbm>>
      %dma_start3A_140 = arith.constant 0 : i32
      %dma_start3A_141 = tpu.memref_slice %arg2[%mul3A_137, %dma_start3A_140] : memref<20480x128xf32, #tpu.memory_space<hbm>> -> memref<128x128xf32, #tpu.memory_space<hbm>>
      tpu.enqueue_dma source(%dma_start3A_141 : memref<128x128xf32, #tpu.memory_space<hbm>>) target(%arg11 : memref<128x128xf32, #tpu.memory_space<vmem>>) target_semaphore(%arg14 : memref<!tpu.dma_semaphore, #tpu.memory_space<semaphore_mem>>)
      %dma_wait3A_142 = arith.constant 1 : i32
      %dma_wait3A_143 = arith.constant 0 : i32
      %dma_wait3A_144 = tpu.memref_slice %arg6[%dma_wait3A_142, %dma_wait3A_143] : memref<8x128xi32, #tpu.memory_space<vmem>> -> memref<1x128xi32, #tpu.memory_space<vmem>>
      %dma_wait3A_145 = tpu.memref_squeeze %dma_wait3A_144 : memref<1x128xi32, #tpu.memory_space<vmem>> -> memref<128xi32, #tpu.memory_space<vmem>>
      %dma_wait3A_146 = arith.constant 0 : i32
      %dma_wait3A_147 = arith.constant 0 : i32
      %dma_wait3A_148 = tpu.memref_slice %arg2[%dma_wait3A_146, %dma_wait3A_147] : memref<20480x128xf32, #tpu.memory_space<hbm>> -> memref<20480x128xf32, #tpu.memory_space<hbm>>
      tpu.wait_indirect_dma semaphore(%arg14 : memref<!tpu.dma_semaphore, #tpu.memory_space<semaphore_mem>>) src(%dma_wait3A_148 : memref<20480x128xf32, #tpu.memory_space<hbm>>) dst(%arg11 : memref<128x128xf32, #tpu.memory_space<vmem>>)
      %mul3A_149 = arith.constant 640 : i32
      %mul3A_150 = arith.muli %arg1, %mul3A_149 : i32
      %dma_start3A_151 = arith.constant 0 : i32
      %dma_start3A_152 = tpu.memref_slice %arg19[%mul3A_150, %dma_start3A_151] : memref<10240x128xf32, #tpu.memory_space<vmem_shared>> -> memref<128x128xf32, #tpu.memory_space<vmem_shared>>
      %dma_start3A_153 = arith.constant 0 : i32
      %dma_start3A_154 = tpu.memref_slice %arg19[%mul3A_150, %dma_start3A_153] : memref<10240x128xf32, #tpu.memory_space<vmem_shared>> -> memref<128x128xf32, #tpu.memory_space<vmem_shared>>
      tpu.enqueue_dma source(%arg11 : memref<128x128xf32, #tpu.memory_space<vmem>>) target(%dma_start3A_154 : memref<128x128xf32, #tpu.memory_space<vmem_shared>>) target_semaphore(%arg18 : memref<!tpu.dma_semaphore, #tpu.memory_space<semaphore_mem>>)
      %mul3A_155 = arith.constant 640 : i32
      %mul3A_156 = arith.muli %arg1, %mul3A_155 : i32
      %dma_wait3A_157 = arith.constant 0 : i32
      %dma_wait3A_158 = tpu.memref_slice %arg19[%mul3A_156, %dma_wait3A_157] : memref<10240x128xf32, #tpu.memory_space<vmem_shared>> -> memref<128x128xf32, #tpu.memory_space<vmem_shared>>
      %dma_wait3A_159 = arith.constant 0 : i32
      %dma_wait3A_160 = tpu.memref_slice %arg19[%mul3A_156, %dma_wait3A_159] : memref<10240x128xf32, #tpu.memory_space<vmem_shared>> -> memref<128x128xf32, #tpu.memory_space<vmem_shared>>
      tpu.wait_dma2 semaphore(%arg17 : memref<!tpu.dma_semaphore, #tpu.memory_space<semaphore_mem>>) src(%arg10 : memref<128x128xf32, #tpu.memory_space<vmem>>) dst(%dma_wait3A_160 : memref<128x128xf32, #tpu.memory_space<vmem_shared>>)
      %mul3A_161 = arith.constant 10240 : i32
      %mul3A_162 = arith.muli %arg0, %mul3A_161 : i32
      %dma_start3A_163 = arith.constant 0 : i32
      %dma_start3A_164 = tpu.memref_slice %arg2[%mul3A_162, %dma_start3A_163] : memref<20480x128xf32, #tpu.memory_space<hbm>> -> memref<128x128xf32, #tpu.memory_space<hbm>>
      %dma_start3A_165 = arith.constant 0 : i32
      %dma_start3A_166 = tpu.memref_slice %arg2[%mul3A_162, %dma_start3A_165] : memref<20480x128xf32, #tpu.memory_space<hbm>> -> memref<128x128xf32, #tpu.memory_space<hbm>>
      tpu.enqueue_dma source(%dma_start3A_166 : memref<128x128xf32, #tpu.memory_space<hbm>>) target(%arg10 : memref<128x128xf32, #tpu.memory_space<vmem>>) target_semaphore(%arg13 : memref<!tpu.dma_semaphore, #tpu.memory_space<semaphore_mem>>)
      %dma_wait3A_167 = arith.constant 2 : i32
      %dma_wait3A_168 = arith.constant 0 : i32
      %dma_wait3A_169 = tpu.memref_slice %arg6[%dma_wait3A_167, %dma_wait3A_168] : memref<8x128xi32, #tpu.memory_space<vmem>> -> memref<1x128xi32, #tpu.memory_space<vmem>>
      %dma_wait3A_170 = tpu.memref_squeeze %dma_wait3A_169 : memref<1x128xi32, #tpu.memory_space<vmem>> -> memref<128xi32, #tpu.memory_space<vmem>>
      %dma_wait3A_171 = arith.constant 0 : i32
      %dma_wait3A_172 = arith.constant 0 : i32
      %dma_wait3A_173 = tpu.memref_slice %arg2[%dma_wait3A_171, %dma_wait3A_172] : memref<20480x128xf32, #tpu.memory_space<hbm>> -> memref<20480x128xf32, #tpu.memory_space<hbm>>
      tpu.wait_indirect_dma semaphore(%arg13 : memref<!tpu.dma_semaphore, #tpu.memory_space<semaphore_mem>>) src(%dma_wait3A_173 : memref<20480x128xf32, #tpu.memory_space<hbm>>) dst(%arg10 : memref<128x128xf32, #tpu.memory_space<vmem>>)
      %mul3A_174 = arith.constant 640 : i32
      %mul3A_175 = arith.muli %arg1, %mul3A_174 : i32
      %dma_start3A_176 = arith.constant 0 : i32
      %dma_start3A_177 = tpu.memref_slice %arg19[%mul3A_175, %dma_start3A_176] : memref<10240x128xf32, #tpu.memory_space<vmem_shared>> -> memref<128x128xf32, #tpu.memory_space<vmem_shared>>
      %dma_start3A_178 = arith.constant 0 : i32
      %dma_start3A_179 = tpu.memref_slice %arg19[%mul3A_175, %dma_start3A_178] : memref<10240x128xf32, #tpu.memory_space<vmem_shared>> -> memref<128x128xf32, #tpu.memory_space<vmem_shared>>
      tpu.enqueue_dma source(%arg10 : memref<128x128xf32, #tpu.memory_space<vmem>>) target(%dma_start3A_179 : memref<128x128xf32, #tpu.memory_space<vmem_shared>>) target_semaphore(%arg17 : memref<!tpu.dma_semaphore, #tpu.memory_space<semaphore_mem>>)
      %mul3A_180 = arith.constant 640 : i32
      %mul3A_181 = arith.muli %arg1, %mul3A_180 : i32
      %dma_wait3A_182 = arith.constant 0 : i32
      %dma_wait3A_183 = tpu.memref_slice %arg19[%mul3A_181, %dma_wait3A_182] : memref<10240x128xf32, #tpu.memory_space<vmem_shared>> -> memref<128x128xf32, #tpu.memory_space<vmem_shared>>
      %dma_wait3A_184 = arith.constant 0 : i32
      %dma_wait3A_185 = tpu.memref_slice %arg19[%mul3A_181, %dma_wait3A_184] : memref<10240x128xf32, #tpu.memory_space<vmem_shared>> -> memref<128x128xf32, #tpu.memory_space<vmem_shared>>
      tpu.wait_dma2 semaphore(%arg18 : memref<!tpu.dma_semaphore, #tpu.memory_space<semaphore_mem>>) src(%arg11 : memref<128x128xf32, #tpu.memory_space<vmem>>) dst(%dma_wait3A_185 : memref<128x128xf32, #tpu.memory_space<vmem_shared>>)
      %mul3A_186 = arith.constant 10240 : i32
      %mul3A_187 = arith.muli %arg0, %mul3A_186 : i32
      %dma_start3A_188 = arith.constant 0 : i32
      %dma_start3A_189 = tpu.memref_slice %arg2[%mul3A_187, %dma_start3A_188] : memref<20480x128xf32, #tpu.memory_space<hbm>> -> memref<128x128xf32, #tpu.memory_space<hbm>>
      %dma_start3A_190 = arith.constant 0 : i32
      %dma_start3A_191 = tpu.memref_slice %arg2[%mul3A_187, %dma_start3A_190] : memref<20480x128xf32, #tpu.memory_space<hbm>> -> memref<128x128xf32, #tpu.memory_space<hbm>>
      tpu.enqueue_dma source(%dma_start3A_191 : memref<128x128xf32, #tpu.memory_space<hbm>>) target(%arg11 : memref<128x128xf32, #tpu.memory_space<vmem>>) target_semaphore(%arg14 : memref<!tpu.dma_semaphore, #tpu.memory_space<semaphore_mem>>)
      %dma_wait3A_192 = arith.constant 3 : i32
      %dma_wait3A_193 = arith.constant 0 : i32
      %dma_wait3A_194 = tpu.memref_slice %arg6[%dma_wait3A_192, %dma_wait3A_193] : memref<8x128xi32, #tpu.memory_space<vmem>> -> memref<1x128xi32, #tpu.memory_space<vmem>>
      %dma_wait3A_195 = tpu.memref_squeeze %dma_wait3A_194 : memref<1x128xi32, #tpu.memory_space<vmem>> -> memref<128xi32, #tpu.memory_space<vmem>>
      %dma_wait3A_196 = arith.constant 0 : i32
      %dma_wait3A_197 = arith.constant 0 : i32
      %dma_wait3A_198 = tpu.memref_slice %arg2[%dma_wait3A_196, %dma_wait3A_197] : memref<20480x128xf32, #tpu.memory_space<hbm>> -> memref<20480x128xf32, #tpu.memory_space<hbm>>
      tpu.wait_indirect_dma semaphore(%arg14 : memref<!tpu.dma_semaphore, #tpu.memory_space<semaphore_mem>>) src(%dma_wait3A_198 : memref<20480x128xf32, #tpu.memory_space<hbm>>) dst(%arg11 : memref<128x128xf32, #tpu.memory_space<vmem>>)
      %mul3A_199 = arith.constant 640 : i32
      %mul3A_200 = arith.muli %arg1, %mul3A_199 : i32
      %dma_start3A_201 = arith.constant 0 : i32
      %dma_start3A_202 = tpu.memref_slice %arg19[%mul3A_200, %dma_start3A_201] : memref<10240x128xf32, #tpu.memory_space<vmem_shared>> -> memref<128x128xf32, #tpu.memory_space<vmem_shared>>
      %dma_start3A_203 = arith.constant 0 : i32
      %dma_start3A_204 = tpu.memref_slice %arg19[%mul3A_200, %dma_start3A_203] : memref<10240x128xf32, #tpu.memory_space<vmem_shared>> -> memref<128x128xf32, #tpu.memory_space<vmem_shared>>
      tpu.enqueue_dma source(%arg11 : memref<128x128xf32, #tpu.memory_space<vmem>>) target(%dma_start3A_204 : memref<128x128xf32, #tpu.memory_space<vmem_shared>>) target_semaphore(%arg18 : memref<!tpu.dma_semaphore, #tpu.memory_space<semaphore_mem>>)
      %mul3A_205 = arith.constant 640 : i32
      %mul3A_206 = arith.muli %arg1, %mul3A_205 : i32
      %dma_wait3A_207 = arith.constant 0 : i32
      %dma_wait3A_208 = tpu.memref_slice %arg19[%mul3A_206, %dma_wait3A_207] : memref<10240x128xf32, #tpu.memory_space<vmem_shared>> -> memref<128x128xf32, #tpu.memory_space<vmem_shared>>
      %dma_wait3A_209 = arith.constant 0 : i32
      %dma_wait3A_210 = tpu.memref_slice %arg19[%mul3A_206, %dma_wait3A_209] : memref<10240x128xf32, #tpu.memory_space<vmem_shared>> -> memref<128x128xf32, #tpu.memory_space<vmem_shared>>
      tpu.wait_dma2 semaphore(%arg17 : memref<!tpu.dma_semaphore, #tpu.memory_space<semaphore_mem>>) src(%arg10 : memref<128x128xf32, #tpu.memory_space<vmem>>) dst(%dma_wait3A_210 : memref<128x128xf32, #tpu.memory_space<vmem_shared>>)
      %mul3A_211 = arith.constant 10240 : i32
      %mul3A_212 = arith.muli %arg0, %mul3A_211 : i32
      %dma_start3A_213 = arith.constant 0 : i32
      %dma_start3A_214 = tpu.memref_slice %arg2[%mul3A_212, %dma_start3A_213] : memref<20480x128xf32, #tpu.memory_space<hbm>> -> memref<128x128xf32, #tpu.memory_space<hbm>>
      %dma_start3A_215 = arith.constant 0 : i32
      %dma_start3A_216 = tpu.memref_slice %arg2[%mul3A_212, %dma_start3A_215] : memref<20480x128xf32, #tpu.memory_space<hbm>> -> memref<128x128xf32, #tpu.memory_space<hbm>>
      tpu.enqueue_dma source(%dma_start3A_216 : memref<128x128xf32, #tpu.memory_space<hbm>>) target(%arg10 : memref<128x128xf32, #tpu.memory_space<vmem>>) target_semaphore(%arg13 : memref<!tpu.dma_semaphore, #tpu.memory_space<semaphore_mem>>)
      %dma_wait3A_217 = arith.constant 4 : i32
      %dma_wait3A_218 = arith.constant 0 : i32
      %dma_wait3A_219 = tpu.memref_slice %arg6[%dma_wait3A_217, %dma_wait3A_218] : memref<8x128xi32, #tpu.memory_space<vmem>> -> memref<1x128xi32, #tpu.memory_space<vmem>>
      %dma_wait3A_220 = tpu.memref_squeeze %dma_wait3A_219 : memref<1x128xi32, #tpu.memory_space<vmem>> -> memref<128xi32, #tpu.memory_space<vmem>>
      %dma_wait3A_221 = arith.constant 0 : i32
      %dma_wait3A_222 = arith.constant 0 : i32
      %dma_wait3A_223 = tpu.memref_slice %arg2[%dma_wait3A_221, %dma_wait3A_222] : memref<20480x128xf32, #tpu.memory_space<hbm>> -> memref<20480x128xf32, #tpu.memory_space<hbm>>
      tpu.wait_indirect_dma semaphore(%arg13 : memref<!tpu.dma_semaphore, #tpu.memory_space<semaphore_mem>>) src(%dma_wait3A_223 : memref<20480x128xf32, #tpu.memory_space<hbm>>) dst(%arg10 : memref<128x128xf32, #tpu.memory_space<vmem>>)
      %mul3A_224 = arith.constant 640 : i32
      %mul3A_225 = arith.muli %arg1, %mul3A_224 : i32
      %dma_start3A_226 = arith.constant 0 : i32
      %dma_start3A_227 = tpu.memref_slice %arg19[%mul3A_225, %dma_start3A_226] : memref<10240x128xf32, #tpu.memory_space<vmem_shared>> -> memref<128x128xf32, #tpu.memory_space<vmem_shared>>
      %dma_start3A_228 = arith.constant 0 : i32
      %dma_start3A_229 = tpu.memref_slice %arg19[%mul3A_225, %dma_start3A_228] : memref<10240x128xf32, #tpu.memory_space<vmem_shared>> -> memref<128x128xf32, #tpu.memory_space<vmem_shared>>
      tpu.enqueue_dma source(%arg10 : memref<128x128xf32, #tpu.memory_space<vmem>>) target(%dma_start3A_229 : memref<128x128xf32, #tpu.memory_space<vmem_shared>>) target_semaphore(%arg17 : memref<!tpu.dma_semaphore, #tpu.memory_space<semaphore_mem>>)
      %mul3A_230 = arith.constant 640 : i32
      %mul3A_231 = arith.muli %arg1, %mul3A_230 : i32
      %dma_wait3A_232 = arith.constant 0 : i32
      %dma_wait3A_233 = tpu.memref_slice %arg19[%mul3A_231, %dma_wait3A_232] : memref<10240x128xf32, #tpu.memory_space<vmem_shared>> -> memref<128x128xf32, #tpu.memory_space<vmem_shared>>
      %dma_wait3A_234 = arith.constant 0 : i32
      %dma_wait3A_235 = tpu.memref_slice %arg19[%mul3A_231, %dma_wait3A_234] : memref<10240x128xf32, #tpu.memory_space<vmem_shared>> -> memref<128x128xf32, #tpu.memory_space<vmem_shared>>
      tpu.wait_dma2 semaphore(%arg18 : memref<!tpu.dma_semaphore, #tpu.memory_space<semaphore_mem>>) src(%arg11 : memref<128x128xf32, #tpu.memory_space<vmem>>) dst(%dma_wait3A_235 : memref<128x128xf32, #tpu.memory_space<vmem_shared>>)
      %mul3A_236 = arith.constant 10240 : i32
      %mul3A_237 = arith.muli %arg0, %mul3A_236 : i32
      %dma_start3A_238 = arith.constant 0 : i32
      %dma_start3A_239 = tpu.memref_slice %arg2[%mul3A_237, %dma_start3A_238] : memref<20480x128xf32, #tpu.memory_space<hbm>> -> memref<128x128xf32, #tpu.memory_space<hbm>>
      %dma_start3A_240 = arith.constant 0 : i32
      %dma_start3A_241 = tpu.memref_slice %arg2[%mul3A_237, %dma_start3A_240] : memref<20480x128xf32, #tpu.memory_space<hbm>> -> memref<128x128xf32, #tpu.memory_space<hbm>>
      tpu.enqueue_dma source(%dma_start3A_241 : memref<128x128xf32, #tpu.memory_space<hbm>>) target(%arg11 : memref<128x128xf32, #tpu.memory_space<vmem>>) target_semaphore(%arg14 : memref<!tpu.dma_semaphore, #tpu.memory_space<semaphore_mem>>)
      %dma_wait3A_242 = arith.constant 5 : i32
      %dma_wait3A_243 = arith.constant 0 : i32
      %dma_wait3A_244 = tpu.memref_slice %arg6[%dma_wait3A_242, %dma_wait3A_243] : memref<8x128xi32, #tpu.memory_space<vmem>> -> memref<1x128xi32, #tpu.memory_space<vmem>>
      %dma_wait3A_245 = tpu.memref_squeeze %dma_wait3A_244 : memref<1x128xi32, #tpu.memory_space<vmem>> -> memref<128xi32, #tpu.memory_space<vmem>>
      %dma_wait3A_246 = arith.constant 0 : i32
      %dma_wait3A_247 = arith.constant 0 : i32
      %dma_wait3A_248 = tpu.memref_slice %arg2[%dma_wait3A_246, %dma_wait3A_247] : memref<20480x128xf32, #tpu.memory_space<hbm>> -> memref<20480x128xf32, #tpu.memory_space<hbm>>
      tpu.wait_indirect_dma semaphore(%arg14 : memref<!tpu.dma_semaphore, #tpu.memory_space<semaphore_mem>>) src(%dma_wait3A_248 : memref<20480x128xf32, #tpu.memory_space<hbm>>) dst(%arg11 : memref<128x128xf32, #tpu.memory_space<vmem>>)
      %mul3A_249 = arith.constant 640 : i32
      %mul3A_250 = arith.muli %arg1, %mul3A_249 : i32
      %dma_start3A_251 = arith.constant 0 : i32
      %dma_start3A_252 = tpu.memref_slice %arg19[%mul3A_250, %dma_start3A_251] : memref<10240x128xf32, #tpu.memory_space<vmem_shared>> -> memref<128x128xf32, #tpu.memory_space<vmem_shared>>
      %dma_start3A_253 = arith.constant 0 : i32
      %dma_start3A_254 = tpu.memref_slice %arg19[%mul3A_250, %dma_start3A_253] : memref<10240x128xf32, #tpu.memory_space<vmem_shared>> -> memref<128x128xf32, #tpu.memory_space<vmem_shared>>
      tpu.enqueue_dma source(%arg11 : memref<128x128xf32, #tpu.memory_space<vmem>>) target(%dma_start3A_254 : memref<128x128xf32, #tpu.memory_space<vmem_shared>>) target_semaphore(%arg18 : memref<!tpu.dma_semaphore, #tpu.memory_space<semaphore_mem>>)
      %mul3A_255 = arith.constant 640 : i32
      %mul3A_256 = arith.muli %arg1, %mul3A_255 : i32
      %dma_wait3A_257 = arith.constant 0 : i32
      %dma_wait3A_258 = tpu.memref_slice %arg19[%mul3A_256, %dma_wait3A_257] : memref<10240x128xf32, #tpu.memory_space<vmem_shared>> -> memref<128x128xf32, #tpu.memory_space<vmem_shared>>
      %dma_wait3A_259 = arith.constant 0 : i32
      %dma_wait3A_260 = tpu.memref_slice %arg19[%mul3A_256, %dma_wait3A_259] : memref<10240x128xf32, #tpu.memory_space<vmem_shared>> -> memref<128x128xf32, #tpu.memory_space<vmem_shared>>
      tpu.wait_dma2 semaphore(%arg17 : memref<!tpu.dma_semaphore, #tpu.memory_space<semaphore_mem>>) src(%arg10 : memref<128x128xf32, #tpu.memory_space<vmem>>) dst(%dma_wait3A_260 : memref<128x128xf32, #tpu.memory_space<vmem_shared>>)
      %mul3A_261 = arith.constant 10240 : i32
      %mul3A_262 = arith.muli %arg0, %mul3A_261 : i32
      %dma_start3A_263 = arith.constant 0 : i32
      %dma_start3A_264 = tpu.memref_slice %arg2[%mul3A_262, %dma_start3A_263] : memref<20480x128xf32, #tpu.memory_space<hbm>> -> memref<128x128xf32, #tpu.memory_space<hbm>>
      %dma_start3A_265 = arith.constant 0 : i32
      %dma_start3A_266 = tpu.memref_slice %arg2[%mul3A_262, %dma_start3A_265] : memref<20480x128xf32, #tpu.memory_space<hbm>> -> memref<128x128xf32, #tpu.memory_space<hbm>>
      tpu.enqueue_dma source(%dma_start3A_266 : memref<128x128xf32, #tpu.memory_space<hbm>>) target(%arg10 : memref<128x128xf32, #tpu.memory_space<vmem>>) target_semaphore(%arg13 : memref<!tpu.dma_semaphore, #tpu.memory_space<semaphore_mem>>)
      %dma_wait3A_267 = arith.constant 6 : i32
      %dma_wait3A_268 = arith.constant 0 : i32
      %dma_wait3A_269 = tpu.memref_slice %arg6[%dma_wait3A_267, %dma_wait3A_268] : memref<8x128xi32, #tpu.memory_space<vmem>> -> memref<1x128xi32, #tpu.memory_space<vmem>>
      %dma_wait3A_270 = tpu.memref_squeeze %dma_wait3A_269 : memref<1x128xi32, #tpu.memory_space<vmem>> -> memref<128xi32, #tpu.memory_space<vmem>>
      %dma_wait3A_271 = arith.constant 0 : i32
      %dma_wait3A_272 = arith.constant 0 : i32
      %dma_wait3A_273 = tpu.memref_slice %arg2[%dma_wait3A_271, %dma_wait3A_272] : memref<20480x128xf32, #tpu.memory_space<hbm>> -> memref<20480x128xf32, #tpu.memory_space<hbm>>
      tpu.wait_indirect_dma semaphore(%arg13 : memref<!tpu.dma_semaphore, #tpu.memory_space<semaphore_mem>>) src(%dma_wait3A_273 : memref<20480x128xf32, #tpu.memory_space<hbm>>) dst(%arg10 : memref<128x128xf32, #tpu.memory_space<vmem>>)
      %mul3A_274 = arith.constant 640 : i32
      %mul3A_275 = arith.muli %arg1, %mul3A_274 : i32
      %dma_start3A_276 = arith.constant 0 : i32
      %dma_start3A_277 = tpu.memref_slice %arg19[%mul3A_275, %dma_start3A_276] : memref<10240x128xf32, #tpu.memory_space<vmem_shared>> -> memref<128x128xf32, #tpu.memory_space<vmem_shared>>
      %dma_start3A_278 = arith.constant 0 : i32
      %dma_start3A_279 = tpu.memref_slice %arg19[%mul3A_275, %dma_start3A_278] : memref<10240x128xf32, #tpu.memory_space<vmem_shared>> -> memref<128x128xf32, #tpu.memory_space<vmem_shared>>
      tpu.enqueue_dma source(%arg10 : memref<128x128xf32, #tpu.memory_space<vmem>>) target(%dma_start3A_279 : memref<128x128xf32, #tpu.memory_space<vmem_shared>>) target_semaphore(%arg17 : memref<!tpu.dma_semaphore, #tpu.memory_space<semaphore_mem>>)
      %mul3A_280 = arith.constant 640 : i32
      %mul3A_281 = arith.muli %arg1, %mul3A_280 : i32
      %dma_wait3A_282 = arith.constant 0 : i32
      %dma_wait3A_283 = tpu.memref_slice %arg19[%mul3A_281, %dma_wait3A_282] : memref<10240x128xf32, #tpu.memory_space<vmem_shared>> -> memref<128x128xf32, #tpu.memory_space<vmem_shared>>
      %dma_wait3A_284 = arith.constant 0 : i32
      %dma_wait3A_285 = tpu.memref_slice %arg19[%mul3A_281, %dma_wait3A_284] : memref<10240x128xf32, #tpu.memory_space<vmem_shared>> -> memref<128x128xf32, #tpu.memory_space<vmem_shared>>
      tpu.wait_dma2 semaphore(%arg18 : memref<!tpu.dma_semaphore, #tpu.memory_space<semaphore_mem>>) src(%arg11 : memref<128x128xf32, #tpu.memory_space<vmem>>) dst(%dma_wait3A_285 : memref<128x128xf32, #tpu.memory_space<vmem_shared>>)
      %mul3A_286 = arith.constant 10240 : i32
      %mul3A_287 = arith.muli %arg0, %mul3A_286 : i32
      %dma_start3A_288 = arith.constant 0 : i32
      %dma_start3A_289 = tpu.memref_slice %arg2[%mul3A_287, %dma_start3A_288] : memref<20480x128xf32, #tpu.memory_space<hbm>> -> memref<128x128xf32, #tpu.memory_space<hbm>>
      %dma_start3A_290 = arith.constant 0 : i32
      %dma_start3A_291 = tpu.memref_slice %arg2[%mul3A_287, %dma_start3A_290] : memref<20480x128xf32, #tpu.memory_space<hbm>> -> memref<128x128xf32, #tpu.memory_space<hbm>>
      tpu.enqueue_dma source(%dma_start3A_291 : memref<128x128xf32, #tpu.memory_space<hbm>>) target(%arg11 : memref<128x128xf32, #tpu.memory_space<vmem>>) target_semaphore(%arg14 : memref<!tpu.dma_semaphore, #tpu.memory_space<semaphore_mem>>)
      %dma_wait3A_292 = arith.constant 7 : i32
      %dma_wait3A_293 = arith.constant 0 : i32
      %dma_wait3A_294 = tpu.memref_slice %arg6[%dma_wait3A_292, %dma_wait3A_293] : memref<8x128xi32, #tpu.memory_space<vmem>> -> memref<1x128xi32, #tpu.memory_space<vmem>>
      %dma_wait3A_295 = tpu.memref_squeeze %dma_wait3A_294 : memref<1x128xi32, #tpu.memory_space<vmem>> -> memref<128xi32, #tpu.memory_space<vmem>>
      %dma_wait3A_296 = arith.constant 0 : i32
      %dma_wait3A_297 = arith.constant 0 : i32
      %dma_wait3A_298 = tpu.memref_slice %arg2[%dma_wait3A_296, %dma_wait3A_297] : memref<20480x128xf32, #tpu.memory_space<hbm>> -> memref<20480x128xf32, #tpu.memory_space<hbm>>
      tpu.wait_indirect_dma semaphore(%arg14 : memref<!tpu.dma_semaphore, #tpu.memory_space<semaphore_mem>>) src(%dma_wait3A_298 : memref<20480x128xf32, #tpu.memory_space<hbm>>) dst(%arg11 : memref<128x128xf32, #tpu.memory_space<vmem>>)
      %mul3A_299 = arith.constant 640 : i32
      %mul3A_300 = arith.muli %arg1, %mul3A_299 : i32
      %dma_start3A_301 = arith.constant 0 : i32
      %dma_start3A_302 = tpu.memref_slice %arg19[%mul3A_300, %dma_start3A_301] : memref<10240x128xf32, #tpu.memory_space<vmem_shared>> -> memref<128x128xf32, #tpu.memory_space<vmem_shared>>
      %dma_start3A_303 = arith.constant 0 : i32
      %dma_start3A_304 = tpu.memref_slice %arg19[%mul3A_300, %dma_start3A_303] : memref<10240x128xf32, #tpu.memory_space<vmem_shared>> -> memref<128x128xf32, #tpu.memory_space<vmem_shared>>
      tpu.enqueue_dma source(%arg11 : memref<128x128xf32, #tpu.memory_space<vmem>>) target(%dma_start3A_304 : memref<128x128xf32, #tpu.memory_space<vmem_shared>>) target_semaphore(%arg18 : memref<!tpu.dma_semaphore, #tpu.memory_space<semaphore_mem>>)
      %mul3A_305 = arith.constant 640 : i32
      %mul3A_306 = arith.muli %arg1, %mul3A_305 : i32
      %dma_wait3A_307 = arith.constant 0 : i32
      %dma_wait3A_308 = tpu.memref_slice %arg19[%mul3A_306, %dma_wait3A_307] : memref<10240x128xf32, #tpu.memory_space<vmem_shared>> -> memref<128x128xf32, #tpu.memory_space<vmem_shared>>
      %dma_wait3A_309 = arith.constant 0 : i32
      %dma_wait3A_310 = tpu.memref_slice %arg19[%mul3A_306, %dma_wait3A_309] : memref<10240x128xf32, #tpu.memory_space<vmem_shared>> -> memref<128x128xf32, #tpu.memory_space<vmem_shared>>
      tpu.wait_dma2 semaphore(%arg17 : memref<!tpu.dma_semaphore, #tpu.memory_space<semaphore_mem>>) src(%arg10 : memref<128x128xf32, #tpu.memory_space<vmem>>) dst(%dma_wait3A_310 : memref<128x128xf32, #tpu.memory_space<vmem_shared>>)
      %add3A_311 = arith.constant 1 : i32
      %add3A_312 = arith.addi %add3A_116, %add3A_311 : i32
      %mul3A_313 = arith.constant 8 : i32
      %mul3A_314 = arith.muli %add3A_312, %mul3A_313 : i32
      %add3A_315 = arith.addi %mul3A_2, %mul3A_314 : i32
      %dma_wait3A_316 = arith.constant 0 : i32
      %dma_wait3A_317 = tpu.memref_slice %arg3[%add3A_315, %dma_wait3A_316] : memref<5136x128xi32, #tpu.memory_space<hbm>> -> memref<8x128xi32, #tpu.memory_space<hbm>>
      %dma_wait3A_318 = arith.constant 0 : i32
      %dma_wait3A_319 = tpu.memref_slice %arg3[%add3A_315, %dma_wait3A_318] : memref<5136x128xi32, #tpu.memory_space<hbm>> -> memref<8x128xi32, #tpu.memory_space<hbm>>
      tpu.wait_dma2 semaphore(%arg16 : memref<!tpu.dma_semaphore, #tpu.memory_space<semaphore_mem>>) src(%dma_wait3A_319 : memref<8x128xi32, #tpu.memory_space<hbm>>) dst(%arg8 : memref<8x128xi32, #tpu.memory_space<vmem>>)
      %dma_wait3A_320 = arith.constant 0 : i32
      %dma_wait3A_321 = tpu.memref_slice %arg4[%add3A_315, %dma_wait3A_320] : memref<5136x128xi32, #tpu.memory_space<hbm>> -> memref<8x128xi32, #tpu.memory_space<hbm>>
      %dma_wait3A_322 = arith.constant 0 : i32
      %dma_wait3A_323 = tpu.memref_slice %arg4[%add3A_315, %dma_wait3A_322] : memref<5136x128xi32, #tpu.memory_space<hbm>> -> memref<8x128xi32, #tpu.memory_space<hbm>>
      tpu.wait_dma2 semaphore(%arg16 : memref<!tpu.dma_semaphore, #tpu.memory_space<semaphore_mem>>) src(%dma_wait3A_323 : memref<8x128xi32, #tpu.memory_space<hbm>>) dst(%arg9 : memref<8x128xi32, #tpu.memory_space<vmem>>)
      %add3A_324 = arith.constant 2 : i32
      %add3A_325 = arith.addi %add3A_116, %add3A_324 : i32
      %mul3A_326 = arith.constant 8 : i32
      %mul3A_327 = arith.muli %add3A_325, %mul3A_326 : i32
      %add3A_328 = arith.addi %mul3A_2, %mul3A_327 : i32
      %dma_start3A_329 = arith.constant 0 : i32
      %dma_start3A_330 = tpu.memref_slice %arg3[%add3A_328, %dma_start3A_329] : memref<5136x128xi32, #tpu.memory_space<hbm>> -> memref<8x128xi32, #tpu.memory_space<hbm>>
      %dma_start3A_331 = arith.constant 0 : i32
      %dma_start3A_332 = tpu.memref_slice %arg3[%add3A_328, %dma_start3A_331] : memref<5136x128xi32, #tpu.memory_space<hbm>> -> memref<8x128xi32, #tpu.memory_space<hbm>>
      tpu.enqueue_dma source(%dma_start3A_332 : memref<8x128xi32, #tpu.memory_space<hbm>>) target(%arg6 : memref<8x128xi32, #tpu.memory_space<vmem>>) target_semaphore(%arg15 : memref<!tpu.dma_semaphore, #tpu.memory_space<semaphore_mem>>)
      %dma_start3A_333 = arith.constant 0 : i32
      %dma_start3A_334 = tpu.memref_slice %arg4[%add3A_328, %dma_start3A_333] : memref<5136x128xi32, #tpu.memory_space<hbm>> -> memref<8x128xi32, #tpu.memory_space<hbm>>
      %dma_start3A_335 = arith.constant 0 : i32
      %dma_start3A_336 = tpu.memref_slice %arg4[%add3A_328, %dma_start3A_335] : memref<5136x128xi32, #tpu.memory_space<hbm>> -> memref<8x128xi32, #tpu.memory_space<hbm>>
      tpu.enqueue_dma source(%dma_start3A_336 : memref<8x128xi32, #tpu.memory_space<hbm>>) target(%arg7 : memref<8x128xi32, #tpu.memory_space<vmem>>) target_semaphore(%arg15 : memref<!tpu.dma_semaphore, #tpu.memory_space<semaphore_mem>>)
      %mul3A_337 = arith.constant 10240 : i32
      %mul3A_338 = arith.muli %arg0, %mul3A_337 : i32
      %dma_start3A_339 = arith.constant 0 : i32
      %dma_start3A_340 = tpu.memref_slice %arg2[%mul3A_338, %dma_start3A_339] : memref<20480x128xf32, #tpu.memory_space<hbm>> -> memref<128x128xf32, #tpu.memory_space<hbm>>
      %dma_start3A_341 = arith.constant 0 : i32
      %dma_start3A_342 = tpu.memref_slice %arg2[%mul3A_338, %dma_start3A_341] : memref<20480x128xf32, #tpu.memory_space<hbm>> -> memref<128x128xf32, #tpu.memory_space<hbm>>
      tpu.enqueue_dma source(%dma_start3A_342 : memref<128x128xf32, #tpu.memory_space<hbm>>) target(%arg10 : memref<128x128xf32, #tpu.memory_space<vmem>>) target_semaphore(%arg13 : memref<!tpu.dma_semaphore, #tpu.memory_space<semaphore_mem>>)
      %mul3A_343 = arith.constant 2 : i32
      %mul3A_344 = arith.muli %mul3A_343, %scan3A_112 : i32
      %add3A_345 = arith.constant 1 : i32
      %add3A_346 = arith.addi %mul3A_344, %add3A_345 : i32
      %dma_wait3A_347 = arith.constant 0 : i32
      %dma_wait3A_348 = arith.constant 0 : i32
      %dma_wait3A_349 = tpu.memref_slice %arg8[%dma_wait3A_347, %dma_wait3A_348] : memref<8x128xi32, #tpu.memory_space<vmem>> -> memref<1x128xi32, #tpu.memory_space<vmem>>
      %dma_wait3A_350 = tpu.memref_squeeze %dma_wait3A_349 : memref<1x128xi32, #tpu.memory_space<vmem>> -> memref<128xi32, #tpu.memory_space<vmem>>
      %dma_wait3A_351 = arith.constant 0 : i32
      %dma_wait3A_352 = arith.constant 0 : i32
      %dma_wait3A_353 = tpu.memref_slice %arg2[%dma_wait3A_351, %dma_wait3A_352] : memref<20480x128xf32, #tpu.memory_space<hbm>> -> memref<20480x128xf32, #tpu.memory_space<hbm>>
      tpu.wait_indirect_dma semaphore(%arg13 : memref<!tpu.dma_semaphore, #tpu.memory_space<semaphore_mem>>) src(%dma_wait3A_353 : memref<20480x128xf32, #tpu.memory_space<hbm>>) dst(%arg10 : memref<128x128xf32, #tpu.memory_space<vmem>>)
      %mul3A_354 = arith.constant 640 : i32
      %mul3A_355 = arith.muli %arg1, %mul3A_354 : i32
      %dma_start3A_356 = arith.constant 0 : i32
      %dma_start3A_357 = tpu.memref_slice %arg19[%mul3A_355, %dma_start3A_356] : memref<10240x128xf32, #tpu.memory_space<vmem_shared>> -> memref<128x128xf32, #tpu.memory_space<vmem_shared>>
      %dma_start3A_358 = arith.constant 0 : i32
      %dma_start3A_359 = tpu.memref_slice %arg19[%mul3A_355, %dma_start3A_358] : memref<10240x128xf32, #tpu.memory_space<vmem_shared>> -> memref<128x128xf32, #tpu.memory_space<vmem_shared>>
      tpu.enqueue_dma source(%arg10 : memref<128x128xf32, #tpu.memory_space<vmem>>) target(%dma_start3A_359 : memref<128x128xf32, #tpu.memory_space<vmem_shared>>) target_semaphore(%arg17 : memref<!tpu.dma_semaphore, #tpu.memory_space<semaphore_mem>>)
      %mul3A_360 = arith.constant 640 : i32
      %mul3A_361 = arith.muli %arg1, %mul3A_360 : i32
      %dma_wait3A_362 = arith.constant 0 : i32
      %dma_wait3A_363 = tpu.memref_slice %arg19[%mul3A_361, %dma_wait3A_362] : memref<10240x128xf32, #tpu.memory_space<vmem_shared>> -> memref<128x128xf32, #tpu.memory_space<vmem_shared>>
      %dma_wait3A_364 = arith.constant 0 : i32
      %dma_wait3A_365 = tpu.memref_slice %arg19[%mul3A_361, %dma_wait3A_364] : memref<10240x128xf32, #tpu.memory_space<vmem_shared>> -> memref<128x128xf32, #tpu.memory_space<vmem_shared>>
      tpu.wait_dma2 semaphore(%arg18 : memref<!tpu.dma_semaphore, #tpu.memory_space<semaphore_mem>>) src(%arg11 : memref<128x128xf32, #tpu.memory_space<vmem>>) dst(%dma_wait3A_365 : memref<128x128xf32, #tpu.memory_space<vmem_shared>>)
      %mul3A_366 = arith.constant 10240 : i32
      %mul3A_367 = arith.muli %arg0, %mul3A_366 : i32
      %dma_start3A_368 = arith.constant 0 : i32
      %dma_start3A_369 = tpu.memref_slice %arg2[%mul3A_367, %dma_start3A_368] : memref<20480x128xf32, #tpu.memory_space<hbm>> -> memref<128x128xf32, #tpu.memory_space<hbm>>
      %dma_start3A_370 = arith.constant 0 : i32
      %dma_start3A_371 = tpu.memref_slice %arg2[%mul3A_367, %dma_start3A_370] : memref<20480x128xf32, #tpu.memory_space<hbm>> -> memref<128x128xf32, #tpu.memory_space<hbm>>
      tpu.enqueue_dma source(%dma_start3A_371 : memref<128x128xf32, #tpu.memory_space<hbm>>) target(%arg11 : memref<128x128xf32, #tpu.memory_space<vmem>>) target_semaphore(%arg14 : memref<!tpu.dma_semaphore, #tpu.memory_space<semaphore_mem>>)
      %dma_wait3A_372 = arith.constant 1 : i32
      %dma_wait3A_373 = arith.constant 0 : i32
      %dma_wait3A_374 = tpu.memref_slice %arg8[%dma_wait3A_372, %dma_wait3A_373] : memref<8x128xi32, #tpu.memory_space<vmem>> -> memref<1x128xi32, #tpu.memory_space<vmem>>
      %dma_wait3A_375 = tpu.memref_squeeze %dma_wait3A_374 : memref<1x128xi32, #tpu.memory_space<vmem>> -> memref<128xi32, #tpu.memory_space<vmem>>
      %dma_wait3A_376 = arith.constant 0 : i32
      %dma_wait3A_377 = arith.constant 0 : i32
      %dma_wait3A_378 = tpu.memref_slice %arg2[%dma_wait3A_376, %dma_wait3A_377] : memref<20480x128xf32, #tpu.memory_space<hbm>> -> memref<20480x128xf32, #tpu.memory_space<hbm>>
      tpu.wait_indirect_dma semaphore(%arg14 : memref<!tpu.dma_semaphore, #tpu.memory_space<semaphore_mem>>) src(%dma_wait3A_378 : memref<20480x128xf32, #tpu.memory_space<hbm>>) dst(%arg11 : memref<128x128xf32, #tpu.memory_space<vmem>>)
      %mul3A_379 = arith.constant 640 : i32
      %mul3A_380 = arith.muli %arg1, %mul3A_379 : i32
      %dma_start3A_381 = arith.constant 0 : i32
      %dma_start3A_382 = tpu.memref_slice %arg19[%mul3A_380, %dma_start3A_381] : memref<10240x128xf32, #tpu.memory_space<vmem_shared>> -> memref<128x128xf32, #tpu.memory_space<vmem_shared>>
      %dma_start3A_383 = arith.constant 0 : i32
      %dma_start3A_384 = tpu.memref_slice %arg19[%mul3A_380, %dma_start3A_383] : memref<10240x128xf32, #tpu.memory_space<vmem_shared>> -> memref<128x128xf32, #tpu.memory_space<vmem_shared>>
      tpu.enqueue_dma source(%arg11 : memref<128x128xf32, #tpu.memory_space<vmem>>) target(%dma_start3A_384 : memref<128x128xf32, #tpu.memory_space<vmem_shared>>) target_semaphore(%arg18 : memref<!tpu.dma_semaphore, #tpu.memory_space<semaphore_mem>>)
      %mul3A_385 = arith.constant 640 : i32
      %mul3A_386 = arith.muli %arg1, %mul3A_385 : i32
      %dma_wait3A_387 = arith.constant 0 : i32
      %dma_wait3A_388 = tpu.memref_slice %arg19[%mul3A_386, %dma_wait3A_387] : memref<10240x128xf32, #tpu.memory_space<vmem_shared>> -> memref<128x128xf32, #tpu.memory_space<vmem_shared>>
      %dma_wait3A_389 = arith.constant 0 : i32
      %dma_wait3A_390 = tpu.memref_slice %arg19[%mul3A_386, %dma_wait3A_389] : memref<10240x128xf32, #tpu.memory_space<vmem_shared>> -> memref<128x128xf32, #tpu.memory_space<vmem_shared>>
      tpu.wait_dma2 semaphore(%arg17 : memref<!tpu.dma_semaphore, #tpu.memory_space<semaphore_mem>>) src(%arg10 : memref<128x128xf32, #tpu.memory_space<vmem>>) dst(%dma_wait3A_390 : memref<128x128xf32, #tpu.memory_space<vmem_shared>>)
      %mul3A_391 = arith.constant 10240 : i32
      %mul3A_392 = arith.muli %arg0, %mul3A_391 : i32
      %dma_start3A_393 = arith.constant 0 : i32
      %dma_start3A_394 = tpu.memref_slice %arg2[%mul3A_392, %dma_start3A_393] : memref<20480x128xf32, #tpu.memory_space<hbm>> -> memref<128x128xf32, #tpu.memory_space<hbm>>
      %dma_start3A_395 = arith.constant 0 : i32
      %dma_start3A_396 = tpu.memref_slice %arg2[%mul3A_392, %dma_start3A_395] : memref<20480x128xf32, #tpu.memory_space<hbm>> -> memref<128x128xf32, #tpu.memory_space<hbm>>
      tpu.enqueue_dma source(%dma_start3A_396 : memref<128x128xf32, #tpu.memory_space<hbm>>) target(%arg10 : memref<128x128xf32, #tpu.memory_space<vmem>>) target_semaphore(%arg13 : memref<!tpu.dma_semaphore, #tpu.memory_space<semaphore_mem>>)
      %dma_wait3A_397 = arith.constant 2 : i32
      %dma_wait3A_398 = arith.constant 0 : i32
      %dma_wait3A_399 = tpu.memref_slice %arg8[%dma_wait3A_397, %dma_wait3A_398] : memref<8x128xi32, #tpu.memory_space<vmem>> -> memref<1x128xi32, #tpu.memory_space<vmem>>
      %dma_wait3A_400 = tpu.memref_squeeze %dma_wait3A_399 : memref<1x128xi32, #tpu.memory_space<vmem>> -> memref<128xi32, #tpu.memory_space<vmem>>
      %dma_wait3A_401 = arith.constant 0 : i32
      %dma_wait3A_402 = arith.constant 0 : i32
      %dma_wait3A_403 = tpu.memref_slice %arg2[%dma_wait3A_401, %dma_wait3A_402] : memref<20480x128xf32, #tpu.memory_space<hbm>> -> memref<20480x128xf32, #tpu.memory_space<hbm>>
      tpu.wait_indirect_dma semaphore(%arg13 : memref<!tpu.dma_semaphore, #tpu.memory_space<semaphore_mem>>) src(%dma_wait3A_403 : memref<20480x128xf32, #tpu.memory_space<hbm>>) dst(%arg10 : memref<128x128xf32, #tpu.memory_space<vmem>>)
      %mul3A_404 = arith.constant 640 : i32
      %mul3A_405 = arith.muli %arg1, %mul3A_404 : i32
      %dma_start3A_406 = arith.constant 0 : i32
      %dma_start3A_407 = tpu.memref_slice %arg19[%mul3A_405, %dma_start3A_406] : memref<10240x128xf32, #tpu.memory_space<vmem_shared>> -> memref<128x128xf32, #tpu.memory_space<vmem_shared>>
      %dma_start3A_408 = arith.constant 0 : i32
      %dma_start3A_409 = tpu.memref_slice %arg19[%mul3A_405, %dma_start3A_408] : memref<10240x128xf32, #tpu.memory_space<vmem_shared>> -> memref<128x128xf32, #tpu.memory_space<vmem_shared>>
      tpu.enqueue_dma source(%arg10 : memref<128x128xf32, #tpu.memory_space<vmem>>) target(%dma_start3A_409 : memref<128x128xf32, #tpu.memory_space<vmem_shared>>) target_semaphore(%arg17 : memref<!tpu.dma_semaphore, #tpu.memory_space<semaphore_mem>>)
      %mul3A_410 = arith.constant 640 : i32
      %mul3A_411 = arith.muli %arg1, %mul3A_410 : i32
      %dma_wait3A_412 = arith.constant 0 : i32
      %dma_wait3A_413 = tpu.memref_slice %arg19[%mul3A_411, %dma_wait3A_412] : memref<10240x128xf32, #tpu.memory_space<vmem_shared>> -> memref<128x128xf32, #tpu.memory_space<vmem_shared>>
      %dma_wait3A_414 = arith.constant 0 : i32
      %dma_wait3A_415 = tpu.memref_slice %arg19[%mul3A_411, %dma_wait3A_414] : memref<10240x128xf32, #tpu.memory_space<vmem_shared>> -> memref<128x128xf32, #tpu.memory_space<vmem_shared>>
      tpu.wait_dma2 semaphore(%arg18 : memref<!tpu.dma_semaphore, #tpu.memory_space<semaphore_mem>>) src(%arg11 : memref<128x128xf32, #tpu.memory_space<vmem>>) dst(%dma_wait3A_415 : memref<128x128xf32, #tpu.memory_space<vmem_shared>>)
      %mul3A_416 = arith.constant 10240 : i32
      %mul3A_417 = arith.muli %arg0, %mul3A_416 : i32
      %dma_start3A_418 = arith.constant 0 : i32
      %dma_start3A_419 = tpu.memref_slice %arg2[%mul3A_417, %dma_start3A_418] : memref<20480x128xf32, #tpu.memory_space<hbm>> -> memref<128x128xf32, #tpu.memory_space<hbm>>
      %dma_start3A_420 = arith.constant 0 : i32
      %dma_start3A_421 = tpu.memref_slice %arg2[%mul3A_417, %dma_start3A_420] : memref<20480x128xf32, #tpu.memory_space<hbm>> -> memref<128x128xf32, #tpu.memory_space<hbm>>
      tpu.enqueue_dma source(%dma_start3A_421 : memref<128x128xf32, #tpu.memory_space<hbm>>) target(%arg11 : memref<128x128xf32, #tpu.memory_space<vmem>>) target_semaphore(%arg14 : memref<!tpu.dma_semaphore, #tpu.memory_space<semaphore_mem>>)
      %dma_wait3A_422 = arith.constant 3 : i32
      %dma_wait3A_423 = arith.constant 0 : i32
      %dma_wait3A_424 = tpu.memref_slice %arg8[%dma_wait3A_422, %dma_wait3A_423] : memref<8x128xi32, #tpu.memory_space<vmem>> -> memref<1x128xi32, #tpu.memory_space<vmem>>
      %dma_wait3A_425 = tpu.memref_squeeze %dma_wait3A_424 : memref<1x128xi32, #tpu.memory_space<vmem>> -> memref<128xi32, #tpu.memory_space<vmem>>
      %dma_wait3A_426 = arith.constant 0 : i32
      %dma_wait3A_427 = arith.constant 0 : i32
      %dma_wait3A_428 = tpu.memref_slice %arg2[%dma_wait3A_426, %dma_wait3A_427] : memref<20480x128xf32, #tpu.memory_space<hbm>> -> memref<20480x128xf32, #tpu.memory_space<hbm>>
      tpu.wait_indirect_dma semaphore(%arg14 : memref<!tpu.dma_semaphore, #tpu.memory_space<semaphore_mem>>) src(%dma_wait3A_428 : memref<20480x128xf32, #tpu.memory_space<hbm>>) dst(%arg11 : memref<128x128xf32, #tpu.memory_space<vmem>>)
      %mul3A_429 = arith.constant 640 : i32
      %mul3A_430 = arith.muli %arg1, %mul3A_429 : i32
      %dma_start3A_431 = arith.constant 0 : i32
      %dma_start3A_432 = tpu.memref_slice %arg19[%mul3A_430, %dma_start3A_431] : memref<10240x128xf32, #tpu.memory_space<vmem_shared>> -> memref<128x128xf32, #tpu.memory_space<vmem_shared>>
      %dma_start3A_433 = arith.constant 0 : i32
      %dma_start3A_434 = tpu.memref_slice %arg19[%mul3A_430, %dma_start3A_433] : memref<10240x128xf32, #tpu.memory_space<vmem_shared>> -> memref<128x128xf32, #tpu.memory_space<vmem_shared>>
      tpu.enqueue_dma source(%arg11 : memref<128x128xf32, #tpu.memory_space<vmem>>) target(%dma_start3A_434 : memref<128x128xf32, #tpu.memory_space<vmem_shared>>) target_semaphore(%arg18 : memref<!tpu.dma_semaphore, #tpu.memory_space<semaphore_mem>>)
      %mul3A_435 = arith.constant 640 : i32
      %mul3A_436 = arith.muli %arg1, %mul3A_435 : i32
      %dma_wait3A_437 = arith.constant 0 : i32
      %dma_wait3A_438 = tpu.memref_slice %arg19[%mul3A_436, %dma_wait3A_437] : memref<10240x128xf32, #tpu.memory_space<vmem_shared>> -> memref<128x128xf32, #tpu.memory_space<vmem_shared>>
      %dma_wait3A_439 = arith.constant 0 : i32
      %dma_wait3A_440 = tpu.memref_slice %arg19[%mul3A_436, %dma_wait3A_439] : memref<10240x128xf32, #tpu.memory_space<vmem_shared>> -> memref<128x128xf32, #tpu.memory_space<vmem_shared>>
      tpu.wait_dma2 semaphore(%arg17 : memref<!tpu.dma_semaphore, #tpu.memory_space<semaphore_mem>>) src(%arg10 : memref<128x128xf32, #tpu.memory_space<vmem>>) dst(%dma_wait3A_440 : memref<128x128xf32, #tpu.memory_space<vmem_shared>>)
      %mul3A_441 = arith.constant 10240 : i32
      %mul3A_442 = arith.muli %arg0, %mul3A_441 : i32
      %dma_start3A_443 = arith.constant 0 : i32
      %dma_start3A_444 = tpu.memref_slice %arg2[%mul3A_442, %dma_start3A_443] : memref<20480x128xf32, #tpu.memory_space<hbm>> -> memref<128x128xf32, #tpu.memory_space<hbm>>
      %dma_start3A_445 = arith.constant 0 : i32
      %dma_start3A_446 = tpu.memref_slice %arg2[%mul3A_442, %dma_start3A_445] : memref<20480x128xf32, #tpu.memory_space<hbm>> -> memref<128x128xf32, #tpu.memory_space<hbm>>
      tpu.enqueue_dma source(%dma_start3A_446 : memref<128x128xf32, #tpu.memory_space<hbm>>) target(%arg10 : memref<128x128xf32, #tpu.memory_space<vmem>>) target_semaphore(%arg13 : memref<!tpu.dma_semaphore, #tpu.memory_space<semaphore_mem>>)
      %dma_wait3A_447 = arith.constant 4 : i32
      %dma_wait3A_448 = arith.constant 0 : i32
      %dma_wait3A_449 = tpu.memref_slice %arg8[%dma_wait3A_447, %dma_wait3A_448] : memref<8x128xi32, #tpu.memory_space<vmem>> -> memref<1x128xi32, #tpu.memory_space<vmem>>
      %dma_wait3A_450 = tpu.memref_squeeze %dma_wait3A_449 : memref<1x128xi32, #tpu.memory_space<vmem>> -> memref<128xi32, #tpu.memory_space<vmem>>
      %dma_wait3A_451 = arith.constant 0 : i32
      %dma_wait3A_452 = arith.constant 0 : i32
      %dma_wait3A_453 = tpu.memref_slice %arg2[%dma_wait3A_451, %dma_wait3A_452] : memref<20480x128xf32, #tpu.memory_space<hbm>> -> memref<20480x128xf32, #tpu.memory_space<hbm>>
      tpu.wait_indirect_dma semaphore(%arg13 : memref<!tpu.dma_semaphore, #tpu.memory_space<semaphore_mem>>) src(%dma_wait3A_453 : memref<20480x128xf32, #tpu.memory_space<hbm>>) dst(%arg10 : memref<128x128xf32, #tpu.memory_space<vmem>>)
      %mul3A_454 = arith.constant 640 : i32
      %mul3A_455 = arith.muli %arg1, %mul3A_454 : i32
      %dma_start3A_456 = arith.constant 0 : i32
      %dma_start3A_457 = tpu.memref_slice %arg19[%mul3A_455, %dma_start3A_456] : memref<10240x128xf32, #tpu.memory_space<vmem_shared>> -> memref<128x128xf32, #tpu.memory_space<vmem_shared>>
      %dma_start3A_458 = arith.constant 0 : i32
      %dma_start3A_459 = tpu.memref_slice %arg19[%mul3A_455, %dma_start3A_458] : memref<10240x128xf32, #tpu.memory_space<vmem_shared>> -> memref<128x128xf32, #tpu.memory_space<vmem_shared>>
      tpu.enqueue_dma source(%arg10 : memref<128x128xf32, #tpu.memory_space<vmem>>) target(%dma_start3A_459 : memref<128x128xf32, #tpu.memory_space<vmem_shared>>) target_semaphore(%arg17 : memref<!tpu.dma_semaphore, #tpu.memory_space<semaphore_mem>>)
      %mul3A_460 = arith.constant 640 : i32
      %mul3A_461 = arith.muli %arg1, %mul3A_460 : i32
      %dma_wait3A_462 = arith.constant 0 : i32
      %dma_wait3A_463 = tpu.memref_slice %arg19[%mul3A_461, %dma_wait3A_462] : memref<10240x128xf32, #tpu.memory_space<vmem_shared>> -> memref<128x128xf32, #tpu.memory_space<vmem_shared>>
      %dma_wait3A_464 = arith.constant 0 : i32
      %dma_wait3A_465 = tpu.memref_slice %arg19[%mul3A_461, %dma_wait3A_464] : memref<10240x128xf32, #tpu.memory_space<vmem_shared>> -> memref<128x128xf32, #tpu.memory_space<vmem_shared>>
      tpu.wait_dma2 semaphore(%arg18 : memref<!tpu.dma_semaphore, #tpu.memory_space<semaphore_mem>>) src(%arg11 : memref<128x128xf32, #tpu.memory_space<vmem>>) dst(%dma_wait3A_465 : memref<128x128xf32, #tpu.memory_space<vmem_shared>>)
      %mul3A_466 = arith.constant 10240 : i32
      %mul3A_467 = arith.muli %arg0, %mul3A_466 : i32
      %dma_start3A_468 = arith.constant 0 : i32
      %dma_start3A_469 = tpu.memref_slice %arg2[%mul3A_467, %dma_start3A_468] : memref<20480x128xf32, #tpu.memory_space<hbm>> -> memref<128x128xf32, #tpu.memory_space<hbm>>
      %dma_start3A_470 = arith.constant 0 : i32
      %dma_start3A_471 = tpu.memref_slice %arg2[%mul3A_467, %dma_start3A_470] : memref<20480x128xf32, #tpu.memory_space<hbm>> -> memref<128x128xf32, #tpu.memory_space<hbm>>
      tpu.enqueue_dma source(%dma_start3A_471 : memref<128x128xf32, #tpu.memory_space<hbm>>) target(%arg11 : memref<128x128xf32, #tpu.memory_space<vmem>>) target_semaphore(%arg14 : memref<!tpu.dma_semaphore, #tpu.memory_space<semaphore_mem>>)
      %dma_wait3A_472 = arith.constant 5 : i32
      %dma_wait3A_473 = arith.constant 0 : i32
      %dma_wait3A_474 = tpu.memref_slice %arg8[%dma_wait3A_472, %dma_wait3A_473] : memref<8x128xi32, #tpu.memory_space<vmem>> -> memref<1x128xi32, #tpu.memory_space<vmem>>
      %dma_wait3A_475 = tpu.memref_squeeze %dma_wait3A_474 : memref<1x128xi32, #tpu.memory_space<vmem>> -> memref<128xi32, #tpu.memory_space<vmem>>
      %dma_wait3A_476 = arith.constant 0 : i32
      %dma_wait3A_477 = arith.constant 0 : i32
      %dma_wait3A_478 = tpu.memref_slice %arg2[%dma_wait3A_476, %dma_wait3A_477] : memref<20480x128xf32, #tpu.memory_space<hbm>> -> memref<20480x128xf32, #tpu.memory_space<hbm>>
      tpu.wait_indirect_dma semaphore(%arg14 : memref<!tpu.dma_semaphore, #tpu.memory_space<semaphore_mem>>) src(%dma_wait3A_478 : memref<20480x128xf32, #tpu.memory_space<hbm>>) dst(%arg11 : memref<128x128xf32, #tpu.memory_space<vmem>>)
      %mul3A_479 = arith.constant 640 : i32
      %mul3A_480 = arith.muli %arg1, %mul3A_479 : i32
      %dma_start3A_481 = arith.constant 0 : i32
      %dma_start3A_482 = tpu.memref_slice %arg19[%mul3A_480, %dma_start3A_481] : memref<10240x128xf32, #tpu.memory_space<vmem_shared>> -> memref<128x128xf32, #tpu.memory_space<vmem_shared>>
      %dma_start3A_483 = arith.constant 0 : i32
      %dma_start3A_484 = tpu.memref_slice %arg19[%mul3A_480, %dma_start3A_483] : memref<10240x128xf32, #tpu.memory_space<vmem_shared>> -> memref<128x128xf32, #tpu.memory_space<vmem_shared>>
      tpu.enqueue_dma source(%arg11 : memref<128x128xf32, #tpu.memory_space<vmem>>) target(%dma_start3A_484 : memref<128x128xf32, #tpu.memory_space<vmem_shared>>) target_semaphore(%arg18 : memref<!tpu.dma_semaphore, #tpu.memory_space<semaphore_mem>>)
      %mul3A_485 = arith.constant 640 : i32
      %mul3A_486 = arith.muli %arg1, %mul3A_485 : i32
      %dma_wait3A_487 = arith.constant 0 : i32
      %dma_wait3A_488 = tpu.memref_slice %arg19[%mul3A_486, %dma_wait3A_487] : memref<10240x128xf32, #tpu.memory_space<vmem_shared>> -> memref<128x128xf32, #tpu.memory_space<vmem_shared>>
      %dma_wait3A_489 = arith.constant 0 : i32
      %dma_wait3A_490 = tpu.memref_slice %arg19[%mul3A_486, %dma_wait3A_489] : memref<10240x128xf32, #tpu.memory_space<vmem_shared>> -> memref<128x128xf32, #tpu.memory_space<vmem_shared>>
      tpu.wait_dma2 semaphore(%arg17 : memref<!tpu.dma_semaphore, #tpu.memory_space<semaphore_mem>>) src(%arg10 : memref<128x128xf32, #tpu.memory_space<vmem>>) dst(%dma_wait3A_490 : memref<128x128xf32, #tpu.memory_space<vmem_shared>>)
      %mul3A_491 = arith.constant 10240 : i32
      %mul3A_492 = arith.muli %arg0, %mul3A_491 : i32
      %dma_start3A_493 = arith.constant 0 : i32
      %dma_start3A_494 = tpu.memref_slice %arg2[%mul3A_492, %dma_start3A_493] : memref<20480x128xf32, #tpu.memory_space<hbm>> -> memref<128x128xf32, #tpu.memory_space<hbm>>
      %dma_start3A_495 = arith.constant 0 : i32
      %dma_start3A_496 = tpu.memref_slice %arg2[%mul3A_492, %dma_start3A_495] : memref<20480x128xf32, #tpu.memory_space<hbm>> -> memref<128x128xf32, #tpu.memory_space<hbm>>
      tpu.enqueue_dma source(%dma_start3A_496 : memref<128x128xf32, #tpu.memory_space<hbm>>) target(%arg10 : memref<128x128xf32, #tpu.memory_space<vmem>>) target_semaphore(%arg13 : memref<!tpu.dma_semaphore, #tpu.memory_space<semaphore_mem>>)
      %dma_wait3A_497 = arith.constant 6 : i32
      %dma_wait3A_498 = arith.constant 0 : i32
      %dma_wait3A_499 = tpu.memref_slice %arg8[%dma_wait3A_497, %dma_wait3A_498] : memref<8x128xi32, #tpu.memory_space<vmem>> -> memref<1x128xi32, #tpu.memory_space<vmem>>
      %dma_wait3A_500 = tpu.memref_squeeze %dma_wait3A_499 : memref<1x128xi32, #tpu.memory_space<vmem>> -> memref<128xi32, #tpu.memory_space<vmem>>
      %dma_wait3A_501 = arith.constant 0 : i32
      %dma_wait3A_502 = arith.constant 0 : i32
      %dma_wait3A_503 = tpu.memref_slice %arg2[%dma_wait3A_501, %dma_wait3A_502] : memref<20480x128xf32, #tpu.memory_space<hbm>> -> memref<20480x128xf32, #tpu.memory_space<hbm>>
      tpu.wait_indirect_dma semaphore(%arg13 : memref<!tpu.dma_semaphore, #tpu.memory_space<semaphore_mem>>) src(%dma_wait3A_503 : memref<20480x128xf32, #tpu.memory_space<hbm>>) dst(%arg10 : memref<128x128xf32, #tpu.memory_space<vmem>>)
      %mul3A_504 = arith.constant 640 : i32
      %mul3A_505 = arith.muli %arg1, %mul3A_504 : i32
      %dma_start3A_506 = arith.constant 0 : i32
      %dma_start3A_507 = tpu.memref_slice %arg19[%mul3A_505, %dma_start3A_506] : memref<10240x128xf32, #tpu.memory_space<vmem_shared>> -> memref<128x128xf32, #tpu.memory_space<vmem_shared>>
      %dma_start3A_508 = arith.constant 0 : i32
      %dma_start3A_509 = tpu.memref_slice %arg19[%mul3A_505, %dma_start3A_508] : memref<10240x128xf32, #tpu.memory_space<vmem_shared>> -> memref<128x128xf32, #tpu.memory_space<vmem_shared>>
      tpu.enqueue_dma source(%arg10 : memref<128x128xf32, #tpu.memory_space<vmem>>) target(%dma_start3A_509 : memref<128x128xf32, #tpu.memory_space<vmem_shared>>) target_semaphore(%arg17 : memref<!tpu.dma_semaphore, #tpu.memory_space<semaphore_mem>>)
      %mul3A_510 = arith.constant 640 : i32
      %mul3A_511 = arith.muli %arg1, %mul3A_510 : i32
      %dma_wait3A_512 = arith.constant 0 : i32
      %dma_wait3A_513 = tpu.memref_slice %arg19[%mul3A_511, %dma_wait3A_512] : memref<10240x128xf32, #tpu.memory_space<vmem_shared>> -> memref<128x128xf32, #tpu.memory_space<vmem_shared>>
      %dma_wait3A_514 = arith.constant 0 : i32
      %dma_wait3A_515 = tpu.memref_slice %arg19[%mul3A_511, %dma_wait3A_514] : memref<10240x128xf32, #tpu.memory_space<vmem_shared>> -> memref<128x128xf32, #tpu.memory_space<vmem_shared>>
      tpu.wait_dma2 semaphore(%arg18 : memref<!tpu.dma_semaphore, #tpu.memory_space<semaphore_mem>>) src(%arg11 : memref<128x128xf32, #tpu.memory_space<vmem>>) dst(%dma_wait3A_515 : memref<128x128xf32, #tpu.memory_space<vmem_shared>>)
      %mul3A_516 = arith.constant 10240 : i32
      %mul3A_517 = arith.muli %arg0, %mul3A_516 : i32
      %dma_start3A_518 = arith.constant 0 : i32
      %dma_start3A_519 = tpu.memref_slice %arg2[%mul3A_517, %dma_start3A_518] : memref<20480x128xf32, #tpu.memory_space<hbm>> -> memref<128x128xf32, #tpu.memory_space<hbm>>
      %dma_start3A_520 = arith.constant 0 : i32
      %dma_start3A_521 = tpu.memref_slice %arg2[%mul3A_517, %dma_start3A_520] : memref<20480x128xf32, #tpu.memory_space<hbm>> -> memref<128x128xf32, #tpu.memory_space<hbm>>
      tpu.enqueue_dma source(%dma_start3A_521 : memref<128x128xf32, #tpu.memory_space<hbm>>) target(%arg11 : memref<128x128xf32, #tpu.memory_space<vmem>>) target_semaphore(%arg14 : memref<!tpu.dma_semaphore, #tpu.memory_space<semaphore_mem>>)
      %dma_wait3A_522 = arith.constant 7 : i32
      %dma_wait3A_523 = arith.constant 0 : i32
      %dma_wait3A_524 = tpu.memref_slice %arg8[%dma_wait3A_522, %dma_wait3A_523] : memref<8x128xi32, #tpu.memory_space<vmem>> -> memref<1x128xi32, #tpu.memory_space<vmem>>
      %dma_wait3A_525 = tpu.memref_squeeze %dma_wait3A_524 : memref<1x128xi32, #tpu.memory_space<vmem>> -> memref<128xi32, #tpu.memory_space<vmem>>
      %dma_wait3A_526 = arith.constant 0 : i32
      %dma_wait3A_527 = arith.constant 0 : i32
      %dma_wait3A_528 = tpu.memref_slice %arg2[%dma_wait3A_526, %dma_wait3A_527] : memref<20480x128xf32, #tpu.memory_space<hbm>> -> memref<20480x128xf32, #tpu.memory_space<hbm>>
      tpu.wait_indirect_dma semaphore(%arg14 : memref<!tpu.dma_semaphore, #tpu.memory_space<semaphore_mem>>) src(%dma_wait3A_528 : memref<20480x128xf32, #tpu.memory_space<hbm>>) dst(%arg11 : memref<128x128xf32, #tpu.memory_space<vmem>>)
      %mul3A_529 = arith.constant 640 : i32
      %mul3A_530 = arith.muli %arg1, %mul3A_529 : i32
      %dma_start3A_531 = arith.constant 0 : i32
      %dma_start3A_532 = tpu.memref_slice %arg19[%mul3A_530, %dma_start3A_531] : memref<10240x128xf32, #tpu.memory_space<vmem_shared>> -> memref<128x128xf32, #tpu.memory_space<vmem_shared>>
      %dma_start3A_533 = arith.constant 0 : i32
      %dma_start3A_534 = tpu.memref_slice %arg19[%mul3A_530, %dma_start3A_533] : memref<10240x128xf32, #tpu.memory_space<vmem_shared>> -> memref<128x128xf32, #tpu.memory_space<vmem_shared>>
      tpu.enqueue_dma source(%arg11 : memref<128x128xf32, #tpu.memory_space<vmem>>) target(%dma_start3A_534 : memref<128x128xf32, #tpu.memory_space<vmem_shared>>) target_semaphore(%arg18 : memref<!tpu.dma_semaphore, #tpu.memory_space<semaphore_mem>>)
      %mul3A_535 = arith.constant 640 : i32
      %mul3A_536 = arith.muli %arg1, %mul3A_535 : i32
      %dma_wait3A_537 = arith.constant 0 : i32
      %dma_wait3A_538 = tpu.memref_slice %arg19[%mul3A_536, %dma_wait3A_537] : memref<10240x128xf32, #tpu.memory_space<vmem_shared>> -> memref<128x128xf32, #tpu.memory_space<vmem_shared>>
      %dma_wait3A_539 = arith.constant 0 : i32
      %dma_wait3A_540 = tpu.memref_slice %arg19[%mul3A_536, %dma_wait3A_539] : memref<10240x128xf32, #tpu.memory_space<vmem_shared>> -> memref<128x128xf32, #tpu.memory_space<vmem_shared>>
      tpu.wait_dma2 semaphore(%arg17 : memref<!tpu.dma_semaphore, #tpu.memory_space<semaphore_mem>>) src(%arg10 : memref<128x128xf32, #tpu.memory_space<vmem>>) dst(%dma_wait3A_540 : memref<128x128xf32, #tpu.memory_space<vmem_shared>>)
      %add3A_541 = arith.constant 1 : i32
      %add3A_542 = arith.addi %add3A_346, %add3A_541 : i32
      %mul3A_543 = arith.constant 8 : i32
      %mul3A_544 = arith.muli %add3A_542, %mul3A_543 : i32
      %add3A_545 = arith.addi %mul3A_2, %mul3A_544 : i32
      %dma_wait3A_546 = arith.constant 0 : i32
      %dma_wait3A_547 = tpu.memref_slice %arg3[%add3A_545, %dma_wait3A_546] : memref<5136x128xi32, #tpu.memory_space<hbm>> -> memref<8x128xi32, #tpu.memory_space<hbm>>
      %dma_wait3A_548 = arith.constant 0 : i32
      %dma_wait3A_549 = tpu.memref_slice %arg3[%add3A_545, %dma_wait3A_548] : memref<5136x128xi32, #tpu.memory_space<hbm>> -> memref<8x128xi32, #tpu.memory_space<hbm>>
      tpu.wait_dma2 semaphore(%arg15 : memref<!tpu.dma_semaphore, #tpu.memory_space<semaphore_mem>>) src(%dma_wait3A_549 : memref<8x128xi32, #tpu.memory_space<hbm>>) dst(%arg6 : memref<8x128xi32, #tpu.memory_space<vmem>>)
      %dma_wait3A_550 = arith.constant 0 : i32
      %dma_wait3A_551 = tpu.memref_slice %arg4[%add3A_545, %dma_wait3A_550] : memref<5136x128xi32, #tpu.memory_space<hbm>> -> memref<8x128xi32, #tpu.memory_space<hbm>>
      %dma_wait3A_552 = arith.constant 0 : i32
      %dma_wait3A_553 = tpu.memref_slice %arg4[%add3A_545, %dma_wait3A_552] : memref<5136x128xi32, #tpu.memory_space<hbm>> -> memref<8x128xi32, #tpu.memory_space<hbm>>
      tpu.wait_dma2 semaphore(%arg15 : memref<!tpu.dma_semaphore, #tpu.memory_space<semaphore_mem>>) src(%dma_wait3A_553 : memref<8x128xi32, #tpu.memory_space<hbm>>) dst(%arg7 : memref<8x128xi32, #tpu.memory_space<vmem>>)
      %add3A_554 = arith.constant 2 : i32
      %add3A_555 = arith.addi %add3A_346, %add3A_554 : i32
      %mul3A_556 = arith.constant 8 : i32
      %mul3A_557 = arith.muli %add3A_555, %mul3A_556 : i32
      %add3A_558 = arith.addi %mul3A_2, %mul3A_557 : i32
      %dma_start3A_559 = arith.constant 0 : i32
      %dma_start3A_560 = tpu.memref_slice %arg3[%add3A_558, %dma_start3A_559] : memref<5136x128xi32, #tpu.memory_space<hbm>> -> memref<8x128xi32, #tpu.memory_space<hbm>>
      %dma_start3A_561 = arith.constant 0 : i32
      %dma_start3A_562 = tpu.memref_slice %arg3[%add3A_558, %dma_start3A_561] : memref<5136x128xi32, #tpu.memory_space<hbm>> -> memref<8x128xi32, #tpu.memory_space<hbm>>
      tpu.enqueue_dma source(%dma_start3A_562 : memref<8x128xi32, #tpu.memory_space<hbm>>) target(%arg8 : memref<8x128xi32, #tpu.memory_space<vmem>>) target_semaphore(%arg16 : memref<!tpu.dma_semaphore, #tpu.memory_space<semaphore_mem>>)
      %dma_start3A_563 = arith.constant 0 : i32
      %dma_start3A_564 = tpu.memref_slice %arg4[%add3A_558, %dma_start3A_563] : memref<5136x128xi32, #tpu.memory_space<hbm>> -> memref<8x128xi32, #tpu.memory_space<hbm>>
      %dma_start3A_565 = arith.constant 0 : i32
      %dma_start3A_566 = tpu.memref_slice %arg4[%add3A_558, %dma_start3A_565] : memref<5136x128xi32, #tpu.memory_space<hbm>> -> memref<8x128xi32, #tpu.memory_space<hbm>>
      tpu.enqueue_dma source(%dma_start3A_566 : memref<8x128xi32, #tpu.memory_space<hbm>>) target(%arg9 : memref<8x128xi32, #tpu.memory_space<vmem>>) target_semaphore(%arg16 : memref<!tpu.dma_semaphore, #tpu.memory_space<semaphore_mem>>)
      %mul3A_567 = arith.constant 10240 : i32
      %mul3A_568 = arith.muli %arg0, %mul3A_567 : i32
      %dma_start3A_569 = arith.constant 0 : i32
      %dma_start3A_570 = tpu.memref_slice %arg2[%mul3A_568, %dma_start3A_569] : memref<20480x128xf32, #tpu.memory_space<hbm>> -> memref<128x128xf32, #tpu.memory_space<hbm>>
      %dma_start3A_571 = arith.constant 0 : i32
      %dma_start3A_572 = tpu.memref_slice %arg2[%mul3A_568, %dma_start3A_571] : memref<20480x128xf32, #tpu.memory_space<hbm>> -> memref<128x128xf32, #tpu.memory_space<hbm>>
      tpu.enqueue_dma source(%dma_start3A_572 : memref<128x128xf32, #tpu.memory_space<hbm>>) target(%arg10 : memref<128x128xf32, #tpu.memory_space<vmem>>) target_semaphore(%arg13 : memref<!tpu.dma_semaphore, #tpu.memory_space<semaphore_mem>>)
    }
    %scan3A_80 = arith.constant 10 : i32
    %dma_wait3A = arith.constant 0 : i32
    %dma_wait3A_81 = arith.constant 0 : i32
    %dma_wait3A_82 = tpu.memref_slice %arg6[%dma_wait3A, %dma_wait3A_81] : memref<8x128xi32, #tpu.memory_space<vmem>> -> memref<1x128xi32, #tpu.memory_space<vmem>>
    %dma_wait3A_83 = tpu.memref_squeeze %dma_wait3A_82 : memref<1x128xi32, #tpu.memory_space<vmem>> -> memref<128xi32, #tpu.memory_space<vmem>>
    %dma_wait3A_84 = arith.constant 0 : i32
    %dma_wait3A_85 = arith.constant 0 : i32
    %dma_wait3A_86 = tpu.memref_slice %arg2[%dma_wait3A_84, %dma_wait3A_85] : memref<20480x128xf32, #tpu.memory_space<hbm>> -> memref<20480x128xf32, #tpu.memory_space<hbm>>
    tpu.wait_indirect_dma semaphore(%arg13 : memref<!tpu.dma_semaphore, #tpu.memory_space<semaphore_mem>>) src(%dma_wait3A_86 : memref<20480x128xf32, #tpu.memory_space<hbm>>) dst(%arg10 : memref<128x128xf32, #tpu.memory_space<vmem>>)
    %dma_wait3A_87 = arith.constant 0 : i32
    %dma_wait3A_88 = arith.constant 0 : i32
    %dma_wait3A_89 = tpu.memref_slice %arg9[%dma_wait3A_87, %dma_wait3A_88] : memref<8x128xi32, #tpu.memory_space<vmem>> -> memref<1x128xi32, #tpu.memory_space<vmem>>
    %dma_wait3A_90 = tpu.memref_squeeze %dma_wait3A_89 : memref<1x128xi32, #tpu.memory_space<vmem>> -> memref<128xi32, #tpu.memory_space<vmem>>
    %dma_wait3A_91 = arith.constant 0 : i32
    %dma_wait3A_92 = arith.constant 0 : i32
    %dma_wait3A_93 = tpu.memref_slice %arg19[%dma_wait3A_91, %dma_wait3A_92] : memref<10240x128xf32, #tpu.memory_space<vmem_shared>> -> memref<10240x128xf32, #tpu.memory_space<vmem_shared>>
    tpu.wait_indirect_dma semaphore(%arg18 : memref<!tpu.dma_semaphore, #tpu.memory_space<semaphore_mem>>) src(%arg11 : memref<128x128xf32, #tpu.memory_space<vmem>>) dst(%dma_wait3A_93 : memref<10240x128xf32, #tpu.memory_space<vmem_shared>>)
    %add3A_94 = arith.constant 168 : i32
    %add3A_95 = arith.addi %mul3A_2, %add3A_94 : i32
    %dma_wait3A_96 = arith.constant 0 : i32
    %dma_wait3A_97 = tpu.memref_slice %arg3[%add3A_95, %dma_wait3A_96] : memref<5136x128xi32, #tpu.memory_space<hbm>> -> memref<8x128xi32, #tpu.memory_space<hbm>>
    %dma_wait3A_98 = arith.constant 0 : i32
    %dma_wait3A_99 = tpu.memref_slice %arg3[%add3A_95, %dma_wait3A_98] : memref<5136x128xi32, #tpu.memory_space<hbm>> -> memref<8x128xi32, #tpu.memory_space<hbm>>
    tpu.wait_dma2 semaphore(%arg16 : memref<!tpu.dma_semaphore, #tpu.memory_space<semaphore_mem>>) src(%dma_wait3A_99 : memref<8x128xi32, #tpu.memory_space<hbm>>) dst(%arg8 : memref<8x128xi32, #tpu.memory_space<vmem>>)
    %dma_wait3A_100 = arith.constant 0 : i32
    %dma_wait3A_101 = tpu.memref_slice %arg4[%add3A_95, %dma_wait3A_100] : memref<5136x128xi32, #tpu.memory_space<hbm>> -> memref<8x128xi32, #tpu.memory_space<hbm>>
    %dma_wait3A_102 = arith.constant 0 : i32
    %dma_wait3A_103 = tpu.memref_slice %arg4[%add3A_95, %dma_wait3A_102] : memref<5136x128xi32, #tpu.memory_space<hbm>> -> memref<8x128xi32, #tpu.memory_space<hbm>>
    tpu.wait_dma2 semaphore(%arg16 : memref<!tpu.dma_semaphore, #tpu.memory_space<semaphore_mem>>) src(%dma_wait3A_103 : memref<8x128xi32, #tpu.memory_space<hbm>>) dst(%arg9 : memref<8x128xi32, #tpu.memory_space<vmem>>)
    %barrier3A_104 = arith.constant 0 : index
    tpu.barrier barrier_id(%barrier3A_104)
    %mul3A_105 = arith.constant 640 : i32
    %mul3A_106 = arith.muli %arg1, %mul3A_105 : i32
    %mul3A_107 = arith.constant 10240 : i32
    %mul3A_108 = arith.muli %arg0, %mul3A_107 : i32
    %mul3A_109 = arith.constant 640 : i32
    %mul3A_110 = arith.muli %arg1, %mul3A_109 : i32
    %add3A_111 = arith.addi %mul3A_108, %mul3A_110 : i32
    "tpu.region"() ({
      %run_scoped3A = tpu.sem_alloc : memref<!tpu.dma_semaphore, #tpu.memory_space<semaphore_mem>>
      %dma_start3A_112 = arith.constant 0 : i32
      %dma_start3A_113 = tpu.memref_slice %arg5[%add3A_111, %dma_start3A_112] : memref<20480x128xf32, #tpu.memory_space<hbm>> -> memref<640x128xf32, #tpu.memory_space<hbm>>
      %dma_start3A_114 = arith.constant 0 : i32
      %dma_start3A_115 = tpu.memref_slice %arg19[%mul3A_106, %dma_start3A_114] : memref<10240x128xf32, #tpu.memory_space<vmem_shared>> -> memref<640x128xf32, #tpu.memory_space<vmem_shared>>
      tpu.enqueue_dma source(%dma_start3A_115 : memref<640x128xf32, #tpu.memory_space<vmem_shared>>) target(%dma_start3A_113 : memref<640x128xf32, #tpu.memory_space<hbm>>) target_semaphore(%run_scoped3A : memref<!tpu.dma_semaphore, #tpu.memory_space<semaphore_mem>>)
      %dma_wait3A_116 = arith.constant 0 : i32
      %dma_wait3A_117 = tpu.memref_slice %arg5[%add3A_111, %dma_wait3A_116] : memref<20480x128xf32, #tpu.memory_space<hbm>> -> memref<640x128xf32, #tpu.memory_space<hbm>>
      %dma_wait3A_118 = arith.constant 0 : i32
      %dma_wait3A_119 = tpu.memref_slice %arg19[%mul3A_106, %dma_wait3A_118] : memref<10240x128xf32, #tpu.memory_space<vmem_shared>> -> memref<640x128xf32, #tpu.memory_space<vmem_shared>>
      tpu.wait_dma2 semaphore(%run_scoped3A : memref<!tpu.dma_semaphore, #tpu.memory_space<semaphore_mem>>) src(%dma_wait3A_119 : memref<640x128xf32, #tpu.memory_space<vmem_shared>>) dst(%dma_wait3A_117 : memref<640x128xf32, #tpu.memory_space<hbm>>)
      tpu.yield
    }) : () -> ()
    return
  }
}

#map = affine_map<(d0, d1) -> (0, 0)>
#map1 = affine_map<(d0, d1) -> (0)>
module attributes {stable_mosaic.version = 14 : i64} {
  func.func @_deg_body(%arg0: i32, %arg1: i32, %arg2: memref<11264x128xi32, #tpu.memory_space<hbm>>, %arg3: memref<4352xf32, #tpu.memory_space<hbm>>, %arg4: memref<139264xf32, #tpu.memory_space<hbm>>, %arg5: memref<352x128xi32, #tpu.memory_space<vmem>>, %arg6: memref<128xf32, #tpu.memory_space<vmem>>, %arg7: memref<69632xf32, #tpu.memory_space<vmem_shared>>) attributes {dimension_semantics = [#tpu.dimension_semantics<core_parallel>, #tpu.dimension_semantics<subcore_parallel>], iteration_bounds = array<i64: 2, 16>, scalar_prefetch = 0 : i64, scratch_operands = 3 : i64, tpu.core_type = #tpu.core_type<sc_vector_subcore>, window_params = [{transform_indices = #map}, {transform_indices = #map1}, {transform_indices = #map1}]} {
    %mul3A = arith.constant 16 : i32
    %mul3A_0 = arith.muli %arg0, %mul3A : i32
    %add3A = arith.addi %mul3A_0, %arg1 : i32
    %broadcast_in_dim3A = arith.constant 1.000000e+00 : f32
    %broadcast_in_dim3A_1 = vector.broadcast %broadcast_in_dim3A : f32 to vector<16xf32>
    %swap3A = arith.constant 0 : index
    %swap3A_2 = tpu.vector_load %arg6[%swap3A] {strides = array<i32>} : memref<128xf32, #tpu.memory_space<vmem>>, vector<16xf32>,
    %swap3A_3 = vector.shape_cast %swap3A_2 : vector<16xf32> to vector<16xf32>
    %swap3A_4 = vector.shape_cast %broadcast_in_dim3A_1 : vector<16xf32> to vector<16xf32>
    tpu.vector_store %arg6[%swap3A], %swap3A_4 {strides = array<i32>} : memref<128xf32, #tpu.memory_space<vmem>>, vector<16xf32>,
    %broadcast_in_dim3A_5 = arith.constant 1.000000e+00 : f32
    %broadcast_in_dim3A_6 = vector.broadcast %broadcast_in_dim3A_5 : f32 to vector<16xf32>
    %swap3A_7 = arith.constant 16 : index
    %swap3A_8 = tpu.vector_load %arg6[%swap3A_7] {strides = array<i32>} : memref<128xf32, #tpu.memory_space<vmem>>, vector<16xf32>,
    %swap3A_9 = vector.shape_cast %swap3A_8 : vector<16xf32> to vector<16xf32>
    %swap3A_10 = vector.shape_cast %broadcast_in_dim3A_6 : vector<16xf32> to vector<16xf32>
    tpu.vector_store %arg6[%swap3A_7], %swap3A_10 {strides = array<i32>} : memref<128xf32, #tpu.memory_space<vmem>>, vector<16xf32>,
    %broadcast_in_dim3A_11 = arith.constant 1.000000e+00 : f32
    %broadcast_in_dim3A_12 = vector.broadcast %broadcast_in_dim3A_11 : f32 to vector<16xf32>
    %swap3A_13 = arith.constant 32 : index
    %swap3A_14 = tpu.vector_load %arg6[%swap3A_13] {strides = array<i32>} : memref<128xf32, #tpu.memory_space<vmem>>, vector<16xf32>,
    %swap3A_15 = vector.shape_cast %swap3A_14 : vector<16xf32> to vector<16xf32>
    %swap3A_16 = vector.shape_cast %broadcast_in_dim3A_12 : vector<16xf32> to vector<16xf32>
    tpu.vector_store %arg6[%swap3A_13], %swap3A_16 {strides = array<i32>} : memref<128xf32, #tpu.memory_space<vmem>>, vector<16xf32>,
    %broadcast_in_dim3A_17 = arith.constant 1.000000e+00 : f32
    %broadcast_in_dim3A_18 = vector.broadcast %broadcast_in_dim3A_17 : f32 to vector<16xf32>
    %swap3A_19 = arith.constant 48 : index
    %swap3A_20 = tpu.vector_load %arg6[%swap3A_19] {strides = array<i32>} : memref<128xf32, #tpu.memory_space<vmem>>, vector<16xf32>,
    %swap3A_21 = vector.shape_cast %swap3A_20 : vector<16xf32> to vector<16xf32>
    %swap3A_22 = vector.shape_cast %broadcast_in_dim3A_18 : vector<16xf32> to vector<16xf32>
    tpu.vector_store %arg6[%swap3A_19], %swap3A_22 {strides = array<i32>} : memref<128xf32, #tpu.memory_space<vmem>>, vector<16xf32>,
    %broadcast_in_dim3A_23 = arith.constant 1.000000e+00 : f32
    %broadcast_in_dim3A_24 = vector.broadcast %broadcast_in_dim3A_23 : f32 to vector<16xf32>
    %swap3A_25 = arith.constant 64 : index
    %swap3A_26 = tpu.vector_load %arg6[%swap3A_25] {strides = array<i32>} : memref<128xf32, #tpu.memory_space<vmem>>, vector<16xf32>,
    %swap3A_27 = vector.shape_cast %swap3A_26 : vector<16xf32> to vector<16xf32>
    %swap3A_28 = vector.shape_cast %broadcast_in_dim3A_24 : vector<16xf32> to vector<16xf32>
    tpu.vector_store %arg6[%swap3A_25], %swap3A_28 {strides = array<i32>} : memref<128xf32, #tpu.memory_space<vmem>>, vector<16xf32>,
    %broadcast_in_dim3A_29 = arith.constant 1.000000e+00 : f32
    %broadcast_in_dim3A_30 = vector.broadcast %broadcast_in_dim3A_29 : f32 to vector<16xf32>
    %swap3A_31 = arith.constant 80 : index
    %swap3A_32 = tpu.vector_load %arg6[%swap3A_31] {strides = array<i32>} : memref<128xf32, #tpu.memory_space<vmem>>, vector<16xf32>,
    %swap3A_33 = vector.shape_cast %swap3A_32 : vector<16xf32> to vector<16xf32>
    %swap3A_34 = vector.shape_cast %broadcast_in_dim3A_30 : vector<16xf32> to vector<16xf32>
    tpu.vector_store %arg6[%swap3A_31], %swap3A_34 {strides = array<i32>} : memref<128xf32, #tpu.memory_space<vmem>>, vector<16xf32>,
    %broadcast_in_dim3A_35 = arith.constant 1.000000e+00 : f32
    %broadcast_in_dim3A_36 = vector.broadcast %broadcast_in_dim3A_35 : f32 to vector<16xf32>
    %swap3A_37 = arith.constant 96 : index
    %swap3A_38 = tpu.vector_load %arg6[%swap3A_37] {strides = array<i32>} : memref<128xf32, #tpu.memory_space<vmem>>, vector<16xf32>,
    %swap3A_39 = vector.shape_cast %swap3A_38 : vector<16xf32> to vector<16xf32>
    %swap3A_40 = vector.shape_cast %broadcast_in_dim3A_36 : vector<16xf32> to vector<16xf32>
    tpu.vector_store %arg6[%swap3A_37], %swap3A_40 {strides = array<i32>} : memref<128xf32, #tpu.memory_space<vmem>>, vector<16xf32>,
    %broadcast_in_dim3A_41 = arith.constant 1.000000e+00 : f32
    %broadcast_in_dim3A_42 = vector.broadcast %broadcast_in_dim3A_41 : f32 to vector<16xf32>
    %swap3A_43 = arith.constant 112 : index
    %swap3A_44 = tpu.vector_load %arg6[%swap3A_43] {strides = array<i32>} : memref<128xf32, #tpu.memory_space<vmem>>, vector<16xf32>,
    %swap3A_45 = vector.shape_cast %swap3A_44 : vector<16xf32> to vector<16xf32>
    %swap3A_46 = vector.shape_cast %broadcast_in_dim3A_42 : vector<16xf32> to vector<16xf32>
    tpu.vector_store %arg6[%swap3A_43], %swap3A_46 {strides = array<i32>} : memref<128xf32, #tpu.memory_space<vmem>>, vector<16xf32>,
    %mul3A_47 = arith.constant 4352 : i32
    %mul3A_48 = arith.muli %arg1, %mul3A_47 : i32
    "tpu.region"() ({
      %run_scoped3A = tpu.sem_alloc : memref<!tpu.dma_semaphore, #tpu.memory_space<semaphore_mem>>
      %dma_start3A = tpu.memref_slice %arg7[%mul3A_48] : memref<69632xf32, #tpu.memory_space<vmem_shared>> -> memref<4352xf32, #tpu.memory_space<vmem_shared>>
      tpu.enqueue_dma source(%arg3 : memref<4352xf32, #tpu.memory_space<hbm>>) target(%dma_start3A : memref<4352xf32, #tpu.memory_space<vmem_shared>>) target_semaphore(%run_scoped3A : memref<!tpu.dma_semaphore, #tpu.memory_space<semaphore_mem>>)
      %dma_wait3A = tpu.memref_slice %arg7[%mul3A_48] : memref<69632xf32, #tpu.memory_space<vmem_shared>> -> memref<4352xf32, #tpu.memory_space<vmem_shared>>
      tpu.wait_dma2 semaphore(%run_scoped3A : memref<!tpu.dma_semaphore, #tpu.memory_space<semaphore_mem>>) src(%arg3 : memref<4352xf32, #tpu.memory_space<hbm>>) dst(%dma_wait3A : memref<4352xf32, #tpu.memory_space<vmem_shared>>)
      tpu.yield
    }) : () -> ()
    %mul3A_49 = arith.constant 352 : i32
    %mul3A_50 = arith.muli %add3A, %mul3A_49 : i32
    "tpu.region"() ({
      %run_scoped3A = tpu.sem_alloc : memref<!tpu.dma_semaphore, #tpu.memory_space<semaphore_mem>>
      %dma_start3A = arith.constant 0 : i32
      %dma_start3A_64 = tpu.memref_slice %arg2[%mul3A_50, %dma_start3A] : memref<11264x128xi32, #tpu.memory_space<hbm>> -> memref<352x128xi32, #tpu.memory_space<hbm>>
      %dma_start3A_65 = arith.constant 0 : i32
      %dma_start3A_66 = tpu.memref_slice %arg2[%mul3A_50, %dma_start3A_65] : memref<11264x128xi32, #tpu.memory_space<hbm>> -> memref<352x128xi32, #tpu.memory_space<hbm>>
      tpu.enqueue_dma source(%dma_start3A_66 : memref<352x128xi32, #tpu.memory_space<hbm>>) target(%arg5 : memref<352x128xi32, #tpu.memory_space<vmem>>) target_semaphore(%run_scoped3A : memref<!tpu.dma_semaphore, #tpu.memory_space<semaphore_mem>>)
      %dma_wait3A = arith.constant 0 : i32
      %dma_wait3A_67 = tpu.memref_slice %arg2[%mul3A_50, %dma_wait3A] : memref<11264x128xi32, #tpu.memory_space<hbm>> -> memref<352x128xi32, #tpu.memory_space<hbm>>
      %dma_wait3A_68 = arith.constant 0 : i32
      %dma_wait3A_69 = tpu.memref_slice %arg2[%mul3A_50, %dma_wait3A_68] : memref<11264x128xi32, #tpu.memory_space<hbm>> -> memref<352x128xi32, #tpu.memory_space<hbm>>
      tpu.wait_dma2 semaphore(%run_scoped3A : memref<!tpu.dma_semaphore, #tpu.memory_space<semaphore_mem>>) src(%dma_wait3A_69 : memref<352x128xi32, #tpu.memory_space<hbm>>) dst(%arg5 : memref<352x128xi32, #tpu.memory_space<vmem>>)
      tpu.yield
    }) : () -> ()
    %barrier3A = arith.constant 0 : index
    tpu.barrier barrier_id(%barrier3A)
    %scan3A = arith.constant 0 : i32
    %scan3A_51 = arith.constant 0 : i32
    %scan3A_52 = arith.constant 352 : i32
    %scan3A_53 = arith.addi %scan3A_51, %scan3A_52 : i32
    %scan3A_54 = arith.constant 1 : i32
    scf.for %scan3A_64 = %scan3A_51 to %scan3A_53 step %scan3A_54  : i32 {
      "tpu.region"() ({
        %run_scoped3A = tpu.sem_alloc : memref<!tpu.dma_semaphore, #tpu.memory_space<semaphore_mem>>
        %dma_start3A = arith.constant 0 : i32
        %dma_start3A_65 = tpu.memref_slice %arg5[%scan3A_64, %dma_start3A] : memref<352x128xi32, #tpu.memory_space<vmem>> -> memref<1x128xi32, #tpu.memory_space<vmem>>
        %dma_start3A_66 = tpu.memref_squeeze %dma_start3A_65 : memref<1x128xi32, #tpu.memory_space<vmem>> -> memref<128xi32, #tpu.memory_space<vmem>>
        %dma_start3A_67 = arith.constant 0 : i32
        %dma_start3A_68 = tpu.memref_slice %arg7[%dma_start3A_67] : memref<69632xf32, #tpu.memory_space<vmem_shared>> -> memref<69632xf32, #tpu.memory_space<vmem_shared>>
        tpu.enqueue_indirect_dma source(%arg6 : memref<128xf32, #tpu.memory_space<vmem>>) target(%dma_start3A_68 : memref<69632xf32, #tpu.memory_space<vmem_shared>>) offsets(%dma_start3A_66 : memref<128xi32, #tpu.memory_space<vmem>>) semaphore(%run_scoped3A : memref<!tpu.dma_semaphore, #tpu.memory_space<semaphore_mem>>) {add = true}
        %dma_wait3A = arith.constant 0 : i32
        %dma_wait3A_69 = tpu.memref_slice %arg5[%scan3A_64, %dma_wait3A] : memref<352x128xi32, #tpu.memory_space<vmem>> -> memref<1x128xi32, #tpu.memory_space<vmem>>
        %dma_wait3A_70 = tpu.memref_squeeze %dma_wait3A_69 : memref<1x128xi32, #tpu.memory_space<vmem>> -> memref<128xi32, #tpu.memory_space<vmem>>
        %dma_wait3A_71 = arith.constant 0 : i32
        %dma_wait3A_72 = tpu.memref_slice %arg7[%dma_wait3A_71] : memref<69632xf32, #tpu.memory_space<vmem_shared>> -> memref<69632xf32, #tpu.memory_space<vmem_shared>>
        tpu.wait_indirect_dma semaphore(%run_scoped3A : memref<!tpu.dma_semaphore, #tpu.memory_space<semaphore_mem>>) src(%arg6 : memref<128xf32, #tpu.memory_space<vmem>>) dst(%dma_wait3A_72 : memref<69632xf32, #tpu.memory_space<vmem_shared>>)
        tpu.yield
      }) : () -> ()
    }
    %scan3A_55 = arith.constant 352 : i32
    %barrier3A_56 = arith.constant 0 : index
    tpu.barrier barrier_id(%barrier3A_56)
    %mul3A_57 = arith.constant 4352 : i32
    %mul3A_58 = arith.muli %arg1, %mul3A_57 : i32
    %mul3A_59 = arith.constant 69632 : i32
    %mul3A_60 = arith.muli %arg0, %mul3A_59 : i32
    %mul3A_61 = arith.constant 4352 : i32
    %mul3A_62 = arith.muli %arg1, %mul3A_61 : i32
    %add3A_63 = arith.addi %mul3A_60, %mul3A_62 : i32
    "tpu.region"() ({
      %run_scoped3A = tpu.sem_alloc : memref<!tpu.dma_semaphore, #tpu.memory_space<semaphore_mem>>
      %dma_start3A = tpu.memref_slice %arg4[%add3A_63] : memref<139264xf32, #tpu.memory_space<hbm>> -> memref<4352xf32, #tpu.memory_space<hbm>>
      %dma_start3A_64 = tpu.memref_slice %arg7[%mul3A_58] : memref<69632xf32, #tpu.memory_space<vmem_shared>> -> memref<4352xf32, #tpu.memory_space<vmem_shared>>
      tpu.enqueue_dma source(%dma_start3A_64 : memref<4352xf32, #tpu.memory_space<vmem_shared>>) target(%dma_start3A : memref<4352xf32, #tpu.memory_space<hbm>>) target_semaphore(%run_scoped3A : memref<!tpu.dma_semaphore, #tpu.memory_space<semaphore_mem>>)
      %dma_wait3A = tpu.memref_slice %arg4[%add3A_63] : memref<139264xf32, #tpu.memory_space<hbm>> -> memref<4352xf32, #tpu.memory_space<hbm>>
      %dma_wait3A_65 = tpu.memref_slice %arg7[%mul3A_58] : memref<69632xf32, #tpu.memory_space<vmem_shared>> -> memref<4352xf32, #tpu.memory_space<vmem_shared>>
      tpu.wait_dma2 semaphore(%run_scoped3A : memref<!tpu.dma_semaphore, #tpu.memory_space<semaphore_mem>>) src(%dma_wait3A_65 : memref<4352xf32, #tpu.memory_space<vmem_shared>>) dst(%dma_wait3A : memref<4352xf32, #tpu.memory_space<hbm>>)
      tpu.yield
    }) : () -> ()
    return
  }
}

#map = affine_map<(d0, d1) -> (0, 0)>
module attributes {stable_mosaic.version = 14 : i64} {
  func.func @_conv_body(%arg0: i32, %arg1: i32, %arg2: memref<20480x128xf32, #tpu.memory_space<hbm>>, %arg3: memref<5136x128xi32, #tpu.memory_space<hbm>>, %arg4: memref<5136x128xi32, #tpu.memory_space<hbm>>, %arg5: memref<20480x128xf32, #tpu.memory_space<hbm>>, %arg6: memref<8x128xi32, #tpu.memory_space<vmem>>, %arg7: memref<8x128xi32, #tpu.memory_space<vmem>>, %arg8: memref<8x128xi32, #tpu.memory_space<vmem>>, %arg9: memref<8x128xi32, #tpu.memory_space<vmem>>, %arg10: memref<128x128xf32, #tpu.memory_space<vmem>>, %arg11: memref<128x128xf32, #tpu.memory_space<vmem>>, %arg12: memref<128xi32, #tpu.memory_space<vmem>>, %arg13: memref<!tpu.dma_semaphore, #tpu.memory_space<semaphore_mem>>, %arg14: memref<!tpu.dma_semaphore, #tpu.memory_space<semaphore_mem>>, %arg15: memref<!tpu.dma_semaphore, #tpu.memory_space<semaphore_mem>>, %arg16: memref<!tpu.dma_semaphore, #tpu.memory_space<semaphore_mem>>, %arg17: memref<!tpu.dma_semaphore, #tpu.memory_space<semaphore_mem>>, %arg18: memref<!tpu.dma_semaphore, #tpu.memory_space<semaphore_mem>>, %arg19: memref<10240x128xf32, #tpu.memory_space<vmem_shared>>) attributes {dimension_semantics = [#tpu.dimension_semantics<core_parallel>, #tpu.dimension_semantics<subcore_parallel>], iteration_bounds = array<i64: 2, 16>, scalar_prefetch = 0 : i64, scratch_operands = 14 : i64, tpu.core_type = #tpu.core_type<sc_vector_subcore>, window_params = [{transform_indices = #map}, {transform_indices = #map}, {transform_indices = #map}, {transform_indices = #map}]} {
    %mul3A = arith.constant 16 : i32
    %mul3A_0 = arith.muli %arg0, %mul3A : i32
    %add3A = arith.addi %mul3A_0, %arg1 : i32
    %mul3A_1 = arith.constant 160 : i32
    %mul3A_2 = arith.muli %add3A, %mul3A_1 : i32
    "tpu.region"() ({
      %run_scoped3A = tpu.sem_alloc : memref<!tpu.dma_semaphore, #tpu.memory_space<semaphore_mem>>
      %dma_start3A_112 = arith.constant 0 : i32
      %dma_start3A_113 = tpu.memref_slice %arg3[%mul3A_2, %dma_start3A_112] : memref<5136x128xi32, #tpu.memory_space<hbm>> -> memref<8x128xi32, #tpu.memory_space<hbm>>
      %dma_start3A_114 = arith.constant 0 : i32
      %dma_start3A_115 = tpu.memref_slice %arg3[%mul3A_2, %dma_start3A_114] : memref<5136x128xi32, #tpu.memory_space<hbm>> -> memref<8x128xi32, #tpu.memory_space<hbm>>
      tpu.enqueue_dma source(%dma_start3A_115 : memref<8x128xi32, #tpu.memory_space<hbm>>) target(%arg6 : memref<8x128xi32, #tpu.memory_space<vmem>>) target_semaphore(%run_scoped3A : memref<!tpu.dma_semaphore, #tpu.memory_space<semaphore_mem>>)
      %dma_wait3A_116 = arith.constant 0 : i32
      %dma_wait3A_117 = tpu.memref_slice %arg3[%mul3A_2, %dma_wait3A_116] : memref<5136x128xi32, #tpu.memory_space<hbm>> -> memref<8x128xi32, #tpu.memory_space<hbm>>
      %dma_wait3A_118 = arith.constant 0 : i32
      %dma_wait3A_119 = tpu.memref_slice %arg3[%mul3A_2, %dma_wait3A_118] : memref<5136x128xi32, #tpu.memory_space<hbm>> -> memref<8x128xi32, #tpu.memory_space<hbm>>
      tpu.wait_dma2 semaphore(%run_scoped3A : memref<!tpu.dma_semaphore, #tpu.memory_space<semaphore_mem>>) src(%dma_wait3A_119 : memref<8x128xi32, #tpu.memory_space<hbm>>) dst(%arg6 : memref<8x128xi32, #tpu.memory_space<vmem>>)
      tpu.yield
    }) : () -> ()
    "tpu.region"() ({
      %run_scoped3A = tpu.sem_alloc : memref<!tpu.dma_semaphore, #tpu.memory_space<semaphore_mem>>
      %dma_start3A_112 = arith.constant 0 : i32
      %dma_start3A_113 = tpu.memref_slice %arg4[%mul3A_2, %dma_start3A_112] : memref<5136x128xi32, #tpu.memory_space<hbm>> -> memref<8x128xi32, #tpu.memory_space<hbm>>
      %dma_start3A_114 = arith.constant 0 : i32
      %dma_start3A_115 = tpu.memref_slice %arg4[%mul3A_2, %dma_start3A_114] : memref<5136x128xi32, #tpu.memory_space<hbm>> -> memref<8x128xi32, #tpu.memory_space<hbm>>
      tpu.enqueue_dma source(%dma_start3A_115 : memref<8x128xi32, #tpu.memory_space<hbm>>) target(%arg7 : memref<8x128xi32, #tpu.memory_space<vmem>>) target_semaphore(%run_scoped3A : memref<!tpu.dma_semaphore, #tpu.memory_space<semaphore_mem>>)
      %dma_wait3A_116 = arith.constant 0 : i32
      %dma_wait3A_117 = tpu.memref_slice %arg4[%mul3A_2, %dma_wait3A_116] : memref<5136x128xi32, #tpu.memory_space<hbm>> -> memref<8x128xi32, #tpu.memory_space<hbm>>
      %dma_wait3A_118 = arith.constant 0 : i32
      %dma_wait3A_119 = tpu.memref_slice %arg4[%mul3A_2, %dma_wait3A_118] : memref<5136x128xi32, #tpu.memory_space<hbm>> -> memref<8x128xi32, #tpu.memory_space<hbm>>
      tpu.wait_dma2 semaphore(%run_scoped3A : memref<!tpu.dma_semaphore, #tpu.memory_space<semaphore_mem>>) src(%dma_wait3A_119 : memref<8x128xi32, #tpu.memory_space<hbm>>) dst(%arg7 : memref<8x128xi32, #tpu.memory_space<vmem>>)
      tpu.yield
    }) : () -> ()
    %add3A_3 = arith.constant 8 : i32
    %add3A_4 = arith.addi %mul3A_2, %add3A_3 : i32
    %dma_start3A = arith.constant 0 : i32
    %dma_start3A_5 = tpu.memref_slice %arg3[%add3A_4, %dma_start3A] : memref<5136x128xi32, #tpu.memory_space<hbm>> -> memref<8x128xi32, #tpu.memory_space<hbm>>
    %dma_start3A_6 = arith.constant 0 : i32
    %dma_start3A_7 = tpu.memref_slice %arg3[%add3A_4, %dma_start3A_6] : memref<5136x128xi32, #tpu.memory_space<hbm>> -> memref<8x128xi32, #tpu.memory_space<hbm>>
    tpu.enqueue_dma source(%dma_start3A_7 : memref<8x128xi32, #tpu.memory_space<hbm>>) target(%arg8 : memref<8x128xi32, #tpu.memory_space<vmem>>) target_semaphore(%arg16 : memref<!tpu.dma_semaphore, #tpu.memory_space<semaphore_mem>>)
    %add3A_8 = arith.constant 8 : i32
    %add3A_9 = arith.addi %mul3A_2, %add3A_8 : i32
    %dma_start3A_10 = arith.constant 0 : i32
    %dma_start3A_11 = tpu.memref_slice %arg4[%add3A_9, %dma_start3A_10] : memref<5136x128xi32, #tpu.memory_space<hbm>> -> memref<8x128xi32, #tpu.memory_space<hbm>>
    %dma_start3A_12 = arith.constant 0 : i32
    %dma_start3A_13 = tpu.memref_slice %arg4[%add3A_9, %dma_start3A_12] : memref<5136x128xi32, #tpu.memory_space<hbm>> -> memref<8x128xi32, #tpu.memory_space<hbm>>
    tpu.enqueue_dma source(%dma_start3A_13 : memref<8x128xi32, #tpu.memory_space<hbm>>) target(%arg9 : memref<8x128xi32, #tpu.memory_space<vmem>>) target_semaphore(%arg16 : memref<!tpu.dma_semaphore, #tpu.memory_space<semaphore_mem>>)
    %broadcast_in_dim3A = arith.constant 10000 : i32
    %broadcast_in_dim3A_14 = vector.broadcast %broadcast_in_dim3A : i32 to vector<16xi32>
    %swap3A = arith.constant 0 : index
    %swap3A_15 = tpu.vector_load %arg12[%swap3A] {strides = array<i32>} : memref<128xi32, #tpu.memory_space<vmem>>, vector<16xi32>,
    %swap3A_16 = vector.shape_cast %swap3A_15 : vector<16xi32> to vector<16xi32>
    %swap3A_17 = vector.shape_cast %broadcast_in_dim3A_14 : vector<16xi32> to vector<16xi32>
    tpu.vector_store %arg12[%swap3A], %swap3A_17 {strides = array<i32>} : memref<128xi32, #tpu.memory_space<vmem>>, vector<16xi32>,
    %broadcast_in_dim3A_18 = arith.constant 10000 : i32
    %broadcast_in_dim3A_19 = vector.broadcast %broadcast_in_dim3A_18 : i32 to vector<16xi32>
    %swap3A_20 = arith.constant 16 : index
    %swap3A_21 = tpu.vector_load %arg12[%swap3A_20] {strides = array<i32>} : memref<128xi32, #tpu.memory_space<vmem>>, vector<16xi32>,
    %swap3A_22 = vector.shape_cast %swap3A_21 : vector<16xi32> to vector<16xi32>
    %swap3A_23 = vector.shape_cast %broadcast_in_dim3A_19 : vector<16xi32> to vector<16xi32>
    tpu.vector_store %arg12[%swap3A_20], %swap3A_23 {strides = array<i32>} : memref<128xi32, #tpu.memory_space<vmem>>, vector<16xi32>,
    %broadcast_in_dim3A_24 = arith.constant 10000 : i32
    %broadcast_in_dim3A_25 = vector.broadcast %broadcast_in_dim3A_24 : i32 to vector<16xi32>
    %swap3A_26 = arith.constant 32 : index
    %swap3A_27 = tpu.vector_load %arg12[%swap3A_26] {strides = array<i32>} : memref<128xi32, #tpu.memory_space<vmem>>, vector<16xi32>,
    %swap3A_28 = vector.shape_cast %swap3A_27 : vector<16xi32> to vector<16xi32>
    %swap3A_29 = vector.shape_cast %broadcast_in_dim3A_25 : vector<16xi32> to vector<16xi32>
    tpu.vector_store %arg12[%swap3A_26], %swap3A_29 {strides = array<i32>} : memref<128xi32, #tpu.memory_space<vmem>>, vector<16xi32>,
    %broadcast_in_dim3A_30 = arith.constant 10000 : i32
    %broadcast_in_dim3A_31 = vector.broadcast %broadcast_in_dim3A_30 : i32 to vector<16xi32>
    %swap3A_32 = arith.constant 48 : index
    %swap3A_33 = tpu.vector_load %arg12[%swap3A_32] {strides = array<i32>} : memref<128xi32, #tpu.memory_space<vmem>>, vector<16xi32>,
    %swap3A_34 = vector.shape_cast %swap3A_33 : vector<16xi32> to vector<16xi32>
    %swap3A_35 = vector.shape_cast %broadcast_in_dim3A_31 : vector<16xi32> to vector<16xi32>
    tpu.vector_store %arg12[%swap3A_32], %swap3A_35 {strides = array<i32>} : memref<128xi32, #tpu.memory_space<vmem>>, vector<16xi32>,
    %broadcast_in_dim3A_36 = arith.constant 10000 : i32
    %broadcast_in_dim3A_37 = vector.broadcast %broadcast_in_dim3A_36 : i32 to vector<16xi32>
    %swap3A_38 = arith.constant 64 : index
    %swap3A_39 = tpu.vector_load %arg12[%swap3A_38] {strides = array<i32>} : memref<128xi32, #tpu.memory_space<vmem>>, vector<16xi32>,
    %swap3A_40 = vector.shape_cast %swap3A_39 : vector<16xi32> to vector<16xi32>
    %swap3A_41 = vector.shape_cast %broadcast_in_dim3A_37 : vector<16xi32> to vector<16xi32>
    tpu.vector_store %arg12[%swap3A_38], %swap3A_41 {strides = array<i32>} : memref<128xi32, #tpu.memory_space<vmem>>, vector<16xi32>,
    %broadcast_in_dim3A_42 = arith.constant 10000 : i32
    %broadcast_in_dim3A_43 = vector.broadcast %broadcast_in_dim3A_42 : i32 to vector<16xi32>
    %swap3A_44 = arith.constant 80 : index
    %swap3A_45 = tpu.vector_load %arg12[%swap3A_44] {strides = array<i32>} : memref<128xi32, #tpu.memory_space<vmem>>, vector<16xi32>,
    %swap3A_46 = vector.shape_cast %swap3A_45 : vector<16xi32> to vector<16xi32>
    %swap3A_47 = vector.shape_cast %broadcast_in_dim3A_43 : vector<16xi32> to vector<16xi32>
    tpu.vector_store %arg12[%swap3A_44], %swap3A_47 {strides = array<i32>} : memref<128xi32, #tpu.memory_space<vmem>>, vector<16xi32>,
    %broadcast_in_dim3A_48 = arith.constant 10000 : i32
    %broadcast_in_dim3A_49 = vector.broadcast %broadcast_in_dim3A_48 : i32 to vector<16xi32>
    %swap3A_50 = arith.constant 96 : index
    %swap3A_51 = tpu.vector_load %arg12[%swap3A_50] {strides = array<i32>} : memref<128xi32, #tpu.memory_space<vmem>>, vector<16xi32>,
    %swap3A_52 = vector.shape_cast %swap3A_51 : vector<16xi32> to vector<16xi32>
    %swap3A_53 = vector.shape_cast %broadcast_in_dim3A_49 : vector<16xi32> to vector<16xi32>
    tpu.vector_store %arg12[%swap3A_50], %swap3A_53 {strides = array<i32>} : memref<128xi32, #tpu.memory_space<vmem>>, vector<16xi32>,
    %broadcast_in_dim3A_54 = arith.constant 10000 : i32
    %broadcast_in_dim3A_55 = vector.broadcast %broadcast_in_dim3A_54 : i32 to vector<16xi32>
    %swap3A_56 = arith.constant 112 : index
    %swap3A_57 = tpu.vector_load %arg12[%swap3A_56] {strides = array<i32>} : memref<128xi32, #tpu.memory_space<vmem>>, vector<16xi32>,
    %swap3A_58 = vector.shape_cast %swap3A_57 : vector<16xi32> to vector<16xi32>
    %swap3A_59 = vector.shape_cast %broadcast_in_dim3A_55 : vector<16xi32> to vector<16xi32>
    tpu.vector_store %arg12[%swap3A_56], %swap3A_59 {strides = array<i32>} : memref<128xi32, #tpu.memory_space<vmem>>, vector<16xi32>,
    %mul3A_60 = arith.constant 10240 : i32
    %mul3A_61 = arith.muli %arg0, %mul3A_60 : i32
    %mul3A_62 = arith.constant 640 : i32
    %mul3A_63 = arith.muli %arg1, %mul3A_62 : i32
    %add3A_64 = arith.addi %mul3A_61, %mul3A_63 : i32
    %mul3A_65 = arith.constant 640 : i32
    %mul3A_66 = arith.muli %arg1, %mul3A_65 : i32
    "tpu.region"() ({
      %run_scoped3A = tpu.sem_alloc : memref<!tpu.dma_semaphore, #tpu.memory_space<semaphore_mem>>
      %dma_start3A_112 = arith.constant 0 : i32
      %dma_start3A_113 = tpu.memref_slice %arg19[%mul3A_66, %dma_start3A_112] : memref<10240x128xf32, #tpu.memory_space<vmem_shared>> -> memref<640x128xf32, #tpu.memory_space<vmem_shared>>
      %dma_start3A_114 = arith.constant 0 : i32
      %dma_start3A_115 = tpu.memref_slice %arg2[%add3A_64, %dma_start3A_114] : memref<20480x128xf32, #tpu.memory_space<hbm>> -> memref<640x128xf32, #tpu.memory_space<hbm>>
      tpu.enqueue_dma source(%dma_start3A_115 : memref<640x128xf32, #tpu.memory_space<hbm>>) target(%dma_start3A_113 : memref<640x128xf32, #tpu.memory_space<vmem_shared>>) target_semaphore(%run_scoped3A : memref<!tpu.dma_semaphore, #tpu.memory_space<semaphore_mem>>)
      %dma_wait3A_116 = arith.constant 0 : i32
      %dma_wait3A_117 = tpu.memref_slice %arg19[%mul3A_66, %dma_wait3A_116] : memref<10240x128xf32, #tpu.memory_space<vmem_shared>> -> memref<640x128xf32, #tpu.memory_space<vmem_shared>>
      %dma_wait3A_118 = arith.constant 0 : i32
      %dma_wait3A_119 = tpu.memref_slice %arg2[%add3A_64, %dma_wait3A_118] : memref<20480x128xf32, #tpu.memory_space<hbm>> -> memref<640x128xf32, #tpu.memory_space<hbm>>
      tpu.wait_dma2 semaphore(%run_scoped3A : memref<!tpu.dma_semaphore, #tpu.memory_space<semaphore_mem>>) src(%dma_wait3A_119 : memref<640x128xf32, #tpu.memory_space<hbm>>) dst(%dma_wait3A_117 : memref<640x128xf32, #tpu.memory_space<vmem_shared>>)
      tpu.yield
    }) : () -> ()
    %barrier3A = arith.constant 0 : index
    tpu.barrier barrier_id(%barrier3A)
    %mul3A_67 = arith.constant 10240 : i32
    %mul3A_68 = arith.muli %arg0, %mul3A_67 : i32
    %dma_start3A_69 = arith.constant 0 : i32
    %dma_start3A_70 = tpu.memref_slice %arg2[%mul3A_68, %dma_start3A_69] : memref<20480x128xf32, #tpu.memory_space<hbm>> -> memref<128x128xf32, #tpu.memory_space<hbm>>
    %dma_start3A_71 = arith.constant 0 : i32
    %dma_start3A_72 = tpu.memref_slice %arg2[%mul3A_68, %dma_start3A_71] : memref<20480x128xf32, #tpu.memory_space<hbm>> -> memref<128x128xf32, #tpu.memory_space<hbm>>
    tpu.enqueue_dma source(%dma_start3A_72 : memref<128x128xf32, #tpu.memory_space<hbm>>) target(%arg10 : memref<128x128xf32, #tpu.memory_space<vmem>>) target_semaphore(%arg13 : memref<!tpu.dma_semaphore, #tpu.memory_space<semaphore_mem>>)
    %dma_start3A_73 = arith.constant 0 : i32
    %dma_start3A_74 = arith.constant 0 : i32
    %dma_start3A_75 = tpu.memref_slice %arg19[%dma_start3A_73, %dma_start3A_74] : memref<10240x128xf32, #tpu.memory_space<vmem_shared>> -> memref<10240x128xf32, #tpu.memory_space<vmem_shared>>
    tpu.enqueue_indirect_dma source(%arg11 : memref<128x128xf32, #tpu.memory_space<vmem>>) target(%dma_start3A_75 : memref<10240x128xf32, #tpu.memory_space<vmem_shared>>) offsets(%arg12 : memref<128xi32, #tpu.memory_space<vmem>>) semaphore(%arg18 : memref<!tpu.dma_semaphore, #tpu.memory_space<semaphore_mem>>) {add = true}
    %scan3A = arith.constant 0 : i32
    %scan3A_76 = arith.constant 0 : i32
    %scan3A_77 = arith.constant 10 : i32
    %scan3A_78 = arith.addi %scan3A_76, %scan3A_77 : i32
    %scan3A_79 = arith.constant 1 : i32
    scf.for %scan3A_112 = %scan3A_76 to %scan3A_78 step %scan3A_79  : i32 {
      %mul3A_113 = arith.constant 2 : i32
      %mul3A_114 = arith.muli %mul3A_113, %scan3A_112 : i32
      %add3A_115 = arith.constant 0 : i32
      %add3A_116 = arith.addi %mul3A_114, %add3A_115 : i32
      %dma_wait3A_117 = arith.constant 0 : i32
      %dma_wait3A_118 = arith.constant 0 : i32
      %dma_wait3A_119 = tpu.memref_slice %arg6[%dma_wait3A_117, %dma_wait3A_118] : memref<8x128xi32, #tpu.memory_space<vmem>> -> memref<1x128xi32, #tpu.memory_space<vmem>>
      %dma_wait3A_120 = tpu.memref_squeeze %dma_wait3A_119 : memref<1x128xi32, #tpu.memory_space<vmem>> -> memref<128xi32, #tpu.memory_space<vmem>>
      %dma_wait3A_121 = arith.constant 0 : i32
      %dma_wait3A_122 = arith.constant 0 : i32
      %dma_wait3A_123 = tpu.memref_slice %arg2[%dma_wait3A_121, %dma_wait3A_122] : memref<20480x128xf32, #tpu.memory_space<hbm>> -> memref<20480x128xf32, #tpu.memory_space<hbm>>
      tpu.wait_indirect_dma semaphore(%arg13 : memref<!tpu.dma_semaphore, #tpu.memory_space<semaphore_mem>>) src(%dma_wait3A_123 : memref<20480x128xf32, #tpu.memory_space<hbm>>) dst(%arg10 : memref<128x128xf32, #tpu.memory_space<vmem>>)
      %mul3A_124 = arith.constant 640 : i32
      %mul3A_125 = arith.muli %arg1, %mul3A_124 : i32
      %dma_start3A_126 = arith.constant 0 : i32
      %dma_start3A_127 = tpu.memref_slice %arg19[%mul3A_125, %dma_start3A_126] : memref<10240x128xf32, #tpu.memory_space<vmem_shared>> -> memref<128x128xf32, #tpu.memory_space<vmem_shared>>
      %dma_start3A_128 = arith.constant 0 : i32
      %dma_start3A_129 = tpu.memref_slice %arg19[%mul3A_125, %dma_start3A_128] : memref<10240x128xf32, #tpu.memory_space<vmem_shared>> -> memref<128x128xf32, #tpu.memory_space<vmem_shared>>
      tpu.enqueue_dma source(%arg10 : memref<128x128xf32, #tpu.memory_space<vmem>>) target(%dma_start3A_129 : memref<128x128xf32, #tpu.memory_space<vmem_shared>>) target_semaphore(%arg17 : memref<!tpu.dma_semaphore, #tpu.memory_space<semaphore_mem>>)
      %mul3A_130 = arith.constant 640 : i32
      %mul3A_131 = arith.muli %arg1, %mul3A_130 : i32
      %dma_wait3A_132 = arith.constant 0 : i32
      %dma_wait3A_133 = tpu.memref_slice %arg19[%mul3A_131, %dma_wait3A_132] : memref<10240x128xf32, #tpu.memory_space<vmem_shared>> -> memref<128x128xf32, #tpu.memory_space<vmem_shared>>
      %dma_wait3A_134 = arith.constant 0 : i32
      %dma_wait3A_135 = tpu.memref_slice %arg19[%mul3A_131, %dma_wait3A_134] : memref<10240x128xf32, #tpu.memory_space<vmem_shared>> -> memref<128x128xf32, #tpu.memory_space<vmem_shared>>
      tpu.wait_dma2 semaphore(%arg18 : memref<!tpu.dma_semaphore, #tpu.memory_space<semaphore_mem>>) src(%arg11 : memref<128x128xf32, #tpu.memory_space<vmem>>) dst(%dma_wait3A_135 : memref<128x128xf32, #tpu.memory_space<vmem_shared>>)
      %mul3A_136 = arith.constant 10240 : i32
      %mul3A_137 = arith.muli %arg0, %mul3A_136 : i32
      %dma_start3A_138 = arith.constant 0 : i32
      %dma_start3A_139 = tpu.memref_slice %arg2[%mul3A_137, %dma_start3A_138] : memref<20480x128xf32, #tpu.memory_space<hbm>> -> memref<128x128xf32, #tpu.memory_space<hbm>>
      %dma_start3A_140 = arith.constant 0 : i32
      %dma_start3A_141 = tpu.memref_slice %arg2[%mul3A_137, %dma_start3A_140] : memref<20480x128xf32, #tpu.memory_space<hbm>> -> memref<128x128xf32, #tpu.memory_space<hbm>>
      tpu.enqueue_dma source(%dma_start3A_141 : memref<128x128xf32, #tpu.memory_space<hbm>>) target(%arg11 : memref<128x128xf32, #tpu.memory_space<vmem>>) target_semaphore(%arg14 : memref<!tpu.dma_semaphore, #tpu.memory_space<semaphore_mem>>)
      %dma_wait3A_142 = arith.constant 1 : i32
      %dma_wait3A_143 = arith.constant 0 : i32
      %dma_wait3A_144 = tpu.memref_slice %arg6[%dma_wait3A_142, %dma_wait3A_143] : memref<8x128xi32, #tpu.memory_space<vmem>> -> memref<1x128xi32, #tpu.memory_space<vmem>>
      %dma_wait3A_145 = tpu.memref_squeeze %dma_wait3A_144 : memref<1x128xi32, #tpu.memory_space<vmem>> -> memref<128xi32, #tpu.memory_space<vmem>>
      %dma_wait3A_146 = arith.constant 0 : i32
      %dma_wait3A_147 = arith.constant 0 : i32
      %dma_wait3A_148 = tpu.memref_slice %arg2[%dma_wait3A_146, %dma_wait3A_147] : memref<20480x128xf32, #tpu.memory_space<hbm>> -> memref<20480x128xf32, #tpu.memory_space<hbm>>
      tpu.wait_indirect_dma semaphore(%arg14 : memref<!tpu.dma_semaphore, #tpu.memory_space<semaphore_mem>>) src(%dma_wait3A_148 : memref<20480x128xf32, #tpu.memory_space<hbm>>) dst(%arg11 : memref<128x128xf32, #tpu.memory_space<vmem>>)
      %mul3A_149 = arith.constant 640 : i32
      %mul3A_150 = arith.muli %arg1, %mul3A_149 : i32
      %dma_start3A_151 = arith.constant 0 : i32
      %dma_start3A_152 = tpu.memref_slice %arg19[%mul3A_150, %dma_start3A_151] : memref<10240x128xf32, #tpu.memory_space<vmem_shared>> -> memref<128x128xf32, #tpu.memory_space<vmem_shared>>
      %dma_start3A_153 = arith.constant 0 : i32
      %dma_start3A_154 = tpu.memref_slice %arg19[%mul3A_150, %dma_start3A_153] : memref<10240x128xf32, #tpu.memory_space<vmem_shared>> -> memref<128x128xf32, #tpu.memory_space<vmem_shared>>
      tpu.enqueue_dma source(%arg11 : memref<128x128xf32, #tpu.memory_space<vmem>>) target(%dma_start3A_154 : memref<128x128xf32, #tpu.memory_space<vmem_shared>>) target_semaphore(%arg18 : memref<!tpu.dma_semaphore, #tpu.memory_space<semaphore_mem>>)
      %mul3A_155 = arith.constant 640 : i32
      %mul3A_156 = arith.muli %arg1, %mul3A_155 : i32
      %dma_wait3A_157 = arith.constant 0 : i32
      %dma_wait3A_158 = tpu.memref_slice %arg19[%mul3A_156, %dma_wait3A_157] : memref<10240x128xf32, #tpu.memory_space<vmem_shared>> -> memref<128x128xf32, #tpu.memory_space<vmem_shared>>
      %dma_wait3A_159 = arith.constant 0 : i32
      %dma_wait3A_160 = tpu.memref_slice %arg19[%mul3A_156, %dma_wait3A_159] : memref<10240x128xf32, #tpu.memory_space<vmem_shared>> -> memref<128x128xf32, #tpu.memory_space<vmem_shared>>
      tpu.wait_dma2 semaphore(%arg17 : memref<!tpu.dma_semaphore, #tpu.memory_space<semaphore_mem>>) src(%arg10 : memref<128x128xf32, #tpu.memory_space<vmem>>) dst(%dma_wait3A_160 : memref<128x128xf32, #tpu.memory_space<vmem_shared>>)
      %mul3A_161 = arith.constant 10240 : i32
      %mul3A_162 = arith.muli %arg0, %mul3A_161 : i32
      %dma_start3A_163 = arith.constant 0 : i32
      %dma_start3A_164 = tpu.memref_slice %arg2[%mul3A_162, %dma_start3A_163] : memref<20480x128xf32, #tpu.memory_space<hbm>> -> memref<128x128xf32, #tpu.memory_space<hbm>>
      %dma_start3A_165 = arith.constant 0 : i32
      %dma_start3A_166 = tpu.memref_slice %arg2[%mul3A_162, %dma_start3A_165] : memref<20480x128xf32, #tpu.memory_space<hbm>> -> memref<128x128xf32, #tpu.memory_space<hbm>>
      tpu.enqueue_dma source(%dma_start3A_166 : memref<128x128xf32, #tpu.memory_space<hbm>>) target(%arg10 : memref<128x128xf32, #tpu.memory_space<vmem>>) target_semaphore(%arg13 : memref<!tpu.dma_semaphore, #tpu.memory_space<semaphore_mem>>)
      %dma_wait3A_167 = arith.constant 2 : i32
      %dma_wait3A_168 = arith.constant 0 : i32
      %dma_wait3A_169 = tpu.memref_slice %arg6[%dma_wait3A_167, %dma_wait3A_168] : memref<8x128xi32, #tpu.memory_space<vmem>> -> memref<1x128xi32, #tpu.memory_space<vmem>>
      %dma_wait3A_170 = tpu.memref_squeeze %dma_wait3A_169 : memref<1x128xi32, #tpu.memory_space<vmem>> -> memref<128xi32, #tpu.memory_space<vmem>>
      %dma_wait3A_171 = arith.constant 0 : i32
      %dma_wait3A_172 = arith.constant 0 : i32
      %dma_wait3A_173 = tpu.memref_slice %arg2[%dma_wait3A_171, %dma_wait3A_172] : memref<20480x128xf32, #tpu.memory_space<hbm>> -> memref<20480x128xf32, #tpu.memory_space<hbm>>
      tpu.wait_indirect_dma semaphore(%arg13 : memref<!tpu.dma_semaphore, #tpu.memory_space<semaphore_mem>>) src(%dma_wait3A_173 : memref<20480x128xf32, #tpu.memory_space<hbm>>) dst(%arg10 : memref<128x128xf32, #tpu.memory_space<vmem>>)
      %mul3A_174 = arith.constant 640 : i32
      %mul3A_175 = arith.muli %arg1, %mul3A_174 : i32
      %dma_start3A_176 = arith.constant 0 : i32
      %dma_start3A_177 = tpu.memref_slice %arg19[%mul3A_175, %dma_start3A_176] : memref<10240x128xf32, #tpu.memory_space<vmem_shared>> -> memref<128x128xf32, #tpu.memory_space<vmem_shared>>
      %dma_start3A_178 = arith.constant 0 : i32
      %dma_start3A_179 = tpu.memref_slice %arg19[%mul3A_175, %dma_start3A_178] : memref<10240x128xf32, #tpu.memory_space<vmem_shared>> -> memref<128x128xf32, #tpu.memory_space<vmem_shared>>
      tpu.enqueue_dma source(%arg10 : memref<128x128xf32, #tpu.memory_space<vmem>>) target(%dma_start3A_179 : memref<128x128xf32, #tpu.memory_space<vmem_shared>>) target_semaphore(%arg17 : memref<!tpu.dma_semaphore, #tpu.memory_space<semaphore_mem>>)
      %mul3A_180 = arith.constant 640 : i32
      %mul3A_181 = arith.muli %arg1, %mul3A_180 : i32
      %dma_wait3A_182 = arith.constant 0 : i32
      %dma_wait3A_183 = tpu.memref_slice %arg19[%mul3A_181, %dma_wait3A_182] : memref<10240x128xf32, #tpu.memory_space<vmem_shared>> -> memref<128x128xf32, #tpu.memory_space<vmem_shared>>
      %dma_wait3A_184 = arith.constant 0 : i32
      %dma_wait3A_185 = tpu.memref_slice %arg19[%mul3A_181, %dma_wait3A_184] : memref<10240x128xf32, #tpu.memory_space<vmem_shared>> -> memref<128x128xf32, #tpu.memory_space<vmem_shared>>
      tpu.wait_dma2 semaphore(%arg18 : memref<!tpu.dma_semaphore, #tpu.memory_space<semaphore_mem>>) src(%arg11 : memref<128x128xf32, #tpu.memory_space<vmem>>) dst(%dma_wait3A_185 : memref<128x128xf32, #tpu.memory_space<vmem_shared>>)
      %mul3A_186 = arith.constant 10240 : i32
      %mul3A_187 = arith.muli %arg0, %mul3A_186 : i32
      %dma_start3A_188 = arith.constant 0 : i32
      %dma_start3A_189 = tpu.memref_slice %arg2[%mul3A_187, %dma_start3A_188] : memref<20480x128xf32, #tpu.memory_space<hbm>> -> memref<128x128xf32, #tpu.memory_space<hbm>>
      %dma_start3A_190 = arith.constant 0 : i32
      %dma_start3A_191 = tpu.memref_slice %arg2[%mul3A_187, %dma_start3A_190] : memref<20480x128xf32, #tpu.memory_space<hbm>> -> memref<128x128xf32, #tpu.memory_space<hbm>>
      tpu.enqueue_dma source(%dma_start3A_191 : memref<128x128xf32, #tpu.memory_space<hbm>>) target(%arg11 : memref<128x128xf32, #tpu.memory_space<vmem>>) target_semaphore(%arg14 : memref<!tpu.dma_semaphore, #tpu.memory_space<semaphore_mem>>)
      %dma_wait3A_192 = arith.constant 3 : i32
      %dma_wait3A_193 = arith.constant 0 : i32
      %dma_wait3A_194 = tpu.memref_slice %arg6[%dma_wait3A_192, %dma_wait3A_193] : memref<8x128xi32, #tpu.memory_space<vmem>> -> memref<1x128xi32, #tpu.memory_space<vmem>>
      %dma_wait3A_195 = tpu.memref_squeeze %dma_wait3A_194 : memref<1x128xi32, #tpu.memory_space<vmem>> -> memref<128xi32, #tpu.memory_space<vmem>>
      %dma_wait3A_196 = arith.constant 0 : i32
      %dma_wait3A_197 = arith.constant 0 : i32
      %dma_wait3A_198 = tpu.memref_slice %arg2[%dma_wait3A_196, %dma_wait3A_197] : memref<20480x128xf32, #tpu.memory_space<hbm>> -> memref<20480x128xf32, #tpu.memory_space<hbm>>
      tpu.wait_indirect_dma semaphore(%arg14 : memref<!tpu.dma_semaphore, #tpu.memory_space<semaphore_mem>>) src(%dma_wait3A_198 : memref<20480x128xf32, #tpu.memory_space<hbm>>) dst(%arg11 : memref<128x128xf32, #tpu.memory_space<vmem>>)
      %mul3A_199 = arith.constant 640 : i32
      %mul3A_200 = arith.muli %arg1, %mul3A_199 : i32
      %dma_start3A_201 = arith.constant 0 : i32
      %dma_start3A_202 = tpu.memref_slice %arg19[%mul3A_200, %dma_start3A_201] : memref<10240x128xf32, #tpu.memory_space<vmem_shared>> -> memref<128x128xf32, #tpu.memory_space<vmem_shared>>
      %dma_start3A_203 = arith.constant 0 : i32
      %dma_start3A_204 = tpu.memref_slice %arg19[%mul3A_200, %dma_start3A_203] : memref<10240x128xf32, #tpu.memory_space<vmem_shared>> -> memref<128x128xf32, #tpu.memory_space<vmem_shared>>
      tpu.enqueue_dma source(%arg11 : memref<128x128xf32, #tpu.memory_space<vmem>>) target(%dma_start3A_204 : memref<128x128xf32, #tpu.memory_space<vmem_shared>>) target_semaphore(%arg18 : memref<!tpu.dma_semaphore, #tpu.memory_space<semaphore_mem>>)
      %mul3A_205 = arith.constant 640 : i32
      %mul3A_206 = arith.muli %arg1, %mul3A_205 : i32
      %dma_wait3A_207 = arith.constant 0 : i32
      %dma_wait3A_208 = tpu.memref_slice %arg19[%mul3A_206, %dma_wait3A_207] : memref<10240x128xf32, #tpu.memory_space<vmem_shared>> -> memref<128x128xf32, #tpu.memory_space<vmem_shared>>
      %dma_wait3A_209 = arith.constant 0 : i32
      %dma_wait3A_210 = tpu.memref_slice %arg19[%mul3A_206, %dma_wait3A_209] : memref<10240x128xf32, #tpu.memory_space<vmem_shared>> -> memref<128x128xf32, #tpu.memory_space<vmem_shared>>
      tpu.wait_dma2 semaphore(%arg17 : memref<!tpu.dma_semaphore, #tpu.memory_space<semaphore_mem>>) src(%arg10 : memref<128x128xf32, #tpu.memory_space<vmem>>) dst(%dma_wait3A_210 : memref<128x128xf32, #tpu.memory_space<vmem_shared>>)
      %mul3A_211 = arith.constant 10240 : i32
      %mul3A_212 = arith.muli %arg0, %mul3A_211 : i32
      %dma_start3A_213 = arith.constant 0 : i32
      %dma_start3A_214 = tpu.memref_slice %arg2[%mul3A_212, %dma_start3A_213] : memref<20480x128xf32, #tpu.memory_space<hbm>> -> memref<128x128xf32, #tpu.memory_space<hbm>>
      %dma_start3A_215 = arith.constant 0 : i32
      %dma_start3A_216 = tpu.memref_slice %arg2[%mul3A_212, %dma_start3A_215] : memref<20480x128xf32, #tpu.memory_space<hbm>> -> memref<128x128xf32, #tpu.memory_space<hbm>>
      tpu.enqueue_dma source(%dma_start3A_216 : memref<128x128xf32, #tpu.memory_space<hbm>>) target(%arg10 : memref<128x128xf32, #tpu.memory_space<vmem>>) target_semaphore(%arg13 : memref<!tpu.dma_semaphore, #tpu.memory_space<semaphore_mem>>)
      %dma_wait3A_217 = arith.constant 4 : i32
      %dma_wait3A_218 = arith.constant 0 : i32
      %dma_wait3A_219 = tpu.memref_slice %arg6[%dma_wait3A_217, %dma_wait3A_218] : memref<8x128xi32, #tpu.memory_space<vmem>> -> memref<1x128xi32, #tpu.memory_space<vmem>>
      %dma_wait3A_220 = tpu.memref_squeeze %dma_wait3A_219 : memref<1x128xi32, #tpu.memory_space<vmem>> -> memref<128xi32, #tpu.memory_space<vmem>>
      %dma_wait3A_221 = arith.constant 0 : i32
      %dma_wait3A_222 = arith.constant 0 : i32
      %dma_wait3A_223 = tpu.memref_slice %arg2[%dma_wait3A_221, %dma_wait3A_222] : memref<20480x128xf32, #tpu.memory_space<hbm>> -> memref<20480x128xf32, #tpu.memory_space<hbm>>
      tpu.wait_indirect_dma semaphore(%arg13 : memref<!tpu.dma_semaphore, #tpu.memory_space<semaphore_mem>>) src(%dma_wait3A_223 : memref<20480x128xf32, #tpu.memory_space<hbm>>) dst(%arg10 : memref<128x128xf32, #tpu.memory_space<vmem>>)
      %mul3A_224 = arith.constant 640 : i32
      %mul3A_225 = arith.muli %arg1, %mul3A_224 : i32
      %dma_start3A_226 = arith.constant 0 : i32
      %dma_start3A_227 = tpu.memref_slice %arg19[%mul3A_225, %dma_start3A_226] : memref<10240x128xf32, #tpu.memory_space<vmem_shared>> -> memref<128x128xf32, #tpu.memory_space<vmem_shared>>
      %dma_start3A_228 = arith.constant 0 : i32
      %dma_start3A_229 = tpu.memref_slice %arg19[%mul3A_225, %dma_start3A_228] : memref<10240x128xf32, #tpu.memory_space<vmem_shared>> -> memref<128x128xf32, #tpu.memory_space<vmem_shared>>
      tpu.enqueue_dma source(%arg10 : memref<128x128xf32, #tpu.memory_space<vmem>>) target(%dma_start3A_229 : memref<128x128xf32, #tpu.memory_space<vmem_shared>>) target_semaphore(%arg17 : memref<!tpu.dma_semaphore, #tpu.memory_space<semaphore_mem>>)
      %mul3A_230 = arith.constant 640 : i32
      %mul3A_231 = arith.muli %arg1, %mul3A_230 : i32
      %dma_wait3A_232 = arith.constant 0 : i32
      %dma_wait3A_233 = tpu.memref_slice %arg19[%mul3A_231, %dma_wait3A_232] : memref<10240x128xf32, #tpu.memory_space<vmem_shared>> -> memref<128x128xf32, #tpu.memory_space<vmem_shared>>
      %dma_wait3A_234 = arith.constant 0 : i32
      %dma_wait3A_235 = tpu.memref_slice %arg19[%mul3A_231, %dma_wait3A_234] : memref<10240x128xf32, #tpu.memory_space<vmem_shared>> -> memref<128x128xf32, #tpu.memory_space<vmem_shared>>
      tpu.wait_dma2 semaphore(%arg18 : memref<!tpu.dma_semaphore, #tpu.memory_space<semaphore_mem>>) src(%arg11 : memref<128x128xf32, #tpu.memory_space<vmem>>) dst(%dma_wait3A_235 : memref<128x128xf32, #tpu.memory_space<vmem_shared>>)
      %mul3A_236 = arith.constant 10240 : i32
      %mul3A_237 = arith.muli %arg0, %mul3A_236 : i32
      %dma_start3A_238 = arith.constant 0 : i32
      %dma_start3A_239 = tpu.memref_slice %arg2[%mul3A_237, %dma_start3A_238] : memref<20480x128xf32, #tpu.memory_space<hbm>> -> memref<128x128xf32, #tpu.memory_space<hbm>>
      %dma_start3A_240 = arith.constant 0 : i32
      %dma_start3A_241 = tpu.memref_slice %arg2[%mul3A_237, %dma_start3A_240] : memref<20480x128xf32, #tpu.memory_space<hbm>> -> memref<128x128xf32, #tpu.memory_space<hbm>>
      tpu.enqueue_dma source(%dma_start3A_241 : memref<128x128xf32, #tpu.memory_space<hbm>>) target(%arg11 : memref<128x128xf32, #tpu.memory_space<vmem>>) target_semaphore(%arg14 : memref<!tpu.dma_semaphore, #tpu.memory_space<semaphore_mem>>)
      %dma_wait3A_242 = arith.constant 5 : i32
      %dma_wait3A_243 = arith.constant 0 : i32
      %dma_wait3A_244 = tpu.memref_slice %arg6[%dma_wait3A_242, %dma_wait3A_243] : memref<8x128xi32, #tpu.memory_space<vmem>> -> memref<1x128xi32, #tpu.memory_space<vmem>>
      %dma_wait3A_245 = tpu.memref_squeeze %dma_wait3A_244 : memref<1x128xi32, #tpu.memory_space<vmem>> -> memref<128xi32, #tpu.memory_space<vmem>>
      %dma_wait3A_246 = arith.constant 0 : i32
      %dma_wait3A_247 = arith.constant 0 : i32
      %dma_wait3A_248 = tpu.memref_slice %arg2[%dma_wait3A_246, %dma_wait3A_247] : memref<20480x128xf32, #tpu.memory_space<hbm>> -> memref<20480x128xf32, #tpu.memory_space<hbm>>
      tpu.wait_indirect_dma semaphore(%arg14 : memref<!tpu.dma_semaphore, #tpu.memory_space<semaphore_mem>>) src(%dma_wait3A_248 : memref<20480x128xf32, #tpu.memory_space<hbm>>) dst(%arg11 : memref<128x128xf32, #tpu.memory_space<vmem>>)
      %mul3A_249 = arith.constant 640 : i32
      %mul3A_250 = arith.muli %arg1, %mul3A_249 : i32
      %dma_start3A_251 = arith.constant 0 : i32
      %dma_start3A_252 = tpu.memref_slice %arg19[%mul3A_250, %dma_start3A_251] : memref<10240x128xf32, #tpu.memory_space<vmem_shared>> -> memref<128x128xf32, #tpu.memory_space<vmem_shared>>
      %dma_start3A_253 = arith.constant 0 : i32
      %dma_start3A_254 = tpu.memref_slice %arg19[%mul3A_250, %dma_start3A_253] : memref<10240x128xf32, #tpu.memory_space<vmem_shared>> -> memref<128x128xf32, #tpu.memory_space<vmem_shared>>
      tpu.enqueue_dma source(%arg11 : memref<128x128xf32, #tpu.memory_space<vmem>>) target(%dma_start3A_254 : memref<128x128xf32, #tpu.memory_space<vmem_shared>>) target_semaphore(%arg18 : memref<!tpu.dma_semaphore, #tpu.memory_space<semaphore_mem>>)
      %mul3A_255 = arith.constant 640 : i32
      %mul3A_256 = arith.muli %arg1, %mul3A_255 : i32
      %dma_wait3A_257 = arith.constant 0 : i32
      %dma_wait3A_258 = tpu.memref_slice %arg19[%mul3A_256, %dma_wait3A_257] : memref<10240x128xf32, #tpu.memory_space<vmem_shared>> -> memref<128x128xf32, #tpu.memory_space<vmem_shared>>
      %dma_wait3A_259 = arith.constant 0 : i32
      %dma_wait3A_260 = tpu.memref_slice %arg19[%mul3A_256, %dma_wait3A_259] : memref<10240x128xf32, #tpu.memory_space<vmem_shared>> -> memref<128x128xf32, #tpu.memory_space<vmem_shared>>
      tpu.wait_dma2 semaphore(%arg17 : memref<!tpu.dma_semaphore, #tpu.memory_space<semaphore_mem>>) src(%arg10 : memref<128x128xf32, #tpu.memory_space<vmem>>) dst(%dma_wait3A_260 : memref<128x128xf32, #tpu.memory_space<vmem_shared>>)
      %mul3A_261 = arith.constant 10240 : i32
      %mul3A_262 = arith.muli %arg0, %mul3A_261 : i32
      %dma_start3A_263 = arith.constant 0 : i32
      %dma_start3A_264 = tpu.memref_slice %arg2[%mul3A_262, %dma_start3A_263] : memref<20480x128xf32, #tpu.memory_space<hbm>> -> memref<128x128xf32, #tpu.memory_space<hbm>>
      %dma_start3A_265 = arith.constant 0 : i32
      %dma_start3A_266 = tpu.memref_slice %arg2[%mul3A_262, %dma_start3A_265] : memref<20480x128xf32, #tpu.memory_space<hbm>> -> memref<128x128xf32, #tpu.memory_space<hbm>>
      tpu.enqueue_dma source(%dma_start3A_266 : memref<128x128xf32, #tpu.memory_space<hbm>>) target(%arg10 : memref<128x128xf32, #tpu.memory_space<vmem>>) target_semaphore(%arg13 : memref<!tpu.dma_semaphore, #tpu.memory_space<semaphore_mem>>)
      %dma_wait3A_267 = arith.constant 6 : i32
      %dma_wait3A_268 = arith.constant 0 : i32
      %dma_wait3A_269 = tpu.memref_slice %arg6[%dma_wait3A_267, %dma_wait3A_268] : memref<8x128xi32, #tpu.memory_space<vmem>> -> memref<1x128xi32, #tpu.memory_space<vmem>>
      %dma_wait3A_270 = tpu.memref_squeeze %dma_wait3A_269 : memref<1x128xi32, #tpu.memory_space<vmem>> -> memref<128xi32, #tpu.memory_space<vmem>>
      %dma_wait3A_271 = arith.constant 0 : i32
      %dma_wait3A_272 = arith.constant 0 : i32
      %dma_wait3A_273 = tpu.memref_slice %arg2[%dma_wait3A_271, %dma_wait3A_272] : memref<20480x128xf32, #tpu.memory_space<hbm>> -> memref<20480x128xf32, #tpu.memory_space<hbm>>
      tpu.wait_indirect_dma semaphore(%arg13 : memref<!tpu.dma_semaphore, #tpu.memory_space<semaphore_mem>>) src(%dma_wait3A_273 : memref<20480x128xf32, #tpu.memory_space<hbm>>) dst(%arg10 : memref<128x128xf32, #tpu.memory_space<vmem>>)
      %mul3A_274 = arith.constant 640 : i32
      %mul3A_275 = arith.muli %arg1, %mul3A_274 : i32
      %dma_start3A_276 = arith.constant 0 : i32
      %dma_start3A_277 = tpu.memref_slice %arg19[%mul3A_275, %dma_start3A_276] : memref<10240x128xf32, #tpu.memory_space<vmem_shared>> -> memref<128x128xf32, #tpu.memory_space<vmem_shared>>
      %dma_start3A_278 = arith.constant 0 : i32
      %dma_start3A_279 = tpu.memref_slice %arg19[%mul3A_275, %dma_start3A_278] : memref<10240x128xf32, #tpu.memory_space<vmem_shared>> -> memref<128x128xf32, #tpu.memory_space<vmem_shared>>
      tpu.enqueue_dma source(%arg10 : memref<128x128xf32, #tpu.memory_space<vmem>>) target(%dma_start3A_279 : memref<128x128xf32, #tpu.memory_space<vmem_shared>>) target_semaphore(%arg17 : memref<!tpu.dma_semaphore, #tpu.memory_space<semaphore_mem>>)
      %mul3A_280 = arith.constant 640 : i32
      %mul3A_281 = arith.muli %arg1, %mul3A_280 : i32
      %dma_wait3A_282 = arith.constant 0 : i32
      %dma_wait3A_283 = tpu.memref_slice %arg19[%mul3A_281, %dma_wait3A_282] : memref<10240x128xf32, #tpu.memory_space<vmem_shared>> -> memref<128x128xf32, #tpu.memory_space<vmem_shared>>
      %dma_wait3A_284 = arith.constant 0 : i32
      %dma_wait3A_285 = tpu.memref_slice %arg19[%mul3A_281, %dma_wait3A_284] : memref<10240x128xf32, #tpu.memory_space<vmem_shared>> -> memref<128x128xf32, #tpu.memory_space<vmem_shared>>
      tpu.wait_dma2 semaphore(%arg18 : memref<!tpu.dma_semaphore, #tpu.memory_space<semaphore_mem>>) src(%arg11 : memref<128x128xf32, #tpu.memory_space<vmem>>) dst(%dma_wait3A_285 : memref<128x128xf32, #tpu.memory_space<vmem_shared>>)
      %mul3A_286 = arith.constant 10240 : i32
      %mul3A_287 = arith.muli %arg0, %mul3A_286 : i32
      %dma_start3A_288 = arith.constant 0 : i32
      %dma_start3A_289 = tpu.memref_slice %arg2[%mul3A_287, %dma_start3A_288] : memref<20480x128xf32, #tpu.memory_space<hbm>> -> memref<128x128xf32, #tpu.memory_space<hbm>>
      %dma_start3A_290 = arith.constant 0 : i32
      %dma_start3A_291 = tpu.memref_slice %arg2[%mul3A_287, %dma_start3A_290] : memref<20480x128xf32, #tpu.memory_space<hbm>> -> memref<128x128xf32, #tpu.memory_space<hbm>>
      tpu.enqueue_dma source(%dma_start3A_291 : memref<128x128xf32, #tpu.memory_space<hbm>>) target(%arg11 : memref<128x128xf32, #tpu.memory_space<vmem>>) target_semaphore(%arg14 : memref<!tpu.dma_semaphore, #tpu.memory_space<semaphore_mem>>)
      %dma_wait3A_292 = arith.constant 7 : i32
      %dma_wait3A_293 = arith.constant 0 : i32
      %dma_wait3A_294 = tpu.memref_slice %arg6[%dma_wait3A_292, %dma_wait3A_293] : memref<8x128xi32, #tpu.memory_space<vmem>> -> memref<1x128xi32, #tpu.memory_space<vmem>>
      %dma_wait3A_295 = tpu.memref_squeeze %dma_wait3A_294 : memref<1x128xi32, #tpu.memory_space<vmem>> -> memref<128xi32, #tpu.memory_space<vmem>>
      %dma_wait3A_296 = arith.constant 0 : i32
      %dma_wait3A_297 = arith.constant 0 : i32
      %dma_wait3A_298 = tpu.memref_slice %arg2[%dma_wait3A_296, %dma_wait3A_297] : memref<20480x128xf32, #tpu.memory_space<hbm>> -> memref<20480x128xf32, #tpu.memory_space<hbm>>
      tpu.wait_indirect_dma semaphore(%arg14 : memref<!tpu.dma_semaphore, #tpu.memory_space<semaphore_mem>>) src(%dma_wait3A_298 : memref<20480x128xf32, #tpu.memory_space<hbm>>) dst(%arg11 : memref<128x128xf32, #tpu.memory_space<vmem>>)
      %mul3A_299 = arith.constant 640 : i32
      %mul3A_300 = arith.muli %arg1, %mul3A_299 : i32
      %dma_start3A_301 = arith.constant 0 : i32
      %dma_start3A_302 = tpu.memref_slice %arg19[%mul3A_300, %dma_start3A_301] : memref<10240x128xf32, #tpu.memory_space<vmem_shared>> -> memref<128x128xf32, #tpu.memory_space<vmem_shared>>
      %dma_start3A_303 = arith.constant 0 : i32
      %dma_start3A_304 = tpu.memref_slice %arg19[%mul3A_300, %dma_start3A_303] : memref<10240x128xf32, #tpu.memory_space<vmem_shared>> -> memref<128x128xf32, #tpu.memory_space<vmem_shared>>
      tpu.enqueue_dma source(%arg11 : memref<128x128xf32, #tpu.memory_space<vmem>>) target(%dma_start3A_304 : memref<128x128xf32, #tpu.memory_space<vmem_shared>>) target_semaphore(%arg18 : memref<!tpu.dma_semaphore, #tpu.memory_space<semaphore_mem>>)
      %mul3A_305 = arith.constant 640 : i32
      %mul3A_306 = arith.muli %arg1, %mul3A_305 : i32
      %dma_wait3A_307 = arith.constant 0 : i32
      %dma_wait3A_308 = tpu.memref_slice %arg19[%mul3A_306, %dma_wait3A_307] : memref<10240x128xf32, #tpu.memory_space<vmem_shared>> -> memref<128x128xf32, #tpu.memory_space<vmem_shared>>
      %dma_wait3A_309 = arith.constant 0 : i32
      %dma_wait3A_310 = tpu.memref_slice %arg19[%mul3A_306, %dma_wait3A_309] : memref<10240x128xf32, #tpu.memory_space<vmem_shared>> -> memref<128x128xf32, #tpu.memory_space<vmem_shared>>
      tpu.wait_dma2 semaphore(%arg17 : memref<!tpu.dma_semaphore, #tpu.memory_space<semaphore_mem>>) src(%arg10 : memref<128x128xf32, #tpu.memory_space<vmem>>) dst(%dma_wait3A_310 : memref<128x128xf32, #tpu.memory_space<vmem_shared>>)
      %add3A_311 = arith.constant 1 : i32
      %add3A_312 = arith.addi %add3A_116, %add3A_311 : i32
      %mul3A_313 = arith.constant 8 : i32
      %mul3A_314 = arith.muli %add3A_312, %mul3A_313 : i32
      %add3A_315 = arith.addi %mul3A_2, %mul3A_314 : i32
      %dma_wait3A_316 = arith.constant 0 : i32
      %dma_wait3A_317 = tpu.memref_slice %arg3[%add3A_315, %dma_wait3A_316] : memref<5136x128xi32, #tpu.memory_space<hbm>> -> memref<8x128xi32, #tpu.memory_space<hbm>>
      %dma_wait3A_318 = arith.constant 0 : i32
      %dma_wait3A_319 = tpu.memref_slice %arg3[%add3A_315, %dma_wait3A_318] : memref<5136x128xi32, #tpu.memory_space<hbm>> -> memref<8x128xi32, #tpu.memory_space<hbm>>
      tpu.wait_dma2 semaphore(%arg16 : memref<!tpu.dma_semaphore, #tpu.memory_space<semaphore_mem>>) src(%dma_wait3A_319 : memref<8x128xi32, #tpu.memory_space<hbm>>) dst(%arg8 : memref<8x128xi32, #tpu.memory_space<vmem>>)
      %dma_wait3A_320 = arith.constant 0 : i32
      %dma_wait3A_321 = tpu.memref_slice %arg4[%add3A_315, %dma_wait3A_320] : memref<5136x128xi32, #tpu.memory_space<hbm>> -> memref<8x128xi32, #tpu.memory_space<hbm>>
      %dma_wait3A_322 = arith.constant 0 : i32
      %dma_wait3A_323 = tpu.memref_slice %arg4[%add3A_315, %dma_wait3A_322] : memref<5136x128xi32, #tpu.memory_space<hbm>> -> memref<8x128xi32, #tpu.memory_space<hbm>>
      tpu.wait_dma2 semaphore(%arg16 : memref<!tpu.dma_semaphore, #tpu.memory_space<semaphore_mem>>) src(%dma_wait3A_323 : memref<8x128xi32, #tpu.memory_space<hbm>>) dst(%arg9 : memref<8x128xi32, #tpu.memory_space<vmem>>)
      %add3A_324 = arith.constant 2 : i32
      %add3A_325 = arith.addi %add3A_116, %add3A_324 : i32
      %mul3A_326 = arith.constant 8 : i32
      %mul3A_327 = arith.muli %add3A_325, %mul3A_326 : i32
      %add3A_328 = arith.addi %mul3A_2, %mul3A_327 : i32
      %dma_start3A_329 = arith.constant 0 : i32
      %dma_start3A_330 = tpu.memref_slice %arg3[%add3A_328, %dma_start3A_329] : memref<5136x128xi32, #tpu.memory_space<hbm>> -> memref<8x128xi32, #tpu.memory_space<hbm>>
      %dma_start3A_331 = arith.constant 0 : i32
      %dma_start3A_332 = tpu.memref_slice %arg3[%add3A_328, %dma_start3A_331] : memref<5136x128xi32, #tpu.memory_space<hbm>> -> memref<8x128xi32, #tpu.memory_space<hbm>>
      tpu.enqueue_dma source(%dma_start3A_332 : memref<8x128xi32, #tpu.memory_space<hbm>>) target(%arg6 : memref<8x128xi32, #tpu.memory_space<vmem>>) target_semaphore(%arg15 : memref<!tpu.dma_semaphore, #tpu.memory_space<semaphore_mem>>)
      %dma_start3A_333 = arith.constant 0 : i32
      %dma_start3A_334 = tpu.memref_slice %arg4[%add3A_328, %dma_start3A_333] : memref<5136x128xi32, #tpu.memory_space<hbm>> -> memref<8x128xi32, #tpu.memory_space<hbm>>
      %dma_start3A_335 = arith.constant 0 : i32
      %dma_start3A_336 = tpu.memref_slice %arg4[%add3A_328, %dma_start3A_335] : memref<5136x128xi32, #tpu.memory_space<hbm>> -> memref<8x128xi32, #tpu.memory_space<hbm>>
      tpu.enqueue_dma source(%dma_start3A_336 : memref<8x128xi32, #tpu.memory_space<hbm>>) target(%arg7 : memref<8x128xi32, #tpu.memory_space<vmem>>) target_semaphore(%arg15 : memref<!tpu.dma_semaphore, #tpu.memory_space<semaphore_mem>>)
      %mul3A_337 = arith.constant 10240 : i32
      %mul3A_338 = arith.muli %arg0, %mul3A_337 : i32
      %dma_start3A_339 = arith.constant 0 : i32
      %dma_start3A_340 = tpu.memref_slice %arg2[%mul3A_338, %dma_start3A_339] : memref<20480x128xf32, #tpu.memory_space<hbm>> -> memref<128x128xf32, #tpu.memory_space<hbm>>
      %dma_start3A_341 = arith.constant 0 : i32
      %dma_start3A_342 = tpu.memref_slice %arg2[%mul3A_338, %dma_start3A_341] : memref<20480x128xf32, #tpu.memory_space<hbm>> -> memref<128x128xf32, #tpu.memory_space<hbm>>
      tpu.enqueue_dma source(%dma_start3A_342 : memref<128x128xf32, #tpu.memory_space<hbm>>) target(%arg10 : memref<128x128xf32, #tpu.memory_space<vmem>>) target_semaphore(%arg13 : memref<!tpu.dma_semaphore, #tpu.memory_space<semaphore_mem>>)
      %mul3A_343 = arith.constant 2 : i32
      %mul3A_344 = arith.muli %mul3A_343, %scan3A_112 : i32
      %add3A_345 = arith.constant 1 : i32
      %add3A_346 = arith.addi %mul3A_344, %add3A_345 : i32
      %dma_wait3A_347 = arith.constant 0 : i32
      %dma_wait3A_348 = arith.constant 0 : i32
      %dma_wait3A_349 = tpu.memref_slice %arg8[%dma_wait3A_347, %dma_wait3A_348] : memref<8x128xi32, #tpu.memory_space<vmem>> -> memref<1x128xi32, #tpu.memory_space<vmem>>
      %dma_wait3A_350 = tpu.memref_squeeze %dma_wait3A_349 : memref<1x128xi32, #tpu.memory_space<vmem>> -> memref<128xi32, #tpu.memory_space<vmem>>
      %dma_wait3A_351 = arith.constant 0 : i32
      %dma_wait3A_352 = arith.constant 0 : i32
      %dma_wait3A_353 = tpu.memref_slice %arg2[%dma_wait3A_351, %dma_wait3A_352] : memref<20480x128xf32, #tpu.memory_space<hbm>> -> memref<20480x128xf32, #tpu.memory_space<hbm>>
      tpu.wait_indirect_dma semaphore(%arg13 : memref<!tpu.dma_semaphore, #tpu.memory_space<semaphore_mem>>) src(%dma_wait3A_353 : memref<20480x128xf32, #tpu.memory_space<hbm>>) dst(%arg10 : memref<128x128xf32, #tpu.memory_space<vmem>>)
      %mul3A_354 = arith.constant 640 : i32
      %mul3A_355 = arith.muli %arg1, %mul3A_354 : i32
      %dma_start3A_356 = arith.constant 0 : i32
      %dma_start3A_357 = tpu.memref_slice %arg19[%mul3A_355, %dma_start3A_356] : memref<10240x128xf32, #tpu.memory_space<vmem_shared>> -> memref<128x128xf32, #tpu.memory_space<vmem_shared>>
      %dma_start3A_358 = arith.constant 0 : i32
      %dma_start3A_359 = tpu.memref_slice %arg19[%mul3A_355, %dma_start3A_358] : memref<10240x128xf32, #tpu.memory_space<vmem_shared>> -> memref<128x128xf32, #tpu.memory_space<vmem_shared>>
      tpu.enqueue_dma source(%arg10 : memref<128x128xf32, #tpu.memory_space<vmem>>) target(%dma_start3A_359 : memref<128x128xf32, #tpu.memory_space<vmem_shared>>) target_semaphore(%arg17 : memref<!tpu.dma_semaphore, #tpu.memory_space<semaphore_mem>>)
      %mul3A_360 = arith.constant 640 : i32
      %mul3A_361 = arith.muli %arg1, %mul3A_360 : i32
      %dma_wait3A_362 = arith.constant 0 : i32
      %dma_wait3A_363 = tpu.memref_slice %arg19[%mul3A_361, %dma_wait3A_362] : memref<10240x128xf32, #tpu.memory_space<vmem_shared>> -> memref<128x128xf32, #tpu.memory_space<vmem_shared>>
      %dma_wait3A_364 = arith.constant 0 : i32
      %dma_wait3A_365 = tpu.memref_slice %arg19[%mul3A_361, %dma_wait3A_364] : memref<10240x128xf32, #tpu.memory_space<vmem_shared>> -> memref<128x128xf32, #tpu.memory_space<vmem_shared>>
      tpu.wait_dma2 semaphore(%arg18 : memref<!tpu.dma_semaphore, #tpu.memory_space<semaphore_mem>>) src(%arg11 : memref<128x128xf32, #tpu.memory_space<vmem>>) dst(%dma_wait3A_365 : memref<128x128xf32, #tpu.memory_space<vmem_shared>>)
      %mul3A_366 = arith.constant 10240 : i32
      %mul3A_367 = arith.muli %arg0, %mul3A_366 : i32
      %dma_start3A_368 = arith.constant 0 : i32
      %dma_start3A_369 = tpu.memref_slice %arg2[%mul3A_367, %dma_start3A_368] : memref<20480x128xf32, #tpu.memory_space<hbm>> -> memref<128x128xf32, #tpu.memory_space<hbm>>
      %dma_start3A_370 = arith.constant 0 : i32
      %dma_start3A_371 = tpu.memref_slice %arg2[%mul3A_367, %dma_start3A_370] : memref<20480x128xf32, #tpu.memory_space<hbm>> -> memref<128x128xf32, #tpu.memory_space<hbm>>
      tpu.enqueue_dma source(%dma_start3A_371 : memref<128x128xf32, #tpu.memory_space<hbm>>) target(%arg11 : memref<128x128xf32, #tpu.memory_space<vmem>>) target_semaphore(%arg14 : memref<!tpu.dma_semaphore, #tpu.memory_space<semaphore_mem>>)
      %dma_wait3A_372 = arith.constant 1 : i32
      %dma_wait3A_373 = arith.constant 0 : i32
      %dma_wait3A_374 = tpu.memref_slice %arg8[%dma_wait3A_372, %dma_wait3A_373] : memref<8x128xi32, #tpu.memory_space<vmem>> -> memref<1x128xi32, #tpu.memory_space<vmem>>
      %dma_wait3A_375 = tpu.memref_squeeze %dma_wait3A_374 : memref<1x128xi32, #tpu.memory_space<vmem>> -> memref<128xi32, #tpu.memory_space<vmem>>
      %dma_wait3A_376 = arith.constant 0 : i32
      %dma_wait3A_377 = arith.constant 0 : i32
      %dma_wait3A_378 = tpu.memref_slice %arg2[%dma_wait3A_376, %dma_wait3A_377] : memref<20480x128xf32, #tpu.memory_space<hbm>> -> memref<20480x128xf32, #tpu.memory_space<hbm>>
      tpu.wait_indirect_dma semaphore(%arg14 : memref<!tpu.dma_semaphore, #tpu.memory_space<semaphore_mem>>) src(%dma_wait3A_378 : memref<20480x128xf32, #tpu.memory_space<hbm>>) dst(%arg11 : memref<128x128xf32, #tpu.memory_space<vmem>>)
      %mul3A_379 = arith.constant 640 : i32
      %mul3A_380 = arith.muli %arg1, %mul3A_379 : i32
      %dma_start3A_381 = arith.constant 0 : i32
      %dma_start3A_382 = tpu.memref_slice %arg19[%mul3A_380, %dma_start3A_381] : memref<10240x128xf32, #tpu.memory_space<vmem_shared>> -> memref<128x128xf32, #tpu.memory_space<vmem_shared>>
      %dma_start3A_383 = arith.constant 0 : i32
      %dma_start3A_384 = tpu.memref_slice %arg19[%mul3A_380, %dma_start3A_383] : memref<10240x128xf32, #tpu.memory_space<vmem_shared>> -> memref<128x128xf32, #tpu.memory_space<vmem_shared>>
      tpu.enqueue_dma source(%arg11 : memref<128x128xf32, #tpu.memory_space<vmem>>) target(%dma_start3A_384 : memref<128x128xf32, #tpu.memory_space<vmem_shared>>) target_semaphore(%arg18 : memref<!tpu.dma_semaphore, #tpu.memory_space<semaphore_mem>>)
      %mul3A_385 = arith.constant 640 : i32
      %mul3A_386 = arith.muli %arg1, %mul3A_385 : i32
      %dma_wait3A_387 = arith.constant 0 : i32
      %dma_wait3A_388 = tpu.memref_slice %arg19[%mul3A_386, %dma_wait3A_387] : memref<10240x128xf32, #tpu.memory_space<vmem_shared>> -> memref<128x128xf32, #tpu.memory_space<vmem_shared>>
      %dma_wait3A_389 = arith.constant 0 : i32
      %dma_wait3A_390 = tpu.memref_slice %arg19[%mul3A_386, %dma_wait3A_389] : memref<10240x128xf32, #tpu.memory_space<vmem_shared>> -> memref<128x128xf32, #tpu.memory_space<vmem_shared>>
      tpu.wait_dma2 semaphore(%arg17 : memref<!tpu.dma_semaphore, #tpu.memory_space<semaphore_mem>>) src(%arg10 : memref<128x128xf32, #tpu.memory_space<vmem>>) dst(%dma_wait3A_390 : memref<128x128xf32, #tpu.memory_space<vmem_shared>>)
      %mul3A_391 = arith.constant 10240 : i32
      %mul3A_392 = arith.muli %arg0, %mul3A_391 : i32
      %dma_start3A_393 = arith.constant 0 : i32
      %dma_start3A_394 = tpu.memref_slice %arg2[%mul3A_392, %dma_start3A_393] : memref<20480x128xf32, #tpu.memory_space<hbm>> -> memref<128x128xf32, #tpu.memory_space<hbm>>
      %dma_start3A_395 = arith.constant 0 : i32
      %dma_start3A_396 = tpu.memref_slice %arg2[%mul3A_392, %dma_start3A_395] : memref<20480x128xf32, #tpu.memory_space<hbm>> -> memref<128x128xf32, #tpu.memory_space<hbm>>
      tpu.enqueue_dma source(%dma_start3A_396 : memref<128x128xf32, #tpu.memory_space<hbm>>) target(%arg10 : memref<128x128xf32, #tpu.memory_space<vmem>>) target_semaphore(%arg13 : memref<!tpu.dma_semaphore, #tpu.memory_space<semaphore_mem>>)
      %dma_wait3A_397 = arith.constant 2 : i32
      %dma_wait3A_398 = arith.constant 0 : i32
      %dma_wait3A_399 = tpu.memref_slice %arg8[%dma_wait3A_397, %dma_wait3A_398] : memref<8x128xi32, #tpu.memory_space<vmem>> -> memref<1x128xi32, #tpu.memory_space<vmem>>
      %dma_wait3A_400 = tpu.memref_squeeze %dma_wait3A_399 : memref<1x128xi32, #tpu.memory_space<vmem>> -> memref<128xi32, #tpu.memory_space<vmem>>
      %dma_wait3A_401 = arith.constant 0 : i32
      %dma_wait3A_402 = arith.constant 0 : i32
      %dma_wait3A_403 = tpu.memref_slice %arg2[%dma_wait3A_401, %dma_wait3A_402] : memref<20480x128xf32, #tpu.memory_space<hbm>> -> memref<20480x128xf32, #tpu.memory_space<hbm>>
      tpu.wait_indirect_dma semaphore(%arg13 : memref<!tpu.dma_semaphore, #tpu.memory_space<semaphore_mem>>) src(%dma_wait3A_403 : memref<20480x128xf32, #tpu.memory_space<hbm>>) dst(%arg10 : memref<128x128xf32, #tpu.memory_space<vmem>>)
      %mul3A_404 = arith.constant 640 : i32
      %mul3A_405 = arith.muli %arg1, %mul3A_404 : i32
      %dma_start3A_406 = arith.constant 0 : i32
      %dma_start3A_407 = tpu.memref_slice %arg19[%mul3A_405, %dma_start3A_406] : memref<10240x128xf32, #tpu.memory_space<vmem_shared>> -> memref<128x128xf32, #tpu.memory_space<vmem_shared>>
      %dma_start3A_408 = arith.constant 0 : i32
      %dma_start3A_409 = tpu.memref_slice %arg19[%mul3A_405, %dma_start3A_408] : memref<10240x128xf32, #tpu.memory_space<vmem_shared>> -> memref<128x128xf32, #tpu.memory_space<vmem_shared>>
      tpu.enqueue_dma source(%arg10 : memref<128x128xf32, #tpu.memory_space<vmem>>) target(%dma_start3A_409 : memref<128x128xf32, #tpu.memory_space<vmem_shared>>) target_semaphore(%arg17 : memref<!tpu.dma_semaphore, #tpu.memory_space<semaphore_mem>>)
      %mul3A_410 = arith.constant 640 : i32
      %mul3A_411 = arith.muli %arg1, %mul3A_410 : i32
      %dma_wait3A_412 = arith.constant 0 : i32
      %dma_wait3A_413 = tpu.memref_slice %arg19[%mul3A_411, %dma_wait3A_412] : memref<10240x128xf32, #tpu.memory_space<vmem_shared>> -> memref<128x128xf32, #tpu.memory_space<vmem_shared>>
      %dma_wait3A_414 = arith.constant 0 : i32
      %dma_wait3A_415 = tpu.memref_slice %arg19[%mul3A_411, %dma_wait3A_414] : memref<10240x128xf32, #tpu.memory_space<vmem_shared>> -> memref<128x128xf32, #tpu.memory_space<vmem_shared>>
      tpu.wait_dma2 semaphore(%arg18 : memref<!tpu.dma_semaphore, #tpu.memory_space<semaphore_mem>>) src(%arg11 : memref<128x128xf32, #tpu.memory_space<vmem>>) dst(%dma_wait3A_415 : memref<128x128xf32, #tpu.memory_space<vmem_shared>>)
      %mul3A_416 = arith.constant 10240 : i32
      %mul3A_417 = arith.muli %arg0, %mul3A_416 : i32
      %dma_start3A_418 = arith.constant 0 : i32
      %dma_start3A_419 = tpu.memref_slice %arg2[%mul3A_417, %dma_start3A_418] : memref<20480x128xf32, #tpu.memory_space<hbm>> -> memref<128x128xf32, #tpu.memory_space<hbm>>
      %dma_start3A_420 = arith.constant 0 : i32
      %dma_start3A_421 = tpu.memref_slice %arg2[%mul3A_417, %dma_start3A_420] : memref<20480x128xf32, #tpu.memory_space<hbm>> -> memref<128x128xf32, #tpu.memory_space<hbm>>
      tpu.enqueue_dma source(%dma_start3A_421 : memref<128x128xf32, #tpu.memory_space<hbm>>) target(%arg11 : memref<128x128xf32, #tpu.memory_space<vmem>>) target_semaphore(%arg14 : memref<!tpu.dma_semaphore, #tpu.memory_space<semaphore_mem>>)
      %dma_wait3A_422 = arith.constant 3 : i32
      %dma_wait3A_423 = arith.constant 0 : i32
      %dma_wait3A_424 = tpu.memref_slice %arg8[%dma_wait3A_422, %dma_wait3A_423] : memref<8x128xi32, #tpu.memory_space<vmem>> -> memref<1x128xi32, #tpu.memory_space<vmem>>
      %dma_wait3A_425 = tpu.memref_squeeze %dma_wait3A_424 : memref<1x128xi32, #tpu.memory_space<vmem>> -> memref<128xi32, #tpu.memory_space<vmem>>
      %dma_wait3A_426 = arith.constant 0 : i32
      %dma_wait3A_427 = arith.constant 0 : i32
      %dma_wait3A_428 = tpu.memref_slice %arg2[%dma_wait3A_426, %dma_wait3A_427] : memref<20480x128xf32, #tpu.memory_space<hbm>> -> memref<20480x128xf32, #tpu.memory_space<hbm>>
      tpu.wait_indirect_dma semaphore(%arg14 : memref<!tpu.dma_semaphore, #tpu.memory_space<semaphore_mem>>) src(%dma_wait3A_428 : memref<20480x128xf32, #tpu.memory_space<hbm>>) dst(%arg11 : memref<128x128xf32, #tpu.memory_space<vmem>>)
      %mul3A_429 = arith.constant 640 : i32
      %mul3A_430 = arith.muli %arg1, %mul3A_429 : i32
      %dma_start3A_431 = arith.constant 0 : i32
      %dma_start3A_432 = tpu.memref_slice %arg19[%mul3A_430, %dma_start3A_431] : memref<10240x128xf32, #tpu.memory_space<vmem_shared>> -> memref<128x128xf32, #tpu.memory_space<vmem_shared>>
      %dma_start3A_433 = arith.constant 0 : i32
      %dma_start3A_434 = tpu.memref_slice %arg19[%mul3A_430, %dma_start3A_433] : memref<10240x128xf32, #tpu.memory_space<vmem_shared>> -> memref<128x128xf32, #tpu.memory_space<vmem_shared>>
      tpu.enqueue_dma source(%arg11 : memref<128x128xf32, #tpu.memory_space<vmem>>) target(%dma_start3A_434 : memref<128x128xf32, #tpu.memory_space<vmem_shared>>) target_semaphore(%arg18 : memref<!tpu.dma_semaphore, #tpu.memory_space<semaphore_mem>>)
      %mul3A_435 = arith.constant 640 : i32
      %mul3A_436 = arith.muli %arg1, %mul3A_435 : i32
      %dma_wait3A_437 = arith.constant 0 : i32
      %dma_wait3A_438 = tpu.memref_slice %arg19[%mul3A_436, %dma_wait3A_437] : memref<10240x128xf32, #tpu.memory_space<vmem_shared>> -> memref<128x128xf32, #tpu.memory_space<vmem_shared>>
      %dma_wait3A_439 = arith.constant 0 : i32
      %dma_wait3A_440 = tpu.memref_slice %arg19[%mul3A_436, %dma_wait3A_439] : memref<10240x128xf32, #tpu.memory_space<vmem_shared>> -> memref<128x128xf32, #tpu.memory_space<vmem_shared>>
      tpu.wait_dma2 semaphore(%arg17 : memref<!tpu.dma_semaphore, #tpu.memory_space<semaphore_mem>>) src(%arg10 : memref<128x128xf32, #tpu.memory_space<vmem>>) dst(%dma_wait3A_440 : memref<128x128xf32, #tpu.memory_space<vmem_shared>>)
      %mul3A_441 = arith.constant 10240 : i32
      %mul3A_442 = arith.muli %arg0, %mul3A_441 : i32
      %dma_start3A_443 = arith.constant 0 : i32
      %dma_start3A_444 = tpu.memref_slice %arg2[%mul3A_442, %dma_start3A_443] : memref<20480x128xf32, #tpu.memory_space<hbm>> -> memref<128x128xf32, #tpu.memory_space<hbm>>
      %dma_start3A_445 = arith.constant 0 : i32
      %dma_start3A_446 = tpu.memref_slice %arg2[%mul3A_442, %dma_start3A_445] : memref<20480x128xf32, #tpu.memory_space<hbm>> -> memref<128x128xf32, #tpu.memory_space<hbm>>
      tpu.enqueue_dma source(%dma_start3A_446 : memref<128x128xf32, #tpu.memory_space<hbm>>) target(%arg10 : memref<128x128xf32, #tpu.memory_space<vmem>>) target_semaphore(%arg13 : memref<!tpu.dma_semaphore, #tpu.memory_space<semaphore_mem>>)
      %dma_wait3A_447 = arith.constant 4 : i32
      %dma_wait3A_448 = arith.constant 0 : i32
      %dma_wait3A_449 = tpu.memref_slice %arg8[%dma_wait3A_447, %dma_wait3A_448] : memref<8x128xi32, #tpu.memory_space<vmem>> -> memref<1x128xi32, #tpu.memory_space<vmem>>
      %dma_wait3A_450 = tpu.memref_squeeze %dma_wait3A_449 : memref<1x128xi32, #tpu.memory_space<vmem>> -> memref<128xi32, #tpu.memory_space<vmem>>
      %dma_wait3A_451 = arith.constant 0 : i32
      %dma_wait3A_452 = arith.constant 0 : i32
      %dma_wait3A_453 = tpu.memref_slice %arg2[%dma_wait3A_451, %dma_wait3A_452] : memref<20480x128xf32, #tpu.memory_space<hbm>> -> memref<20480x128xf32, #tpu.memory_space<hbm>>
      tpu.wait_indirect_dma semaphore(%arg13 : memref<!tpu.dma_semaphore, #tpu.memory_space<semaphore_mem>>) src(%dma_wait3A_453 : memref<20480x128xf32, #tpu.memory_space<hbm>>) dst(%arg10 : memref<128x128xf32, #tpu.memory_space<vmem>>)
      %mul3A_454 = arith.constant 640 : i32
      %mul3A_455 = arith.muli %arg1, %mul3A_454 : i32
      %dma_start3A_456 = arith.constant 0 : i32
      %dma_start3A_457 = tpu.memref_slice %arg19[%mul3A_455, %dma_start3A_456] : memref<10240x128xf32, #tpu.memory_space<vmem_shared>> -> memref<128x128xf32, #tpu.memory_space<vmem_shared>>
      %dma_start3A_458 = arith.constant 0 : i32
      %dma_start3A_459 = tpu.memref_slice %arg19[%mul3A_455, %dma_start3A_458] : memref<10240x128xf32, #tpu.memory_space<vmem_shared>> -> memref<128x128xf32, #tpu.memory_space<vmem_shared>>
      tpu.enqueue_dma source(%arg10 : memref<128x128xf32, #tpu.memory_space<vmem>>) target(%dma_start3A_459 : memref<128x128xf32, #tpu.memory_space<vmem_shared>>) target_semaphore(%arg17 : memref<!tpu.dma_semaphore, #tpu.memory_space<semaphore_mem>>)
      %mul3A_460 = arith.constant 640 : i32
      %mul3A_461 = arith.muli %arg1, %mul3A_460 : i32
      %dma_wait3A_462 = arith.constant 0 : i32
      %dma_wait3A_463 = tpu.memref_slice %arg19[%mul3A_461, %dma_wait3A_462] : memref<10240x128xf32, #tpu.memory_space<vmem_shared>> -> memref<128x128xf32, #tpu.memory_space<vmem_shared>>
      %dma_wait3A_464 = arith.constant 0 : i32
      %dma_wait3A_465 = tpu.memref_slice %arg19[%mul3A_461, %dma_wait3A_464] : memref<10240x128xf32, #tpu.memory_space<vmem_shared>> -> memref<128x128xf32, #tpu.memory_space<vmem_shared>>
      tpu.wait_dma2 semaphore(%arg18 : memref<!tpu.dma_semaphore, #tpu.memory_space<semaphore_mem>>) src(%arg11 : memref<128x128xf32, #tpu.memory_space<vmem>>) dst(%dma_wait3A_465 : memref<128x128xf32, #tpu.memory_space<vmem_shared>>)
      %mul3A_466 = arith.constant 10240 : i32
      %mul3A_467 = arith.muli %arg0, %mul3A_466 : i32
      %dma_start3A_468 = arith.constant 0 : i32
      %dma_start3A_469 = tpu.memref_slice %arg2[%mul3A_467, %dma_start3A_468] : memref<20480x128xf32, #tpu.memory_space<hbm>> -> memref<128x128xf32, #tpu.memory_space<hbm>>
      %dma_start3A_470 = arith.constant 0 : i32
      %dma_start3A_471 = tpu.memref_slice %arg2[%mul3A_467, %dma_start3A_470] : memref<20480x128xf32, #tpu.memory_space<hbm>> -> memref<128x128xf32, #tpu.memory_space<hbm>>
      tpu.enqueue_dma source(%dma_start3A_471 : memref<128x128xf32, #tpu.memory_space<hbm>>) target(%arg11 : memref<128x128xf32, #tpu.memory_space<vmem>>) target_semaphore(%arg14 : memref<!tpu.dma_semaphore, #tpu.memory_space<semaphore_mem>>)
      %dma_wait3A_472 = arith.constant 5 : i32
      %dma_wait3A_473 = arith.constant 0 : i32
      %dma_wait3A_474 = tpu.memref_slice %arg8[%dma_wait3A_472, %dma_wait3A_473] : memref<8x128xi32, #tpu.memory_space<vmem>> -> memref<1x128xi32, #tpu.memory_space<vmem>>
      %dma_wait3A_475 = tpu.memref_squeeze %dma_wait3A_474 : memref<1x128xi32, #tpu.memory_space<vmem>> -> memref<128xi32, #tpu.memory_space<vmem>>
      %dma_wait3A_476 = arith.constant 0 : i32
      %dma_wait3A_477 = arith.constant 0 : i32
      %dma_wait3A_478 = tpu.memref_slice %arg2[%dma_wait3A_476, %dma_wait3A_477] : memref<20480x128xf32, #tpu.memory_space<hbm>> -> memref<20480x128xf32, #tpu.memory_space<hbm>>
      tpu.wait_indirect_dma semaphore(%arg14 : memref<!tpu.dma_semaphore, #tpu.memory_space<semaphore_mem>>) src(%dma_wait3A_478 : memref<20480x128xf32, #tpu.memory_space<hbm>>) dst(%arg11 : memref<128x128xf32, #tpu.memory_space<vmem>>)
      %mul3A_479 = arith.constant 640 : i32
      %mul3A_480 = arith.muli %arg1, %mul3A_479 : i32
      %dma_start3A_481 = arith.constant 0 : i32
      %dma_start3A_482 = tpu.memref_slice %arg19[%mul3A_480, %dma_start3A_481] : memref<10240x128xf32, #tpu.memory_space<vmem_shared>> -> memref<128x128xf32, #tpu.memory_space<vmem_shared>>
      %dma_start3A_483 = arith.constant 0 : i32
      %dma_start3A_484 = tpu.memref_slice %arg19[%mul3A_480, %dma_start3A_483] : memref<10240x128xf32, #tpu.memory_space<vmem_shared>> -> memref<128x128xf32, #tpu.memory_space<vmem_shared>>
      tpu.enqueue_dma source(%arg11 : memref<128x128xf32, #tpu.memory_space<vmem>>) target(%dma_start3A_484 : memref<128x128xf32, #tpu.memory_space<vmem_shared>>) target_semaphore(%arg18 : memref<!tpu.dma_semaphore, #tpu.memory_space<semaphore_mem>>)
      %mul3A_485 = arith.constant 640 : i32
      %mul3A_486 = arith.muli %arg1, %mul3A_485 : i32
      %dma_wait3A_487 = arith.constant 0 : i32
      %dma_wait3A_488 = tpu.memref_slice %arg19[%mul3A_486, %dma_wait3A_487] : memref<10240x128xf32, #tpu.memory_space<vmem_shared>> -> memref<128x128xf32, #tpu.memory_space<vmem_shared>>
      %dma_wait3A_489 = arith.constant 0 : i32
      %dma_wait3A_490 = tpu.memref_slice %arg19[%mul3A_486, %dma_wait3A_489] : memref<10240x128xf32, #tpu.memory_space<vmem_shared>> -> memref<128x128xf32, #tpu.memory_space<vmem_shared>>
      tpu.wait_dma2 semaphore(%arg17 : memref<!tpu.dma_semaphore, #tpu.memory_space<semaphore_mem>>) src(%arg10 : memref<128x128xf32, #tpu.memory_space<vmem>>) dst(%dma_wait3A_490 : memref<128x128xf32, #tpu.memory_space<vmem_shared>>)
      %mul3A_491 = arith.constant 10240 : i32
      %mul3A_492 = arith.muli %arg0, %mul3A_491 : i32
      %dma_start3A_493 = arith.constant 0 : i32
      %dma_start3A_494 = tpu.memref_slice %arg2[%mul3A_492, %dma_start3A_493] : memref<20480x128xf32, #tpu.memory_space<hbm>> -> memref<128x128xf32, #tpu.memory_space<hbm>>
      %dma_start3A_495 = arith.constant 0 : i32
      %dma_start3A_496 = tpu.memref_slice %arg2[%mul3A_492, %dma_start3A_495] : memref<20480x128xf32, #tpu.memory_space<hbm>> -> memref<128x128xf32, #tpu.memory_space<hbm>>
      tpu.enqueue_dma source(%dma_start3A_496 : memref<128x128xf32, #tpu.memory_space<hbm>>) target(%arg10 : memref<128x128xf32, #tpu.memory_space<vmem>>) target_semaphore(%arg13 : memref<!tpu.dma_semaphore, #tpu.memory_space<semaphore_mem>>)
      %dma_wait3A_497 = arith.constant 6 : i32
      %dma_wait3A_498 = arith.constant 0 : i32
      %dma_wait3A_499 = tpu.memref_slice %arg8[%dma_wait3A_497, %dma_wait3A_498] : memref<8x128xi32, #tpu.memory_space<vmem>> -> memref<1x128xi32, #tpu.memory_space<vmem>>
      %dma_wait3A_500 = tpu.memref_squeeze %dma_wait3A_499 : memref<1x128xi32, #tpu.memory_space<vmem>> -> memref<128xi32, #tpu.memory_space<vmem>>
      %dma_wait3A_501 = arith.constant 0 : i32
      %dma_wait3A_502 = arith.constant 0 : i32
      %dma_wait3A_503 = tpu.memref_slice %arg2[%dma_wait3A_501, %dma_wait3A_502] : memref<20480x128xf32, #tpu.memory_space<hbm>> -> memref<20480x128xf32, #tpu.memory_space<hbm>>
      tpu.wait_indirect_dma semaphore(%arg13 : memref<!tpu.dma_semaphore, #tpu.memory_space<semaphore_mem>>) src(%dma_wait3A_503 : memref<20480x128xf32, #tpu.memory_space<hbm>>) dst(%arg10 : memref<128x128xf32, #tpu.memory_space<vmem>>)
      %mul3A_504 = arith.constant 640 : i32
      %mul3A_505 = arith.muli %arg1, %mul3A_504 : i32
      %dma_start3A_506 = arith.constant 0 : i32
      %dma_start3A_507 = tpu.memref_slice %arg19[%mul3A_505, %dma_start3A_506] : memref<10240x128xf32, #tpu.memory_space<vmem_shared>> -> memref<128x128xf32, #tpu.memory_space<vmem_shared>>
      %dma_start3A_508 = arith.constant 0 : i32
      %dma_start3A_509 = tpu.memref_slice %arg19[%mul3A_505, %dma_start3A_508] : memref<10240x128xf32, #tpu.memory_space<vmem_shared>> -> memref<128x128xf32, #tpu.memory_space<vmem_shared>>
      tpu.enqueue_dma source(%arg10 : memref<128x128xf32, #tpu.memory_space<vmem>>) target(%dma_start3A_509 : memref<128x128xf32, #tpu.memory_space<vmem_shared>>) target_semaphore(%arg17 : memref<!tpu.dma_semaphore, #tpu.memory_space<semaphore_mem>>)
      %mul3A_510 = arith.constant 640 : i32
      %mul3A_511 = arith.muli %arg1, %mul3A_510 : i32
      %dma_wait3A_512 = arith.constant 0 : i32
      %dma_wait3A_513 = tpu.memref_slice %arg19[%mul3A_511, %dma_wait3A_512] : memref<10240x128xf32, #tpu.memory_space<vmem_shared>> -> memref<128x128xf32, #tpu.memory_space<vmem_shared>>
      %dma_wait3A_514 = arith.constant 0 : i32
      %dma_wait3A_515 = tpu.memref_slice %arg19[%mul3A_511, %dma_wait3A_514] : memref<10240x128xf32, #tpu.memory_space<vmem_shared>> -> memref<128x128xf32, #tpu.memory_space<vmem_shared>>
      tpu.wait_dma2 semaphore(%arg18 : memref<!tpu.dma_semaphore, #tpu.memory_space<semaphore_mem>>) src(%arg11 : memref<128x128xf32, #tpu.memory_space<vmem>>) dst(%dma_wait3A_515 : memref<128x128xf32, #tpu.memory_space<vmem_shared>>)
      %mul3A_516 = arith.constant 10240 : i32
      %mul3A_517 = arith.muli %arg0, %mul3A_516 : i32
      %dma_start3A_518 = arith.constant 0 : i32
      %dma_start3A_519 = tpu.memref_slice %arg2[%mul3A_517, %dma_start3A_518] : memref<20480x128xf32, #tpu.memory_space<hbm>> -> memref<128x128xf32, #tpu.memory_space<hbm>>
      %dma_start3A_520 = arith.constant 0 : i32
      %dma_start3A_521 = tpu.memref_slice %arg2[%mul3A_517, %dma_start3A_520] : memref<20480x128xf32, #tpu.memory_space<hbm>> -> memref<128x128xf32, #tpu.memory_space<hbm>>
      tpu.enqueue_dma source(%dma_start3A_521 : memref<128x128xf32, #tpu.memory_space<hbm>>) target(%arg11 : memref<128x128xf32, #tpu.memory_space<vmem>>) target_semaphore(%arg14 : memref<!tpu.dma_semaphore, #tpu.memory_space<semaphore_mem>>)
      %dma_wait3A_522 = arith.constant 7 : i32
      %dma_wait3A_523 = arith.constant 0 : i32
      %dma_wait3A_524 = tpu.memref_slice %arg8[%dma_wait3A_522, %dma_wait3A_523] : memref<8x128xi32, #tpu.memory_space<vmem>> -> memref<1x128xi32, #tpu.memory_space<vmem>>
      %dma_wait3A_525 = tpu.memref_squeeze %dma_wait3A_524 : memref<1x128xi32, #tpu.memory_space<vmem>> -> memref<128xi32, #tpu.memory_space<vmem>>
      %dma_wait3A_526 = arith.constant 0 : i32
      %dma_wait3A_527 = arith.constant 0 : i32
      %dma_wait3A_528 = tpu.memref_slice %arg2[%dma_wait3A_526, %dma_wait3A_527] : memref<20480x128xf32, #tpu.memory_space<hbm>> -> memref<20480x128xf32, #tpu.memory_space<hbm>>
      tpu.wait_indirect_dma semaphore(%arg14 : memref<!tpu.dma_semaphore, #tpu.memory_space<semaphore_mem>>) src(%dma_wait3A_528 : memref<20480x128xf32, #tpu.memory_space<hbm>>) dst(%arg11 : memref<128x128xf32, #tpu.memory_space<vmem>>)
      %mul3A_529 = arith.constant 640 : i32
      %mul3A_530 = arith.muli %arg1, %mul3A_529 : i32
      %dma_start3A_531 = arith.constant 0 : i32
      %dma_start3A_532 = tpu.memref_slice %arg19[%mul3A_530, %dma_start3A_531] : memref<10240x128xf32, #tpu.memory_space<vmem_shared>> -> memref<128x128xf32, #tpu.memory_space<vmem_shared>>
      %dma_start3A_533 = arith.constant 0 : i32
      %dma_start3A_534 = tpu.memref_slice %arg19[%mul3A_530, %dma_start3A_533] : memref<10240x128xf32, #tpu.memory_space<vmem_shared>> -> memref<128x128xf32, #tpu.memory_space<vmem_shared>>
      tpu.enqueue_dma source(%arg11 : memref<128x128xf32, #tpu.memory_space<vmem>>) target(%dma_start3A_534 : memref<128x128xf32, #tpu.memory_space<vmem_shared>>) target_semaphore(%arg18 : memref<!tpu.dma_semaphore, #tpu.memory_space<semaphore_mem>>)
      %mul3A_535 = arith.constant 640 : i32
      %mul3A_536 = arith.muli %arg1, %mul3A_535 : i32
      %dma_wait3A_537 = arith.constant 0 : i32
      %dma_wait3A_538 = tpu.memref_slice %arg19[%mul3A_536, %dma_wait3A_537] : memref<10240x128xf32, #tpu.memory_space<vmem_shared>> -> memref<128x128xf32, #tpu.memory_space<vmem_shared>>
      %dma_wait3A_539 = arith.constant 0 : i32
      %dma_wait3A_540 = tpu.memref_slice %arg19[%mul3A_536, %dma_wait3A_539] : memref<10240x128xf32, #tpu.memory_space<vmem_shared>> -> memref<128x128xf32, #tpu.memory_space<vmem_shared>>
      tpu.wait_dma2 semaphore(%arg17 : memref<!tpu.dma_semaphore, #tpu.memory_space<semaphore_mem>>) src(%arg10 : memref<128x128xf32, #tpu.memory_space<vmem>>) dst(%dma_wait3A_540 : memref<128x128xf32, #tpu.memory_space<vmem_shared>>)
      %add3A_541 = arith.constant 1 : i32
      %add3A_542 = arith.addi %add3A_346, %add3A_541 : i32
      %mul3A_543 = arith.constant 8 : i32
      %mul3A_544 = arith.muli %add3A_542, %mul3A_543 : i32
      %add3A_545 = arith.addi %mul3A_2, %mul3A_544 : i32
      %dma_wait3A_546 = arith.constant 0 : i32
      %dma_wait3A_547 = tpu.memref_slice %arg3[%add3A_545, %dma_wait3A_546] : memref<5136x128xi32, #tpu.memory_space<hbm>> -> memref<8x128xi32, #tpu.memory_space<hbm>>
      %dma_wait3A_548 = arith.constant 0 : i32
      %dma_wait3A_549 = tpu.memref_slice %arg3[%add3A_545, %dma_wait3A_548] : memref<5136x128xi32, #tpu.memory_space<hbm>> -> memref<8x128xi32, #tpu.memory_space<hbm>>
      tpu.wait_dma2 semaphore(%arg15 : memref<!tpu.dma_semaphore, #tpu.memory_space<semaphore_mem>>) src(%dma_wait3A_549 : memref<8x128xi32, #tpu.memory_space<hbm>>) dst(%arg6 : memref<8x128xi32, #tpu.memory_space<vmem>>)
      %dma_wait3A_550 = arith.constant 0 : i32
      %dma_wait3A_551 = tpu.memref_slice %arg4[%add3A_545, %dma_wait3A_550] : memref<5136x128xi32, #tpu.memory_space<hbm>> -> memref<8x128xi32, #tpu.memory_space<hbm>>
      %dma_wait3A_552 = arith.constant 0 : i32
      %dma_wait3A_553 = tpu.memref_slice %arg4[%add3A_545, %dma_wait3A_552] : memref<5136x128xi32, #tpu.memory_space<hbm>> -> memref<8x128xi32, #tpu.memory_space<hbm>>
      tpu.wait_dma2 semaphore(%arg15 : memref<!tpu.dma_semaphore, #tpu.memory_space<semaphore_mem>>) src(%dma_wait3A_553 : memref<8x128xi32, #tpu.memory_space<hbm>>) dst(%arg7 : memref<8x128xi32, #tpu.memory_space<vmem>>)
      %add3A_554 = arith.constant 2 : i32
      %add3A_555 = arith.addi %add3A_346, %add3A_554 : i32
      %mul3A_556 = arith.constant 8 : i32
      %mul3A_557 = arith.muli %add3A_555, %mul3A_556 : i32
      %add3A_558 = arith.addi %mul3A_2, %mul3A_557 : i32
      %dma_start3A_559 = arith.constant 0 : i32
      %dma_start3A_560 = tpu.memref_slice %arg3[%add3A_558, %dma_start3A_559] : memref<5136x128xi32, #tpu.memory_space<hbm>> -> memref<8x128xi32, #tpu.memory_space<hbm>>
      %dma_start3A_561 = arith.constant 0 : i32
      %dma_start3A_562 = tpu.memref_slice %arg3[%add3A_558, %dma_start3A_561] : memref<5136x128xi32, #tpu.memory_space<hbm>> -> memref<8x128xi32, #tpu.memory_space<hbm>>
      tpu.enqueue_dma source(%dma_start3A_562 : memref<8x128xi32, #tpu.memory_space<hbm>>) target(%arg8 : memref<8x128xi32, #tpu.memory_space<vmem>>) target_semaphore(%arg16 : memref<!tpu.dma_semaphore, #tpu.memory_space<semaphore_mem>>)
      %dma_start3A_563 = arith.constant 0 : i32
      %dma_start3A_564 = tpu.memref_slice %arg4[%add3A_558, %dma_start3A_563] : memref<5136x128xi32, #tpu.memory_space<hbm>> -> memref<8x128xi32, #tpu.memory_space<hbm>>
      %dma_start3A_565 = arith.constant 0 : i32
      %dma_start3A_566 = tpu.memref_slice %arg4[%add3A_558, %dma_start3A_565] : memref<5136x128xi32, #tpu.memory_space<hbm>> -> memref<8x128xi32, #tpu.memory_space<hbm>>
      tpu.enqueue_dma source(%dma_start3A_566 : memref<8x128xi32, #tpu.memory_space<hbm>>) target(%arg9 : memref<8x128xi32, #tpu.memory_space<vmem>>) target_semaphore(%arg16 : memref<!tpu.dma_semaphore, #tpu.memory_space<semaphore_mem>>)
      %mul3A_567 = arith.constant 10240 : i32
      %mul3A_568 = arith.muli %arg0, %mul3A_567 : i32
      %dma_start3A_569 = arith.constant 0 : i32
      %dma_start3A_570 = tpu.memref_slice %arg2[%mul3A_568, %dma_start3A_569] : memref<20480x128xf32, #tpu.memory_space<hbm>> -> memref<128x128xf32, #tpu.memory_space<hbm>>
      %dma_start3A_571 = arith.constant 0 : i32
      %dma_start3A_572 = tpu.memref_slice %arg2[%mul3A_568, %dma_start3A_571] : memref<20480x128xf32, #tpu.memory_space<hbm>> -> memref<128x128xf32, #tpu.memory_space<hbm>>
      tpu.enqueue_dma source(%dma_start3A_572 : memref<128x128xf32, #tpu.memory_space<hbm>>) target(%arg10 : memref<128x128xf32, #tpu.memory_space<vmem>>) target_semaphore(%arg13 : memref<!tpu.dma_semaphore, #tpu.memory_space<semaphore_mem>>)
    }
    %scan3A_80 = arith.constant 10 : i32
    %dma_wait3A = arith.constant 0 : i32
    %dma_wait3A_81 = arith.constant 0 : i32
    %dma_wait3A_82 = tpu.memref_slice %arg6[%dma_wait3A, %dma_wait3A_81] : memref<8x128xi32, #tpu.memory_space<vmem>> -> memref<1x128xi32, #tpu.memory_space<vmem>>
    %dma_wait3A_83 = tpu.memref_squeeze %dma_wait3A_82 : memref<1x128xi32, #tpu.memory_space<vmem>> -> memref<128xi32, #tpu.memory_space<vmem>>
    %dma_wait3A_84 = arith.constant 0 : i32
    %dma_wait3A_85 = arith.constant 0 : i32
    %dma_wait3A_86 = tpu.memref_slice %arg2[%dma_wait3A_84, %dma_wait3A_85] : memref<20480x128xf32, #tpu.memory_space<hbm>> -> memref<20480x128xf32, #tpu.memory_space<hbm>>
    tpu.wait_indirect_dma semaphore(%arg13 : memref<!tpu.dma_semaphore, #tpu.memory_space<semaphore_mem>>) src(%dma_wait3A_86 : memref<20480x128xf32, #tpu.memory_space<hbm>>) dst(%arg10 : memref<128x128xf32, #tpu.memory_space<vmem>>)
    %dma_wait3A_87 = arith.constant 0 : i32
    %dma_wait3A_88 = arith.constant 0 : i32
    %dma_wait3A_89 = tpu.memref_slice %arg9[%dma_wait3A_87, %dma_wait3A_88] : memref<8x128xi32, #tpu.memory_space<vmem>> -> memref<1x128xi32, #tpu.memory_space<vmem>>
    %dma_wait3A_90 = tpu.memref_squeeze %dma_wait3A_89 : memref<1x128xi32, #tpu.memory_space<vmem>> -> memref<128xi32, #tpu.memory_space<vmem>>
    %dma_wait3A_91 = arith.constant 0 : i32
    %dma_wait3A_92 = arith.constant 0 : i32
    %dma_wait3A_93 = tpu.memref_slice %arg19[%dma_wait3A_91, %dma_wait3A_92] : memref<10240x128xf32, #tpu.memory_space<vmem_shared>> -> memref<10240x128xf32, #tpu.memory_space<vmem_shared>>
    tpu.wait_indirect_dma semaphore(%arg18 : memref<!tpu.dma_semaphore, #tpu.memory_space<semaphore_mem>>) src(%arg11 : memref<128x128xf32, #tpu.memory_space<vmem>>) dst(%dma_wait3A_93 : memref<10240x128xf32, #tpu.memory_space<vmem_shared>>)
    %add3A_94 = arith.constant 168 : i32
    %add3A_95 = arith.addi %mul3A_2, %add3A_94 : i32
    %dma_wait3A_96 = arith.constant 0 : i32
    %dma_wait3A_97 = tpu.memref_slice %arg3[%add3A_95, %dma_wait3A_96] : memref<5136x128xi32, #tpu.memory_space<hbm>> -> memref<8x128xi32, #tpu.memory_space<hbm>>
    %dma_wait3A_98 = arith.constant 0 : i32
    %dma_wait3A_99 = tpu.memref_slice %arg3[%add3A_95, %dma_wait3A_98] : memref<5136x128xi32, #tpu.memory_space<hbm>> -> memref<8x128xi32, #tpu.memory_space<hbm>>
    tpu.wait_dma2 semaphore(%arg16 : memref<!tpu.dma_semaphore, #tpu.memory_space<semaphore_mem>>) src(%dma_wait3A_99 : memref<8x128xi32, #tpu.memory_space<hbm>>) dst(%arg8 : memref<8x128xi32, #tpu.memory_space<vmem>>)
    %dma_wait3A_100 = arith.constant 0 : i32
    %dma_wait3A_101 = tpu.memref_slice %arg4[%add3A_95, %dma_wait3A_100] : memref<5136x128xi32, #tpu.memory_space<hbm>> -> memref<8x128xi32, #tpu.memory_space<hbm>>
    %dma_wait3A_102 = arith.constant 0 : i32
    %dma_wait3A_103 = tpu.memref_slice %arg4[%add3A_95, %dma_wait3A_102] : memref<5136x128xi32, #tpu.memory_space<hbm>> -> memref<8x128xi32, #tpu.memory_space<hbm>>
    tpu.wait_dma2 semaphore(%arg16 : memref<!tpu.dma_semaphore, #tpu.memory_space<semaphore_mem>>) src(%dma_wait3A_103 : memref<8x128xi32, #tpu.memory_space<hbm>>) dst(%arg9 : memref<8x128xi32, #tpu.memory_space<vmem>>)
    %barrier3A_104 = arith.constant 0 : index
    tpu.barrier barrier_id(%barrier3A_104)
    %mul3A_105 = arith.constant 640 : i32
    %mul3A_106 = arith.muli %arg1, %mul3A_105 : i32
    %mul3A_107 = arith.constant 10240 : i32
    %mul3A_108 = arith.muli %arg0, %mul3A_107 : i32
    %mul3A_109 = arith.constant 640 : i32
    %mul3A_110 = arith.muli %arg1, %mul3A_109 : i32
    %add3A_111 = arith.addi %mul3A_108, %mul3A_110 : i32
    "tpu.region"() ({
      %run_scoped3A = tpu.sem_alloc : memref<!tpu.dma_semaphore, #tpu.memory_space<semaphore_mem>>
      %dma_start3A_112 = arith.constant 0 : i32
      %dma_start3A_113 = tpu.memref_slice %arg5[%add3A_111, %dma_start3A_112] : memref<20480x128xf32, #tpu.memory_space<hbm>> -> memref<640x128xf32, #tpu.memory_space<hbm>>
      %dma_start3A_114 = arith.constant 0 : i32
      %dma_start3A_115 = tpu.memref_slice %arg19[%mul3A_106, %dma_start3A_114] : memref<10240x128xf32, #tpu.memory_space<vmem_shared>> -> memref<640x128xf32, #tpu.memory_space<vmem_shared>>
      tpu.enqueue_dma source(%dma_start3A_115 : memref<640x128xf32, #tpu.memory_space<vmem_shared>>) target(%dma_start3A_113 : memref<640x128xf32, #tpu.memory_space<hbm>>) target_semaphore(%run_scoped3A : memref<!tpu.dma_semaphore, #tpu.memory_space<semaphore_mem>>)
      %dma_wait3A_116 = arith.constant 0 : i32
      %dma_wait3A_117 = tpu.memref_slice %arg5[%add3A_111, %dma_wait3A_116] : memref<20480x128xf32, #tpu.memory_space<hbm>> -> memref<640x128xf32, #tpu.memory_space<hbm>>
      %dma_wait3A_118 = arith.constant 0 : i32
      %dma_wait3A_119 = tpu.memref_slice %arg19[%mul3A_106, %dma_wait3A_118] : memref<10240x128xf32, #tpu.memory_space<vmem_shared>> -> memref<640x128xf32, #tpu.memory_space<vmem_shared>>
      tpu.wait_dma2 semaphore(%run_scoped3A : memref<!tpu.dma_semaphore, #tpu.memory_space<semaphore_mem>>) src(%dma_wait3A_119 : memref<640x128xf32, #tpu.memory_space<vmem_shared>>) dst(%dma_wait3A_117 : memref<640x128xf32, #tpu.memory_space<hbm>>)
      tpu.yield
    }) : () -> ()
    return
  }
}

#map = affine_map<(d0, d1) -> (0)>
#map1 = affine_map<(d0, d1) -> (0, 0)>
module attributes {stable_mosaic.version = 14 : i64} {
  func.func @_inter_body(%arg0: i32, %arg1: i32, %arg2: memref<49152xf32, #tpu.memory_space<hbm>>, %arg3: memref<6144x128xi32, #tpu.memory_space<hbm>>, %arg4: memref<6144x128xi32, #tpu.memory_space<hbm>>, %arg5: memref<4352xf32, #tpu.memory_space<hbm>>, %arg6: memref<98304xf32, #tpu.memory_space<hbm>>, %arg7: memref<192x128xi32, #tpu.memory_space<vmem>>, %arg8: memref<192x128xi32, #tpu.memory_space<vmem>>, %arg9: memref<128xf32, #tpu.memory_space<vmem>>, %arg10: memref<128xf32, #tpu.memory_space<vmem>>, %arg11: memref<!tpu.dma_semaphore, #tpu.memory_space<semaphore_mem>>, %arg12: memref<!tpu.dma_semaphore, #tpu.memory_space<semaphore_mem>>, %arg13: memref<49152xf32, #tpu.memory_space<vmem_shared>>) attributes {dimension_semantics = [#tpu.dimension_semantics<core_parallel>, #tpu.dimension_semantics<subcore_parallel>], iteration_bounds = array<i64: 2, 16>, scalar_prefetch = 0 : i64, scratch_operands = 7 : i64, tpu.core_type = #tpu.core_type<sc_vector_subcore>, window_params = [{transform_indices = #map}, {transform_indices = #map1}, {transform_indices = #map1}, {transform_indices = #map}, {transform_indices = #map}]} {
    %mul3A = arith.constant 3072 : i32
    %mul3A_0 = arith.muli %arg1, %mul3A : i32
    "tpu.region"() ({
      %run_scoped3A_43 = tpu.sem_alloc : memref<!tpu.dma_semaphore, #tpu.memory_space<semaphore_mem>>
      %dma_start3A_44 = tpu.memref_slice %arg13[%mul3A_0] : memref<49152xf32, #tpu.memory_space<vmem_shared>> -> memref<3072xf32, #tpu.memory_space<vmem_shared>>
      %dma_start3A_45 = arith.constant 0 : i32
      %dma_start3A_46 = tpu.memref_slice %arg5[%dma_start3A_45] : memref<4352xf32, #tpu.memory_space<hbm>> -> memref<3072xf32, #tpu.memory_space<hbm>>
      tpu.enqueue_dma source(%dma_start3A_46 : memref<3072xf32, #tpu.memory_space<hbm>>) target(%dma_start3A_44 : memref<3072xf32, #tpu.memory_space<vmem_shared>>) target_semaphore(%run_scoped3A_43 : memref<!tpu.dma_semaphore, #tpu.memory_space<semaphore_mem>>)
      %dma_wait3A_47 = tpu.memref_slice %arg13[%mul3A_0] : memref<49152xf32, #tpu.memory_space<vmem_shared>> -> memref<3072xf32, #tpu.memory_space<vmem_shared>>
      %dma_wait3A_48 = arith.constant 0 : i32
      %dma_wait3A_49 = tpu.memref_slice %arg5[%dma_wait3A_48] : memref<4352xf32, #tpu.memory_space<hbm>> -> memref<3072xf32, #tpu.memory_space<hbm>>
      tpu.wait_dma2 semaphore(%run_scoped3A_43 : memref<!tpu.dma_semaphore, #tpu.memory_space<semaphore_mem>>) src(%dma_wait3A_49 : memref<3072xf32, #tpu.memory_space<hbm>>) dst(%dma_wait3A_47 : memref<3072xf32, #tpu.memory_space<vmem_shared>>)
      tpu.yield
    }) : () -> ()
    %mul3A_1 = arith.constant 16 : i32
    %mul3A_2 = arith.muli %arg0, %mul3A_1 : i32
    %add3A = arith.addi %mul3A_2, %arg1 : i32
    %mul3A_3 = arith.constant 192 : i32
    %mul3A_4 = arith.muli %add3A, %mul3A_3 : i32
    "tpu.region"() ({
      %run_scoped3A_43 = tpu.sem_alloc : memref<!tpu.dma_semaphore, #tpu.memory_space<semaphore_mem>>
      %dma_start3A_44 = arith.constant 0 : i32
      %dma_start3A_45 = tpu.memref_slice %arg3[%mul3A_4, %dma_start3A_44] : memref<6144x128xi32, #tpu.memory_space<hbm>> -> memref<192x128xi32, #tpu.memory_space<hbm>>
      %dma_start3A_46 = arith.constant 0 : i32
      %dma_start3A_47 = tpu.memref_slice %arg3[%mul3A_4, %dma_start3A_46] : memref<6144x128xi32, #tpu.memory_space<hbm>> -> memref<192x128xi32, #tpu.memory_space<hbm>>
      tpu.enqueue_dma source(%dma_start3A_47 : memref<192x128xi32, #tpu.memory_space<hbm>>) target(%arg7 : memref<192x128xi32, #tpu.memory_space<vmem>>) target_semaphore(%run_scoped3A_43 : memref<!tpu.dma_semaphore, #tpu.memory_space<semaphore_mem>>)
      %dma_wait3A_48 = arith.constant 0 : i32
      %dma_wait3A_49 = tpu.memref_slice %arg3[%mul3A_4, %dma_wait3A_48] : memref<6144x128xi32, #tpu.memory_space<hbm>> -> memref<192x128xi32, #tpu.memory_space<hbm>>
      %dma_wait3A_50 = arith.constant 0 : i32
      %dma_wait3A_51 = tpu.memref_slice %arg3[%mul3A_4, %dma_wait3A_50] : memref<6144x128xi32, #tpu.memory_space<hbm>> -> memref<192x128xi32, #tpu.memory_space<hbm>>
      tpu.wait_dma2 semaphore(%run_scoped3A_43 : memref<!tpu.dma_semaphore, #tpu.memory_space<semaphore_mem>>) src(%dma_wait3A_51 : memref<192x128xi32, #tpu.memory_space<hbm>>) dst(%arg7 : memref<192x128xi32, #tpu.memory_space<vmem>>)
      tpu.yield
    }) : () -> ()
    "tpu.region"() ({
      %run_scoped3A_43 = tpu.sem_alloc : memref<!tpu.dma_semaphore, #tpu.memory_space<semaphore_mem>>
      %dma_start3A_44 = arith.constant 0 : i32
      %dma_start3A_45 = tpu.memref_slice %arg4[%mul3A_4, %dma_start3A_44] : memref<6144x128xi32, #tpu.memory_space<hbm>> -> memref<192x128xi32, #tpu.memory_space<hbm>>
      %dma_start3A_46 = arith.constant 0 : i32
      %dma_start3A_47 = tpu.memref_slice %arg4[%mul3A_4, %dma_start3A_46] : memref<6144x128xi32, #tpu.memory_space<hbm>> -> memref<192x128xi32, #tpu.memory_space<hbm>>
      tpu.enqueue_dma source(%dma_start3A_47 : memref<192x128xi32, #tpu.memory_space<hbm>>) target(%arg8 : memref<192x128xi32, #tpu.memory_space<vmem>>) target_semaphore(%run_scoped3A_43 : memref<!tpu.dma_semaphore, #tpu.memory_space<semaphore_mem>>)
      %dma_wait3A_48 = arith.constant 0 : i32
      %dma_wait3A_49 = tpu.memref_slice %arg4[%mul3A_4, %dma_wait3A_48] : memref<6144x128xi32, #tpu.memory_space<hbm>> -> memref<192x128xi32, #tpu.memory_space<hbm>>
      %dma_wait3A_50 = arith.constant 0 : i32
      %dma_wait3A_51 = tpu.memref_slice %arg4[%mul3A_4, %dma_wait3A_50] : memref<6144x128xi32, #tpu.memory_space<hbm>> -> memref<192x128xi32, #tpu.memory_space<hbm>>
      tpu.wait_dma2 semaphore(%run_scoped3A_43 : memref<!tpu.dma_semaphore, #tpu.memory_space<semaphore_mem>>) src(%dma_wait3A_51 : memref<192x128xi32, #tpu.memory_space<hbm>>) dst(%arg8 : memref<192x128xi32, #tpu.memory_space<vmem>>)
      tpu.yield
    }) : () -> ()
    %barrier3A = arith.constant 0 : index
    tpu.barrier barrier_id(%barrier3A)
    %dma_start3A = arith.constant 0 : i32
    %dma_start3A_5 = arith.constant 0 : i32
    %dma_start3A_6 = tpu.memref_slice %arg7[%dma_start3A, %dma_start3A_5] : memref<192x128xi32, #tpu.memory_space<vmem>> -> memref<1x128xi32, #tpu.memory_space<vmem>>
    %dma_start3A_7 = tpu.memref_squeeze %dma_start3A_6 : memref<1x128xi32, #tpu.memory_space<vmem>> -> memref<128xi32, #tpu.memory_space<vmem>>
    %dma_start3A_8 = arith.constant 0 : i32
    %dma_start3A_9 = tpu.memref_slice %arg2[%dma_start3A_8] : memref<49152xf32, #tpu.memory_space<hbm>> -> memref<49152xf32, #tpu.memory_space<hbm>>
    tpu.enqueue_indirect_dma source(%dma_start3A_9 : memref<49152xf32, #tpu.memory_space<hbm>>) target(%arg9 : memref<128xf32, #tpu.memory_space<vmem>>) offsets(%dma_start3A_7 : memref<128xi32, #tpu.memory_space<vmem>>) semaphore(%arg11 : memref<!tpu.dma_semaphore, #tpu.memory_space<semaphore_mem>>)
    %scan3A = arith.constant 0 : i32
    %scan3A_10 = arith.constant 0 : i32
    %scan3A_11 = arith.constant 95 : i32
    %scan3A_12 = arith.addi %scan3A_10, %scan3A_11 : i32
    %scan3A_13 = arith.constant 1 : i32
    scf.for %scan3A_43 = %scan3A_10 to %scan3A_12 step %scan3A_13  : i32 {
      %mul3A_44 = arith.constant 2 : i32
      %mul3A_45 = arith.muli %mul3A_44, %scan3A_43 : i32
      %dma_wait3A_46 = arith.constant 0 : i32
      %dma_wait3A_47 = tpu.memref_slice %arg7[%mul3A_45, %dma_wait3A_46] : memref<192x128xi32, #tpu.memory_space<vmem>> -> memref<1x128xi32, #tpu.memory_space<vmem>>
      %dma_wait3A_48 = tpu.memref_squeeze %dma_wait3A_47 : memref<1x128xi32, #tpu.memory_space<vmem>> -> memref<128xi32, #tpu.memory_space<vmem>>
      %dma_wait3A_49 = arith.constant 0 : i32
      %dma_wait3A_50 = tpu.memref_slice %arg2[%dma_wait3A_49] : memref<49152xf32, #tpu.memory_space<hbm>> -> memref<49152xf32, #tpu.memory_space<hbm>>
      tpu.wait_indirect_dma semaphore(%arg11 : memref<!tpu.dma_semaphore, #tpu.memory_space<semaphore_mem>>) src(%dma_wait3A_50 : memref<49152xf32, #tpu.memory_space<hbm>>) dst(%arg9 : memref<128xf32, #tpu.memory_space<vmem>>)
      %add3A_51 = arith.constant 1 : i32
      %add3A_52 = arith.addi %mul3A_45, %add3A_51 : i32
      %dma_start3A_53 = arith.constant 0 : i32
      %dma_start3A_54 = tpu.memref_slice %arg7[%add3A_52, %dma_start3A_53] : memref<192x128xi32, #tpu.memory_space<vmem>> -> memref<1x128xi32, #tpu.memory_space<vmem>>
      %dma_start3A_55 = tpu.memref_squeeze %dma_start3A_54 : memref<1x128xi32, #tpu.memory_space<vmem>> -> memref<128xi32, #tpu.memory_space<vmem>>
      %dma_start3A_56 = arith.constant 0 : i32
      %dma_start3A_57 = tpu.memref_slice %arg2[%dma_start3A_56] : memref<49152xf32, #tpu.memory_space<hbm>> -> memref<49152xf32, #tpu.memory_space<hbm>>
      tpu.enqueue_indirect_dma source(%dma_start3A_57 : memref<49152xf32, #tpu.memory_space<hbm>>) target(%arg10 : memref<128xf32, #tpu.memory_space<vmem>>) offsets(%dma_start3A_55 : memref<128xi32, #tpu.memory_space<vmem>>) semaphore(%arg12 : memref<!tpu.dma_semaphore, #tpu.memory_space<semaphore_mem>>)
      "tpu.region"() ({
        %run_scoped3A_74 = tpu.sem_alloc : memref<!tpu.dma_semaphore, #tpu.memory_space<semaphore_mem>>
        %dma_start3A_75 = arith.constant 0 : i32
        %dma_start3A_76 = tpu.memref_slice %arg8[%mul3A_45, %dma_start3A_75] : memref<192x128xi32, #tpu.memory_space<vmem>> -> memref<1x128xi32, #tpu.memory_space<vmem>>
        %dma_start3A_77 = tpu.memref_squeeze %dma_start3A_76 : memref<1x128xi32, #tpu.memory_space<vmem>> -> memref<128xi32, #tpu.memory_space<vmem>>
        %dma_start3A_78 = arith.constant 0 : i32
        %dma_start3A_79 = tpu.memref_slice %arg13[%dma_start3A_78] : memref<49152xf32, #tpu.memory_space<vmem_shared>> -> memref<49152xf32, #tpu.memory_space<vmem_shared>>
        tpu.enqueue_indirect_dma source(%arg9 : memref<128xf32, #tpu.memory_space<vmem>>) target(%dma_start3A_79 : memref<49152xf32, #tpu.memory_space<vmem_shared>>) offsets(%dma_start3A_77 : memref<128xi32, #tpu.memory_space<vmem>>) semaphore(%run_scoped3A_74 : memref<!tpu.dma_semaphore, #tpu.memory_space<semaphore_mem>>) {add = true}
        %dma_wait3A_80 = arith.constant 0 : i32
        %dma_wait3A_81 = tpu.memref_slice %arg8[%mul3A_45, %dma_wait3A_80] : memref<192x128xi32, #tpu.memory_space<vmem>> -> memref<1x128xi32, #tpu.memory_space<vmem>>
        %dma_wait3A_82 = tpu.memref_squeeze %dma_wait3A_81 : memref<1x128xi32, #tpu.memory_space<vmem>> -> memref<128xi32, #tpu.memory_space<vmem>>
        %dma_wait3A_83 = arith.constant 0 : i32
        %dma_wait3A_84 = tpu.memref_slice %arg13[%dma_wait3A_83] : memref<49152xf32, #tpu.memory_space<vmem_shared>> -> memref<49152xf32, #tpu.memory_space<vmem_shared>>
        tpu.wait_indirect_dma semaphore(%run_scoped3A_74 : memref<!tpu.dma_semaphore, #tpu.memory_space<semaphore_mem>>) src(%arg9 : memref<128xf32, #tpu.memory_space<vmem>>) dst(%dma_wait3A_84 : memref<49152xf32, #tpu.memory_space<vmem_shared>>)
        tpu.yield
      }) : () -> ()
      %add3A_58 = arith.constant 1 : i32
      %add3A_59 = arith.addi %mul3A_45, %add3A_58 : i32
      %dma_wait3A_60 = arith.constant 0 : i32
      %dma_wait3A_61 = tpu.memref_slice %arg7[%add3A_59, %dma_wait3A_60] : memref<192x128xi32, #tpu.memory_space<vmem>> -> memref<1x128xi32, #tpu.memory_space<vmem>>
      %dma_wait3A_62 = tpu.memref_squeeze %dma_wait3A_61 : memref<1x128xi32, #tpu.memory_space<vmem>> -> memref<128xi32, #tpu.memory_space<vmem>>
      %dma_wait3A_63 = arith.constant 0 : i32
      %dma_wait3A_64 = tpu.memref_slice %arg2[%dma_wait3A_63] : memref<49152xf32, #tpu.memory_space<hbm>> -> memref<49152xf32, #tpu.memory_space<hbm>>
      tpu.wait_indirect_dma semaphore(%arg12 : memref<!tpu.dma_semaphore, #tpu.memory_space<semaphore_mem>>) src(%dma_wait3A_64 : memref<49152xf32, #tpu.memory_space<hbm>>) dst(%arg10 : memref<128xf32, #tpu.memory_space<vmem>>)
      %add3A_65 = arith.constant 2 : i32
      %add3A_66 = arith.addi %mul3A_45, %add3A_65 : i32
      %dma_start3A_67 = arith.constant 0 : i32
      %dma_start3A_68 = tpu.memref_slice %arg7[%add3A_66, %dma_start3A_67] : memref<192x128xi32, #tpu.memory_space<vmem>> -> memref<1x128xi32, #tpu.memory_space<vmem>>
      %dma_start3A_69 = tpu.memref_squeeze %dma_start3A_68 : memref<1x128xi32, #tpu.memory_space<vmem>> -> memref<128xi32, #tpu.memory_space<vmem>>
      %dma_start3A_70 = arith.constant 0 : i32
      %dma_start3A_71 = tpu.memref_slice %arg2[%dma_start3A_70] : memref<49152xf32, #tpu.memory_space<hbm>> -> memref<49152xf32, #tpu.memory_space<hbm>>
      tpu.enqueue_indirect_dma source(%dma_start3A_71 : memref<49152xf32, #tpu.memory_space<hbm>>) target(%arg9 : memref<128xf32, #tpu.memory_space<vmem>>) offsets(%dma_start3A_69 : memref<128xi32, #tpu.memory_space<vmem>>) semaphore(%arg11 : memref<!tpu.dma_semaphore, #tpu.memory_space<semaphore_mem>>)
      %add3A_72 = arith.constant 1 : i32
      %add3A_73 = arith.addi %mul3A_45, %add3A_72 : i32
      "tpu.region"() ({
        %run_scoped3A_74 = tpu.sem_alloc : memref<!tpu.dma_semaphore, #tpu.memory_space<semaphore_mem>>
        %dma_start3A_75 = arith.constant 0 : i32
        %dma_start3A_76 = tpu.memref_slice %arg8[%add3A_73, %dma_start3A_75] : memref<192x128xi32, #tpu.memory_space<vmem>> -> memref<1x128xi32, #tpu.memory_space<vmem>>
        %dma_start3A_77 = tpu.memref_squeeze %dma_start3A_76 : memref<1x128xi32, #tpu.memory_space<vmem>> -> memref<128xi32, #tpu.memory_space<vmem>>
        %dma_start3A_78 = arith.constant 0 : i32
        %dma_start3A_79 = tpu.memref_slice %arg13[%dma_start3A_78] : memref<49152xf32, #tpu.memory_space<vmem_shared>> -> memref<49152xf32, #tpu.memory_space<vmem_shared>>
        tpu.enqueue_indirect_dma source(%arg10 : memref<128xf32, #tpu.memory_space<vmem>>) target(%dma_start3A_79 : memref<49152xf32, #tpu.memory_space<vmem_shared>>) offsets(%dma_start3A_77 : memref<128xi32, #tpu.memory_space<vmem>>) semaphore(%run_scoped3A_74 : memref<!tpu.dma_semaphore, #tpu.memory_space<semaphore_mem>>) {add = true}
        %dma_wait3A_80 = arith.constant 0 : i32
        %dma_wait3A_81 = tpu.memref_slice %arg8[%add3A_73, %dma_wait3A_80] : memref<192x128xi32, #tpu.memory_space<vmem>> -> memref<1x128xi32, #tpu.memory_space<vmem>>
        %dma_wait3A_82 = tpu.memref_squeeze %dma_wait3A_81 : memref<1x128xi32, #tpu.memory_space<vmem>> -> memref<128xi32, #tpu.memory_space<vmem>>
        %dma_wait3A_83 = arith.constant 0 : i32
        %dma_wait3A_84 = tpu.memref_slice %arg13[%dma_wait3A_83] : memref<49152xf32, #tpu.memory_space<vmem_shared>> -> memref<49152xf32, #tpu.memory_space<vmem_shared>>
        tpu.wait_indirect_dma semaphore(%run_scoped3A_74 : memref<!tpu.dma_semaphore, #tpu.memory_space<semaphore_mem>>) src(%arg10 : memref<128xf32, #tpu.memory_space<vmem>>) dst(%dma_wait3A_84 : memref<49152xf32, #tpu.memory_space<vmem_shared>>)
        tpu.yield
      }) : () -> ()
    }
    %scan3A_14 = arith.constant 95 : i32
    %dma_wait3A = arith.constant 190 : i32
    %dma_wait3A_15 = arith.constant 0 : i32
    %dma_wait3A_16 = tpu.memref_slice %arg7[%dma_wait3A, %dma_wait3A_15] : memref<192x128xi32, #tpu.memory_space<vmem>> -> memref<1x128xi32, #tpu.memory_space<vmem>>
    %dma_wait3A_17 = tpu.memref_squeeze %dma_wait3A_16 : memref<1x128xi32, #tpu.memory_space<vmem>> -> memref<128xi32, #tpu.memory_space<vmem>>
    %dma_wait3A_18 = arith.constant 0 : i32
    %dma_wait3A_19 = tpu.memref_slice %arg2[%dma_wait3A_18] : memref<49152xf32, #tpu.memory_space<hbm>> -> memref<49152xf32, #tpu.memory_space<hbm>>
    tpu.wait_indirect_dma semaphore(%arg11 : memref<!tpu.dma_semaphore, #tpu.memory_space<semaphore_mem>>) src(%dma_wait3A_19 : memref<49152xf32, #tpu.memory_space<hbm>>) dst(%arg9 : memref<128xf32, #tpu.memory_space<vmem>>)
    %dma_start3A_20 = arith.constant 191 : i32
    %dma_start3A_21 = arith.constant 0 : i32
    %dma_start3A_22 = tpu.memref_slice %arg7[%dma_start3A_20, %dma_start3A_21] : memref<192x128xi32, #tpu.memory_space<vmem>> -> memref<1x128xi32, #tpu.memory_space<vmem>>
    %dma_start3A_23 = tpu.memref_squeeze %dma_start3A_22 : memref<1x128xi32, #tpu.memory_space<vmem>> -> memref<128xi32, #tpu.memory_space<vmem>>
    %dma_start3A_24 = arith.constant 0 : i32
    %dma_start3A_25 = tpu.memref_slice %arg2[%dma_start3A_24] : memref<49152xf32, #tpu.memory_space<hbm>> -> memref<49152xf32, #tpu.memory_space<hbm>>
    tpu.enqueue_indirect_dma source(%dma_start3A_25 : memref<49152xf32, #tpu.memory_space<hbm>>) target(%arg10 : memref<128xf32, #tpu.memory_space<vmem>>) offsets(%dma_start3A_23 : memref<128xi32, #tpu.memory_space<vmem>>) semaphore(%arg12 : memref<!tpu.dma_semaphore, #tpu.memory_space<semaphore_mem>>)
    %run_scoped3A = arith.constant 190 : i32
    "tpu.region"() ({
      %run_scoped3A_43 = tpu.sem_alloc : memref<!tpu.dma_semaphore, #tpu.memory_space<semaphore_mem>>
      %dma_start3A_44 = arith.constant 0 : i32
      %dma_start3A_45 = tpu.memref_slice %arg8[%run_scoped3A, %dma_start3A_44] : memref<192x128xi32, #tpu.memory_space<vmem>> -> memref<1x128xi32, #tpu.memory_space<vmem>>
      %dma_start3A_46 = tpu.memref_squeeze %dma_start3A_45 : memref<1x128xi32, #tpu.memory_space<vmem>> -> memref<128xi32, #tpu.memory_space<vmem>>
      %dma_start3A_47 = arith.constant 0 : i32
      %dma_start3A_48 = tpu.memref_slice %arg13[%dma_start3A_47] : memref<49152xf32, #tpu.memory_space<vmem_shared>> -> memref<49152xf32, #tpu.memory_space<vmem_shared>>
      tpu.enqueue_indirect_dma source(%arg9 : memref<128xf32, #tpu.memory_space<vmem>>) target(%dma_start3A_48 : memref<49152xf32, #tpu.memory_space<vmem_shared>>) offsets(%dma_start3A_46 : memref<128xi32, #tpu.memory_space<vmem>>) semaphore(%run_scoped3A_43 : memref<!tpu.dma_semaphore, #tpu.memory_space<semaphore_mem>>) {add = true}
      %dma_wait3A_49 = arith.constant 0 : i32
      %dma_wait3A_50 = tpu.memref_slice %arg8[%run_scoped3A, %dma_wait3A_49] : memref<192x128xi32, #tpu.memory_space<vmem>> -> memref<1x128xi32, #tpu.memory_space<vmem>>
      %dma_wait3A_51 = tpu.memref_squeeze %dma_wait3A_50 : memref<1x128xi32, #tpu.memory_space<vmem>> -> memref<128xi32, #tpu.memory_space<vmem>>
      %dma_wait3A_52 = arith.constant 0 : i32
      %dma_wait3A_53 = tpu.memref_slice %arg13[%dma_wait3A_52] : memref<49152xf32, #tpu.memory_space<vmem_shared>> -> memref<49152xf32, #tpu.memory_space<vmem_shared>>
      tpu.wait_indirect_dma semaphore(%run_scoped3A_43 : memref<!tpu.dma_semaphore, #tpu.memory_space<semaphore_mem>>) src(%arg9 : memref<128xf32, #tpu.memory_space<vmem>>) dst(%dma_wait3A_53 : memref<49152xf32, #tpu.memory_space<vmem_shared>>)
      tpu.yield
    }) : () -> ()
    %dma_wait3A_26 = arith.constant 191 : i32
    %dma_wait3A_27 = arith.constant 0 : i32
    %dma_wait3A_28 = tpu.memref_slice %arg7[%dma_wait3A_26, %dma_wait3A_27] : memref<192x128xi32, #tpu.memory_space<vmem>> -> memref<1x128xi32, #tpu.memory_space<vmem>>
    %dma_wait3A_29 = tpu.memref_squeeze %dma_wait3A_28 : memref<1x128xi32, #tpu.memory_space<vmem>> -> memref<128xi32, #tpu.memory_space<vmem>>
    %dma_wait3A_30 = arith.constant 0 : i32
    %dma_wait3A_31 = tpu.memref_slice %arg2[%dma_wait3A_30] : memref<49152xf32, #tpu.memory_space<hbm>> -> memref<49152xf32, #tpu.memory_space<hbm>>
    tpu.wait_indirect_dma semaphore(%arg12 : memref<!tpu.dma_semaphore, #tpu.memory_space<semaphore_mem>>) src(%dma_wait3A_31 : memref<49152xf32, #tpu.memory_space<hbm>>) dst(%arg10 : memref<128xf32, #tpu.memory_space<vmem>>)
    %run_scoped3A_32 = arith.constant 191 : i32
    "tpu.region"() ({
      %run_scoped3A_43 = tpu.sem_alloc : memref<!tpu.dma_semaphore, #tpu.memory_space<semaphore_mem>>
      %dma_start3A_44 = arith.constant 0 : i32
      %dma_start3A_45 = tpu.memref_slice %arg8[%run_scoped3A_32, %dma_start3A_44] : memref<192x128xi32, #tpu.memory_space<vmem>> -> memref<1x128xi32, #tpu.memory_space<vmem>>
      %dma_start3A_46 = tpu.memref_squeeze %dma_start3A_45 : memref<1x128xi32, #tpu.memory_space<vmem>> -> memref<128xi32, #tpu.memory_space<vmem>>
      %dma_start3A_47 = arith.constant 0 : i32
      %dma_start3A_48 = tpu.memref_slice %arg13[%dma_start3A_47] : memref<49152xf32, #tpu.memory_space<vmem_shared>> -> memref<49152xf32, #tpu.memory_space<vmem_shared>>
      tpu.enqueue_indirect_dma source(%arg10 : memref<128xf32, #tpu.memory_space<vmem>>) target(%dma_start3A_48 : memref<49152xf32, #tpu.memory_space<vmem_shared>>) offsets(%dma_start3A_46 : memref<128xi32, #tpu.memory_space<vmem>>) semaphore(%run_scoped3A_43 : memref<!tpu.dma_semaphore, #tpu.memory_space<semaphore_mem>>) {add = true}
      %dma_wait3A_49 = arith.constant 0 : i32
      %dma_wait3A_50 = tpu.memref_slice %arg8[%run_scoped3A_32, %dma_wait3A_49] : memref<192x128xi32, #tpu.memory_space<vmem>> -> memref<1x128xi32, #tpu.memory_space<vmem>>
      %dma_wait3A_51 = tpu.memref_squeeze %dma_wait3A_50 : memref<1x128xi32, #tpu.memory_space<vmem>> -> memref<128xi32, #tpu.memory_space<vmem>>
      %dma_wait3A_52 = arith.constant 0 : i32
      %dma_wait3A_53 = tpu.memref_slice %arg13[%dma_wait3A_52] : memref<49152xf32, #tpu.memory_space<vmem_shared>> -> memref<49152xf32, #tpu.memory_space<vmem_shared>>
      tpu.wait_indirect_dma semaphore(%run_scoped3A_43 : memref<!tpu.dma_semaphore, #tpu.memory_space<semaphore_mem>>) src(%arg10 : memref<128xf32, #tpu.memory_space<vmem>>) dst(%dma_wait3A_53 : memref<49152xf32, #tpu.memory_space<vmem_shared>>)
      tpu.yield
    }) : () -> ()
    %barrier3A_33 = arith.constant 0 : index
    tpu.barrier barrier_id(%barrier3A_33)
    %mul3A_34 = arith.constant 3072 : i32
    %mul3A_35 = arith.muli %arg1, %mul3A_34 : i32
    %mul3A_36 = arith.constant 3 : i32
    %mul3A_37 = arith.muli %arg0, %mul3A_36 : i32
    %mul3A_38 = arith.constant 16384 : i32
    %mul3A_39 = arith.muli %mul3A_37, %mul3A_38 : i32
    %mul3A_40 = arith.constant 3072 : i32
    %mul3A_41 = arith.muli %arg1, %mul3A_40 : i32
    %add3A_42 = arith.addi %mul3A_39, %mul3A_41 : i32
    "tpu.region"() ({
      %run_scoped3A_43 = tpu.sem_alloc : memref<!tpu.dma_semaphore, #tpu.memory_space<semaphore_mem>>
      %dma_start3A_44 = tpu.memref_slice %arg6[%add3A_42] : memref<98304xf32, #tpu.memory_space<hbm>> -> memref<3072xf32, #tpu.memory_space<hbm>>
      %dma_start3A_45 = tpu.memref_slice %arg13[%mul3A_35] : memref<49152xf32, #tpu.memory_space<vmem_shared>> -> memref<3072xf32, #tpu.memory_space<vmem_shared>>
      tpu.enqueue_dma source(%dma_start3A_45 : memref<3072xf32, #tpu.memory_space<vmem_shared>>) target(%dma_start3A_44 : memref<3072xf32, #tpu.memory_space<hbm>>) target_semaphore(%run_scoped3A_43 : memref<!tpu.dma_semaphore, #tpu.memory_space<semaphore_mem>>)
      %dma_wait3A_46 = tpu.memref_slice %arg6[%add3A_42] : memref<98304xf32, #tpu.memory_space<hbm>> -> memref<3072xf32, #tpu.memory_space<hbm>>
      %dma_wait3A_47 = tpu.memref_slice %arg13[%mul3A_35] : memref<49152xf32, #tpu.memory_space<vmem_shared>> -> memref<3072xf32, #tpu.memory_space<vmem_shared>>
      tpu.wait_dma2 semaphore(%run_scoped3A_43 : memref<!tpu.dma_semaphore, #tpu.memory_space<semaphore_mem>>) src(%dma_wait3A_47 : memref<3072xf32, #tpu.memory_space<vmem_shared>>) dst(%dma_wait3A_46 : memref<3072xf32, #tpu.memory_space<hbm>>)
      tpu.yield
    }) : () -> ()
    return
  }
}

module attributes {stable_mosaic.version = 14 : i64} {
  func.func @_tc_pre_body(%arg0: i32, %arg1: memref<1280x128xf32, #tpu.memory_space<vmem>>, %arg2: memref<2x1280xf32, #tpu.memory_space<vmem>>, %arg3: memref<128x128xf32, #tpu.memory_space<vmem>>, %arg4: memref<1280x128xf32, #tpu.memory_space<vmem>>) attributes {dimension_semantics = [#tpu.dimension_semantics<arbitrary>], iteration_bounds = array<i64: 16>, scalar_prefetch = 0 : i64, scratch_operands = 0 : i64, tpu.core_type = #tpu.core_type<tc>, window_params = [{transform_indices = @transform_0, window_bounds = array<i64: 1280, 128>}, {transform_indices = @transform_1, window_bounds = array<i64: 2, 1280>}, {pipeline_mode = #tpu.pipeline_mode<synchronous>, transform_indices = @transform_2, window_bounds = array<i64: 128, 128>}, {transform_indices = @transform_3, window_bounds = array<i64: 1280, 128>}]} {
    %get3A = arith.constant 0 : index
    %get3A_0 = arith.constant 0 : index
    %get3A_1 = vector.load %arg2[%get3A, %get3A_0] : memref<2x1280xf32, #tpu.memory_space<vmem>>, vector<1x1280xf32>
    %get3A_2 = vector.shape_cast %get3A_1 : vector<1x1280xf32> to vector<1280xf32>
    %get3A_3 = arith.constant 1 : index
    %get3A_4 = arith.constant 0 : index
    %get3A_5 = vector.load %arg2[%get3A_3, %get3A_4] : memref<2x1280xf32, #tpu.memory_space<vmem>>, vector<1x1280xf32>
    %get3A_6 = vector.shape_cast %get3A_5 : vector<1x1280xf32> to vector<1280xf32>
    %add3A = arith.addf %get3A_2, %get3A_6 : vector<1280xf32>
    %add3A_7 = arith.constant 1.000000e+00 : f32
    %add3A_8 = vector.broadcast %add3A_7 : f32 to vector<1280xf32>
    %add3A_9 = arith.addf %add3A, %add3A_8 : vector<1280xf32>
    %rsqrt3A = math.rsqrt %add3A_9 : vector<1280xf32>
    %get3A_10 = arith.constant 0 : index
    %get3A_11 = arith.constant 0 : index
    %get3A_12 = vector.load %arg1[%get3A_10, %get3A_11] : memref<1280x128xf32, #tpu.memory_space<vmem>>, vector<1280x128xf32>
    %get3A_13 = arith.constant 0 : index
    %get3A_14 = arith.constant 0 : index
    %get3A_15 = vector.load %arg3[%get3A_13, %get3A_14] : memref<128x128xf32, #tpu.memory_space<vmem>>, vector<128x128xf32>
    %dot_general3A = arith.constant dense<0.000000e+00> : vector<1280x128xf32>
    %dot_general3A_16 = tpu.matmul %get3A_12, %get3A_15, %dot_general3A {dimension_numbers = #tpu.dot_dimension_numbers<[1], [0], [0], [1], [0, 0, 1, 1], [], []>, transpose_lhs_hint = false} : vector<1280x128xf32>, vector<128x128xf32>, vector<1280x128xf32> -> vector<1280x128xf32>
    %broadcast_in_dim3A = vector.shape_cast %rsqrt3A : vector<1280xf32> to vector<1280x1xf32>
    %mul3A = vector.broadcast %broadcast_in_dim3A : vector<1280x1xf32> to vector<1280x128xf32>
    %mul3A_17 = arith.mulf %mul3A, %dot_general3A_16 : vector<1280x128xf32>
    %swap3A = arith.constant 0 : index
    %swap3A_18 = arith.constant 0 : index
    %swap3A_19 = vector.load %arg4[%swap3A, %swap3A_18] : memref<1280x128xf32, #tpu.memory_space<vmem>>, vector<1280x128xf32>
    tpu.vector_store %arg4[%swap3A, %swap3A_18], %mul3A_17 {strides = array<i32>} : memref<1280x128xf32, #tpu.memory_space<vmem>>, vector<1280x128xf32>,
    return
  }
  func.func @transform_0(%arg0: i32) -> (i32, i32) {
    %c0_i32 = arith.constant 0 : i32
    %c0_i32_0 = arith.constant 0 : i32
    return %arg0, %c0_i32 : i32, i32
  }
  func.func @transform_1(%arg0: i32) -> (i32, i32) {
    %c0_i32 = arith.constant 0 : i32
    %c0_i32_0 = arith.constant 0 : i32
    return %c0_i32, %arg0 : i32, i32
  }
  func.func @transform_2(%arg0: i32) -> (i32, i32) {
    %c0_i32 = arith.constant 0 : i32
    %c0_i32_0 = arith.constant 0 : i32
    %c0_i32_1 = arith.constant 0 : i32
    return %c0_i32, %c0_i32_0 : i32, i32
  }
  func.func @transform_3(%arg0: i32) -> (i32, i32) {
    %c0_i32 = arith.constant 0 : i32
    %c0_i32_0 = arith.constant 0 : i32
    return %arg0, %c0_i32 : i32, i32
  }
}

module attributes {stable_mosaic.version = 14 : i64} {
  func.func @_tc_mid_body(%arg0: i32, %arg1: memref<1280x128xf32, #tpu.memory_space<vmem>>, %arg2: memref<2x1280xf32, #tpu.memory_space<vmem>>, %arg3: memref<1x128xf32, #tpu.memory_space<vmem>>, %arg4: memref<128x128xf32, #tpu.memory_space<vmem>>, %arg5: memref<1280x128xf32, #tpu.memory_space<vmem>>) attributes {dimension_semantics = [#tpu.dimension_semantics<arbitrary>], iteration_bounds = array<i64: 16>, scalar_prefetch = 0 : i64, scratch_operands = 0 : i64, tpu.core_type = #tpu.core_type<tc>, window_params = [{transform_indices = @transform_0, window_bounds = array<i64: 1280, 128>}, {transform_indices = @transform_1, window_bounds = array<i64: 2, 1280>}, {pipeline_mode = #tpu.pipeline_mode<synchronous>, transform_indices = @transform_2, window_bounds = array<i64: 1, 128>}, {pipeline_mode = #tpu.pipeline_mode<synchronous>, transform_indices = @transform_3, window_bounds = array<i64: 128, 128>}, {transform_indices = @transform_4, window_bounds = array<i64: 1280, 128>}]} {
    %get3A = arith.constant 0 : index
    %get3A_0 = arith.constant 0 : index
    %get3A_1 = vector.load %arg2[%get3A, %get3A_0] : memref<2x1280xf32, #tpu.memory_space<vmem>>, vector<1x1280xf32>
    %get3A_2 = vector.shape_cast %get3A_1 : vector<1x1280xf32> to vector<1280xf32>
    %get3A_3 = arith.constant 1 : index
    %get3A_4 = arith.constant 0 : index
    %get3A_5 = vector.load %arg2[%get3A_3, %get3A_4] : memref<2x1280xf32, #tpu.memory_space<vmem>>, vector<1x1280xf32>
    %get3A_6 = vector.shape_cast %get3A_5 : vector<1x1280xf32> to vector<1280xf32>
    %add3A = arith.addf %get3A_2, %get3A_6 : vector<1280xf32>
    %add3A_7 = arith.constant 1.000000e+00 : f32
    %add3A_8 = vector.broadcast %add3A_7 : f32 to vector<1280xf32>
    %add3A_9 = arith.addf %add3A, %add3A_8 : vector<1280xf32>
    %rsqrt3A = math.rsqrt %add3A_9 : vector<1280xf32>
    %broadcast_in_dim3A = vector.shape_cast %rsqrt3A : vector<1280xf32> to vector<1280x1xf32>
    %get3A_10 = arith.constant 0 : index
    %get3A_11 = arith.constant 0 : index
    %get3A_12 = vector.load %arg1[%get3A_10, %get3A_11] : memref<1280x128xf32, #tpu.memory_space<vmem>>, vector<1280x128xf32>
    %mul3A = vector.broadcast %broadcast_in_dim3A : vector<1280x1xf32> to vector<1280x128xf32>
    %mul3A_13 = arith.mulf %mul3A, %get3A_12 : vector<1280x128xf32>
    %get3A_14 = arith.constant 0 : index
    %get3A_15 = arith.constant 0 : index
    %get3A_16 = vector.load %arg3[%get3A_14, %get3A_15] : memref<1x128xf32, #tpu.memory_space<vmem>>, vector<1x128xf32>
    %add3A_17 = vector.broadcast %get3A_16 : vector<1x128xf32> to vector<1280x128xf32>
    %add3A_18 = arith.addf %mul3A_13, %add3A_17 : vector<1280x128xf32>
    %max3A = arith.constant 0.000000e+00 : f32
    %max3A_19 = vector.broadcast %max3A : f32 to vector<1280x128xf32>
    %max3A_20 = arith.maximumf %add3A_18, %max3A_19 : vector<1280x128xf32>
    %get3A_21 = arith.constant 0 : index
    %get3A_22 = arith.constant 0 : index
    %get3A_23 = vector.load %arg4[%get3A_21, %get3A_22] : memref<128x128xf32, #tpu.memory_space<vmem>>, vector<128x128xf32>
    %dot_general3A = arith.constant dense<0.000000e+00> : vector<1280x128xf32>
    %dot_general3A_24 = tpu.matmul %max3A_20, %get3A_23, %dot_general3A {dimension_numbers = #tpu.dot_dimension_numbers<[1], [0], [0], [1], [0, 0, 1, 1], [], []>, transpose_lhs_hint = false} : vector<1280x128xf32>, vector<128x128xf32>, vector<1280x128xf32> -> vector<1280x128xf32>
    %broadcast_in_dim3A_25 = vector.shape_cast %rsqrt3A : vector<1280xf32> to vector<1280x1xf32>
    %mul3A_26 = vector.broadcast %broadcast_in_dim3A_25 : vector<1280x1xf32> to vector<1280x128xf32>
    %mul3A_27 = arith.mulf %mul3A_26, %dot_general3A_24 : vector<1280x128xf32>
    %swap3A = arith.constant 0 : index
    %swap3A_28 = arith.constant 0 : index
    %swap3A_29 = vector.load %arg5[%swap3A, %swap3A_28] : memref<1280x128xf32, #tpu.memory_space<vmem>>, vector<1280x128xf32>
    tpu.vector_store %arg5[%swap3A, %swap3A_28], %mul3A_27 {strides = array<i32>} : memref<1280x128xf32, #tpu.memory_space<vmem>>, vector<1280x128xf32>,
    return
  }
  func.func @transform_0(%arg0: i32) -> (i32, i32) {
    %c0_i32 = arith.constant 0 : i32
    %c0_i32_0 = arith.constant 0 : i32
    return %arg0, %c0_i32 : i32, i32
  }
  func.func @transform_1(%arg0: i32) -> (i32, i32) {
    %c0_i32 = arith.constant 0 : i32
    %c0_i32_0 = arith.constant 0 : i32
    return %c0_i32, %arg0 : i32, i32
  }
  func.func @transform_2(%arg0: i32) -> (i32, i32) {
    %c0_i32 = arith.constant 0 : i32
    %c0_i32_0 = arith.constant 0 : i32
    %c0_i32_1 = arith.constant 0 : i32
    return %c0_i32, %c0_i32_0 : i32, i32
  }
  func.func @transform_3(%arg0: i32) -> (i32, i32) {
    %c0_i32 = arith.constant 0 : i32
    %c0_i32_0 = arith.constant 0 : i32
    %c0_i32_1 = arith.constant 0 : i32
    return %c0_i32, %c0_i32_0 : i32, i32
  }
  func.func @transform_4(%arg0: i32) -> (i32, i32) {
    %c0_i32 = arith.constant 0 : i32
    %c0_i32_0 = arith.constant 0 : i32
    return %arg0, %c0_i32 : i32, i32
  }
}

module attributes {stable_mosaic.version = 14 : i64} {
  func.func @_tc_pool_body(%arg0: i32, %arg1: memref<1280x128xf32, #tpu.memory_space<vmem>>, %arg2: memref<2x1280xf32, #tpu.memory_space<vmem>>, %arg3: memref<2x3x128x128xf32, #tpu.memory_space<vmem>>, %arg4: memref<1x128xf32, #tpu.memory_space<vmem>>, %arg5: memref<3x128x128xf32, #tpu.memory_space<vmem>>, %arg6: memref<16x128xf32, #tpu.memory_space<vmem>>) attributes {dimension_semantics = [#tpu.dimension_semantics<arbitrary>], iteration_bounds = array<i64: 16>, scalar_prefetch = 0 : i64, scratch_operands = 1 : i64, tpu.core_type = #tpu.core_type<tc>, window_params = [{transform_indices = @transform_0, window_bounds = array<i64: 1280, 128>}, {transform_indices = @transform_1, window_bounds = array<i64: 2, 1280>}, {pipeline_mode = #tpu.pipeline_mode<synchronous>, transform_indices = @transform_2, window_bounds = array<i64: 2, 3, 128, 128>}, {pipeline_mode = #tpu.pipeline_mode<synchronous>, transform_indices = @transform_3, window_bounds = array<i64: 1, 128>}, {pipeline_mode = #tpu.pipeline_mode<synchronous>, transform_indices = @transform_4, window_bounds = array<i64: 3, 128, 128>}]} {
    %get3A = arith.constant 0 : index
    %get3A_0 = arith.constant 0 : index
    %get3A_1 = vector.load %arg2[%get3A, %get3A_0] : memref<2x1280xf32, #tpu.memory_space<vmem>>, vector<1x1280xf32>
    %get3A_2 = vector.shape_cast %get3A_1 : vector<1x1280xf32> to vector<1280xf32>
    %get3A_3 = arith.constant 1 : index
    %get3A_4 = arith.constant 0 : index
    %get3A_5 = vector.load %arg2[%get3A_3, %get3A_4] : memref<2x1280xf32, #tpu.memory_space<vmem>>, vector<1x1280xf32>
    %get3A_6 = vector.shape_cast %get3A_5 : vector<1x1280xf32> to vector<1280xf32>
    %add3A = arith.addf %get3A_2, %get3A_6 : vector<1280xf32>
    %add3A_7 = arith.constant 1.000000e+00 : f32
    %add3A_8 = vector.broadcast %add3A_7 : f32 to vector<1280xf32>
    %add3A_9 = arith.addf %add3A, %add3A_8 : vector<1280xf32>
    %rsqrt3A = math.rsqrt %add3A_9 : vector<1280xf32>
    %broadcast_in_dim3A = vector.shape_cast %rsqrt3A : vector<1280xf32> to vector<1280x1xf32>
    %get3A_10 = arith.constant 0 : index
    %get3A_11 = arith.constant 0 : index
    %get3A_12 = vector.load %arg1[%get3A_10, %get3A_11] : memref<1280x128xf32, #tpu.memory_space<vmem>>, vector<1280x128xf32>
    %mul3A = vector.broadcast %broadcast_in_dim3A : vector<1280x1xf32> to vector<1280x128xf32>
    %mul3A_13 = arith.mulf %mul3A, %get3A_12 : vector<1280x128xf32>
    %get3A_14 = arith.constant 0 : index
    %get3A_15 = arith.constant 0 : index
    %get3A_16 = vector.load %arg4[%get3A_14, %get3A_15] : memref<1x128xf32, #tpu.memory_space<vmem>>, vector<1x128xf32>
    %add3A_17 = vector.broadcast %get3A_16 : vector<1x128xf32> to vector<1280x128xf32>
    %add3A_18 = arith.addf %mul3A_13, %add3A_17 : vector<1280x128xf32>
    %max3A = arith.constant 0.000000e+00 : f32
    %max3A_19 = vector.broadcast %max3A : f32 to vector<1280x128xf32>
    %max3A_20 = arith.maximumf %add3A_18, %max3A_19 : vector<1280x128xf32>
    %jit3A = arith.constant 8 : i32
    %eq3A = arith.constant 0 : i32
    %eq3A_21 = arith.cmpi eq, %jit3A, %eq3A : i32
    %jit3A_22 = arith.constant 1 : i32
    %select_n3A = arith.select %eq3A_21, %jit3A_22, %jit3A : i32
    %rem3A = arith.remsi %arg0, %select_n3A : i32
    %ne3A = arith.constant 0 : i32
    %ne3A_23 = arith.cmpi ne, %rem3A, %ne3A : i32
    %lt3A = arith.constant 0 : i32
    %lt3A_24 = arith.cmpi slt, %rem3A, %lt3A : i32
    %lt3A_25 = arith.constant 0 : i32
    %lt3A_26 = arith.cmpi slt, %select_n3A, %lt3A_25 : i32
    %ne3A_27 = arith.xori %lt3A_24, %lt3A_26 : i1
    %and3A = arith.andi %ne3A_27, %ne3A_23 : i1
    %add3A_28 = arith.addi %rem3A, %select_n3A : i32
    %select_n3A_29 = arith.select %and3A, %add3A_28, %rem3A : i32
    %mul3A_30 = arith.constant 1280 : i32
    %mul3A_31 = arith.muli %select_n3A_29, %mul3A_30 : i32
    %iota3A = tpu.iota {dimensions = array<i32: 0>} : vector<1280x1xi32>
    %add3A_32 = vector.broadcast %mul3A_31 : i32 to vector<1280x1xi32>
    %add3A_33 = arith.addi %add3A_32, %iota3A : vector<1280x1xi32>
    %lt3A_34 = arith.constant 10000 : i32
    %lt3A_35 = vector.broadcast %lt3A_34 : i32 to vector<1280x1xi32>
    %lt3A_36 = arith.cmpi slt, %add3A_33, %lt3A_35 : vector<1280x1xi32>
    %jit3A_37 = arith.constant 0.000000e+00 : f32
    %broadcast_in_dim3A_38 = vector.shape_cast %lt3A_36 : vector<1280x1xi1> to vector<1280x1xi1>
    %broadcast_in_dim3A_39 = vector.broadcast %broadcast_in_dim3A_38 : vector<1280x1xi1> to vector<1280x128xi1>
    %broadcast_in_dim3A_40 = vector.broadcast %jit3A_37 : f32 to vector<1280x128xf32>
    %select_n3A_41 = arith.select %broadcast_in_dim3A_39, %max3A_20, %broadcast_in_dim3A_40 : vector<1280x128xi1>, vector<1280x128xf32>
    %reduce_sum3A = arith.constant dense<0.000000e+00> : vector<128xf32>
    %reduce_sum3A_42 = vector.multi_reduction <add>, %select_n3A_41, %reduce_sum3A [0] : vector<1280x128xf32> to vector<128xf32>
    %broadcast_in_dim3A_43 = vector.shape_cast %reduce_sum3A_42 : vector<128xf32> to vector<1x128xf32>
    %swap3A = arith.index_cast %arg0 : i32 to index
    %swap3A_44 = arith.constant 0 : index
    %swap3A_45 = vector.load %arg6[%swap3A, %swap3A_44] : memref<16x128xf32, #tpu.memory_space<vmem>>, vector<1x128xf32>
    tpu.vector_store %arg6[%swap3A, %swap3A_44], %broadcast_in_dim3A_43 {strides = array<i32>} : memref<16x128xf32, #tpu.memory_space<vmem>>, vector<1x128xf32>,
    %eq3A_46 = arith.constant 15 : i32
    %eq3A_47 = arith.cmpi eq, %arg0, %eq3A_46 : i32
    %convert_element_type3A = arith.extui %eq3A_47 : i1 to i32
    %cond3A = arith.constant 0 : i32
    %cond3A_48 = arith.cmpi ne, %convert_element_type3A, %cond3A : i32
    scf.if %cond3A_48 {
      %get3A_49 = arith.constant 0 : index
      %get3A_50 = arith.constant 0 : index
      %get3A_51 = vector.load %arg6[%get3A_49, %get3A_50] : memref<16x128xf32, #tpu.memory_space<vmem>>, vector<16x128xf32>
      %slice3A = vector.extract_strided_slice %get3A_51 {offsets = [0, 0], sizes = [8, 128], strides = [1, 1]} : vector<16x128xf32> to vector<8x128xf32>
      %reduce_sum3A_52 = arith.constant dense<0.000000e+00> : vector<128xf32>
      %reduce_sum3A_53 = vector.multi_reduction <add>, %slice3A, %reduce_sum3A_52 [0] : vector<8x128xf32> to vector<128xf32>
      %mul3A_54 = arith.constant 9.99999974E-5 : f32
      %mul3A_55 = vector.broadcast %mul3A_54 : f32 to vector<128xf32>
      %mul3A_56 = arith.mulf %reduce_sum3A_53, %mul3A_55 : vector<128xf32>
      %slice3A_57 = vector.extract_strided_slice %get3A_51 {offsets = [8, 0], sizes = [8, 128], strides = [1, 1]} : vector<16x128xf32> to vector<8x128xf32>
      %reduce_sum3A_58 = arith.constant dense<0.000000e+00> : vector<128xf32>
      %reduce_sum3A_59 = vector.multi_reduction <add>, %slice3A_57, %reduce_sum3A_58 [0] : vector<8x128xf32> to vector<128xf32>
      %mul3A_60 = arith.constant 9.99999974E-5 : f32
      %mul3A_61 = vector.broadcast %mul3A_60 : f32 to vector<128xf32>
      %mul3A_62 = arith.mulf %reduce_sum3A_59, %mul3A_61 : vector<128xf32>
      %get3A_63 = arith.constant 0 : index
      %get3A_64 = arith.constant 0 : index
      %get3A_65 = arith.constant 0 : index
      %get3A_66 = arith.constant 0 : index
      %get3A_67 = vector.load %arg3[%get3A_63, %get3A_64, %get3A_65, %get3A_66] : memref<2x3x128x128xf32, #tpu.memory_space<vmem>>, vector<1x3x128x128xf32>
      %get3A_68 = vector.shape_cast %get3A_67 : vector<1x3x128x128xf32> to vector<3x128x128xf32>
      %get3A_69 = arith.constant 1 : index
      %get3A_70 = arith.constant 0 : index
      %get3A_71 = arith.constant 0 : index
      %get3A_72 = arith.constant 0 : index
      %get3A_73 = vector.load %arg3[%get3A_69, %get3A_70, %get3A_71, %get3A_72] : memref<2x3x128x128xf32, #tpu.memory_space<vmem>>, vector<1x3x128x128xf32>
      %get3A_74 = vector.shape_cast %get3A_73 : vector<1x3x128x128xf32> to vector<3x128x128xf32>
      %add3A_75 = arith.addf %get3A_68, %get3A_74 : vector<3x128x128xf32>
      %add3A_76 = arith.constant 1.000000e+00 : f32
      %add3A_77 = vector.broadcast %add3A_76 : f32 to vector<3x128x128xf32>
      %add3A_78 = arith.addf %add3A_75, %add3A_77 : vector<3x128x128xf32>
      %rsqrt3A_79 = math.rsqrt %add3A_78 : vector<3x128x128xf32>
      %broadcast_in_dim3A_80 = vector.shape_cast %mul3A_56 : vector<128xf32> to vector<128x1xf32>
      %broadcast_in_dim3A_81 = vector.shape_cast %mul3A_62 : vector<128xf32> to vector<1x128xf32>
      %mul3A_82 = vector.broadcast %broadcast_in_dim3A_80 : vector<128x1xf32> to vector<128x128xf32>
      %mul3A_83 = vector.broadcast %broadcast_in_dim3A_81 : vector<1x128xf32> to vector<128x128xf32>
      %mul3A_84 = arith.mulf %mul3A_82, %mul3A_83 : vector<128x128xf32>
      %broadcast_in_dim3A_85 = vector.shape_cast %mul3A_84 : vector<128x128xf32> to vector<1x128x128xf32>
      %mul3A_86 = vector.broadcast %broadcast_in_dim3A_85 : vector<1x128x128xf32> to vector<3x128x128xf32>
      %mul3A_87 = arith.mulf %rsqrt3A_79, %mul3A_86 : vector<3x128x128xf32>
      %swap3A_88 = arith.constant 0 : index
      %swap3A_89 = arith.constant 0 : index
      %swap3A_90 = arith.constant 0 : index
      %swap3A_91 = vector.load %arg5[%swap3A_88, %swap3A_89, %swap3A_90] : memref<3x128x128xf32, #tpu.memory_space<vmem>>, vector<3x128x128xf32>
      tpu.vector_store %arg5[%swap3A_88, %swap3A_89, %swap3A_90], %mul3A_87 {strides = array<i32>} : memref<3x128x128xf32, #tpu.memory_space<vmem>>, vector<3x128x128xf32>,
    } else {
    }
    return
  }
  func.func @transform_0(%arg0: i32) -> (i32, i32) {
    %c0_i32 = arith.constant 0 : i32
    %c0_i32_0 = arith.constant 0 : i32
    return %arg0, %c0_i32 : i32, i32
  }
  func.func @transform_1(%arg0: i32) -> (i32, i32) {
    %c0_i32 = arith.constant 0 : i32
    %c0_i32_0 = arith.constant 0 : i32
    return %c0_i32, %arg0 : i32, i32
  }
  func.func @transform_2(%arg0: i32) -> (i32, i32, i32, i32) {
    %c0_i32 = arith.constant 0 : i32
    %c0_i32_0 = arith.constant 0 : i32
    %c0_i32_1 = arith.constant 0 : i32
    %c0_i32_2 = arith.constant 0 : i32
    %c0_i32_3 = arith.constant 0 : i32
    return %c0_i32, %c0_i32_0, %c0_i32_1, %c0_i32_2 : i32, i32, i32, i32
  }
  func.func @transform_3(%arg0: i32) -> (i32, i32) {
    %c0_i32 = arith.constant 0 : i32
    %c0_i32_0 = arith.constant 0 : i32
    %c0_i32_1 = arith.constant 0 : i32
    return %c0_i32, %c0_i32_0 : i32, i32
  }
  func.func @transform_4(%arg0: i32) -> (i32, i32, i32) {
    %c0_i32 = arith.constant 0 : i32
    %c0_i32_0 = arith.constant 0 : i32
    %c0_i32_1 = arith.constant 0 : i32
    %c0_i32_2 = arith.constant 0 : i32
    return %c0_i32, %c0_i32_0, %c0_i32_1 : i32, i32, i32
  }
}

module attributes {stable_mosaic.version = 14 : i64} {
  func.func @_tc_head_body(%arg0: i32, %arg1: memref<2x3x1024xf32, #tpu.memory_space<vmem>>, %arg2: memref<3x1024xf32, #tpu.memory_space<vmem>>, %arg3: memref<2x3x1024xf32, #tpu.memory_space<vmem>>, %arg4: memref<3x128xf32, #tpu.memory_space<vmem>>, %arg5: memref<3x128xf32, #tpu.memory_space<vmem>>, %arg6: memref<128x128xf32, #tpu.memory_space<vmem>>, %arg7: memref<1x128xf32, #tpu.memory_space<vmem>>, %arg8: memref<1x128xf32, #tpu.memory_space<vmem>>, %arg9: memref<8x128xf32, #tpu.memory_space<vmem>>) attributes {dimension_semantics = [#tpu.dimension_semantics<arbitrary>], iteration_bounds = array<i64: 16>, scalar_prefetch = 0 : i64, scratch_operands = 1 : i64, tpu.core_type = #tpu.core_type<tc>, window_params = [{transform_indices = @transform_0, window_bounds = array<i64: 2, 3, 1024>}, {transform_indices = @transform_1, window_bounds = array<i64: 3, 1024>}, {transform_indices = @transform_2, window_bounds = array<i64: 2, 3, 1024>}, {pipeline_mode = #tpu.pipeline_mode<synchronous>, transform_indices = @transform_3, window_bounds = array<i64: 3, 128>}, {pipeline_mode = #tpu.pipeline_mode<synchronous>, transform_indices = @transform_4, window_bounds = array<i64: 3, 128>}, {pipeline_mode = #tpu.pipeline_mode<synchronous>, transform_indices = @transform_5, window_bounds = array<i64: 128, 128>}, {pipeline_mode = #tpu.pipeline_mode<synchronous>, transform_indices = @transform_6, window_bounds = array<i64: 1, 128>}, {pipeline_mode = #tpu.pipeline_mode<synchronous>, transform_indices = @transform_7, window_bounds = array<i64: 1, 128>}]} {
    %eq3A = arith.constant 0 : i32
    %eq3A_0 = arith.cmpi eq, %arg0, %eq3A : i32
    %convert_element_type3A = arith.extui %eq3A_0 : i1 to i32
    %cond3A = arith.constant 0 : i32
    %cond3A_1 = arith.cmpi ne, %convert_element_type3A, %cond3A : i32
    scf.if %cond3A_1 {
      %broadcast_in_dim3A_127 = arith.constant 0.000000e+00 : f32
      %broadcast_in_dim3A_128 = vector.broadcast %broadcast_in_dim3A_127 : f32 to vector<8x128xf32>
      %swap3A_129 = arith.constant 0 : index
      %swap3A_130 = arith.constant 0 : index
      %swap3A_131 = vector.load %arg9[%swap3A_129, %swap3A_130] : memref<8x128xf32, #tpu.memory_space<vmem>>, vector<8x128xf32>
      tpu.vector_store %arg9[%swap3A_129, %swap3A_130], %broadcast_in_dim3A_128 {strides = array<i32>} : memref<8x128xf32, #tpu.memory_space<vmem>>, vector<8x128xf32>,
    } else {
    }
    %get3A = arith.constant 0 : index
    %get3A_2 = arith.constant 0 : index
    %get3A_3 = arith.constant 0 : index
    %get3A_4 = vector.load %arg3[%get3A, %get3A_2, %get3A_3] : memref<2x3x1024xf32, #tpu.memory_space<vmem>>, vector<1x3x1024xf32>
    %get3A_5 = vector.shape_cast %get3A_4 : vector<1x3x1024xf32> to vector<3x1024xf32>
    %get3A_6 = arith.constant 1 : index
    %get3A_7 = arith.constant 0 : index
    %get3A_8 = arith.constant 0 : index
    %get3A_9 = vector.load %arg3[%get3A_6, %get3A_7, %get3A_8] : memref<2x3x1024xf32, #tpu.memory_space<vmem>>, vector<1x3x1024xf32>
    %get3A_10 = vector.shape_cast %get3A_9 : vector<1x3x1024xf32> to vector<3x1024xf32>
    %add3A = arith.addf %get3A_5, %get3A_10 : vector<3x1024xf32>
    %add3A_11 = arith.constant 1.000000e+00 : f32
    %add3A_12 = vector.broadcast %add3A_11 : f32 to vector<3x1024xf32>
    %add3A_13 = arith.addf %add3A, %add3A_12 : vector<3x1024xf32>
    %rsqrt3A = math.rsqrt %add3A_13 : vector<3x1024xf32>
    %get3A_14 = arith.constant 0 : index
    %get3A_15 = arith.constant 0 : index
    %get3A_16 = arith.constant 0 : index
    %get3A_17 = vector.load %arg1[%get3A_14, %get3A_15, %get3A_16] : memref<2x3x1024xf32, #tpu.memory_space<vmem>>, vector<1x3x1024xf32>
    %get3A_18 = vector.shape_cast %get3A_17 : vector<1x3x1024xf32> to vector<3x1024xf32>
    %get3A_19 = arith.constant 1 : index
    %get3A_20 = arith.constant 0 : index
    %get3A_21 = arith.constant 0 : index
    %get3A_22 = vector.load %arg1[%get3A_19, %get3A_20, %get3A_21] : memref<2x3x1024xf32, #tpu.memory_space<vmem>>, vector<1x3x1024xf32>
    %get3A_23 = vector.shape_cast %get3A_22 : vector<1x3x1024xf32> to vector<3x1024xf32>
    %add3A_24 = arith.addf %get3A_18, %get3A_23 : vector<3x1024xf32>
    %get3A_25 = arith.constant 0 : index
    %get3A_26 = arith.constant 0 : index
    %get3A_27 = vector.load %arg2[%get3A_25, %get3A_26] : memref<3x1024xf32, #tpu.memory_space<vmem>>, vector<3x1024xf32>
    %add3A_28 = arith.addf %add3A_24, %get3A_27 : vector<3x1024xf32>
    %mul3A = arith.mulf %rsqrt3A, %add3A_28 : vector<3x1024xf32>
    %slice3A = vector.extract_strided_slice %mul3A {offsets = [0, 0], sizes = [1, 1024], strides = [1, 1]} : vector<3x1024xf32> to vector<1x1024xf32>
    %squeeze3A = vector.shape_cast %slice3A : vector<1x1024xf32> to vector<1024xf32>
    %broadcast_in_dim3A = vector.shape_cast %squeeze3A : vector<1024xf32> to vector<1024x1xf32>
    %get3A_29 = arith.constant 0 : index
    %get3A_30 = arith.constant 0 : index
    %get3A_31 = vector.load %arg4[%get3A_29, %get3A_30] : memref<3x128xf32, #tpu.memory_space<vmem>>, vector<1x128xf32>
    %get3A_32 = vector.shape_cast %get3A_31 : vector<1x128xf32> to vector<128xf32>
    %broadcast_in_dim3A_33 = vector.shape_cast %get3A_32 : vector<128xf32> to vector<1x128xf32>
    %mul3A_34 = vector.broadcast %broadcast_in_dim3A : vector<1024x1xf32> to vector<1024x128xf32>
    %mul3A_35 = vector.broadcast %broadcast_in_dim3A_33 : vector<1x128xf32> to vector<1024x128xf32>
    %mul3A_36 = arith.mulf %mul3A_34, %mul3A_35 : vector<1024x128xf32>
    %get3A_37 = arith.constant 0 : index
    %get3A_38 = arith.constant 0 : index
    %get3A_39 = vector.load %arg5[%get3A_37, %get3A_38] : memref<3x128xf32, #tpu.memory_space<vmem>>, vector<1x128xf32>
    %get3A_40 = vector.shape_cast %get3A_39 : vector<1x128xf32> to vector<128xf32>
    %broadcast_in_dim3A_41 = vector.shape_cast %get3A_40 : vector<128xf32> to vector<1x128xf32>
    %add3A_42 = vector.broadcast %broadcast_in_dim3A_41 : vector<1x128xf32> to vector<1024x128xf32>
    %add3A_43 = arith.addf %mul3A_36, %add3A_42 : vector<1024x128xf32>
    %max3A = arith.constant 0.000000e+00 : f32
    %max3A_44 = vector.broadcast %max3A : f32 to vector<1024x128xf32>
    %max3A_45 = arith.maximumf %add3A_43, %max3A_44 : vector<1024x128xf32>
    %get3A_46 = arith.constant 0 : index
    %get3A_47 = arith.constant 0 : index
    %get3A_48 = vector.load %arg9[%get3A_46, %get3A_47] : memref<8x128xf32, #tpu.memory_space<vmem>>, vector<1x128xf32>
    %get3A_49 = vector.shape_cast %get3A_48 : vector<1x128xf32> to vector<128xf32>
    %reduce_sum3A = arith.constant dense<0.000000e+00> : vector<128xf32>
    %reduce_sum3A_50 = vector.multi_reduction <add>, %max3A_45, %reduce_sum3A [0] : vector<1024x128xf32> to vector<128xf32>
    %add3A_51 = arith.addf %get3A_49, %reduce_sum3A_50 : vector<128xf32>
    %swap3A = arith.constant 0 : index
    %swap3A_52 = arith.constant 0 : index
    %swap3A_53 = vector.load %arg9[%swap3A, %swap3A_52] : memref<8x128xf32, #tpu.memory_space<vmem>>, vector<1x128xf32>
    %swap3A_54 = vector.shape_cast %swap3A_53 : vector<1x128xf32> to vector<128xf32>
    %swap3A_55 = vector.shape_cast %add3A_51 : vector<128xf32> to vector<1x128xf32>
    tpu.vector_store %arg9[%swap3A, %swap3A_52], %swap3A_55 {strides = array<i32>} : memref<8x128xf32, #tpu.memory_space<vmem>>, vector<1x128xf32>,
    %slice3A_56 = vector.extract_strided_slice %mul3A {offsets = [1, 0], sizes = [1, 1024], strides = [1, 1]} : vector<3x1024xf32> to vector<1x1024xf32>
    %squeeze3A_57 = vector.shape_cast %slice3A_56 : vector<1x1024xf32> to vector<1024xf32>
    %broadcast_in_dim3A_58 = vector.shape_cast %squeeze3A_57 : vector<1024xf32> to vector<1024x1xf32>
    %get3A_59 = arith.constant 1 : index
    %get3A_60 = arith.constant 0 : index
    %get3A_61 = vector.load %arg4[%get3A_59, %get3A_60] : memref<3x128xf32, #tpu.memory_space<vmem>>, vector<1x128xf32>
    %get3A_62 = vector.shape_cast %get3A_61 : vector<1x128xf32> to vector<128xf32>
    %broadcast_in_dim3A_63 = vector.shape_cast %get3A_62 : vector<128xf32> to vector<1x128xf32>
    %mul3A_64 = vector.broadcast %broadcast_in_dim3A_58 : vector<1024x1xf32> to vector<1024x128xf32>
    %mul3A_65 = vector.broadcast %broadcast_in_dim3A_63 : vector<1x128xf32> to vector<1024x128xf32>
    %mul3A_66 = arith.mulf %mul3A_64, %mul3A_65 : vector<1024x128xf32>
    %get3A_67 = arith.constant 1 : index
    %get3A_68 = arith.constant 0 : index
    %get3A_69 = vector.load %arg5[%get3A_67, %get3A_68] : memref<3x128xf32, #tpu.memory_space<vmem>>, vector<1x128xf32>
    %get3A_70 = vector.shape_cast %get3A_69 : vector<1x128xf32> to vector<128xf32>
    %broadcast_in_dim3A_71 = vector.shape_cast %get3A_70 : vector<128xf32> to vector<1x128xf32>
    %add3A_72 = vector.broadcast %broadcast_in_dim3A_71 : vector<1x128xf32> to vector<1024x128xf32>
    %add3A_73 = arith.addf %mul3A_66, %add3A_72 : vector<1024x128xf32>
    %max3A_74 = arith.constant 0.000000e+00 : f32
    %max3A_75 = vector.broadcast %max3A_74 : f32 to vector<1024x128xf32>
    %max3A_76 = arith.maximumf %add3A_73, %max3A_75 : vector<1024x128xf32>
    %get3A_77 = arith.constant 1 : index
    %get3A_78 = arith.constant 0 : index
    %get3A_79 = vector.load %arg9[%get3A_77, %get3A_78] : memref<8x128xf32, #tpu.memory_space<vmem>>, vector<1x128xf32>
    %get3A_80 = vector.shape_cast %get3A_79 : vector<1x128xf32> to vector<128xf32>
    %reduce_sum3A_81 = arith.constant dense<0.000000e+00> : vector<128xf32>
    %reduce_sum3A_82 = vector.multi_reduction <add>, %max3A_76, %reduce_sum3A_81 [0] : vector<1024x128xf32> to vector<128xf32>
    %add3A_83 = arith.addf %get3A_80, %reduce_sum3A_82 : vector<128xf32>
    %swap3A_84 = arith.constant 1 : index
    %swap3A_85 = arith.constant 0 : index
    %swap3A_86 = vector.load %arg9[%swap3A_84, %swap3A_85] : memref<8x128xf32, #tpu.memory_space<vmem>>, vector<1x128xf32>
    %swap3A_87 = vector.shape_cast %swap3A_86 : vector<1x128xf32> to vector<128xf32>
    %swap3A_88 = vector.shape_cast %add3A_83 : vector<128xf32> to vector<1x128xf32>
    tpu.vector_store %arg9[%swap3A_84, %swap3A_85], %swap3A_88 {strides = array<i32>} : memref<8x128xf32, #tpu.memory_space<vmem>>, vector<1x128xf32>,
    %slice3A_89 = vector.extract_strided_slice %mul3A {offsets = [2, 0], sizes = [1, 1024], strides = [1, 1]} : vector<3x1024xf32> to vector<1x1024xf32>
    %squeeze3A_90 = vector.shape_cast %slice3A_89 : vector<1x1024xf32> to vector<1024xf32>
    %broadcast_in_dim3A_91 = vector.shape_cast %squeeze3A_90 : vector<1024xf32> to vector<1024x1xf32>
    %get3A_92 = arith.constant 2 : index
    %get3A_93 = arith.constant 0 : index
    %get3A_94 = vector.load %arg4[%get3A_92, %get3A_93] : memref<3x128xf32, #tpu.memory_space<vmem>>, vector<1x128xf32>
    %get3A_95 = vector.shape_cast %get3A_94 : vector<1x128xf32> to vector<128xf32>
    %broadcast_in_dim3A_96 = vector.shape_cast %get3A_95 : vector<128xf32> to vector<1x128xf32>
    %mul3A_97 = vector.broadcast %broadcast_in_dim3A_91 : vector<1024x1xf32> to vector<1024x128xf32>
    %mul3A_98 = vector.broadcast %broadcast_in_dim3A_96 : vector<1x128xf32> to vector<1024x128xf32>
    %mul3A_99 = arith.mulf %mul3A_97, %mul3A_98 : vector<1024x128xf32>
    %get3A_100 = arith.constant 2 : index
    %get3A_101 = arith.constant 0 : index
    %get3A_102 = vector.load %arg5[%get3A_100, %get3A_101] : memref<3x128xf32, #tpu.memory_space<vmem>>, vector<1x128xf32>
    %get3A_103 = vector.shape_cast %get3A_102 : vector<1x128xf32> to vector<128xf32>
    %broadcast_in_dim3A_104 = vector.shape_cast %get3A_103 : vector<128xf32> to vector<1x128xf32>
    %add3A_105 = vector.broadcast %broadcast_in_dim3A_104 : vector<1x128xf32> to vector<1024x128xf32>
    %add3A_106 = arith.addf %mul3A_99, %add3A_105 : vector<1024x128xf32>
    %max3A_107 = arith.constant 0.000000e+00 : f32
    %max3A_108 = vector.broadcast %max3A_107 : f32 to vector<1024x128xf32>
    %max3A_109 = arith.maximumf %add3A_106, %max3A_108 : vector<1024x128xf32>
    %get3A_110 = arith.constant 2 : index
    %get3A_111 = arith.constant 0 : index
    %get3A_112 = vector.load %arg9[%get3A_110, %get3A_111] : memref<8x128xf32, #tpu.memory_space<vmem>>, vector<1x128xf32>
    %get3A_113 = vector.shape_cast %get3A_112 : vector<1x128xf32> to vector<128xf32>
    %reduce_sum3A_114 = arith.constant dense<0.000000e+00> : vector<128xf32>
    %reduce_sum3A_115 = vector.multi_reduction <add>, %max3A_109, %reduce_sum3A_114 [0] : vector<1024x128xf32> to vector<128xf32>
    %add3A_116 = arith.addf %get3A_113, %reduce_sum3A_115 : vector<128xf32>
    %swap3A_117 = arith.constant 2 : index
    %swap3A_118 = arith.constant 0 : index
    %swap3A_119 = vector.load %arg9[%swap3A_117, %swap3A_118] : memref<8x128xf32, #tpu.memory_space<vmem>>, vector<1x128xf32>
    %swap3A_120 = vector.shape_cast %swap3A_119 : vector<1x128xf32> to vector<128xf32>
    %swap3A_121 = vector.shape_cast %add3A_116 : vector<128xf32> to vector<1x128xf32>
    tpu.vector_store %arg9[%swap3A_117, %swap3A_118], %swap3A_121 {strides = array<i32>} : memref<8x128xf32, #tpu.memory_space<vmem>>, vector<1x128xf32>,
    %eq3A_122 = arith.constant 15 : i32
    %eq3A_123 = arith.cmpi eq, %arg0, %eq3A_122 : i32
    %convert_element_type3A_124 = arith.extui %eq3A_123 : i1 to i32
    %cond3A_125 = arith.constant 0 : i32
    %cond3A_126 = arith.cmpi ne, %convert_element_type3A_124, %cond3A_125 : i32
    scf.if %cond3A_126 {
      %get3A_127 = arith.constant 0 : index
      %get3A_128 = arith.constant 0 : index
      %get3A_129 = vector.load %arg9[%get3A_127, %get3A_128] : memref<8x128xf32, #tpu.memory_space<vmem>>, vector<1x128xf32>
      %get3A_130 = vector.shape_cast %get3A_129 : vector<1x128xf32> to vector<128xf32>
      %get3A_131 = arith.constant 1 : index
      %get3A_132 = arith.constant 0 : index
      %get3A_133 = vector.load %arg9[%get3A_131, %get3A_132] : memref<8x128xf32, #tpu.memory_space<vmem>>, vector<1x128xf32>
      %get3A_134 = vector.shape_cast %get3A_133 : vector<1x128xf32> to vector<128xf32>
      %add3A_135 = arith.addf %get3A_130, %get3A_134 : vector<128xf32>
      %get3A_136 = arith.constant 2 : index
      %get3A_137 = arith.constant 0 : index
      %get3A_138 = vector.load %arg9[%get3A_136, %get3A_137] : memref<8x128xf32, #tpu.memory_space<vmem>>, vector<1x128xf32>
      %get3A_139 = vector.shape_cast %get3A_138 : vector<1x128xf32> to vector<128xf32>
      %add3A_140 = arith.addf %add3A_135, %get3A_139 : vector<128xf32>
      %mul3A_141 = arith.constant 2.03450527E-5 : f32
      %mul3A_142 = vector.broadcast %mul3A_141 : f32 to vector<128xf32>
      %mul3A_143 = arith.mulf %add3A_140, %mul3A_142 : vector<128xf32>
      %broadcast_in_dim3A_144 = vector.shape_cast %mul3A_143 : vector<128xf32> to vector<1x128xf32>
      %get3A_145 = arith.constant 0 : index
      %get3A_146 = arith.constant 0 : index
      %get3A_147 = vector.load %arg6[%get3A_145, %get3A_146] : memref<128x128xf32, #tpu.memory_space<vmem>>, vector<128x128xf32>
      %dot_general3A = arith.constant dense<0.000000e+00> : vector<1x128xf32>
      %dot_general3A_148 = tpu.matmul %broadcast_in_dim3A_144, %get3A_147, %dot_general3A {dimension_numbers = #tpu.dot_dimension_numbers<[1], [0], [0], [1], [0, 0, 1, 1], [], []>, transpose_lhs_hint = false} : vector<1x128xf32>, vector<128x128xf32>, vector<1x128xf32> -> vector<1x128xf32>
      %get3A_149 = arith.constant 0 : index
      %get3A_150 = arith.constant 0 : index
      %get3A_151 = vector.load %arg7[%get3A_149, %get3A_150] : memref<1x128xf32, #tpu.memory_space<vmem>>, vector<1x128xf32>
      %add3A_152 = arith.addf %dot_general3A_148, %get3A_151 : vector<1x128xf32>
      %swap3A_153 = arith.constant 0 : index
      %swap3A_154 = arith.constant 0 : index
      %swap3A_155 = vector.load %arg8[%swap3A_153, %swap3A_154] : memref<1x128xf32, #tpu.memory_space<vmem>>, vector<1x128xf32>
      tpu.vector_store %arg8[%swap3A_153, %swap3A_154], %add3A_152 {strides = array<i32>} : memref<1x128xf32, #tpu.memory_space<vmem>>, vector<1x128xf32>,
    } else {
    }
    return
  }
  func.func @transform_0(%arg0: i32) -> (i32, i32, i32) {
    %c0_i32 = arith.constant 0 : i32
    %c0_i32_0 = arith.constant 0 : i32
    %c0_i32_1 = arith.constant 0 : i32
    return %c0_i32, %c0_i32_0, %arg0 : i32, i32, i32
  }
  func.func @transform_1(%arg0: i32) -> (i32, i32) {
    %c0_i32 = arith.constant 0 : i32
    %c0_i32_0 = arith.constant 0 : i32
    return %c0_i32, %arg0 : i32, i32
  }
  func.func @transform_2(%arg0: i32) -> (i32, i32, i32) {
    %c0_i32 = arith.constant 0 : i32
    %c0_i32_0 = arith.constant 0 : i32
    %c0_i32_1 = arith.constant 0 : i32
    return %c0_i32, %c0_i32_0, %arg0 : i32, i32, i32
  }
  func.func @transform_3(%arg0: i32) -> (i32, i32) {
    %c0_i32 = arith.constant 0 : i32
    %c0_i32_0 = arith.constant 0 : i32
    %c0_i32_1 = arith.constant 0 : i32
    return %c0_i32, %c0_i32_0 : i32, i32
  }
  func.func @transform_4(%arg0: i32) -> (i32, i32) {
    %c0_i32 = arith.constant 0 : i32
    %c0_i32_0 = arith.constant 0 : i32
    %c0_i32_1 = arith.constant 0 : i32
    return %c0_i32, %c0_i32_0 : i32, i32
  }
  func.func @transform_5(%arg0: i32) -> (i32, i32) {
    %c0_i32 = arith.constant 0 : i32
    %c0_i32_0 = arith.constant 0 : i32
    %c0_i32_1 = arith.constant 0 : i32
    return %c0_i32, %c0_i32_0 : i32, i32
  }
  func.func @transform_6(%arg0: i32) -> (i32, i32) {
    %c0_i32 = arith.constant 0 : i32
    %c0_i32_0 = arith.constant 0 : i32
    %c0_i32_1 = arith.constant 0 : i32
    return %c0_i32, %c0_i32_0 : i32, i32
  }
  func.func @transform_7(%arg0: i32) -> (i32, i32) {
    %c0_i32 = arith.constant 0 : i32
    %c0_i32_0 = arith.constant 0 : i32
    %c0_i32_1 = arith.constant 0 : i32
    return %c0_i32, %c0_i32_0 : i32, i32
  }
}

</mosaic_0001>

<sc_bundles>
// kernel: kernel.10.cloned.1.call-start
scs
__scs_entry_jumppad:
0x0: {  	(pc) =	sbr.rel $0x88, $3  }
0x1: {  	(tag) =	ssettag $0x0;
	lr =	simm.s32 $0x1  }
0x2: {  	[smem:$0x3F8E] =	sst lr;
	_ =	strace $0xD0000000  }
0x3: {  	_ = 	snop  }
0x4: {  	_ = 	snop  }
0x5: {  	_ = 	snop  }
0x6: {  	_ = 	snop  }
0x7: {  	_ = 	snop  }
__scs_overlays_trampoline_lowered:
0x8: {  	[smem:$0x3F9D] =	sst s0  }
0x9: {  	[smem:$0x3F9E] =	sst s1  }
0xa: {  	[smem:$0x3F9F] =	sst s2  }
0xb: {  	[smem:$0x3FA0] =	sst s3  }
0xc: {  	[smem:$0x3FA1] =	sst s4  }
0xd: {  	[smem:$0x3FA2] =	sst s5  }
0xe: {  	[smem:$0x3FA3] =	sst s6  }
0xf: {  	[smem:$0x3FA4] =	sst s7  }
0x10: {  	[smem:$0x3FA5] =	sst s8  }
0x11: {  	[smem:$0x3FA6] =	sst s9;
	s0 =	simm.s32 @!p0 $0x0  }
0x12: {  	s1 =	sld [smem:$0x3F8C];
	s0 =	simm.s32 @p0 $0x1  }
0x13: {  	[smem:$0x3FA7] =	sst s0;
	s0 =	simm.s32 @!p1 $0x0  }
0x14: {  	s2 =	sld [smem:$0x3F8B];
	s0 =	simm.s32 @p1 $0x1  }
0x15: {  	[smem:$0x3FA8] =	sst s0;
	s0 =	simm.s32 @!p2 $0x0  }
0x16: {  	s3 =	sld [smem:$0x3FDB];
	s0 =	simm.s32 @p2 $0x1  }
0x17: {  	s4 =	simm.s32 $0x1BF5;
	[smem:$0x3FAA] =	sst s0  }
0x18: {  	s0 =	sld [smem:$0x3F8D];
	_ =	swait.ge [sflag:s4], $0x0  }
0x19: {  	s7 =	sld [smem:$0x3F8E]  }
0x1a: {  	s8 =	sadd.s32 $0xFFFFE003, lr  }
0x1b: {  	s9 =	sadd.s32 $0xFFFFFEF7, lr;
	s5 =	simm.s32 $0xFFFFFFFF;
	p2 =	slt.u32 s8, $0xFFFFF086  }
0x1c: {  	p1 =	slt.u32 s9, $0xF7A;
	s5 =	simm.s32 @!p2 $0x0  }
0x1d: {  	s5 =	simm.s32 @p1 $0x1;
	p0 =	seq.s32 s7, s2  }
0x1e: {  	s7 =	smul.u32 @!p0 $0xF7A, s2;
	p2 =	seq.s32 @!p0 s5, $0x0  }
0x1f: {  	s9 =	smul.u32 $0xF7A, s1;
	s8 =	simm.s32 @!p0 $0x1BF5;
	p2 =	por !p2, p0  }
0x20: {  	[sflag:s8] =	ssyncset.s32 @!p0 $0xFFFFF086;
	s6 =	sadd.s32 @!p0 s3, s7;
	s7 =	simm.s32 @!p0 $0x108  }
0x21: {  	s3 =	sadd.s32 s3, s9;
	s6 =	sadd.s32 @!p0 $0x88, s6;
	s7 =	simm.s32 @p2 $0x1082  }
0x22: {  	[simem:s7], [sflag:s8] =	dma.local @!p0 [hbm:s6], $0xF7A  }
0x23: {  	s9 =	sor.u32 $0xD0000000, s2;
	s6 =	simm.s32 $0x108;
	_ =	swait.ge @!p0 [sflag:s8], $0x0  }
0x24: {  	s3 =	sadd.s32 $0x88, s3;
	s6 =	simm.s32 @!p1 $0x1082;
	[sflag:s4] =	ssyncset.s32 $0xFFFFF086  }
0x25: {  	[simem:s6], [sflag:s4] =	dma.local [hbm:s3], $0xF7A  }
0x26: {  	[smem:$0x3F8E] =	sst s1;
	(tag) =	ssettag s2;
	_ =	strace s9  }
0x27: {  	s1 =	sld [smem:$0x3F9E]  }
0x28: {  	s2 =	sld [smem:$0x3F9F]  }
0x29: {  	s4 =	sld [smem:$0x3FA1]  }
0x2a: {  	p0 =	seq.s32 s5, $0x0;
	s5 =	sld [smem:$0x3FA2]  }
0x2b: {  	s6 =	sld [smem:$0x3FA3]  }
0x2c: {  	s7 =	sld [smem:$0x3FA4]  }
0x2d: {  	s3 =	simm.s32 $0x108;
	s8 =	sld [smem:$0x3FA5]  }
0x2e: {  	s3 =	simm.s32 @!p0 $0x1082;
	s9 =	sld [smem:$0x3FA6]  }
0x2f: {  	lr =	sadd.s32 s0, s3;
	s0 =	sld [smem:$0x3F9D]  }
0x30: {  	s3 =	sld [smem:$0x3FA0]  }
0x31: {  	[smem:$0x3FA9] =	sst s10  }
0x32: {  	s10 =	sld [smem:$0x3FA7];
	_ =	sdelay $0x3  }
0x33: {  	p0 =	seq.s32 s10, $0x1;
	s10 =	sld [smem:$0x3FA9];
	_ =	sdelay $0x3  }
0x34: {  	[smem:$0x3FA9] =	sst s10  }
0x35: {  	s10 =	sld [smem:$0x3FA8];
	_ =	sdelay $0x3  }
0x36: {  	p1 =	seq.s32 s10, $0x1;
	s10 =	sld [smem:$0x3FA9];
	_ =	sdelay $0x3  }
0x37: {  	[smem:$0x3FA9] =	sst s10  }
0x38: {  	s10 =	sld [smem:$0x3FAA]  }
0x39: {  	_ = 	snop;
	(pc) =	sbr.ind lr, $3  }
0x3a: {  	_ = 	snop  }
0x3b: {  	_ = 	snop  }
0x3c: {  	p2 =	seq.s32 s10, $0x1;
	s10 =	sld [smem:$0x3FA9]  }
0x3d: {  	_ =	shalt  }
0x3e: {  	_ =	shalt  }
0x3f: {  	_ =	shalt  }
0x40: {  	_ =	shalt  }
0x41: {  	_ =	shalt  }
0x42: {  	_ =	shalt  }
0x43: {  	_ =	shalt  }
0x44: {  	_ =	shalt  }
0x45: {  	_ =	shalt  }
0x46: {  	_ =	shalt  }
0x47: {  	_ =	shalt  }
0x48: {  	_ =	shalt  }
0x49: {  	_ =	shalt  }
0x4a: {  	_ =	shalt  }
0x4b: {  	_ =	shalt  }
0x4c: {  	_ =	shalt  }
0x4d: {  	_ =	shalt  }
0x4e: {  	_ =	shalt  }
0x4f: {  	_ =	shalt  }
0x50: {  	_ =	shalt  }
0x51: {  	_ =	shalt  }
0x52: {  	_ =	shalt  }
0x53: {  	_ =	shalt  }
0x54: {  	_ =	shalt  }
0x55: {  	_ =	shalt  }
0x56: {  	_ =	shalt  }
0x57: {  	_ =	shalt  }
0x58: {  	_ =	shalt  }
0x59: {  	_ =	shalt  }
0x5a: {  	_ =	shalt  }
0x5b: {  	_ =	shalt  }
0x5c: {  	_ =	shalt  }
0x5d: {  	_ =	shalt  }
0x5e: {  	_ =	shalt  }
0x5f: {  	_ =	shalt  }
0x60: {  	_ =	shalt  }
0x61: {  	_ =	shalt  }
0x62: {  	_ =	shalt  }
0x63: {  	_ =	shalt  }
0x64: {  	_ =	shalt  }
0x65: {  	_ =	shalt  }
0x66: {  	_ =	shalt  }
0x67: {  	_ =	shalt  }
0x68: {  	_ =	shalt  }
0x69: {  	_ =	shalt  }
0x6a: {  	_ =	shalt  }
0x6b: {  	_ =	shalt  }
0x6c: {  	_ =	shalt  }
0x6d: {  	_ =	shalt  }
0x6e: {  	_ =	shalt  }
0x6f: {  	_ =	shalt  }
0x70: {  	_ =	shalt  }
0x71: {  	_ =	shalt  }
0x72: {  	_ =	shalt  }
0x73: {  	_ =	shalt  }
0x74: {  	_ =	shalt  }
0x75: {  	_ =	shalt  }
0x76: {  	_ =	shalt  }
0x77: {  	_ =	shalt  }
0x78: {  	_ =	shalt  }
0x79: {  	_ =	shalt  }
0x7a: {  	_ =	shalt  }
0x7b: {  	_ =	shalt  }
0x7c: {  	_ =	shalt  }
0x7d: {  	_ =	shalt  }
0x7e: {  	_ =	shalt  }
0x7f: {  	_ =	shalt  }
0x80: {  	_ =	shalt  }
0x81: {  	_ =	shalt  }
0x82: {  	_ =	shalt  }
0x83: {  	_ =	shalt  }
0x84: {  	_ =	shalt  }
0x85: {  	_ =	shalt  }
0x86: {  	_ =	shalt  }
0x87: {  	_ =	shalt  }
.Lfunc_end0:
.L_simem_size_0:
called_computation_lowered:
.L_overlay_start_0:
0x88: {  	s2 =	sld [smem:$0x3FD9]  }
0x89: {  	s3 =	sld [smem:$0x3FFE];
	_ =	sdelay $0x1  }
0x8a: {  	s1 =	srdreg.scid  }
0x8b: {  	s0 =	sand.u32 $0x1, s1  }
0x8c: {  	s16 =	sshll.u32 s0, $0xA;
	s2 =	sadd.s32 s3, s2  }
0x8d: {  	s2 =	sadd.s32 s2, s16  }
0x8e: {  	[smem:$0x3FB5] =	sst s2  }
0x8f: {  	_ = 	snop  }
0x90: {  	(tm) =	ssettm $0x1  }
0x91: {  	s17 =	sld [smem:$0x3FFB];
	_ =	sdelay $0x3  }
0x92: {  	_ =	strace s17  }
0x93: {  	s2 =	sld [smem:$0x3FFC];
	_ =	sdelay $0x3  }
0x94: {  	_ =	strace s2  }
0x95: {  	s2 =	sld [smem:$0x3FFD];
	_ =	sdelay $0x3  }
0x96: {  	_ =	strace s2  }
0x97: {  	_ =	strace $0x8FFFFFFF  }
0x98: {  	s18 =	sld [smem:$0x3FDB];
	_ =	sdelay $0x1  }
0x99: {  	s19 =	simm.s32 $_scs_section_size  }
0x9a: {  	s4 =	simm.s32 $_size__tile_overlayer_lowered;
	s5 =	simm.s32 $_tile_overlayer_lowered  }
0x9b: {  	s22 =	simm.s32 $0x1BFF;
	s21 =	sshll.u32 s5, $0x1;
	s2 =	sadd.s32 s19, s18  }
0x9c: {  	s6 =	simm.s32 $0x0;
	s20 =	sshll.u32 s4, $0x1;
	s4 =	sadd.s32 s21, s2  }
0x9d: {  	[timem:s6], [sflag:s22] =	dma.local [hbm:s4], s20  }
0x9e: {  	_ =	swait.ge [sflag:s22], s20  }
0x9f: {  	s3 =	ssub.s32 $0x0, s20;
	[sflag:s22] =	ssyncset.done $0x0  }
0xa0: {  	[sflag:s22] =	ssyncadd.s32 s3;
	_ =	sdelay $0x1  }
0xa1: {  	s23 =	simm.s32 $0x1B8B  }
0xa2: {  	_ =	swait.ge [sflag:s23], $0x1  }
0xa3: {  	[sflag:s23] =	ssyncset.done $0x0  }
0xa4: {  	s25 =	simm.s32 $0x1B8E;
	s24 =	sld [smem:$0x3FFE];
	[sflag:s23] =	ssyncadd.s32 $0xFFFFFFFF  }
0xa5: {  	s26 =	simm.s32 $execute0_lowered;
	[smem:$0x3FD2] =	sst s25  }
0xa6: {  	s4 =	sshll.u32 s26, $0x1;
	_ =	strace $0x80000046;
	[dreg:$0x1] =	wrdreg $0xFFFFFFFF  }
0xa7: {  	s28 =	simm.s32 $_size_execute0_lowered;
	s2 =	sadd.s32 s2, s4;
	[dreg:$0x0] =	wrdreg $0x0  }
0xa8: {  	s4 =	sshll.u32 s28, $0x1;
	[dreg:$0x2] =	wrdreg s2  }
0xa9: {  	[dreg:$0x3] =	wrdreg s4  }
0xaa: {  	[dreg:$0x4] =	wrdreg $0xC0  }
0xab: {  	_ =	task [dreg:s6], $0x5FFFF  }
0xac: {  	[dreg:$0x1] =	wrdreg $0xFFFFFFFF  }
0xad: {  	[dreg:$0x0] =	wrdreg $0x60  }
0xae: {  	[dreg:$0x2] =	wrdreg s24  }
0xaf: {  	[dreg:$0x3] =	wrdreg $0xB0800  }
0xb0: {  	[dreg:$0x4] =	wrdreg $0x9  }
0xb1: {  	_ =	task.clear_ibuf [dreg:s6], $0x5FFFF;
	_ =	strace $0x90000046  }
0xb2: {  	s29 =	simm.s32 $0x9;
	_ =	strace $0x80000048  }
0xb3: {  	_ =	swait.ge [sflag:s29], $0x1  }
0xb4: {  	[sflag:s29] =	ssyncadd.s32 $0xFFFFFFFF  }
0xb5: {  	_ =	strace $0x90000048  }
0xb6: {  	_ =	sfence  }
0xb7: {  	s30 =	sld [smem:$0x0];
	_ =	sdelay $0x2  }
0xb8: {  	s31 =	sshll.u32 s1, $0xD;
	s1 =	sshrl.u32 s1, $0x2  }
0xb9: {  	s3 =	sand.u32 $0x4000, s31;
	s1 =	sadd.s32 s1, s30  }
0xba: {  	s0 =	sor.u32 s3, s0;
	s1 =	sshll.u32 s1, $0x11  }
0xbb: {  	s0 =	sor.u32 s1, s0  }
0xbc: {  	s0 =	sadd.s32 $0x8F2B, s0  }
0xbd: {  	[sflag:s0] =	ssyncadd.remote.s32 $0x1  }
0xbe: {  	_ =	sfence.sel $0xFFFF  }
0xbf: {  	[dreg:$0x0] =	wrdreg $0xFFFFFFFF;
	(pc) =	sbr.abs _section_cstart, $3  }
0xc0: {  	[dreg:$0x1] =	wrdreg $0xFFFFFFFF  }
0xc1: {  	_ =	task.clear_ibuf [dreg:s6], $0x2FFFF;
	_ =	strace $0x9FFFFFFF  }
0xc2: {  	(tm) =	ssettm $0x7FFFFFFF  }
0xc3: {  	_ =	shalt  }
tec
execute0_lowered:
.L_overlay_start_1:
0x0: {  	(tag) =	ssettag $0x1  }
0x1: {  	s5 =	rddreg [dreg:$0x0]  }
0x2: {  	s0 =	srdreg.scid;
	s2 =	rddreg [dreg:$0x1]  }
0x3: {  	s1 =	stileid.u32;
	s3 =	simm.s32 $0x0;
	s11 =	simm.s32 $0x80  }
0x4: {  	s12 =	simm.s32 $0xB000;
	s4 =	sand.u32 $0x1, s0;
	s0 =	rddreg [dreg:$0x2]  }
0x5: {  	s13 =	simm.s32 $0x0;
	s7 =	smul.u32 $0x1100, s1;
	[smem:$0x7FF] =	sst s3  }
0x6: {  	s31 =	sshll.u32 s1, $0x6;
	s6 =	sshll.u32 s4, $0x4;
	s8 =	smul.u32 $0x11000, s4  }
0x7: {  	_ =	strace $0x80000047;
	s9 =	ssub.s32 $0x2, s4;
	s6 =	sor.u32 s1, s6  }
0x8: {  	s4 =	sadd.s32 $0x30600, s5;
	s6 =	smul.u32 $0x1600, s6;
	s8 =	sadd.s32 s7, s8  }
0x9: {  	s30 =	sshrl.u32 s9, $0x1;
	s10 =	sadd.s32 s7, s2;
	s8 =	sshrl.u32 s8, $0x3  }
0xa: {  	s9 =	ssub.s32 s9, s30;
	s6 =	sadd.s32 s6, s5;
	s8 =	sadd.s32 s8, s5  }
0xb: {  	s5 =	sor.u32 $0x1C01, s31;
	s6 =	sadd.s32 $0x4600, s6;
	s7 =	sadd.s32 $0x30A00, s8  }
0xc: {  	v0 =	vimm.f32 $1.000000000e+00;
	s8 =	smax.u32 s9, $0x1;
	s9 =	sshrl.u32 s10, $0x3;
	s10 =	simm.s32 $0x1  }
.LBB2_1:
0xd: {  	[tilespmem:$0xB000] =	vst v0  }
0xe: {  	[tilespmem:$0xB010] =	vst v0  }
0xf: {  	[tilespmem:$0xB020] =	vst v0  }
0x10: {  	[tilespmem:$0xB030] =	vst v0  }
0x11: {  	[tilespmem:$0xB040] =	vst v0  }
0x12: {  	[tilespmem:$0xB050] =	vst v0  }
0x13: {  	[tilespmem:$0xB060] =	vst v0  }
0x14: {  	[tilespmem:$0xB070] =	vst v0  }
0x15: {  	[spmem:s9], [sflag:s5] =	dma.local [hbm:s4], $0x220  }
0x16: {  	_ =	swait.ge [sflag:s10], $0x220  }
0x17: {  	[sflag:s10] =	ssyncset.done $0x0  }
0x18: {  	[sflag:s10] =	ssyncadd.s32 $0xFFFFFDE0  }
0x19: {  	[tilespmem:s3], [sflag:$0x1] =	stream.linear.gather [hbm4b:s6+s3], $0xB000, $0x38;
	[tilespmem:$0xC180] =	vst v63  }
0x1a: {  	_ =	swait.ge [sflag:s10], $0xB000  }
0x1b: {  	[sflag:s10] =	ssyncset.done $0x0  }
0x1c: {  	[sflag:s10] =	ssyncadd.s32 $0xFFFF5000  }
0x1d: {  	s14 =	simm.s32 $0x0;
	[bflag:$0x0] =	sbarrier.arrive $0xFFFF  }
0x1e: {  	[spmem:s2] =	stream.indirect.scatter.add.f32 [tilespmem:s12], [sflag:$0x1], $0x1, s14, s11, $0xb8;
	[tilespmem:$0xC180] =	vst v63  }
0x1f: {  	_ =	swait.ge [sflag:s10], $0x80  }
0x20: {  	s14 =	simm.s32 $0x200;
	[sflag:s10] =	ssyncset.done $0x0  }
.LBB2_2:
0x21: {  	s15 =	sshra.s32 s14, $0x2;
	[sflag:s10] =	ssyncadd.s32 $0xFFFFFF80;
	p0 =	sne.s32 s14, $0x2BE00  }
0x22: {  	[spmem:s2] =	stream.indirect.scatter.add.f32 [tilespmem:s12], [sflag:$0x1], $0x1, s15, s11, $0xb8;
	[tilespmem:$0xC180] =	vst v63  }
.Ltmp0:
0x23: {  	_ = 	snop;
	(pc) =	sbr.rel @p0 .LBB2_2-.Ltmp0, $4  }
0x24: {  	_ = 	snop  }
0x25: {  	s14 =	sadd.s32 $0x200, s14  }
0x26: {  	_ =	swait.ge [sflag:s10], $0x80  }
0x27: {  	[sflag:s10] =	ssyncset.done $0x0  }
0x28: {  	s13 =	sadd.s32 $0x1, s13  }
0x29: {  	[sflag:s10] =	ssyncadd.s32 $0xFFFFFF80;
	p0 =	sne.s32 s13, s8  }
.Ltmp1:
0x2a: {  	[bflag:$0x0] =	sbarrier.arrive $0xFFFF;
	(pc) =	sbr.rel @p0 .LBB2_1-.Ltmp1, $4  }
0x2b: {  	[hbm:s7], [sflag:s5] =	dma.local [spmem:s9], $0x220  }
0x2c: {  	_ =	swait.ge [sflag:s10], $0x220  }
0x2d: {  	[sflag:s10] =	ssyncset.done $0x0  }
0x2e: {  	[sflag:s10] =	ssyncadd.s32 $0xFFFFFDE0  }
0x2f: {  	_ =	sfence.sel $0x180000  }
0x30: {  	[bflag:$0x0] =	sbarrier.arrive $0xFFFF  }
0x31: {  	p0 =	sne.s32 s1, $0x0;
	_ =	strace $0x90000047  }
0x32: {  	s0 =	sadd.s32 @!p0 $0x100000, s0;
	[bflag:$0x2] =	sbarrier.arrive $0xFFFF  }
0x33: {  	[sflag:s0] =	ssyncadd.tile.s32 @!p0 $0x1;
	_ =	shalt  }
.Lfunc_end2:
_tile_overlayer_lowered:
.L_overlay_start_2:
0x34: {  	(tag) =	ssettag $0x2  }
0x35: {  	s0 =	rddreg [dreg:$0x0];
	s2 =	stileid.u32  }
0x36: {  	s1 =	rddreg [dreg:$0x1];
	p0 =	sne.s32 s2, $0x0  }
0x37: {  	s3 =	rddreg [dreg:$0x2];
	[bflag:$0x3] =	sbarrier.arrive $0xFFFF;
	s2 =	simm.s32 @!p0 $0x1C01  }
0x38: {  	[timem:s3], [sflag:s2] =	dma.local @!p0 [hbm:s0], s1  }
0x39: {  	s0 =	simm.s32 @!p0 $0x1  }
0x3a: {  	_ =	swait.ge @!p0 [sflag:s0], s1  }
0x3b: {  	s1 =	ssub.s32 @!p0 $0x0, s1;
	[sflag:s0] =	ssyncset.done @!p0 $0x0  }
0x3c: {  	[sflag:s0] =	ssyncadd.s32 @!p0 s1  }
0x3d: {  	[bflag:$0x3] =	sbarrier.arrive $0xFFFF  }
0x3e: {  	_ =	shalt  }

// kernel: kernel.13.cloned.1.call-start
scs
__scs_entry_jumppad:
0x0: {  	(pc) =	sbr.rel $0x88, $3  }
0x1: {  	(tag) =	ssettag $0x0;
	lr =	simm.s32 $0x1  }
0x2: {  	[smem:$0x3F8E] =	sst lr;
	_ =	strace $0xD0000000  }
0x3: {  	_ = 	snop  }
0x4: {  	_ = 	snop  }
0x5: {  	_ = 	snop  }
0x6: {  	_ = 	snop  }
0x7: {  	_ = 	snop  }
__scs_overlays_trampoline_lowered:
0x8: {  	[smem:$0x3F9D] =	sst s0  }
0x9: {  	[smem:$0x3F9E] =	sst s1  }
0xa: {  	[smem:$0x3F9F] =	sst s2  }
0xb: {  	[smem:$0x3FA0] =	sst s3  }
0xc: {  	[smem:$0x3FA1] =	sst s4  }
0xd: {  	[smem:$0x3FA2] =	sst s5  }
0xe: {  	[smem:$0x3FA3] =	sst s6  }
0xf: {  	[smem:$0x3FA4] =	sst s7  }
0x10: {  	[smem:$0x3FA5] =	sst s8  }
0x11: {  	[smem:$0x3FA6] =	sst s9;
	s0 =	simm.s32 @!p0 $0x0  }
0x12: {  	s1 =	sld [smem:$0x3F8C];
	s0 =	simm.s32 @p0 $0x1  }
0x13: {  	[smem:$0x3FA7] =	sst s0;
	s0 =	simm.s32 @!p1 $0x0  }
0x14: {  	s2 =	sld [smem:$0x3F8B];
	s0 =	simm.s32 @p1 $0x1  }
0x15: {  	[smem:$0x3FA8] =	sst s0;
	s0 =	simm.s32 @!p2 $0x0  }
0x16: {  	s3 =	sld [smem:$0x3FDB];
	s0 =	simm.s32 @p2 $0x1  }
0x17: {  	s4 =	simm.s32 $0x1BF5;
	[smem:$0x3FAA] =	sst s0  }
0x18: {  	s0 =	sld [smem:$0x3F8D];
	_ =	swait.ge [sflag:s4], $0x0  }
0x19: {  	s7 =	sld [smem:$0x3F8E]  }
0x1a: {  	s8 =	sadd.s32 $0xFFFFE003, lr  }
0x1b: {  	s9 =	sadd.s32 $0xFFFFFEF7, lr;
	s5 =	simm.s32 $0xFFFFFFFF;
	p2 =	slt.u32 s8, $0xFFFFF086  }
0x1c: {  	p1 =	slt.u32 s9, $0xF7A;
	s5 =	simm.s32 @!p2 $0x0  }
0x1d: {  	s5 =	simm.s32 @p1 $0x1;
	p0 =	seq.s32 s7, s2  }
0x1e: {  	s7 =	smul.u32 @!p0 $0xF7A, s2;
	p2 =	seq.s32 @!p0 s5, $0x0  }
0x1f: {  	s9 =	smul.u32 $0xF7A, s1;
	s8 =	simm.s32 @!p0 $0x1BF5;
	p2 =	por !p2, p0  }
0x20: {  	[sflag:s8] =	ssyncset.s32 @!p0 $0xFFFFF086;
	s6 =	sadd.s32 @!p0 s3, s7;
	s7 =	simm.s32 @!p0 $0x108  }
0x21: {  	s3 =	sadd.s32 s3, s9;
	s6 =	sadd.s32 @!p0 $0x88, s6;
	s7 =	simm.s32 @p2 $0x1082  }
0x22: {  	[simem:s7], [sflag:s8] =	dma.local @!p0 [hbm:s6], $0xF7A  }
0x23: {  	s9 =	sor.u32 $0xD0000000, s2;
	s6 =	simm.s32 $0x108;
	_ =	swait.ge @!p0 [sflag:s8], $0x0  }
0x24: {  	s3 =	sadd.s32 $0x88, s3;
	s6 =	simm.s32 @!p1 $0x1082;
	[sflag:s4] =	ssyncset.s32 $0xFFFFF086  }
0x25: {  	[simem:s6], [sflag:s4] =	dma.local [hbm:s3], $0xF7A  }
0x26: {  	[smem:$0x3F8E] =	sst s1;
	(tag) =	ssettag s2;
	_ =	strace s9  }
0x27: {  	s1 =	sld [smem:$0x3F9E]  }
0x28: {  	s2 =	sld [smem:$0x3F9F]  }
0x29: {  	s4 =	sld [smem:$0x3FA1]  }
0x2a: {  	p0 =	seq.s32 s5, $0x0;
	s5 =	sld [smem:$0x3FA2]  }
0x2b: {  	s6 =	sld [smem:$0x3FA3]  }
0x2c: {  	s7 =	sld [smem:$0x3FA4]  }
0x2d: {  	s3 =	simm.s32 $0x108;
	s8 =	sld [smem:$0x3FA5]  }
0x2e: {  	s3 =	simm.s32 @!p0 $0x1082;
	s9 =	sld [smem:$0x3FA6]  }
0x2f: {  	lr =	sadd.s32 s0, s3;
	s0 =	sld [smem:$0x3F9D]  }
0x30: {  	s3 =	sld [smem:$0x3FA0]  }
0x31: {  	[smem:$0x3FA9] =	sst s10  }
0x32: {  	s10 =	sld [smem:$0x3FA7];
	_ =	sdelay $0x3  }
0x33: {  	p0 =	seq.s32 s10, $0x1;
	s10 =	sld [smem:$0x3FA9];
	_ =	sdelay $0x3  }
0x34: {  	[smem:$0x3FA9] =	sst s10  }
0x35: {  	s10 =	sld [smem:$0x3FA8];
	_ =	sdelay $0x3  }
0x36: {  	p1 =	seq.s32 s10, $0x1;
	s10 =	sld [smem:$0x3FA9];
	_ =	sdelay $0x3  }
0x37: {  	[smem:$0x3FA9] =	sst s10  }
0x38: {  	s10 =	sld [smem:$0x3FAA]  }
0x39: {  	_ = 	snop;
	(pc) =	sbr.ind lr, $3  }
0x3a: {  	_ = 	snop  }
0x3b: {  	_ = 	snop  }
0x3c: {  	p2 =	seq.s32 s10, $0x1;
	s10 =	sld [smem:$0x3FA9]  }
0x3d: {  	_ =	shalt  }
0x3e: {  	_ =	shalt  }
0x3f: {  	_ =	shalt  }
0x40: {  	_ =	shalt  }
0x41: {  	_ =	shalt  }
0x42: {  	_ =	shalt  }
0x43: {  	_ =	shalt  }
0x44: {  	_ =	shalt  }
0x45: {  	_ =	shalt  }
0x46: {  	_ =	shalt  }
0x47: {  	_ =	shalt  }
0x48: {  	_ =	shalt  }
0x49: {  	_ =	shalt  }
0x4a: {  	_ =	shalt  }
0x4b: {  	_ =	shalt  }
0x4c: {  	_ =	shalt  }
0x4d: {  	_ =	shalt  }
0x4e: {  	_ =	shalt  }
0x4f: {  	_ =	shalt  }
0x50: {  	_ =	shalt  }
0x51: {  	_ =	shalt  }
0x52: {  	_ =	shalt  }
0x53: {  	_ =	shalt  }
0x54: {  	_ =	shalt  }
0x55: {  	_ =	shalt  }
0x56: {  	_ =	shalt  }
0x57: {  	_ =	shalt  }
0x58: {  	_ =	shalt  }
0x59: {  	_ =	shalt  }
0x5a: {  	_ =	shalt  }
0x5b: {  	_ =	shalt  }
0x5c: {  	_ =	shalt  }
0x5d: {  	_ =	shalt  }
0x5e: {  	_ =	shalt  }
0x5f: {  	_ =	shalt  }
0x60: {  	_ =	shalt  }
0x61: {  	_ =	shalt  }
0x62: {  	_ =	shalt  }
0x63: {  	_ =	shalt  }
0x64: {  	_ =	shalt  }
0x65: {  	_ =	shalt  }
0x66: {  	_ =	shalt  }
0x67: {  	_ =	shalt  }
0x68: {  	_ =	shalt  }
0x69: {  	_ =	shalt  }
0x6a: {  	_ =	shalt  }
0x6b: {  	_ =	shalt  }
0x6c: {  	_ =	shalt  }
0x6d: {  	_ =	shalt  }
0x6e: {  	_ =	shalt  }
0x6f: {  	_ =	shalt  }
0x70: {  	_ =	shalt  }
0x71: {  	_ =	shalt  }
0x72: {  	_ =	shalt  }
0x73: {  	_ =	shalt  }
0x74: {  	_ =	shalt  }
0x75: {  	_ =	shalt  }
0x76: {  	_ =	shalt  }
0x77: {  	_ =	shalt  }
0x78: {  	_ =	shalt  }
0x79: {  	_ =	shalt  }
0x7a: {  	_ =	shalt  }
0x7b: {  	_ =	shalt  }
0x7c: {  	_ =	shalt  }
0x7d: {  	_ =	shalt  }
0x7e: {  	_ =	shalt  }
0x7f: {  	_ =	shalt  }
0x80: {  	_ =	shalt  }
0x81: {  	_ =	shalt  }
0x82: {  	_ =	shalt  }
0x83: {  	_ =	shalt  }
0x84: {  	_ =	shalt  }
0x85: {  	_ =	shalt  }
0x86: {  	_ =	shalt  }
0x87: {  	_ =	shalt  }
.Lfunc_end0:
.L_simem_size_0:
called_computation.1_lowered:
.L_overlay_start_0:
0x88: {  	s2 =	sld [smem:$0x3FD9]  }
0x89: {  	s3 =	sld [smem:$0x3FFE];
	_ =	sdelay $0x1  }
0x8a: {  	s1 =	srdreg.scid  }
0x8b: {  	s0 =	sand.u32 $0x1, s1  }
0x8c: {  	s16 =	sshll.u32 s0, $0xA;
	s2 =	sadd.s32 s3, s2  }
0x8d: {  	s2 =	sadd.s32 s2, s16  }
0x8e: {  	[smem:$0x3FB5] =	sst s2  }
0x8f: {  	_ = 	snop  }
0x90: {  	(tm) =	ssettm $0x1  }
0x91: {  	s17 =	sld [smem:$0x3FFB];
	_ =	sdelay $0x3  }
0x92: {  	_ =	strace s17  }
0x93: {  	s2 =	sld [smem:$0x3FFC];
	_ =	sdelay $0x3  }
0x94: {  	_ =	strace s2  }
0x95: {  	s2 =	sld [smem:$0x3FFD];
	_ =	sdelay $0x3  }
0x96: {  	_ =	strace s2  }
0x97: {  	_ =	strace $0x8FFFFFFF  }
0x98: {  	s18 =	sld [smem:$0x3FDB];
	_ =	sdelay $0x1  }
0x99: {  	s19 =	simm.s32 $_scs_section_size  }
0x9a: {  	s4 =	simm.s32 $_size__tile_overlayer_lowered;
	s5 =	simm.s32 $_tile_overlayer_lowered  }
0x9b: {  	s22 =	simm.s32 $0x1BFF;
	s21 =	sshll.u32 s5, $0x1;
	s2 =	sadd.s32 s19, s18  }
0x9c: {  	s6 =	simm.s32 $0x0;
	s20 =	sshll.u32 s4, $0x1;
	s4 =	sadd.s32 s21, s2  }
0x9d: {  	[timem:s6], [sflag:s22] =	dma.local [hbm:s4], s20  }
0x9e: {  	_ =	swait.ge [sflag:s22], s20  }
0x9f: {  	s3 =	ssub.s32 $0x0, s20;
	[sflag:s22] =	ssyncset.done $0x0  }
0xa0: {  	[sflag:s22] =	ssyncadd.s32 s3;
	_ =	sdelay $0x1  }
0xa1: {  	s23 =	simm.s32 $0x1B8B  }
0xa2: {  	_ =	swait.ge [sflag:s23], $0x1  }
0xa3: {  	[sflag:s23] =	ssyncset.done $0x0  }
0xa4: {  	s25 =	simm.s32 $0x1B8E;
	s24 =	sld [smem:$0x3FFE];
	[sflag:s23] =	ssyncadd.s32 $0xFFFFFFFF  }
0xa5: {  	s26 =	simm.s32 $execute0_lowered;
	[smem:$0x3FD2] =	sst s25  }
0xa6: {  	s4 =	sshll.u32 s26, $0x1;
	_ =	strace $0x80000049;
	[dreg:$0x1] =	wrdreg $0xFFFFFFFF  }
0xa7: {  	s28 =	simm.s32 $_size_execute0_lowered;
	s2 =	sadd.s32 s2, s4;
	[dreg:$0x0] =	wrdreg $0x0  }
0xa8: {  	s4 =	sshll.u32 s28, $0x1;
	[dreg:$0x2] =	wrdreg s2  }
0xa9: {  	[dreg:$0x3] =	wrdreg s4  }
0xaa: {  	[dreg:$0x4] =	wrdreg $0xC0  }
0xab: {  	_ =	task [dreg:s6], $0x5FFFF  }
0xac: {  	[dreg:$0x1] =	wrdreg $0xFFFFFFFF  }
0xad: {  	[dreg:$0x0] =	wrdreg $0x60  }
0xae: {  	[dreg:$0x2] =	wrdreg s24  }
0xaf: {  	[dreg:$0x3] =	wrdreg $0x90800  }
0xb0: {  	[dreg:$0x4] =	wrdreg $0x9  }
0xb1: {  	_ =	task.clear_ibuf [dreg:s6], $0x5FFFF;
	_ =	strace $0x90000049  }
0xb2: {  	s29 =	simm.s32 $0x9;
	_ =	strace $0x8000004B  }
0xb3: {  	_ =	swait.ge [sflag:s29], $0x1  }
0xb4: {  	[sflag:s29] =	ssyncadd.s32 $0xFFFFFFFF  }
0xb5: {  	_ =	strace $0x9000004B  }
0xb6: {  	_ =	sfence  }
0xb7: {  	s30 =	sld [smem:$0x0];
	_ =	sdelay $0x2  }
0xb8: {  	s31 =	sshll.u32 s1, $0xD;
	s1 =	sshrl.u32 s1, $0x2  }
0xb9: {  	s3 =	sand.u32 $0x4000, s31;
	s1 =	sadd.s32 s1, s30  }
0xba: {  	s0 =	sor.u32 s3, s0;
	s1 =	sshll.u32 s1, $0x11  }
0xbb: {  	s0 =	sor.u32 s1, s0  }
0xbc: {  	s0 =	sadd.s32 $0x8F2B, s0  }
0xbd: {  	[sflag:s0] =	ssyncadd.remote.s32 $0x1  }
0xbe: {  	_ =	sfence.sel $0xFFFF  }
0xbf: {  	[dreg:$0x0] =	wrdreg $0xFFFFFFFF;
	(pc) =	sbr.abs _section_cstart, $3  }
0xc0: {  	[dreg:$0x1] =	wrdreg $0xFFFFFFFF  }
0xc1: {  	_ =	task.clear_ibuf [dreg:s6], $0x2FFFF;
	_ =	strace $0x9FFFFFFF  }
0xc2: {  	(tm) =	ssettm $0x7FFFFFFF  }
0xc3: {  	_ =	shalt  }
tec
execute0_lowered:
.L_overlay_start_1:
0x0: {  	(tag) =	ssettag $0x1  }
0x1: {  	s0 =	rddreg [dreg:$0x0]  }
0x2: {  	s9 =	rddreg [dreg:$0x1]  }
0x3: {  	s3 =	simm.s32 $0x0;
	s1 =	srdreg.scid;
	s19 =	stileid.u32  }
0x4: {  	s15 =	simm.s32 $0x7;
	s16 =	simm.s32 $0x400;
	s17 =	simm.s32 $0x800  }
0x5: {  	s18 =	simm.s32 $0xC00;
	s20 =	simm.s32 $0x1000;
	s28 =	simm.s32 $0x5  }
0x6: {  	s29 =	simm.s32 $0x4;
	s30 =	simm.s32 $0x3;
	s4 =	smul.u32 $0x280, s19  }
0x7: {  	s31 =	simm.s32 $0x0;
	[smem:$0x7FF] =	sst s3;
	s8 =	smul.u32 $0x50000, s19  }
0x8: {  	s1 =	sand.u32 $0x1, s1;
	s10 =	sadd.s32 $0x5D200, s0;
	s23 =	smul.u32 $0xA00, s19  }
0x9: {  	s12 =	sadd.s32 $0x34E00, s0;
	s14 =	sadd.s32 $0x49000, s0;
	s2 =	smul.u32 $0x2800, s1  }
0xa: {  	s26 =	sshll.u32 s19, $0x6;
	_ =	strace $0x8000004A;
	s11 =	smul.u32 $0x28000, s1  }
0xb: {  	s5 =	sshll.u32 s1, $0x4;
	s22 =	ssub.s32 $0x2, s1;
	s1 =	smul.u32 $0xA000, s1  }
0xc: {  	s5 =	sor.u32 s19, s5;
	s6 =	sshrl.u32 s22, $0x1;
	s8 =	sshrl.u32 s8, $0x2  }
0xd: {  	s19 =	sor.u32 $0x1C07, s26;
	s26 =	simm.s32 $0x2;
	s2 =	sadd.s32 s4, s2  }
0xe: {  	s5 =	smul.u32 $0xA00, s5;
	s13 =	ssub.s32 s22, s6;
	s8 =	sadd.s32 s8, s9  }
0xf: {  	s24 =	sadd.s32 s1, s12;
	s25 =	sadd.s32 s1, s14;
	s2 =	sshll.u32 s2, $0x4  }
0x10: {  	s0 =	sadd.s32 s2, s0;
	s4 =	sadd.s32 s12, s5;
	s7 =	sor.u32 $0x80, s5  }
0x11: {  	s5 =	sadd.s32 s14, s5;
	s9 =	sadd.s32 s10, s2;
	s10 =	sadd.s32 s10, s11  }
0x12: {  	s6 =	sadd.s32 s12, s7;
	s7 =	sadd.s32 s14, s7;
	s11 =	sadd.s32 $0xAD200, s0  }
0x13: {  	s12 =	smax.u32 s13, $0x1;
	s13 =	sadd.s32 s23, s24;
	s14 =	sadd.s32 s23, s25  }
0x14: {  	v0 =	vimm.s32 $0x2710;
	s23 =	simm.s32 $0x5000;
	s24 =	simm.s32 $0x1;
	s25 =	simm.s32 $0x6  }
.LBB2_1:
0x15: {  	[tilespmem:s3], [sflag:$0x7] =	stream.linear.gather [hbm4b:s4+s3], $0x400, $0x38;
	[tilespmem:$0x1D080] =	vst v63  }
0x16: {  	_ =	swait.ge [sflag:s15], $0x400  }
0x17: {  	[sflag:s15] =	ssyncset.done $0x0  }
0x18: {  	[sflag:s15] =	ssyncadd.s32 $0xFFFFFC00  }
0x19: {  	[tilespmem:s16], [sflag:$0x7] =	stream.linear.gather [hbm4b:s5+s3], $0x400, $0x38;
	[tilespmem:$0x1D080] =	vst v63  }
0x1a: {  	_ =	swait.ge [sflag:s15], $0x400  }
0x1b: {  	[sflag:s15] =	ssyncset.done $0x0  }
0x1c: {  	[sflag:s15] =	ssyncadd.s32 $0xFFFFFC00  }
0x1d: {  	[tilespmem:s17], [sflag:$0x4] =	stream.linear.gather [hbm4b:s6+s3], $0x400, $0x38;
	[tilespmem:$0x1D080] =	vst v63  }
0x1e: {  	_ = 	snop  }
0x1f: {  	[tilespmem:s18], [sflag:$0x4] =	stream.linear.gather [hbm4b:s7+s3], $0x400, $0x38;
	[tilespmem:$0x1D080] =	vst v63  }
0x20: {  	[tilespmem:$0x9000] =	vst v0  }
0x21: {  	[tilespmem:$0x9010] =	vst v0  }
0x22: {  	[tilespmem:$0x9020] =	vst v0  }
0x23: {  	[tilespmem:$0x9030] =	vst v0  }
0x24: {  	[tilespmem:$0x9040] =	vst v0  }
0x25: {  	[tilespmem:$0x9050] =	vst v0  }
0x26: {  	[tilespmem:$0x9060] =	vst v0  }
0x27: {  	s0 =	sshrl.u32 s8, $0x3;
	[tilespmem:$0x9070] =	vst v0  }
0x28: {  	[spmem:s0], [sflag:s19] =	dma.local [hbm:s9], $0x2800  }
0x29: {  	_ =	swait.ge [sflag:s15], $0x2800  }
0x2a: {  	[sflag:s15] =	ssyncset.done $0x0  }
0x2b: {  	[sflag:s15] =	ssyncadd.s32 $0xFFFFD800  }
0x2c: {  	[bflag:$0x0] =	sbarrier.arrive $0xFFFF  }
0x2d: {  	[tilespmem:s20], [sflag:$0x1] =	stream.linear.gather [hbm4b:s10+s3], $0x4000, $0x38;
	[tilespmem:$0x1D080] =	vst v63  }
0x2e: {  	s2 =	simm.s32 $0x80;
	s21 =	simm.s32 $0x9000;
	s1 =	rddreg [dreg:$0x1]  }
0x2f: {  	[spmem:s1] =	stream.indirect.scatter.add.f32 [tilespmem:s23], [sflag:$0x6], $0x80, s21, s2, $0xb8;
	[tilespmem:$0x1D080] =	vst v63  }
0x30: {  	_ =	swait.ge [sflag:s24], $0x4000  }
0x31: {  	[sflag:s24] =	ssyncset.done $0x0  }
0x32: {  	[sflag:s24] =	ssyncadd.s32 $0xFFFFC000  }
0x33: {  	[spmem:s8] =	stream.linear.scatter [tilespmem:s20], [sflag:$0x5], $0x4000, $0x38;
	[tilespmem:$0x1D080] =	vst v63  }
0x34: {  	_ =	swait.ge [sflag:s25], $0x4000  }
0x35: {  	[sflag:s25] =	ssyncset.done $0x0  }
0x36: {  	[sflag:s25] =	ssyncadd.s32 $0xFFFFC000  }
0x37: {  	[tilespmem:s23], [sflag:$0x2] =	stream.linear.gather [hbm4b:s10+s3], $0x4000, $0x38;
	[tilespmem:$0x1D080] =	vst v63  }
0x38: {  	_ =	swait.ge [sflag:s26], $0x4000  }
0x39: {  	[sflag:s26] =	ssyncset.done $0x0  }
0x3a: {  	[sflag:s26] =	ssyncadd.s32 $0xFFFFC000  }
0x3b: {  	[spmem:s8] =	stream.linear.scatter [tilespmem:s23], [sflag:$0x6], $0x4000, $0x38;
	[tilespmem:$0x1D080] =	vst v63  }
0x3c: {  	_ =	swait.ge [sflag:s28], $0x4000  }
0x3d: {  	[sflag:s28] =	ssyncset.done $0x0  }
0x3e: {  	[sflag:s28] =	ssyncadd.s32 $0xFFFFC000  }
0x3f: {  	[tilespmem:s20], [sflag:$0x1] =	stream.linear.gather [hbm4b:s10+s3], $0x4000, $0x38;
	[tilespmem:$0x1D080] =	vst v63  }
0x40: {  	_ =	swait.ge [sflag:s24], $0x4000  }
0x41: {  	[sflag:s24] =	ssyncset.done $0x0  }
0x42: {  	[sflag:s24] =	ssyncadd.s32 $0xFFFFC000  }
0x43: {  	[spmem:s8] =	stream.linear.scatter [tilespmem:s20], [sflag:$0x5], $0x4000, $0x38;
	[tilespmem:$0x1D080] =	vst v63  }
0x44: {  	_ =	swait.ge [sflag:s25], $0x4000  }
0x45: {  	[sflag:s25] =	ssyncset.done $0x0  }
0x46: {  	[sflag:s25] =	ssyncadd.s32 $0xFFFFC000  }
0x47: {  	[tilespmem:s23], [sflag:$0x2] =	stream.linear.gather [hbm4b:s10+s3], $0x4000, $0x38;
	[tilespmem:$0x1D080] =	vst v63  }
0x48: {  	_ =	swait.ge [sflag:s26], $0x4000  }
0x49: {  	[sflag:s26] =	ssyncset.done $0x0  }
0x4a: {  	[sflag:s26] =	ssyncadd.s32 $0xFFFFC000  }
0x4b: {  	[spmem:s8] =	stream.linear.scatter [tilespmem:s23], [sflag:$0x6], $0x4000, $0x38;
	[tilespmem:$0x1D080] =	vst v63  }
0x4c: {  	_ =	swait.ge [sflag:s28], $0x4000  }
0x4d: {  	[sflag:s28] =	ssyncset.done $0x0  }
0x4e: {  	[sflag:s28] =	ssyncadd.s32 $0xFFFFC000  }
0x4f: {  	[tilespmem:s20], [sflag:$0x1] =	stream.linear.gather [hbm4b:s10+s3], $0x4000, $0x38;
	[tilespmem:$0x1D080] =	vst v63  }
0x50: {  	_ =	swait.ge [sflag:s24], $0x4000  }
0x51: {  	[sflag:s24] =	ssyncset.done $0x0  }
0x52: {  	[sflag:s24] =	ssyncadd.s32 $0xFFFFC000  }
0x53: {  	[spmem:s8] =	stream.linear.scatter [tilespmem:s20], [sflag:$0x5], $0x4000, $0x38;
	[tilespmem:$0x1D080] =	vst v63  }
0x54: {  	_ =	swait.ge [sflag:s25], $0x4000  }
0x55: {  	[sflag:s25] =	ssyncset.done $0x0  }
0x56: {  	[sflag:s25] =	ssyncadd.s32 $0xFFFFC000  }
0x57: {  	[tilespmem:s23], [sflag:$0x2] =	stream.linear.gather [hbm4b:s10+s3], $0x4000, $0x38;
	[tilespmem:$0x1D080] =	vst v63  }
0x58: {  	_ =	swait.ge [sflag:s26], $0x4000  }
0x59: {  	[sflag:s26] =	ssyncset.done $0x0  }
0x5a: {  	[sflag:s26] =	ssyncadd.s32 $0xFFFFC000  }
0x5b: {  	[spmem:s8] =	stream.linear.scatter [tilespmem:s23], [sflag:$0x6], $0x4000, $0x38;
	[tilespmem:$0x1D080] =	vst v63  }
0x5c: {  	_ =	swait.ge [sflag:s28], $0x4000  }
0x5d: {  	[sflag:s28] =	ssyncset.done $0x0  }
0x5e: {  	[sflag:s28] =	ssyncadd.s32 $0xFFFFC000  }
0x5f: {  	[tilespmem:s20], [sflag:$0x1] =	stream.linear.gather [hbm4b:s10+s3], $0x4000, $0x38;
	[tilespmem:$0x1D080] =	vst v63  }
0x60: {  	_ =	swait.ge [sflag:s24], $0x4000  }
0x61: {  	[sflag:s24] =	ssyncset.done $0x0  }
0x62: {  	[sflag:s24] =	ssyncadd.s32 $0xFFFFC000  }
0x63: {  	[spmem:s8] =	stream.linear.scatter [tilespmem:s20], [sflag:$0x5], $0x4000, $0x38;
	[tilespmem:$0x1D080] =	vst v63  }
0x64: {  	_ =	swait.ge [sflag:s25], $0x4000  }
0x65: {  	[sflag:s25] =	ssyncset.done $0x0  }
0x66: {  	[sflag:s25] =	ssyncadd.s32 $0xFFFFC000  }
0x67: {  	[tilespmem:s23], [sflag:$0x2] =	stream.linear.gather [hbm4b:s10+s3], $0x4000, $0x38;
	[tilespmem:$0x1D080] =	vst v63  }
0x68: {  	_ =	swait.ge [sflag:s26], $0x4000  }
0x69: {  	[sflag:s26] =	ssyncset.done $0x0  }
0x6a: {  	[sflag:s26] =	ssyncadd.s32 $0xFFFFC000  }
0x6b: {  	[spmem:s8] =	stream.linear.scatter [tilespmem:s23], [sflag:$0x6], $0x4000, $0x38;
	[tilespmem:$0x1D080] =	vst v63  }
0x6c: {  	_ =	swait.ge [sflag:s28], $0x4000  }
0x6d: {  	[sflag:s28] =	ssyncset.done $0x0  }
0x6e: {  	[sflag:s28] =	ssyncadd.s32 $0xFFFFC000  }
0x6f: {  	_ =	swait.ge [sflag:s29], $0x400  }
0x70: {  	[sflag:s29] =	ssyncset.done $0x0  }
0x71: {  	[sflag:s29] =	ssyncadd.s32 $0xFFFFFC00  }
0x72: {  	_ =	swait.ge [sflag:s29], $0x400  }
0x73: {  	s1 =	sadd.s32 $0x0, s13;
	[sflag:s29] =	ssyncset.done $0x0  }
0x74: {  	s2 =	sadd.s32 $0x0, s14;
	s22 =	sadd.s32 $0x100, s1;
	[sflag:s29] =	ssyncadd.s32 $0xFFFFFC00  }
0x75: {  	[tilespmem:s3], [sflag:$0x3] =	stream.linear.gather [hbm4b:s22+s3], $0x400, $0x38;
	[tilespmem:$0x1D080] =	vst v63  }
0x76: {  	s22 =	sadd.s32 $0x100, s2  }
0x77: {  	[tilespmem:s16], [sflag:$0x3] =	stream.linear.gather [hbm4b:s22+s3], $0x400, $0x38;
	[tilespmem:$0x1D080] =	vst v63  }
0x78: {  	_ = 	snop  }
0x79: {  	[tilespmem:s20], [sflag:$0x1] =	stream.linear.gather [hbm4b:s10+s3], $0x4000, $0x38;
	[tilespmem:$0x1D080] =	vst v63  }
0x7a: {  	_ =	swait.ge [sflag:s24], $0x4000  }
0x7b: {  	[sflag:s24] =	ssyncset.done $0x0  }
0x7c: {  	[sflag:s24] =	ssyncadd.s32 $0xFFFFC000  }
0x7d: {  	[spmem:s8] =	stream.linear.scatter [tilespmem:s20], [sflag:$0x5], $0x4000, $0x38;
	[tilespmem:$0x1D080] =	vst v63  }
0x7e: {  	_ =	swait.ge [sflag:s25], $0x4000  }
0x7f: {  	[sflag:s25] =	ssyncset.done $0x0  }
0x80: {  	[sflag:s25] =	ssyncadd.s32 $0xFFFFC000  }
0x81: {  	[tilespmem:s23], [sflag:$0x2] =	stream.linear.gather [hbm4b:s10+s3], $0x4000, $0x38;
	[tilespmem:$0x1D080] =	vst v63  }
0x82: {  	_ =	swait.ge [sflag:s26], $0x4000  }
0x83: {  	[sflag:s26] =	ssyncset.done $0x0  }
0x84: {  	[sflag:s26] =	ssyncadd.s32 $0xFFFFC000  }
0x85: {  	[spmem:s8] =	stream.linear.scatter [tilespmem:s23], [sflag:$0x6], $0x4000, $0x38;
	[tilespmem:$0x1D080] =	vst v63  }
0x86: {  	_ =	swait.ge [sflag:s28], $0x4000  }
0x87: {  	[sflag:s28] =	ssyncset.done $0x0  }
0x88: {  	[sflag:s28] =	ssyncadd.s32 $0xFFFFC000  }
0x89: {  	[tilespmem:s20], [sflag:$0x1] =	stream.linear.gather [hbm4b:s10+s3], $0x4000, $0x38;
	[tilespmem:$0x1D080] =	vst v63  }
0x8a: {  	_ =	swait.ge [sflag:s24], $0x4000  }
0x8b: {  	[sflag:s24] =	ssyncset.done $0x0  }
0x8c: {  	[sflag:s24] =	ssyncadd.s32 $0xFFFFC000  }
0x8d: {  	[spmem:s8] =	stream.linear.scatter [tilespmem:s20], [sflag:$0x5], $0x4000, $0x38;
	[tilespmem:$0x1D080] =	vst v63  }
0x8e: {  	_ =	swait.ge [sflag:s25], $0x4000  }
0x8f: {  	[sflag:s25] =	ssyncset.done $0x0  }
0x90: {  	[sflag:s25] =	ssyncadd.s32 $0xFFFFC000  }
0x91: {  	[tilespmem:s23], [sflag:$0x2] =	stream.linear.gather [hbm4b:s10+s3], $0x4000, $0x38;
	[tilespmem:$0x1D080] =	vst v63  }
0x92: {  	_ =	swait.ge [sflag:s26], $0x4000  }
0x93: {  	[sflag:s26] =	ssyncset.done $0x0  }
0x94: {  	[sflag:s26] =	ssyncadd.s32 $0xFFFFC000  }
0x95: {  	[spmem:s8] =	stream.linear.scatter [tilespmem:s23], [sflag:$0x6], $0x4000, $0x38;
	[tilespmem:$0x1D080] =	vst v63  }
0x96: {  	_ =	swait.ge [sflag:s28], $0x4000  }
0x97: {  	[sflag:s28] =	ssyncset.done $0x0  }
0x98: {  	[sflag:s28] =	ssyncadd.s32 $0xFFFFC000  }
0x99: {  	[tilespmem:s20], [sflag:$0x1] =	stream.linear.gather [hbm4b:s10+s3], $0x4000, $0x38;
	[tilespmem:$0x1D080] =	vst v63  }
0x9a: {  	_ =	swait.ge [sflag:s24], $0x4000  }
0x9b: {  	[sflag:s24] =	ssyncset.done $0x0  }
0x9c: {  	[sflag:s24] =	ssyncadd.s32 $0xFFFFC000  }
0x9d: {  	[spmem:s8] =	stream.linear.scatter [tilespmem:s20], [sflag:$0x5], $0x4000, $0x38;
	[tilespmem:$0x1D080] =	vst v63  }
0x9e: {  	_ =	swait.ge [sflag:s25], $0x4000  }
0x9f: {  	[sflag:s25] =	ssyncset.done $0x0  }
0xa0: {  	[sflag:s25] =	ssyncadd.s32 $0xFFFFC000  }
0xa1: {  	[tilespmem:s23], [sflag:$0x2] =	stream.linear.gather [hbm4b:s10+s3], $0x4000, $0x38;
	[tilespmem:$0x1D080] =	vst v63  }
0xa2: {  	_ =	swait.ge [sflag:s26], $0x4000  }
0xa3: {  	[sflag:s26] =	ssyncset.done $0x0  }
0xa4: {  	[sflag:s26] =	ssyncadd.s32 $0xFFFFC000  }
0xa5: {  	[spmem:s8] =	stream.linear.scatter [tilespmem:s23], [sflag:$0x6], $0x4000, $0x38;
	[tilespmem:$0x1D080] =	vst v63  }
0xa6: {  	_ =	swait.ge [sflag:s28], $0x4000  }
0xa7: {  	[sflag:s28] =	ssyncset.done $0x0  }
0xa8: {  	[sflag:s28] =	ssyncadd.s32 $0xFFFFC000  }
0xa9: {  	[tilespmem:s20], [sflag:$0x1] =	stream.linear.gather [hbm4b:s10+s3], $0x4000, $0x38;
	[tilespmem:$0x1D080] =	vst v63  }
0xaa: {  	_ =	swait.ge [sflag:s24], $0x4000  }
0xab: {  	[sflag:s24] =	ssyncset.done $0x0  }
0xac: {  	[sflag:s24] =	ssyncadd.s32 $0xFFFFC000  }
0xad: {  	[spmem:s8] =	stream.linear.scatter [tilespmem:s20], [sflag:$0x5], $0x4000, $0x38;
	[tilespmem:$0x1D080] =	vst v63  }
0xae: {  	_ =	swait.ge [sflag:s25], $0x4000  }
0xaf: {  	[sflag:s25] =	ssyncset.done $0x0  }
0xb0: {  	[sflag:s25] =	ssyncadd.s32 $0xFFFFC000  }
0xb1: {  	[tilespmem:s23], [sflag:$0x2] =	stream.linear.gather [hbm4b:s10+s3], $0x4000, $0x38;
	[tilespmem:$0x1D080] =	vst v63  }
0xb2: {  	_ =	swait.ge [sflag:s26], $0x4000  }
0xb3: {  	[sflag:s26] =	ssyncset.done $0x0  }
0xb4: {  	[sflag:s26] =	ssyncadd.s32 $0xFFFFC000  }
0xb5: {  	[spmem:s8] =	stream.linear.scatter [tilespmem:s23], [sflag:$0x6], $0x4000, $0x38;
	[tilespmem:$0x1D080] =	vst v63  }
0xb6: {  	_ =	swait.ge [sflag:s28], $0x4000  }
0xb7: {  	[sflag:s28] =	ssyncset.done $0x0  }
0xb8: {  	[sflag:s28] =	ssyncadd.s32 $0xFFFFC000  }
0xb9: {  	_ =	swait.ge [sflag:s30], $0x400  }
0xba: {  	[sflag:s30] =	ssyncset.done $0x0  }
0xbb: {  	[sflag:s30] =	ssyncadd.s32 $0xFFFFFC00  }
0xbc: {  	_ =	swait.ge [sflag:s30], $0x400  }
0xbd: {  	[sflag:s30] =	ssyncset.done $0x0  }
0xbe: {  	s1 =	sadd.s32 $0x180, s1;
	[sflag:s30] =	ssyncadd.s32 $0xFFFFFC00  }
0xbf: {  	[tilespmem:s17], [sflag:$0x4] =	stream.linear.gather [hbm4b:s1+s3], $0x400, $0x38;
	[tilespmem:$0x1D080] =	vst v63  }
0xc0: {  	s22 =	sadd.s32 $0x180, s2;
	s2 =	simm.s32 $0x100  }
0xc1: {  	[tilespmem:s18], [sflag:$0x4] =	stream.linear.gather [hbm4b:s22+s3], $0x400, $0x38;
	[tilespmem:$0x1D080] =	vst v63  }
.LBB2_2:
0xc2: {  	[tilespmem:s20], [sflag:$0x1] =	stream.linear.gather [hbm4b:s10+s3], $0x4000, $0x38;
	[tilespmem:$0x1D080] =	vst v63  }
0xc3: {  	s21 =	smov.u32 s2  }
0xc4: {  	p0 =	sne.s32 s2, $0x900;
	s2 =	sadd.s32 $0x100, s2;
	_ =	swait.ge [sflag:s24], $0x4000  }
0xc5: {  	[sflag:s24] =	ssyncset.done $0x0  }
0xc6: {  	[sflag:s24] =	ssyncadd.s32 $0xFFFFC000  }
0xc7: {  	[spmem:s8] =	stream.linear.scatter [tilespmem:s20], [sflag:$0x5], $0x4000, $0x38;
	[tilespmem:$0x1D080] =	vst v63  }
0xc8: {  	_ =	swait.ge [sflag:s25], $0x4000  }
0xc9: {  	[sflag:s25] =	ssyncset.done $0x0  }
0xca: {  	[sflag:s25] =	ssyncadd.s32 $0xFFFFC000  }
0xcb: {  	[tilespmem:s23], [sflag:$0x2] =	stream.linear.gather [hbm4b:s10+s3], $0x4000, $0x38;
	[tilespmem:$0x1D080] =	vst v63  }
0xcc: {  	_ =	swait.ge [sflag:s26], $0x4000  }
0xcd: {  	[sflag:s26] =	ssyncset.done $0x0  }
0xce: {  	[sflag:s26] =	ssyncadd.s32 $0xFFFFC000  }
0xcf: {  	[spmem:s8] =	stream.linear.scatter [tilespmem:s23], [sflag:$0x6], $0x4000, $0x38;
	[tilespmem:$0x1D080] =	vst v63  }
0xd0: {  	_ =	swait.ge [sflag:s28], $0x4000  }
0xd1: {  	[sflag:s28] =	ssyncset.done $0x0  }
0xd2: {  	[sflag:s28] =	ssyncadd.s32 $0xFFFFC000  }
0xd3: {  	[tilespmem:s20], [sflag:$0x1] =	stream.linear.gather [hbm4b:s10+s3], $0x4000, $0x38;
	[tilespmem:$0x1D080] =	vst v63  }
0xd4: {  	_ =	swait.ge [sflag:s24], $0x4000  }
0xd5: {  	[sflag:s24] =	ssyncset.done $0x0  }
0xd6: {  	[sflag:s24] =	ssyncadd.s32 $0xFFFFC000  }
0xd7: {  	[spmem:s8] =	stream.linear.scatter [tilespmem:s20], [sflag:$0x5], $0x4000, $0x38;
	[tilespmem:$0x1D080] =	vst v63  }
0xd8: {  	_ =	swait.ge [sflag:s25], $0x4000  }
0xd9: {  	[sflag:s25] =	ssyncset.done $0x0  }
0xda: {  	[sflag:s25] =	ssyncadd.s32 $0xFFFFC000  }
0xdb: {  	[tilespmem:s23], [sflag:$0x2] =	stream.linear.gather [hbm4b:s10+s3], $0x4000, $0x38;
	[tilespmem:$0x1D080] =	vst v63  }
0xdc: {  	_ =	swait.ge [sflag:s26], $0x4000  }
0xdd: {  	[sflag:s26] =	ssyncset.done $0x0  }
0xde: {  	[sflag:s26] =	ssyncadd.s32 $0xFFFFC000  }
0xdf: {  	[spmem:s8] =	stream.linear.scatter [tilespmem:s23], [sflag:$0x6], $0x4000, $0x38;
	[tilespmem:$0x1D080] =	vst v63  }
0xe0: {  	_ =	swait.ge [sflag:s28], $0x4000  }
0xe1: {  	[sflag:s28] =	ssyncset.done $0x0  }
0xe2: {  	[sflag:s28] =	ssyncadd.s32 $0xFFFFC000  }
0xe3: {  	[tilespmem:s20], [sflag:$0x1] =	stream.linear.gather [hbm4b:s10+s3], $0x4000, $0x38;
	[tilespmem:$0x1D080] =	vst v63  }
0xe4: {  	_ =	swait.ge [sflag:s24], $0x4000  }
0xe5: {  	[sflag:s24] =	ssyncset.done $0x0  }
0xe6: {  	[sflag:s24] =	ssyncadd.s32 $0xFFFFC000  }
0xe7: {  	[spmem:s8] =	stream.linear.scatter [tilespmem:s20], [sflag:$0x5], $0x4000, $0x38;
	[tilespmem:$0x1D080] =	vst v63  }
0xe8: {  	_ =	swait.ge [sflag:s25], $0x4000  }
0xe9: {  	[sflag:s25] =	ssyncset.done $0x0  }
0xea: {  	[sflag:s25] =	ssyncadd.s32 $0xFFFFC000  }
0xeb: {  	[tilespmem:s23], [sflag:$0x2] =	stream.linear.gather [hbm4b:s10+s3], $0x4000, $0x38;
	[tilespmem:$0x1D080] =	vst v63  }
0xec: {  	_ =	swait.ge [sflag:s26], $0x4000  }
0xed: {  	[sflag:s26] =	ssyncset.done $0x0  }
0xee: {  	[sflag:s26] =	ssyncadd.s32 $0xFFFFC000  }
0xef: {  	[spmem:s8] =	stream.linear.scatter [tilespmem:s23], [sflag:$0x6], $0x4000, $0x38;
	[tilespmem:$0x1D080] =	vst v63  }
0xf0: {  	_ =	swait.ge [sflag:s28], $0x4000  }
0xf1: {  	[sflag:s28] =	ssyncset.done $0x0  }
0xf2: {  	[sflag:s28] =	ssyncadd.s32 $0xFFFFC000  }
0xf3: {  	[tilespmem:s20], [sflag:$0x1] =	stream.linear.gather [hbm4b:s10+s3], $0x4000, $0x38;
	[tilespmem:$0x1D080] =	vst v63  }
0xf4: {  	_ =	swait.ge [sflag:s24], $0x4000  }
0xf5: {  	[sflag:s24] =	ssyncset.done $0x0  }
0xf6: {  	[sflag:s24] =	ssyncadd.s32 $0xFFFFC000  }
0xf7: {  	[spmem:s8] =	stream.linear.scatter [tilespmem:s20], [sflag:$0x5], $0x4000, $0x38;
	[tilespmem:$0x1D080] =	vst v63  }
0xf8: {  	_ =	swait.ge [sflag:s25], $0x4000  }
0xf9: {  	[sflag:s25] =	ssyncset.done $0x0  }
0xfa: {  	[sflag:s25] =	ssyncadd.s32 $0xFFFFC000  }
0xfb: {  	[tilespmem:s23], [sflag:$0x2] =	stream.linear.gather [hbm4b:s10+s3], $0x4000, $0x38;
	[tilespmem:$0x1D080] =	vst v63  }
0xfc: {  	_ =	swait.ge [sflag:s26], $0x4000  }
0xfd: {  	[sflag:s26] =	ssyncset.done $0x0  }
0xfe: {  	[sflag:s26] =	ssyncadd.s32 $0xFFFFC000  }
0xff: {  	[spmem:s8] =	stream.linear.scatter [tilespmem:s23], [sflag:$0x6], $0x4000, $0x38;
	[tilespmem:$0x1D080] =	vst v63  }
0x100: {  	_ =	swait.ge [sflag:s28], $0x4000  }
0x101: {  	[sflag:s28] =	ssyncset.done $0x0  }
0x102: {  	[sflag:s28] =	ssyncadd.s32 $0xFFFFC000  }
0x103: {  	_ =	swait.ge [sflag:s29], $0x400  }
0x104: {  	[sflag:s29] =	ssyncset.done $0x0  }
0x105: {  	[sflag:s29] =	ssyncadd.s32 $0xFFFFFC00  }
0x106: {  	_ =	swait.ge [sflag:s29], $0x400  }
0x107: {  	s1 =	sadd.s32 s21, s13;
	[sflag:s29] =	ssyncset.done $0x0  }
0x108: {  	s21 =	sadd.s32 s21, s14;
	s22 =	sadd.s32 $0x100, s1;
	[sflag:s29] =	ssyncadd.s32 $0xFFFFFC00  }
0x109: {  	[tilespmem:s3], [sflag:$0x3] =	stream.linear.gather [hbm4b:s22+s3], $0x400, $0x38;
	[tilespmem:$0x1D080] =	vst v63  }
0x10a: {  	s22 =	sadd.s32 $0x100, s21  }
0x10b: {  	[tilespmem:s16], [sflag:$0x3] =	stream.linear.gather [hbm4b:s22+s3], $0x400, $0x38;
	[tilespmem:$0x1D080] =	vst v63  }
0x10c: {  	_ = 	snop  }
0x10d: {  	[tilespmem:s20], [sflag:$0x1] =	stream.linear.gather [hbm4b:s10+s3], $0x4000, $0x38;
	[tilespmem:$0x1D080] =	vst v63  }
0x10e: {  	_ =	swait.ge [sflag:s24], $0x4000  }
0x10f: {  	[sflag:s24] =	ssyncset.done $0x0  }
0x110: {  	[sflag:s24] =	ssyncadd.s32 $0xFFFFC000  }
0x111: {  	[spmem:s8] =	stream.linear.scatter [tilespmem:s20], [sflag:$0x5], $0x4000, $0x38;
	[tilespmem:$0x1D080] =	vst v63  }
0x112: {  	_ =	swait.ge [sflag:s25], $0x4000  }
0x113: {  	[sflag:s25] =	ssyncset.done $0x0  }
0x114: {  	[sflag:s25] =	ssyncadd.s32 $0xFFFFC000  }
0x115: {  	[tilespmem:s23], [sflag:$0x2] =	stream.linear.gather [hbm4b:s10+s3], $0x4000, $0x38;
	[tilespmem:$0x1D080] =	vst v63  }
0x116: {  	_ =	swait.ge [sflag:s26], $0x4000  }
0x117: {  	[sflag:s26] =	ssyncset.done $0x0  }
0x118: {  	[sflag:s26] =	ssyncadd.s32 $0xFFFFC000  }
0x119: {  	[spmem:s8] =	stream.linear.scatter [tilespmem:s23], [sflag:$0x6], $0x4000, $0x38;
	[tilespmem:$0x1D080] =	vst v63  }
0x11a: {  	_ =	swait.ge [sflag:s28], $0x4000  }
0x11b: {  	[sflag:s28] =	ssyncset.done $0x0  }
0x11c: {  	[sflag:s28] =	ssyncadd.s32 $0xFFFFC000  }
0x11d: {  	[tilespmem:s20], [sflag:$0x1] =	stream.linear.gather [hbm4b:s10+s3], $0x4000, $0x38;
	[tilespmem:$0x1D080] =	vst v63  }
0x11e: {  	_ =	swait.ge [sflag:s24], $0x4000  }
0x11f: {  	[sflag:s24] =	ssyncset.done $0x0  }
0x120: {  	[sflag:s24] =	ssyncadd.s32 $0xFFFFC000  }
0x121: {  	[spmem:s8] =	stream.linear.scatter [tilespmem:s20], [sflag:$0x5], $0x4000, $0x38;
	[tilespmem:$0x1D080] =	vst v63  }
0x122: {  	_ =	swait.ge [sflag:s25], $0x4000  }
0x123: {  	[sflag:s25] =	ssyncset.done $0x0  }
0x124: {  	[sflag:s25] =	ssyncadd.s32 $0xFFFFC000  }
0x125: {  	[tilespmem:s23], [sflag:$0x2] =	stream.linear.gather [hbm4b:s10+s3], $0x4000, $0x38;
	[tilespmem:$0x1D080] =	vst v63  }
0x126: {  	_ =	swait.ge [sflag:s26], $0x4000  }
0x127: {  	[sflag:s26] =	ssyncset.done $0x0  }
0x128: {  	[sflag:s26] =	ssyncadd.s32 $0xFFFFC000  }
0x129: {  	[spmem:s8] =	stream.linear.scatter [tilespmem:s23], [sflag:$0x6], $0x4000, $0x38;
	[tilespmem:$0x1D080] =	vst v63  }
0x12a: {  	_ =	swait.ge [sflag:s28], $0x4000  }
0x12b: {  	[sflag:s28] =	ssyncset.done $0x0  }
0x12c: {  	[sflag:s28] =	ssyncadd.s32 $0xFFFFC000  }
0x12d: {  	[tilespmem:s20], [sflag:$0x1] =	stream.linear.gather [hbm4b:s10+s3], $0x4000, $0x38;
	[tilespmem:$0x1D080] =	vst v63  }
0x12e: {  	_ =	swait.ge [sflag:s24], $0x4000  }
0x12f: {  	[sflag:s24] =	ssyncset.done $0x0  }
0x130: {  	[sflag:s24] =	ssyncadd.s32 $0xFFFFC000  }
0x131: {  	[spmem:s8] =	stream.linear.scatter [tilespmem:s20], [sflag:$0x5], $0x4000, $0x38;
	[tilespmem:$0x1D080] =	vst v63  }
0x132: {  	_ =	swait.ge [sflag:s25], $0x4000  }
0x133: {  	[sflag:s25] =	ssyncset.done $0x0  }
0x134: {  	[sflag:s25] =	ssyncadd.s32 $0xFFFFC000  }
0x135: {  	[tilespmem:s23], [sflag:$0x2] =	stream.linear.gather [hbm4b:s10+s3], $0x4000, $0x38;
	[tilespmem:$0x1D080] =	vst v63  }
0x136: {  	_ =	swait.ge [sflag:s26], $0x4000  }
0x137: {  	[sflag:s26] =	ssyncset.done $0x0  }
0x138: {  	[sflag:s26] =	ssyncadd.s32 $0xFFFFC000  }
0x139: {  	[spmem:s8] =	stream.linear.scatter [tilespmem:s23], [sflag:$0x6], $0x4000, $0x38;
	[tilespmem:$0x1D080] =	vst v63  }
0x13a: {  	_ =	swait.ge [sflag:s28], $0x4000  }
0x13b: {  	[sflag:s28] =	ssyncset.done $0x0  }
0x13c: {  	[sflag:s28] =	ssyncadd.s32 $0xFFFFC000  }
0x13d: {  	[tilespmem:s20], [sflag:$0x1] =	stream.linear.gather [hbm4b:s10+s3], $0x4000, $0x38;
	[tilespmem:$0x1D080] =	vst v63  }
0x13e: {  	_ =	swait.ge [sflag:s24], $0x4000  }
0x13f: {  	[sflag:s24] =	ssyncset.done $0x0  }
0x140: {  	[sflag:s24] =	ssyncadd.s32 $0xFFFFC000  }
0x141: {  	[spmem:s8] =	stream.linear.scatter [tilespmem:s20], [sflag:$0x5], $0x4000, $0x38;
	[tilespmem:$0x1D080] =	vst v63  }
0x142: {  	_ =	swait.ge [sflag:s25], $0x4000  }
0x143: {  	[sflag:s25] =	ssyncset.done $0x0  }
0x144: {  	[sflag:s25] =	ssyncadd.s32 $0xFFFFC000  }
0x145: {  	[tilespmem:s23], [sflag:$0x2] =	stream.linear.gather [hbm4b:s10+s3], $0x4000, $0x38;
	[tilespmem:$0x1D080] =	vst v63  }
0x146: {  	_ =	swait.ge [sflag:s26], $0x4000  }
0x147: {  	[sflag:s26] =	ssyncset.done $0x0  }
0x148: {  	[sflag:s26] =	ssyncadd.s32 $0xFFFFC000  }
0x149: {  	[spmem:s8] =	stream.linear.scatter [tilespmem:s23], [sflag:$0x6], $0x4000, $0x38;
	[tilespmem:$0x1D080] =	vst v63  }
0x14a: {  	_ =	swait.ge [sflag:s28], $0x4000  }
0x14b: {  	[sflag:s28] =	ssyncset.done $0x0  }
0x14c: {  	[sflag:s28] =	ssyncadd.s32 $0xFFFFC000  }
0x14d: {  	_ =	swait.ge [sflag:s30], $0x400  }
0x14e: {  	[sflag:s30] =	ssyncset.done $0x0  }
0x14f: {  	[sflag:s30] =	ssyncadd.s32 $0xFFFFFC00  }
0x150: {  	_ =	swait.ge [sflag:s30], $0x400  }
.Ltmp0:
0x151: {  	[sflag:s30] =	ssyncset.done $0x0;
	(pc) =	sbr.rel @p0 .LBB2_2-.Ltmp0, $4  }
0x152: {  	s1 =	sadd.s32 $0x180, s1;
	[sflag:s30] =	ssyncadd.s32 $0xFFFFFC00  }
0x153: {  	[tilespmem:s17], [sflag:$0x4] =	stream.linear.gather [hbm4b:s1+s3], $0x400, $0x38;
	[tilespmem:$0x1D080] =	vst v63  }
0x154: {  	s1 =	sadd.s32 $0x180, s21  }
0x155: {  	[tilespmem:s18], [sflag:$0x4] =	stream.linear.gather [hbm4b:s1+s3], $0x400, $0x38;
	[tilespmem:$0x1D080] =	vst v63  }
0x156: {  	[tilespmem:s20], [sflag:$0x1] =	stream.linear.gather [hbm4b:s10+s3], $0x4000, $0x38;
	[tilespmem:$0x1D080] =	vst v63  }
0x157: {  	_ =	swait.ge [sflag:s24], $0x4000  }
0x158: {  	[sflag:s24] =	ssyncset.done $0x0  }
0x159: {  	[sflag:s24] =	ssyncadd.s32 $0xFFFFC000  }
0x15a: {  	_ =	swait.ge [sflag:s25], $0x4000  }
0x15b: {  	[sflag:s25] =	ssyncset.done $0x0  }
0x15c: {  	[sflag:s25] =	ssyncadd.s32 $0xFFFFC000  }
0x15d: {  	_ =	swait.ge [sflag:s29], $0x400  }
0x15e: {  	[sflag:s29] =	ssyncset.done $0x0  }
0x15f: {  	[sflag:s29] =	ssyncadd.s32 $0xFFFFFC00  }
0x160: {  	_ =	swait.ge [sflag:s29], $0x400  }
0x161: {  	s31 =	sadd.s32 $0x1, s31;
	[sflag:s29] =	ssyncset.done $0x0  }
0x162: {  	p0 =	sne.s32 s31, s12;
	[sflag:s29] =	ssyncadd.s32 $0xFFFFFC00  }
.Ltmp1:
0x163: {  	[bflag:$0x0] =	sbarrier.arrive $0xFFFF;
	(pc) =	sbr.rel @p0 .LBB2_1-.Ltmp1, $4  }
0x164: {  	[hbm:s11], [sflag:s19] =	dma.local [spmem:s0], $0x2800  }
0x165: {  	_ =	swait.ge [sflag:s15], $0x2800  }
0x166: {  	[sflag:s15] =	ssyncset.done $0x0  }
0x167: {  	[sflag:s15] =	ssyncadd.s32 $0xFFFFD800  }
0x168: {  	_ =	sfence.sel $0x180000  }
0x169: {  	[bflag:$0x0] =	sbarrier.arrive $0xFFFF  }
0x16a: {  	_ =	strace $0x9000004A  }
0x16b: {  	s0 =	stileid.u32;
	[bflag:$0x2] =	sbarrier.arrive $0xFFFF  }
0x16c: {  	p0 =	sne.s32 s0, $0x0;
	s0 =	rddreg [dreg:$0x2]  }
0x16d: {  	s0 =	sadd.s32 @!p0 $0x100000, s0  }
0x16e: {  	[sflag:s0] =	ssyncadd.tile.s32 @!p0 $0x1;
	_ =	shalt  }
.Lfunc_end2:
_tile_overlayer_lowered:
.L_overlay_start_2:
0x16f: {  	(tag) =	ssettag $0x2  }
0x170: {  	s0 =	rddreg [dreg:$0x0];
	s2 =	stileid.u32  }
0x171: {  	s1 =	rddreg [dreg:$0x1];
	p0 =	sne.s32 s2, $0x0  }
0x172: {  	s3 =	rddreg [dreg:$0x2];
	[bflag:$0x3] =	sbarrier.arrive $0xFFFF;
	s2 =	simm.s32 @!p0 $0x1C07  }
0x173: {  	[timem:s3], [sflag:s2] =	dma.local @!p0 [hbm:s0], s1  }
0x174: {  	s0 =	simm.s32 @!p0 $0x7  }
0x175: {  	_ =	swait.ge @!p0 [sflag:s0], s1  }
0x176: {  	s1 =	ssub.s32 @!p0 $0x0, s1;
	[sflag:s0] =	ssyncset.done @!p0 $0x0  }
0x177: {  	[sflag:s0] =	ssyncadd.s32 @!p0 s1  }
0x178: {  	[bflag:$0x3] =	sbarrier.arrive $0xFFFF  }
0x179: {  	_ =	shalt  }

// kernel: kernel.16.cloned.1.call-start
scs
__scs_entry_jumppad:
0x0: {  	(pc) =	sbr.rel $0x88, $3  }
0x1: {  	(tag) =	ssettag $0x0;
	lr =	simm.s32 $0x1  }
0x2: {  	[smem:$0x3F8E] =	sst lr;
	_ =	strace $0xD0000000  }
0x3: {  	_ = 	snop  }
0x4: {  	_ = 	snop  }
0x5: {  	_ = 	snop  }
0x6: {  	_ = 	snop  }
0x7: {  	_ = 	snop  }
__scs_overlays_trampoline_lowered:
0x8: {  	[smem:$0x3F9D] =	sst s0  }
0x9: {  	[smem:$0x3F9E] =	sst s1  }
0xa: {  	[smem:$0x3F9F] =	sst s2  }
0xb: {  	[smem:$0x3FA0] =	sst s3  }
0xc: {  	[smem:$0x3FA1] =	sst s4  }
0xd: {  	[smem:$0x3FA2] =	sst s5  }
0xe: {  	[smem:$0x3FA3] =	sst s6  }
0xf: {  	[smem:$0x3FA4] =	sst s7  }
0x10: {  	[smem:$0x3FA5] =	sst s8  }
0x11: {  	[smem:$0x3FA6] =	sst s9;
	s0 =	simm.s32 @!p0 $0x0  }
0x12: {  	s1 =	sld [smem:$0x3F8C];
	s0 =	simm.s32 @p0 $0x1  }
0x13: {  	[smem:$0x3FA7] =	sst s0;
	s0 =	simm.s32 @!p1 $0x0  }
0x14: {  	s2 =	sld [smem:$0x3F8B];
	s0 =	simm.s32 @p1 $0x1  }
0x15: {  	[smem:$0x3FA8] =	sst s0;
	s0 =	simm.s32 @!p2 $0x0  }
0x16: {  	s3 =	sld [smem:$0x3FDB];
	s0 =	simm.s32 @p2 $0x1  }
0x17: {  	s4 =	simm.s32 $0x1BF5;
	[smem:$0x3FAA] =	sst s0  }
0x18: {  	s0 =	sld [smem:$0x3F8D];
	_ =	swait.ge [sflag:s4], $0x0  }
0x19: {  	s7 =	sld [smem:$0x3F8E]  }
0x1a: {  	s8 =	sadd.s32 $0xFFFFE003, lr  }
0x1b: {  	s9 =	sadd.s32 $0xFFFFFEF7, lr;
	s5 =	simm.s32 $0xFFFFFFFF;
	p2 =	slt.u32 s8, $0xFFFFF086  }
0x1c: {  	p1 =	slt.u32 s9, $0xF7A;
	s5 =	simm.s32 @!p2 $0x0  }
0x1d: {  	s5 =	simm.s32 @p1 $0x1;
	p0 =	seq.s32 s7, s2  }
0x1e: {  	s7 =	smul.u32 @!p0 $0xF7A, s2;
	p2 =	seq.s32 @!p0 s5, $0x0  }
0x1f: {  	s9 =	smul.u32 $0xF7A, s1;
	s8 =	simm.s32 @!p0 $0x1BF5;
	p2 =	por !p2, p0  }
0x20: {  	[sflag:s8] =	ssyncset.s32 @!p0 $0xFFFFF086;
	s6 =	sadd.s32 @!p0 s3, s7;
	s7 =	simm.s32 @!p0 $0x108  }
0x21: {  	s3 =	sadd.s32 s3, s9;
	s6 =	sadd.s32 @!p0 $0x88, s6;
	s7 =	simm.s32 @p2 $0x1082  }
0x22: {  	[simem:s7], [sflag:s8] =	dma.local @!p0 [hbm:s6], $0xF7A  }
0x23: {  	s9 =	sor.u32 $0xD0000000, s2;
	s6 =	simm.s32 $0x108;
	_ =	swait.ge @!p0 [sflag:s8], $0x0  }
0x24: {  	s3 =	sadd.s32 $0x88, s3;
	s6 =	simm.s32 @!p1 $0x1082;
	[sflag:s4] =	ssyncset.s32 $0xFFFFF086  }
0x25: {  	[simem:s6], [sflag:s4] =	dma.local [hbm:s3], $0xF7A  }
0x26: {  	[smem:$0x3F8E] =	sst s1;
	(tag) =	ssettag s2;
	_ =	strace s9  }
0x27: {  	s1 =	sld [smem:$0x3F9E]  }
0x28: {  	s2 =	sld [smem:$0x3F9F]  }
0x29: {  	s4 =	sld [smem:$0x3FA1]  }
0x2a: {  	p0 =	seq.s32 s5, $0x0;
	s5 =	sld [smem:$0x3FA2]  }
0x2b: {  	s6 =	sld [smem:$0x3FA3]  }
0x2c: {  	s7 =	sld [smem:$0x3FA4]  }
0x2d: {  	s3 =	simm.s32 $0x108;
	s8 =	sld [smem:$0x3FA5]  }
0x2e: {  	s3 =	simm.s32 @!p0 $0x1082;
	s9 =	sld [smem:$0x3FA6]  }
0x2f: {  	lr =	sadd.s32 s0, s3;
	s0 =	sld [smem:$0x3F9D]  }
0x30: {  	s3 =	sld [smem:$0x3FA0]  }
0x31: {  	[smem:$0x3FA9] =	sst s10  }
0x32: {  	s10 =	sld [smem:$0x3FA7];
	_ =	sdelay $0x3  }
0x33: {  	p0 =	seq.s32 s10, $0x1;
	s10 =	sld [smem:$0x3FA9];
	_ =	sdelay $0x3  }
0x34: {  	[smem:$0x3FA9] =	sst s10  }
0x35: {  	s10 =	sld [smem:$0x3FA8];
	_ =	sdelay $0x3  }
0x36: {  	p1 =	seq.s32 s10, $0x1;
	s10 =	sld [smem:$0x3FA9];
	_ =	sdelay $0x3  }
0x37: {  	[smem:$0x3FA9] =	sst s10  }
0x38: {  	s10 =	sld [smem:$0x3FAA]  }
0x39: {  	_ = 	snop;
	(pc) =	sbr.ind lr, $3  }
0x3a: {  	_ = 	snop  }
0x3b: {  	_ = 	snop  }
0x3c: {  	p2 =	seq.s32 s10, $0x1;
	s10 =	sld [smem:$0x3FA9]  }
0x3d: {  	_ =	shalt  }
0x3e: {  	_ =	shalt  }
0x3f: {  	_ =	shalt  }
0x40: {  	_ =	shalt  }
0x41: {  	_ =	shalt  }
0x42: {  	_ =	shalt  }
0x43: {  	_ =	shalt  }
0x44: {  	_ =	shalt  }
0x45: {  	_ =	shalt  }
0x46: {  	_ =	shalt  }
0x47: {  	_ =	shalt  }
0x48: {  	_ =	shalt  }
0x49: {  	_ =	shalt  }
0x4a: {  	_ =	shalt  }
0x4b: {  	_ =	shalt  }
0x4c: {  	_ =	shalt  }
0x4d: {  	_ =	shalt  }
0x4e: {  	_ =	shalt  }
0x4f: {  	_ =	shalt  }
0x50: {  	_ =	shalt  }
0x51: {  	_ =	shalt  }
0x52: {  	_ =	shalt  }
0x53: {  	_ =	shalt  }
0x54: {  	_ =	shalt  }
0x55: {  	_ =	shalt  }
0x56: {  	_ =	shalt  }
0x57: {  	_ =	shalt  }
0x58: {  	_ =	shalt  }
0x59: {  	_ =	shalt  }
0x5a: {  	_ =	shalt  }
0x5b: {  	_ =	shalt  }
0x5c: {  	_ =	shalt  }
0x5d: {  	_ =	shalt  }
0x5e: {  	_ =	shalt  }
0x5f: {  	_ =	shalt  }
0x60: {  	_ =	shalt  }
0x61: {  	_ =	shalt  }
0x62: {  	_ =	shalt  }
0x63: {  	_ =	shalt  }
0x64: {  	_ =	shalt  }
0x65: {  	_ =	shalt  }
0x66: {  	_ =	shalt  }
0x67: {  	_ =	shalt  }
0x68: {  	_ =	shalt  }
0x69: {  	_ =	shalt  }
0x6a: {  	_ =	shalt  }
0x6b: {  	_ =	shalt  }
0x6c: {  	_ =	shalt  }
0x6d: {  	_ =	shalt  }
0x6e: {  	_ =	shalt  }
0x6f: {  	_ =	shalt  }
0x70: {  	_ =	shalt  }
0x71: {  	_ =	shalt  }
0x72: {  	_ =	shalt  }
0x73: {  	_ =	shalt  }
0x74: {  	_ =	shalt  }
0x75: {  	_ =	shalt  }
0x76: {  	_ =	shalt  }
0x77: {  	_ =	shalt  }
0x78: {  	_ =	shalt  }
0x79: {  	_ =	shalt  }
0x7a: {  	_ =	shalt  }
0x7b: {  	_ =	shalt  }
0x7c: {  	_ =	shalt  }
0x7d: {  	_ =	shalt  }
0x7e: {  	_ =	shalt  }
0x7f: {  	_ =	shalt  }
0x80: {  	_ =	shalt  }
0x81: {  	_ =	shalt  }
0x82: {  	_ =	shalt  }
0x83: {  	_ =	shalt  }
0x84: {  	_ =	shalt  }
0x85: {  	_ =	shalt  }
0x86: {  	_ =	shalt  }
0x87: {  	_ =	shalt  }
.Lfunc_end0:
.L_simem_size_0:
called_computation.2_lowered:
.L_overlay_start_0:
0x88: {  	s2 =	sld [smem:$0x3FD9]  }
0x89: {  	s3 =	sld [smem:$0x3FFE];
	_ =	sdelay $0x1  }
0x8a: {  	s1 =	srdreg.scid  }
0x8b: {  	s0 =	sand.u32 $0x1, s1  }
0x8c: {  	s16 =	sshll.u32 s0, $0xA;
	s2 =	sadd.s32 s3, s2  }
0x8d: {  	s2 =	sadd.s32 s2, s16  }
0x8e: {  	[smem:$0x3FB5] =	sst s2  }
0x8f: {  	_ = 	snop  }
0x90: {  	(tm) =	ssettm $0x1  }
0x91: {  	s17 =	sld [smem:$0x3FFB];
	_ =	sdelay $0x3  }
0x92: {  	_ =	strace s17  }
0x93: {  	s2 =	sld [smem:$0x3FFC];
	_ =	sdelay $0x3  }
0x94: {  	_ =	strace s2  }
0x95: {  	s2 =	sld [smem:$0x3FFD];
	_ =	sdelay $0x3  }
0x96: {  	_ =	strace s2  }
0x97: {  	_ =	strace $0x8FFFFFFF  }
0x98: {  	s18 =	sld [smem:$0x3FDB];
	_ =	sdelay $0x1  }
0x99: {  	s19 =	simm.s32 $_scs_section_size  }
0x9a: {  	s4 =	simm.s32 $_size__tile_overlayer_lowered;
	s5 =	simm.s32 $_tile_overlayer_lowered  }
0x9b: {  	s22 =	simm.s32 $0x1BFF;
	s21 =	sshll.u32 s5, $0x1;
	s2 =	sadd.s32 s19, s18  }
0x9c: {  	s6 =	simm.s32 $0x0;
	s20 =	sshll.u32 s4, $0x1;
	s4 =	sadd.s32 s21, s2  }
0x9d: {  	[timem:s6], [sflag:s22] =	dma.local [hbm:s4], s20  }
0x9e: {  	_ =	swait.ge [sflag:s22], s20  }
0x9f: {  	s3 =	ssub.s32 $0x0, s20;
	[sflag:s22] =	ssyncset.done $0x0  }
0xa0: {  	[sflag:s22] =	ssyncadd.s32 s3;
	_ =	sdelay $0x1  }
0xa1: {  	s23 =	simm.s32 $0x1B8B  }
0xa2: {  	_ =	swait.ge [sflag:s23], $0x1  }
0xa3: {  	[sflag:s23] =	ssyncset.done $0x0  }
0xa4: {  	s25 =	simm.s32 $0x1B8E;
	s24 =	sld [smem:$0x3FFE];
	[sflag:s23] =	ssyncadd.s32 $0xFFFFFFFF  }
0xa5: {  	s26 =	simm.s32 $execute0_lowered;
	[smem:$0x3FD2] =	sst s25  }
0xa6: {  	s4 =	sshll.u32 s26, $0x1;
	_ =	strace $0x8000004C;
	[dreg:$0x1] =	wrdreg $0xFFFFFFFF  }
0xa7: {  	s28 =	simm.s32 $_size_execute0_lowered;
	s2 =	sadd.s32 s2, s4;
	[dreg:$0x0] =	wrdreg $0x0  }
0xa8: {  	s4 =	sshll.u32 s28, $0x1;
	[dreg:$0x2] =	wrdreg s2  }
0xa9: {  	[dreg:$0x3] =	wrdreg s4  }
0xaa: {  	[dreg:$0x4] =	wrdreg $0xC0  }
0xab: {  	_ =	task [dreg:s6], $0x5FFFF  }
0xac: {  	[dreg:$0x1] =	wrdreg $0xFFFFFFFF  }
0xad: {  	[dreg:$0x0] =	wrdreg $0x60  }
0xae: {  	[dreg:$0x2] =	wrdreg s24  }
0xaf: {  	[dreg:$0x3] =	wrdreg $0x90800  }
0xb0: {  	[dreg:$0x4] =	wrdreg $0x9  }
0xb1: {  	_ =	task.clear_ibuf [dreg:s6], $0x5FFFF;
	_ =	strace $0x9000004C  }
0xb2: {  	s29 =	simm.s32 $0x9;
	_ =	strace $0x8000004E  }
0xb3: {  	_ =	swait.ge [sflag:s29], $0x1  }
0xb4: {  	[sflag:s29] =	ssyncadd.s32 $0xFFFFFFFF  }
0xb5: {  	_ =	strace $0x9000004E  }
0xb6: {  	_ =	sfence  }
0xb7: {  	s30 =	sld [smem:$0x0];
	_ =	sdelay $0x2  }
0xb8: {  	s31 =	sshll.u32 s1, $0xD;
	s1 =	sshrl.u32 s1, $0x2  }
0xb9: {  	s3 =	sand.u32 $0x4000, s31;
	s1 =	sadd.s32 s1, s30  }
0xba: {  	s0 =	sor.u32 s3, s0;
	s1 =	sshll.u32 s1, $0x11  }
0xbb: {  	s0 =	sor.u32 s1, s0  }
0xbc: {  	s0 =	sadd.s32 $0x8F2B, s0  }
0xbd: {  	[sflag:s0] =	ssyncadd.remote.s32 $0x1  }
0xbe: {  	_ =	sfence.sel $0xFFFF  }
0xbf: {  	[dreg:$0x0] =	wrdreg $0xFFFFFFFF;
	(pc) =	sbr.abs _section_cstart, $3  }
0xc0: {  	[dreg:$0x1] =	wrdreg $0xFFFFFFFF  }
0xc1: {  	_ =	task.clear_ibuf [dreg:s6], $0x2FFFF;
	_ =	strace $0x9FFFFFFF  }
0xc2: {  	(tm) =	ssettm $0x7FFFFFFF  }
0xc3: {  	_ =	shalt  }
tec
execute0_lowered:
.L_overlay_start_1:
0x0: {  	(tag) =	ssettag $0x1  }
0x1: {  	s0 =	rddreg [dreg:$0x0]  }
0x2: {  	s9 =	rddreg [dreg:$0x1]  }
0x3: {  	s3 =	simm.s32 $0x0;
	s1 =	srdreg.scid;
	s19 =	stileid.u32  }
0x4: {  	s15 =	simm.s32 $0x7;
	s16 =	simm.s32 $0x400;
	s17 =	simm.s32 $0x800  }
0x5: {  	s18 =	simm.s32 $0xC00;
	s20 =	simm.s32 $0x1000;
	s28 =	simm.s32 $0x5  }
0x6: {  	s29 =	simm.s32 $0x4;
	s30 =	simm.s32 $0x3;
	s4 =	smul.u32 $0x280, s19  }
0x7: {  	s31 =	simm.s32 $0x0;
	[smem:$0x7FF] =	sst s3;
	s8 =	smul.u32 $0x50000, s19  }
0x8: {  	s1 =	sand.u32 $0x1, s1;
	s10 =	sadd.s32 $0x5D200, s0;
	s23 =	smul.u32 $0xA00, s19  }
0x9: {  	s12 =	sadd.s32 $0x34E00, s0;
	s14 =	sadd.s32 $0x49000, s0;
	s2 =	smul.u32 $0x2800, s1  }
0xa: {  	s26 =	sshll.u32 s19, $0x6;
	_ =	strace $0x8000004D;
	s11 =	smul.u32 $0x28000, s1  }
0xb: {  	s5 =	sshll.u32 s1, $0x4;
	s22 =	ssub.s32 $0x2, s1;
	s1 =	smul.u32 $0xA000, s1  }
0xc: {  	s5 =	sor.u32 s19, s5;
	s6 =	sshrl.u32 s22, $0x1;
	s8 =	sshrl.u32 s8, $0x2  }
0xd: {  	s19 =	sor.u32 $0x1C07, s26;
	s26 =	simm.s32 $0x2;
	s2 =	sadd.s32 s4, s2  }
0xe: {  	s5 =	smul.u32 $0xA00, s5;
	s13 =	ssub.s32 s22, s6;
	s8 =	sadd.s32 s8, s9  }
0xf: {  	s24 =	sadd.s32 s1, s12;
	s25 =	sadd.s32 s1, s14;
	s2 =	sshll.u32 s2, $0x4  }
0x10: {  	s0 =	sadd.s32 s2, s0;
	s4 =	sadd.s32 s12, s5;
	s7 =	sor.u32 $0x80, s5  }
0x11: {  	s5 =	sadd.s32 s14, s5;
	s9 =	sadd.s32 s10, s2;
	s10 =	sadd.s32 s10, s11  }
0x12: {  	s6 =	sadd.s32 s12, s7;
	s7 =	sadd.s32 s14, s7;
	s11 =	sadd.s32 $0xAD200, s0  }
0x13: {  	s12 =	smax.u32 s13, $0x1;
	s13 =	sadd.s32 s23, s24;
	s14 =	sadd.s32 s23, s25  }
0x14: {  	v0 =	vimm.s32 $0x2710;
	s23 =	simm.s32 $0x5000;
	s24 =	simm.s32 $0x1;
	s25 =	simm.s32 $0x6  }
.LBB2_1:
0x15: {  	[tilespmem:s3], [sflag:$0x7] =	stream.linear.gather [hbm4b:s4+s3], $0x400, $0x38;
	[tilespmem:$0x1D080] =	vst v63  }
0x16: {  	_ =	swait.ge [sflag:s15], $0x400  }
0x17: {  	[sflag:s15] =	ssyncset.done $0x0  }
0x18: {  	[sflag:s15] =	ssyncadd.s32 $0xFFFFFC00  }
0x19: {  	[tilespmem:s16], [sflag:$0x7] =	stream.linear.gather [hbm4b:s5+s3], $0x400, $0x38;
	[tilespmem:$0x1D080] =	vst v63  }
0x1a: {  	_ =	swait.ge [sflag:s15], $0x400  }
0x1b: {  	[sflag:s15] =	ssyncset.done $0x0  }
0x1c: {  	[sflag:s15] =	ssyncadd.s32 $0xFFFFFC00  }
0x1d: {  	[tilespmem:s17], [sflag:$0x4] =	stream.linear.gather [hbm4b:s6+s3], $0x400, $0x38;
	[tilespmem:$0x1D080] =	vst v63  }
0x1e: {  	_ = 	snop  }
0x1f: {  	[tilespmem:s18], [sflag:$0x4] =	stream.linear.gather [hbm4b:s7+s3], $0x400, $0x38;
	[tilespmem:$0x1D080] =	vst v63  }
0x20: {  	[tilespmem:$0x9000] =	vst v0  }
0x21: {  	[tilespmem:$0x9010] =	vst v0  }
0x22: {  	[tilespmem:$0x9020] =	vst v0  }
0x23: {  	[tilespmem:$0x9030] =	vst v0  }
0x24: {  	[tilespmem:$0x9040] =	vst v0  }
0x25: {  	[tilespmem:$0x9050] =	vst v0  }
0x26: {  	[tilespmem:$0x9060] =	vst v0  }
0x27: {  	s0 =	sshrl.u32 s8, $0x3;
	[tilespmem:$0x9070] =	vst v0  }
0x28: {  	[spmem:s0], [sflag:s19] =	dma.local [hbm:s9], $0x2800  }
0x29: {  	_ =	swait.ge [sflag:s15], $0x2800  }
0x2a: {  	[sflag:s15] =	ssyncset.done $0x0  }
0x2b: {  	[sflag:s15] =	ssyncadd.s32 $0xFFFFD800  }
0x2c: {  	[bflag:$0x0] =	sbarrier.arrive $0xFFFF  }
0x2d: {  	[tilespmem:s20], [sflag:$0x1] =	stream.linear.gather [hbm4b:s10+s3], $0x4000, $0x38;
	[tilespmem:$0x1D080] =	vst v63  }
0x2e: {  	s2 =	simm.s32 $0x80;
	s21 =	simm.s32 $0x9000;
	s1 =	rddreg [dreg:$0x1]  }
0x2f: {  	[spmem:s1] =	stream.indirect.scatter.add.f32 [tilespmem:s23], [sflag:$0x6], $0x80, s21, s2, $0xb8;
	[tilespmem:$0x1D080] =	vst v63  }
0x30: {  	_ =	swait.ge [sflag:s24], $0x4000  }
0x31: {  	[sflag:s24] =	ssyncset.done $0x0  }
0x32: {  	[sflag:s24] =	ssyncadd.s32 $0xFFFFC000  }
0x33: {  	[spmem:s8] =	stream.linear.scatter [tilespmem:s20], [sflag:$0x5], $0x4000, $0x38;
	[tilespmem:$0x1D080] =	vst v63  }
0x34: {  	_ =	swait.ge [sflag:s25], $0x4000  }
0x35: {  	[sflag:s25] =	ssyncset.done $0x0  }
0x36: {  	[sflag:s25] =	ssyncadd.s32 $0xFFFFC000  }
0x37: {  	[tilespmem:s23], [sflag:$0x2] =	stream.linear.gather [hbm4b:s10+s3], $0x4000, $0x38;
	[tilespmem:$0x1D080] =	vst v63  }
0x38: {  	_ =	swait.ge [sflag:s26], $0x4000  }
0x39: {  	[sflag:s26] =	ssyncset.done $0x0  }
0x3a: {  	[sflag:s26] =	ssyncadd.s32 $0xFFFFC000  }
0x3b: {  	[spmem:s8] =	stream.linear.scatter [tilespmem:s23], [sflag:$0x6], $0x4000, $0x38;
	[tilespmem:$0x1D080] =	vst v63  }
0x3c: {  	_ =	swait.ge [sflag:s28], $0x4000  }
0x3d: {  	[sflag:s28] =	ssyncset.done $0x0  }
0x3e: {  	[sflag:s28] =	ssyncadd.s32 $0xFFFFC000  }
0x3f: {  	[tilespmem:s20], [sflag:$0x1] =	stream.linear.gather [hbm4b:s10+s3], $0x4000, $0x38;
	[tilespmem:$0x1D080] =	vst v63  }
0x40: {  	_ =	swait.ge [sflag:s24], $0x4000  }
0x41: {  	[sflag:s24] =	ssyncset.done $0x0  }
0x42: {  	[sflag:s24] =	ssyncadd.s32 $0xFFFFC000  }
0x43: {  	[spmem:s8] =	stream.linear.scatter [tilespmem:s20], [sflag:$0x5], $0x4000, $0x38;
	[tilespmem:$0x1D080] =	vst v63  }
0x44: {  	_ =	swait.ge [sflag:s25], $0x4000  }
0x45: {  	[sflag:s25] =	ssyncset.done $0x0  }
0x46: {  	[sflag:s25] =	ssyncadd.s32 $0xFFFFC000  }
0x47: {  	[tilespmem:s23], [sflag:$0x2] =	stream.linear.gather [hbm4b:s10+s3], $0x4000, $0x38;
	[tilespmem:$0x1D080] =	vst v63  }
0x48: {  	_ =	swait.ge [sflag:s26], $0x4000  }
0x49: {  	[sflag:s26] =	ssyncset.done $0x0  }
0x4a: {  	[sflag:s26] =	ssyncadd.s32 $0xFFFFC000  }
0x4b: {  	[spmem:s8] =	stream.linear.scatter [tilespmem:s23], [sflag:$0x6], $0x4000, $0x38;
	[tilespmem:$0x1D080] =	vst v63  }
0x4c: {  	_ =	swait.ge [sflag:s28], $0x4000  }
0x4d: {  	[sflag:s28] =	ssyncset.done $0x0  }
0x4e: {  	[sflag:s28] =	ssyncadd.s32 $0xFFFFC000  }
0x4f: {  	[tilespmem:s20], [sflag:$0x1] =	stream.linear.gather [hbm4b:s10+s3], $0x4000, $0x38;
	[tilespmem:$0x1D080] =	vst v63  }
0x50: {  	_ =	swait.ge [sflag:s24], $0x4000  }
0x51: {  	[sflag:s24] =	ssyncset.done $0x0  }
0x52: {  	[sflag:s24] =	ssyncadd.s32 $0xFFFFC000  }
0x53: {  	[spmem:s8] =	stream.linear.scatter [tilespmem:s20], [sflag:$0x5], $0x4000, $0x38;
	[tilespmem:$0x1D080] =	vst v63  }
0x54: {  	_ =	swait.ge [sflag:s25], $0x4000  }
0x55: {  	[sflag:s25] =	ssyncset.done $0x0  }
0x56: {  	[sflag:s25] =	ssyncadd.s32 $0xFFFFC000  }
0x57: {  	[tilespmem:s23], [sflag:$0x2] =	stream.linear.gather [hbm4b:s10+s3], $0x4000, $0x38;
	[tilespmem:$0x1D080] =	vst v63  }
0x58: {  	_ =	swait.ge [sflag:s26], $0x4000  }
0x59: {  	[sflag:s26] =	ssyncset.done $0x0  }
0x5a: {  	[sflag:s26] =	ssyncadd.s32 $0xFFFFC000  }
0x5b: {  	[spmem:s8] =	stream.linear.scatter [tilespmem:s23], [sflag:$0x6], $0x4000, $0x38;
	[tilespmem:$0x1D080] =	vst v63  }
0x5c: {  	_ =	swait.ge [sflag:s28], $0x4000  }
0x5d: {  	[sflag:s28] =	ssyncset.done $0x0  }
0x5e: {  	[sflag:s28] =	ssyncadd.s32 $0xFFFFC000  }
0x5f: {  	[tilespmem:s20], [sflag:$0x1] =	stream.linear.gather [hbm4b:s10+s3], $0x4000, $0x38;
	[tilespmem:$0x1D080] =	vst v63  }
0x60: {  	_ =	swait.ge [sflag:s24], $0x4000  }
0x61: {  	[sflag:s24] =	ssyncset.done $0x0  }
0x62: {  	[sflag:s24] =	ssyncadd.s32 $0xFFFFC000  }
0x63: {  	[spmem:s8] =	stream.linear.scatter [tilespmem:s20], [sflag:$0x5], $0x4000, $0x38;
	[tilespmem:$0x1D080] =	vst v63  }
0x64: {  	_ =	swait.ge [sflag:s25], $0x4000  }
0x65: {  	[sflag:s25] =	ssyncset.done $0x0  }
0x66: {  	[sflag:s25] =	ssyncadd.s32 $0xFFFFC000  }
0x67: {  	[tilespmem:s23], [sflag:$0x2] =	stream.linear.gather [hbm4b:s10+s3], $0x4000, $0x38;
	[tilespmem:$0x1D080] =	vst v63  }
0x68: {  	_ =	swait.ge [sflag:s26], $0x4000  }
0x69: {  	[sflag:s26] =	ssyncset.done $0x0  }
0x6a: {  	[sflag:s26] =	ssyncadd.s32 $0xFFFFC000  }
0x6b: {  	[spmem:s8] =	stream.linear.scatter [tilespmem:s23], [sflag:$0x6], $0x4000, $0x38;
	[tilespmem:$0x1D080] =	vst v63  }
0x6c: {  	_ =	swait.ge [sflag:s28], $0x4000  }
0x6d: {  	[sflag:s28] =	ssyncset.done $0x0  }
0x6e: {  	[sflag:s28] =	ssyncadd.s32 $0xFFFFC000  }
0x6f: {  	_ =	swait.ge [sflag:s29], $0x400  }
0x70: {  	[sflag:s29] =	ssyncset.done $0x0  }
0x71: {  	[sflag:s29] =	ssyncadd.s32 $0xFFFFFC00  }
0x72: {  	_ =	swait.ge [sflag:s29], $0x400  }
0x73: {  	s1 =	sadd.s32 $0x0, s13;
	[sflag:s29] =	ssyncset.done $0x0  }
0x74: {  	s2 =	sadd.s32 $0x0, s14;
	s22 =	sadd.s32 $0x100, s1;
	[sflag:s29] =	ssyncadd.s32 $0xFFFFFC00  }
0x75: {  	[tilespmem:s3], [sflag:$0x3] =	stream.linear.gather [hbm4b:s22+s3], $0x400, $0x38;
	[tilespmem:$0x1D080] =	vst v63  }
0x76: {  	s22 =	sadd.s32 $0x100, s2  }
0x77: {  	[tilespmem:s16], [sflag:$0x3] =	stream.linear.gather [hbm4b:s22+s3], $0x400, $0x38;
	[tilespmem:$0x1D080] =	vst v63  }
0x78: {  	_ = 	snop  }
0x79: {  	[tilespmem:s20], [sflag:$0x1] =	stream.linear.gather [hbm4b:s10+s3], $0x4000, $0x38;
	[tilespmem:$0x1D080] =	vst v63  }
0x7a: {  	_ =	swait.ge [sflag:s24], $0x4000  }
0x7b: {  	[sflag:s24] =	ssyncset.done $0x0  }
0x7c: {  	[sflag:s24] =	ssyncadd.s32 $0xFFFFC000  }
0x7d: {  	[spmem:s8] =	stream.linear.scatter [tilespmem:s20], [sflag:$0x5], $0x4000, $0x38;
	[tilespmem:$0x1D080] =	vst v63  }
0x7e: {  	_ =	swait.ge [sflag:s25], $0x4000  }
0x7f: {  	[sflag:s25] =	ssyncset.done $0x0  }
0x80: {  	[sflag:s25] =	ssyncadd.s32 $0xFFFFC000  }
0x81: {  	[tilespmem:s23], [sflag:$0x2] =	stream.linear.gather [hbm4b:s10+s3], $0x4000, $0x38;
	[tilespmem:$0x1D080] =	vst v63  }
0x82: {  	_ =	swait.ge [sflag:s26], $0x4000  }
0x83: {  	[sflag:s26] =	ssyncset.done $0x0  }
0x84: {  	[sflag:s26] =	ssyncadd.s32 $0xFFFFC000  }
0x85: {  	[spmem:s8] =	stream.linear.scatter [tilespmem:s23], [sflag:$0x6], $0x4000, $0x38;
	[tilespmem:$0x1D080] =	vst v63  }
0x86: {  	_ =	swait.ge [sflag:s28], $0x4000  }
0x87: {  	[sflag:s28] =	ssyncset.done $0x0  }
0x88: {  	[sflag:s28] =	ssyncadd.s32 $0xFFFFC000  }
0x89: {  	[tilespmem:s20], [sflag:$0x1] =	stream.linear.gather [hbm4b:s10+s3], $0x4000, $0x38;
	[tilespmem:$0x1D080] =	vst v63  }
0x8a: {  	_ =	swait.ge [sflag:s24], $0x4000  }
0x8b: {  	[sflag:s24] =	ssyncset.done $0x0  }
0x8c: {  	[sflag:s24] =	ssyncadd.s32 $0xFFFFC000  }
0x8d: {  	[spmem:s8] =	stream.linear.scatter [tilespmem:s20], [sflag:$0x5], $0x4000, $0x38;
	[tilespmem:$0x1D080] =	vst v63  }
0x8e: {  	_ =	swait.ge [sflag:s25], $0x4000  }
0x8f: {  	[sflag:s25] =	ssyncset.done $0x0  }
0x90: {  	[sflag:s25] =	ssyncadd.s32 $0xFFFFC000  }
0x91: {  	[tilespmem:s23], [sflag:$0x2] =	stream.linear.gather [hbm4b:s10+s3], $0x4000, $0x38;
	[tilespmem:$0x1D080] =	vst v63  }
0x92: {  	_ =	swait.ge [sflag:s26], $0x4000  }
0x93: {  	[sflag:s26] =	ssyncset.done $0x0  }
0x94: {  	[sflag:s26] =	ssyncadd.s32 $0xFFFFC000  }
0x95: {  	[spmem:s8] =	stream.linear.scatter [tilespmem:s23], [sflag:$0x6], $0x4000, $0x38;
	[tilespmem:$0x1D080] =	vst v63  }
0x96: {  	_ =	swait.ge [sflag:s28], $0x4000  }
0x97: {  	[sflag:s28] =	ssyncset.done $0x0  }
0x98: {  	[sflag:s28] =	ssyncadd.s32 $0xFFFFC000  }
0x99: {  	[tilespmem:s20], [sflag:$0x1] =	stream.linear.gather [hbm4b:s10+s3], $0x4000, $0x38;
	[tilespmem:$0x1D080] =	vst v63  }
0x9a: {  	_ =	swait.ge [sflag:s24], $0x4000  }
0x9b: {  	[sflag:s24] =	ssyncset.done $0x0  }
0x9c: {  	[sflag:s24] =	ssyncadd.s32 $0xFFFFC000  }
0x9d: {  	[spmem:s8] =	stream.linear.scatter [tilespmem:s20], [sflag:$0x5], $0x4000, $0x38;
	[tilespmem:$0x1D080] =	vst v63  }
0x9e: {  	_ =	swait.ge [sflag:s25], $0x4000  }
0x9f: {  	[sflag:s25] =	ssyncset.done $0x0  }
0xa0: {  	[sflag:s25] =	ssyncadd.s32 $0xFFFFC000  }
0xa1: {  	[tilespmem:s23], [sflag:$0x2] =	stream.linear.gather [hbm4b:s10+s3], $0x4000, $0x38;
	[tilespmem:$0x1D080] =	vst v63  }
0xa2: {  	_ =	swait.ge [sflag:s26], $0x4000  }
0xa3: {  	[sflag:s26] =	ssyncset.done $0x0  }
0xa4: {  	[sflag:s26] =	ssyncadd.s32 $0xFFFFC000  }
0xa5: {  	[spmem:s8] =	stream.linear.scatter [tilespmem:s23], [sflag:$0x6], $0x4000, $0x38;
	[tilespmem:$0x1D080] =	vst v63  }
0xa6: {  	_ =	swait.ge [sflag:s28], $0x4000  }
0xa7: {  	[sflag:s28] =	ssyncset.done $0x0  }
0xa8: {  	[sflag:s28] =	ssyncadd.s32 $0xFFFFC000  }
0xa9: {  	[tilespmem:s20], [sflag:$0x1] =	stream.linear.gather [hbm4b:s10+s3], $0x4000, $0x38;
	[tilespmem:$0x1D080] =	vst v63  }
0xaa: {  	_ =	swait.ge [sflag:s24], $0x4000  }
0xab: {  	[sflag:s24] =	ssyncset.done $0x0  }
0xac: {  	[sflag:s24] =	ssyncadd.s32 $0xFFFFC000  }
0xad: {  	[spmem:s8] =	stream.linear.scatter [tilespmem:s20], [sflag:$0x5], $0x4000, $0x38;
	[tilespmem:$0x1D080] =	vst v63  }
0xae: {  	_ =	swait.ge [sflag:s25], $0x4000  }
0xaf: {  	[sflag:s25] =	ssyncset.done $0x0  }
0xb0: {  	[sflag:s25] =	ssyncadd.s32 $0xFFFFC000  }
0xb1: {  	[tilespmem:s23], [sflag:$0x2] =	stream.linear.gather [hbm4b:s10+s3], $0x4000, $0x38;
	[tilespmem:$0x1D080] =	vst v63  }
0xb2: {  	_ =	swait.ge [sflag:s26], $0x4000  }
0xb3: {  	[sflag:s26] =	ssyncset.done $0x0  }
0xb4: {  	[sflag:s26] =	ssyncadd.s32 $0xFFFFC000  }
0xb5: {  	[spmem:s8] =	stream.linear.scatter [tilespmem:s23], [sflag:$0x6], $0x4000, $0x38;
	[tilespmem:$0x1D080] =	vst v63  }
0xb6: {  	_ =	swait.ge [sflag:s28], $0x4000  }
0xb7: {  	[sflag:s28] =	ssyncset.done $0x0  }
0xb8: {  	[sflag:s28] =	ssyncadd.s32 $0xFFFFC000  }
0xb9: {  	_ =	swait.ge [sflag:s30], $0x400  }
0xba: {  	[sflag:s30] =	ssyncset.done $0x0  }
0xbb: {  	[sflag:s30] =	ssyncadd.s32 $0xFFFFFC00  }
0xbc: {  	_ =	swait.ge [sflag:s30], $0x400  }
0xbd: {  	[sflag:s30] =	ssyncset.done $0x0  }
0xbe: {  	s1 =	sadd.s32 $0x180, s1;
	[sflag:s30] =	ssyncadd.s32 $0xFFFFFC00  }
0xbf: {  	[tilespmem:s17], [sflag:$0x4] =	stream.linear.gather [hbm4b:s1+s3], $0x400, $0x38;
	[tilespmem:$0x1D080] =	vst v63  }
0xc0: {  	s22 =	sadd.s32 $0x180, s2;
	s2 =	simm.s32 $0x100  }
0xc1: {  	[tilespmem:s18], [sflag:$0x4] =	stream.linear.gather [hbm4b:s22+s3], $0x400, $0x38;
	[tilespmem:$0x1D080] =	vst v63  }
.LBB2_2:
0xc2: {  	[tilespmem:s20], [sflag:$0x1] =	stream.linear.gather [hbm4b:s10+s3], $0x4000, $0x38;
	[tilespmem:$0x1D080] =	vst v63  }
0xc3: {  	s21 =	smov.u32 s2  }
0xc4: {  	p0 =	sne.s32 s2, $0x900;
	s2 =	sadd.s32 $0x100, s2;
	_ =	swait.ge [sflag:s24], $0x4000  }
0xc5: {  	[sflag:s24] =	ssyncset.done $0x0  }
0xc6: {  	[sflag:s24] =	ssyncadd.s32 $0xFFFFC000  }
0xc7: {  	[spmem:s8] =	stream.linear.scatter [tilespmem:s20], [sflag:$0x5], $0x4000, $0x38;
	[tilespmem:$0x1D080] =	vst v63  }
0xc8: {  	_ =	swait.ge [sflag:s25], $0x4000  }
0xc9: {  	[sflag:s25] =	ssyncset.done $0x0  }
0xca: {  	[sflag:s25] =	ssyncadd.s32 $0xFFFFC000  }
0xcb: {  	[tilespmem:s23], [sflag:$0x2] =	stream.linear.gather [hbm4b:s10+s3], $0x4000, $0x38;
	[tilespmem:$0x1D080] =	vst v63  }
0xcc: {  	_ =	swait.ge [sflag:s26], $0x4000  }
0xcd: {  	[sflag:s26] =	ssyncset.done $0x0  }
0xce: {  	[sflag:s26] =	ssyncadd.s32 $0xFFFFC000  }
0xcf: {  	[spmem:s8] =	stream.linear.scatter [tilespmem:s23], [sflag:$0x6], $0x4000, $0x38;
	[tilespmem:$0x1D080] =	vst v63  }
0xd0: {  	_ =	swait.ge [sflag:s28], $0x4000  }
0xd1: {  	[sflag:s28] =	ssyncset.done $0x0  }
0xd2: {  	[sflag:s28] =	ssyncadd.s32 $0xFFFFC000  }
0xd3: {  	[tilespmem:s20], [sflag:$0x1] =	stream.linear.gather [hbm4b:s10+s3], $0x4000, $0x38;
	[tilespmem:$0x1D080] =	vst v63  }
0xd4: {  	_ =	swait.ge [sflag:s24], $0x4000  }
0xd5: {  	[sflag:s24] =	ssyncset.done $0x0  }
0xd6: {  	[sflag:s24] =	ssyncadd.s32 $0xFFFFC000  }
0xd7: {  	[spmem:s8] =	stream.linear.scatter [tilespmem:s20], [sflag:$0x5], $0x4000, $0x38;
	[tilespmem:$0x1D080] =	vst v63  }
0xd8: {  	_ =	swait.ge [sflag:s25], $0x4000  }
0xd9: {  	[sflag:s25] =	ssyncset.done $0x0  }
0xda: {  	[sflag:s25] =	ssyncadd.s32 $0xFFFFC000  }
0xdb: {  	[tilespmem:s23], [sflag:$0x2] =	stream.linear.gather [hbm4b:s10+s3], $0x4000, $0x38;
	[tilespmem:$0x1D080] =	vst v63  }
0xdc: {  	_ =	swait.ge [sflag:s26], $0x4000  }
0xdd: {  	[sflag:s26] =	ssyncset.done $0x0  }
0xde: {  	[sflag:s26] =	ssyncadd.s32 $0xFFFFC000  }
0xdf: {  	[spmem:s8] =	stream.linear.scatter [tilespmem:s23], [sflag:$0x6], $0x4000, $0x38;
	[tilespmem:$0x1D080] =	vst v63  }
0xe0: {  	_ =	swait.ge [sflag:s28], $0x4000  }
0xe1: {  	[sflag:s28] =	ssyncset.done $0x0  }
0xe2: {  	[sflag:s28] =	ssyncadd.s32 $0xFFFFC000  }
0xe3: {  	[tilespmem:s20], [sflag:$0x1] =	stream.linear.gather [hbm4b:s10+s3], $0x4000, $0x38;
	[tilespmem:$0x1D080] =	vst v63  }
0xe4: {  	_ =	swait.ge [sflag:s24], $0x4000  }
0xe5: {  	[sflag:s24] =	ssyncset.done $0x0  }
0xe6: {  	[sflag:s24] =	ssyncadd.s32 $0xFFFFC000  }
0xe7: {  	[spmem:s8] =	stream.linear.scatter [tilespmem:s20], [sflag:$0x5], $0x4000, $0x38;
	[tilespmem:$0x1D080] =	vst v63  }
0xe8: {  	_ =	swait.ge [sflag:s25], $0x4000  }
0xe9: {  	[sflag:s25] =	ssyncset.done $0x0  }
0xea: {  	[sflag:s25] =	ssyncadd.s32 $0xFFFFC000  }
0xeb: {  	[tilespmem:s23], [sflag:$0x2] =	stream.linear.gather [hbm4b:s10+s3], $0x4000, $0x38;
	[tilespmem:$0x1D080] =	vst v63  }
0xec: {  	_ =	swait.ge [sflag:s26], $0x4000  }
0xed: {  	[sflag:s26] =	ssyncset.done $0x0  }
0xee: {  	[sflag:s26] =	ssyncadd.s32 $0xFFFFC000  }
0xef: {  	[spmem:s8] =	stream.linear.scatter [tilespmem:s23], [sflag:$0x6], $0x4000, $0x38;
	[tilespmem:$0x1D080] =	vst v63  }
0xf0: {  	_ =	swait.ge [sflag:s28], $0x4000  }
0xf1: {  	[sflag:s28] =	ssyncset.done $0x0  }
0xf2: {  	[sflag:s28] =	ssyncadd.s32 $0xFFFFC000  }
0xf3: {  	[tilespmem:s20], [sflag:$0x1] =	stream.linear.gather [hbm4b:s10+s3], $0x4000, $0x38;
	[tilespmem:$0x1D080] =	vst v63  }
0xf4: {  	_ =	swait.ge [sflag:s24], $0x4000  }
0xf5: {  	[sflag:s24] =	ssyncset.done $0x0  }
0xf6: {  	[sflag:s24] =	ssyncadd.s32 $0xFFFFC000  }
0xf7: {  	[spmem:s8] =	stream.linear.scatter [tilespmem:s20], [sflag:$0x5], $0x4000, $0x38;
	[tilespmem:$0x1D080] =	vst v63  }
0xf8: {  	_ =	swait.ge [sflag:s25], $0x4000  }
0xf9: {  	[sflag:s25] =	ssyncset.done $0x0  }
0xfa: {  	[sflag:s25] =	ssyncadd.s32 $0xFFFFC000  }
0xfb: {  	[tilespmem:s23], [sflag:$0x2] =	stream.linear.gather [hbm4b:s10+s3], $0x4000, $0x38;
	[tilespmem:$0x1D080] =	vst v63  }
0xfc: {  	_ =	swait.ge [sflag:s26], $0x4000  }
0xfd: {  	[sflag:s26] =	ssyncset.done $0x0  }
0xfe: {  	[sflag:s26] =	ssyncadd.s32 $0xFFFFC000  }
0xff: {  	[spmem:s8] =	stream.linear.scatter [tilespmem:s23], [sflag:$0x6], $0x4000, $0x38;
	[tilespmem:$0x1D080] =	vst v63  }
0x100: {  	_ =	swait.ge [sflag:s28], $0x4000  }
0x101: {  	[sflag:s28] =	ssyncset.done $0x0  }
0x102: {  	[sflag:s28] =	ssyncadd.s32 $0xFFFFC000  }
0x103: {  	_ =	swait.ge [sflag:s29], $0x400  }
0x104: {  	[sflag:s29] =	ssyncset.done $0x0  }
0x105: {  	[sflag:s29] =	ssyncadd.s32 $0xFFFFFC00  }
0x106: {  	_ =	swait.ge [sflag:s29], $0x400  }
0x107: {  	s1 =	sadd.s32 s21, s13;
	[sflag:s29] =	ssyncset.done $0x0  }
0x108: {  	s21 =	sadd.s32 s21, s14;
	s22 =	sadd.s32 $0x100, s1;
	[sflag:s29] =	ssyncadd.s32 $0xFFFFFC00  }
0x109: {  	[tilespmem:s3], [sflag:$0x3] =	stream.linear.gather [hbm4b:s22+s3], $0x400, $0x38;
	[tilespmem:$0x1D080] =	vst v63  }
0x10a: {  	s22 =	sadd.s32 $0x100, s21  }
0x10b: {  	[tilespmem:s16], [sflag:$0x3] =	stream.linear.gather [hbm4b:s22+s3], $0x400, $0x38;
	[tilespmem:$0x1D080] =	vst v63  }
0x10c: {  	_ = 	snop  }
0x10d: {  	[tilespmem:s20], [sflag:$0x1] =	stream.linear.gather [hbm4b:s10+s3], $0x4000, $0x38;
	[tilespmem:$0x1D080] =	vst v63  }
0x10e: {  	_ =	swait.ge [sflag:s24], $0x4000  }
0x10f: {  	[sflag:s24] =	ssyncset.done $0x0  }
0x110: {  	[sflag:s24] =	ssyncadd.s32 $0xFFFFC000  }
0x111: {  	[spmem:s8] =	stream.linear.scatter [tilespmem:s20], [sflag:$0x5], $0x4000, $0x38;
	[tilespmem:$0x1D080] =	vst v63  }
0x112: {  	_ =	swait.ge [sflag:s25], $0x4000  }
0x113: {  	[sflag:s25] =	ssyncset.done $0x0  }
0x114: {  	[sflag:s25] =	ssyncadd.s32 $0xFFFFC000  }
0x115: {  	[tilespmem:s23], [sflag:$0x2] =	stream.linear.gather [hbm4b:s10+s3], $0x4000, $0x38;
	[tilespmem:$0x1D080] =	vst v63  }
0x116: {  	_ =	swait.ge [sflag:s26], $0x4000  }
0x117: {  	[sflag:s26] =	ssyncset.done $0x0  }
0x118: {  	[sflag:s26] =	ssyncadd.s32 $0xFFFFC000  }
0x119: {  	[spmem:s8] =	stream.linear.scatter [tilespmem:s23], [sflag:$0x6], $0x4000, $0x38;
	[tilespmem:$0x1D080] =	vst v63  }
0x11a: {  	_ =	swait.ge [sflag:s28], $0x4000  }
0x11b: {  	[sflag:s28] =	ssyncset.done $0x0  }
0x11c: {  	[sflag:s28] =	ssyncadd.s32 $0xFFFFC000  }
0x11d: {  	[tilespmem:s20], [sflag:$0x1] =	stream.linear.gather [hbm4b:s10+s3], $0x4000, $0x38;
	[tilespmem:$0x1D080] =	vst v63  }
0x11e: {  	_ =	swait.ge [sflag:s24], $0x4000  }
0x11f: {  	[sflag:s24] =	ssyncset.done $0x0  }
0x120: {  	[sflag:s24] =	ssyncadd.s32 $0xFFFFC000  }
0x121: {  	[spmem:s8] =	stream.linear.scatter [tilespmem:s20], [sflag:$0x5], $0x4000, $0x38;
	[tilespmem:$0x1D080] =	vst v63  }
0x122: {  	_ =	swait.ge [sflag:s25], $0x4000  }
0x123: {  	[sflag:s25] =	ssyncset.done $0x0  }
0x124: {  	[sflag:s25] =	ssyncadd.s32 $0xFFFFC000  }
0x125: {  	[tilespmem:s23], [sflag:$0x2] =	stream.linear.gather [hbm4b:s10+s3], $0x4000, $0x38;
	[tilespmem:$0x1D080] =	vst v63  }
0x126: {  	_ =	swait.ge [sflag:s26], $0x4000  }
0x127: {  	[sflag:s26] =	ssyncset.done $0x0  }
0x128: {  	[sflag:s26] =	ssyncadd.s32 $0xFFFFC000  }
0x129: {  	[spmem:s8] =	stream.linear.scatter [tilespmem:s23], [sflag:$0x6], $0x4000, $0x38;
	[tilespmem:$0x1D080] =	vst v63  }
0x12a: {  	_ =	swait.ge [sflag:s28], $0x4000  }
0x12b: {  	[sflag:s28] =	ssyncset.done $0x0  }
0x12c: {  	[sflag:s28] =	ssyncadd.s32 $0xFFFFC000  }
0x12d: {  	[tilespmem:s20], [sflag:$0x1] =	stream.linear.gather [hbm4b:s10+s3], $0x4000, $0x38;
	[tilespmem:$0x1D080] =	vst v63  }
0x12e: {  	_ =	swait.ge [sflag:s24], $0x4000  }
0x12f: {  	[sflag:s24] =	ssyncset.done $0x0  }
0x130: {  	[sflag:s24] =	ssyncadd.s32 $0xFFFFC000  }
0x131: {  	[spmem:s8] =	stream.linear.scatter [tilespmem:s20], [sflag:$0x5], $0x4000, $0x38;
	[tilespmem:$0x1D080] =	vst v63  }
0x132: {  	_ =	swait.ge [sflag:s25], $0x4000  }
0x133: {  	[sflag:s25] =	ssyncset.done $0x0  }
0x134: {  	[sflag:s25] =	ssyncadd.s32 $0xFFFFC000  }
0x135: {  	[tilespmem:s23], [sflag:$0x2] =	stream.linear.gather [hbm4b:s10+s3], $0x4000, $0x38;
	[tilespmem:$0x1D080] =	vst v63  }
0x136: {  	_ =	swait.ge [sflag:s26], $0x4000  }
0x137: {  	[sflag:s26] =	ssyncset.done $0x0  }
0x138: {  	[sflag:s26] =	ssyncadd.s32 $0xFFFFC000  }
0x139: {  	[spmem:s8] =	stream.linear.scatter [tilespmem:s23], [sflag:$0x6], $0x4000, $0x38;
	[tilespmem:$0x1D080] =	vst v63  }
0x13a: {  	_ =	swait.ge [sflag:s28], $0x4000  }
0x13b: {  	[sflag:s28] =	ssyncset.done $0x0  }
0x13c: {  	[sflag:s28] =	ssyncadd.s32 $0xFFFFC000  }
0x13d: {  	[tilespmem:s20], [sflag:$0x1] =	stream.linear.gather [hbm4b:s10+s3], $0x4000, $0x38;
	[tilespmem:$0x1D080] =	vst v63  }
0x13e: {  	_ =	swait.ge [sflag:s24], $0x4000  }
0x13f: {  	[sflag:s24] =	ssyncset.done $0x0  }
0x140: {  	[sflag:s24] =	ssyncadd.s32 $0xFFFFC000  }
0x141: {  	[spmem:s8] =	stream.linear.scatter [tilespmem:s20], [sflag:$0x5], $0x4000, $0x38;
	[tilespmem:$0x1D080] =	vst v63  }
0x142: {  	_ =	swait.ge [sflag:s25], $0x4000  }
0x143: {  	[sflag:s25] =	ssyncset.done $0x0  }
0x144: {  	[sflag:s25] =	ssyncadd.s32 $0xFFFFC000  }
0x145: {  	[tilespmem:s23], [sflag:$0x2] =	stream.linear.gather [hbm4b:s10+s3], $0x4000, $0x38;
	[tilespmem:$0x1D080] =	vst v63  }
0x146: {  	_ =	swait.ge [sflag:s26], $0x4000  }
0x147: {  	[sflag:s26] =	ssyncset.done $0x0  }
0x148: {  	[sflag:s26] =	ssyncadd.s32 $0xFFFFC000  }
0x149: {  	[spmem:s8] =	stream.linear.scatter [tilespmem:s23], [sflag:$0x6], $0x4000, $0x38;
	[tilespmem:$0x1D080] =	vst v63  }
0x14a: {  	_ =	swait.ge [sflag:s28], $0x4000  }
0x14b: {  	[sflag:s28] =	ssyncset.done $0x0  }
0x14c: {  	[sflag:s28] =	ssyncadd.s32 $0xFFFFC000  }
0x14d: {  	_ =	swait.ge [sflag:s30], $0x400  }
0x14e: {  	[sflag:s30] =	ssyncset.done $0x0  }
0x14f: {  	[sflag:s30] =	ssyncadd.s32 $0xFFFFFC00  }
0x150: {  	_ =	swait.ge [sflag:s30], $0x400  }
.Ltmp0:
0x151: {  	[sflag:s30] =	ssyncset.done $0x0;
	(pc) =	sbr.rel @p0 .LBB2_2-.Ltmp0, $4  }
0x152: {  	s1 =	sadd.s32 $0x180, s1;
	[sflag:s30] =	ssyncadd.s32 $0xFFFFFC00  }
0x153: {  	[tilespmem:s17], [sflag:$0x4] =	stream.linear.gather [hbm4b:s1+s3], $0x400, $0x38;
	[tilespmem:$0x1D080] =	vst v63  }
0x154: {  	s1 =	sadd.s32 $0x180, s21  }
0x155: {  	[tilespmem:s18], [sflag:$0x4] =	stream.linear.gather [hbm4b:s1+s3], $0x400, $0x38;
	[tilespmem:$0x1D080] =	vst v63  }
0x156: {  	[tilespmem:s20], [sflag:$0x1] =	stream.linear.gather [hbm4b:s10+s3], $0x4000, $0x38;
	[tilespmem:$0x1D080] =	vst v63  }
0x157: {  	_ =	swait.ge [sflag:s24], $0x4000  }
0x158: {  	[sflag:s24] =	ssyncset.done $0x0  }
0x159: {  	[sflag:s24] =	ssyncadd.s32 $0xFFFFC000  }
0x15a: {  	_ =	swait.ge [sflag:s25], $0x4000  }
0x15b: {  	[sflag:s25] =	ssyncset.done $0x0  }
0x15c: {  	[sflag:s25] =	ssyncadd.s32 $0xFFFFC000  }
0x15d: {  	_ =	swait.ge [sflag:s29], $0x400  }
0x15e: {  	[sflag:s29] =	ssyncset.done $0x0  }
0x15f: {  	[sflag:s29] =	ssyncadd.s32 $0xFFFFFC00  }
0x160: {  	_ =	swait.ge [sflag:s29], $0x400  }
0x161: {  	s31 =	sadd.s32 $0x1, s31;
	[sflag:s29] =	ssyncset.done $0x0  }
0x162: {  	p0 =	sne.s32 s31, s12;
	[sflag:s29] =	ssyncadd.s32 $0xFFFFFC00  }
.Ltmp1:
0x163: {  	[bflag:$0x0] =	sbarrier.arrive $0xFFFF;
	(pc) =	sbr.rel @p0 .LBB2_1-.Ltmp1, $4  }
0x164: {  	[hbm:s11], [sflag:s19] =	dma.local [spmem:s0], $0x2800  }
0x165: {  	_ =	swait.ge [sflag:s15], $0x2800  }
0x166: {  	[sflag:s15] =	ssyncset.done $0x0  }
0x167: {  	[sflag:s15] =	ssyncadd.s32 $0xFFFFD800  }
0x168: {  	_ =	sfence.sel $0x180000  }
0x169: {  	[bflag:$0x0] =	sbarrier.arrive $0xFFFF  }
0x16a: {  	_ =	strace $0x9000004D  }
0x16b: {  	s0 =	stileid.u32;
	[bflag:$0x2] =	sbarrier.arrive $0xFFFF  }
0x16c: {  	p0 =	sne.s32 s0, $0x0;
	s0 =	rddreg [dreg:$0x2]  }
0x16d: {  	s0 =	sadd.s32 @!p0 $0x100000, s0  }
0x16e: {  	[sflag:s0] =	ssyncadd.tile.s32 @!p0 $0x1;
	_ =	shalt  }
.Lfunc_end2:
_tile_overlayer_lowered:
.L_overlay_start_2:
0x16f: {  	(tag) =	ssettag $0x2  }
0x170: {  	s0 =	rddreg [dreg:$0x0];
	s2 =	stileid.u32  }
0x171: {  	s1 =	rddreg [dreg:$0x1];
	p0 =	sne.s32 s2, $0x0  }
0x172: {  	s3 =	rddreg [dreg:$0x2];
	[bflag:$0x3] =	sbarrier.arrive $0xFFFF;
	s2 =	simm.s32 @!p0 $0x1C07  }
0x173: {  	[timem:s3], [sflag:s2] =	dma.local @!p0 [hbm:s0], s1  }
0x174: {  	s0 =	simm.s32 @!p0 $0x7  }
0x175: {  	_ =	swait.ge @!p0 [sflag:s0], s1  }
0x176: {  	s1 =	ssub.s32 @!p0 $0x0, s1;
	[sflag:s0] =	ssyncset.done @!p0 $0x0  }
0x177: {  	[sflag:s0] =	ssyncadd.s32 @!p0 s1  }
0x178: {  	[bflag:$0x3] =	sbarrier.arrive $0xFFFF  }
0x179: {  	_ =	shalt  }

// kernel: kernel.19.cloned.1.call-start
scs
__scs_entry_jumppad:
0x0: {  	(pc) =	sbr.rel $0x88, $3  }
0x1: {  	(tag) =	ssettag $0x0;
	lr =	simm.s32 $0x1  }
0x2: {  	[smem:$0x3F8E] =	sst lr;
	_ =	strace $0xD0000000  }
0x3: {  	_ = 	snop  }
0x4: {  	_ = 	snop  }
0x5: {  	_ = 	snop  }
0x6: {  	_ = 	snop  }
0x7: {  	_ = 	snop  }
__scs_overlays_trampoline_lowered:
0x8: {  	[smem:$0x3F9D] =	sst s0  }
0x9: {  	[smem:$0x3F9E] =	sst s1  }
0xa: {  	[smem:$0x3F9F] =	sst s2  }
0xb: {  	[smem:$0x3FA0] =	sst s3  }
0xc: {  	[smem:$0x3FA1] =	sst s4  }
0xd: {  	[smem:$0x3FA2] =	sst s5  }
0xe: {  	[smem:$0x3FA3] =	sst s6  }
0xf: {  	[smem:$0x3FA4] =	sst s7  }
0x10: {  	[smem:$0x3FA5] =	sst s8  }
0x11: {  	[smem:$0x3FA6] =	sst s9;
	s0 =	simm.s32 @!p0 $0x0  }
0x12: {  	s1 =	sld [smem:$0x3F8C];
	s0 =	simm.s32 @p0 $0x1  }
0x13: {  	[smem:$0x3FA7] =	sst s0;
	s0 =	simm.s32 @!p1 $0x0  }
0x14: {  	s2 =	sld [smem:$0x3F8B];
	s0 =	simm.s32 @p1 $0x1  }
0x15: {  	[smem:$0x3FA8] =	sst s0;
	s0 =	simm.s32 @!p2 $0x0  }
0x16: {  	s3 =	sld [smem:$0x3FDB];
	s0 =	simm.s32 @p2 $0x1  }
0x17: {  	s4 =	simm.s32 $0x1BF5;
	[smem:$0x3FAA] =	sst s0  }
0x18: {  	s0 =	sld [smem:$0x3F8D];
	_ =	swait.ge [sflag:s4], $0x0  }
0x19: {  	s7 =	sld [smem:$0x3F8E]  }
0x1a: {  	s8 =	sadd.s32 $0xFFFFE003, lr  }
0x1b: {  	s9 =	sadd.s32 $0xFFFFFEF7, lr;
	s5 =	simm.s32 $0xFFFFFFFF;
	p2 =	slt.u32 s8, $0xFFFFF086  }
0x1c: {  	p1 =	slt.u32 s9, $0xF7A;
	s5 =	simm.s32 @!p2 $0x0  }
0x1d: {  	s5 =	simm.s32 @p1 $0x1;
	p0 =	seq.s32 s7, s2  }
0x1e: {  	s7 =	smul.u32 @!p0 $0xF7A, s2;
	p2 =	seq.s32 @!p0 s5, $0x0  }
0x1f: {  	s9 =	smul.u32 $0xF7A, s1;
	s8 =	simm.s32 @!p0 $0x1BF5;
	p2 =	por !p2, p0  }
0x20: {  	[sflag:s8] =	ssyncset.s32 @!p0 $0xFFFFF086;
	s6 =	sadd.s32 @!p0 s3, s7;
	s7 =	simm.s32 @!p0 $0x108  }
0x21: {  	s3 =	sadd.s32 s3, s9;
	s6 =	sadd.s32 @!p0 $0x88, s6;
	s7 =	simm.s32 @p2 $0x1082  }
0x22: {  	[simem:s7], [sflag:s8] =	dma.local @!p0 [hbm:s6], $0xF7A  }
0x23: {  	s9 =	sor.u32 $0xD0000000, s2;
	s6 =	simm.s32 $0x108;
	_ =	swait.ge @!p0 [sflag:s8], $0x0  }
0x24: {  	s3 =	sadd.s32 $0x88, s3;
	s6 =	simm.s32 @!p1 $0x1082;
	[sflag:s4] =	ssyncset.s32 $0xFFFFF086  }
0x25: {  	[simem:s6], [sflag:s4] =	dma.local [hbm:s3], $0xF7A  }
0x26: {  	[smem:$0x3F8E] =	sst s1;
	(tag) =	ssettag s2;
	_ =	strace s9  }
0x27: {  	s1 =	sld [smem:$0x3F9E]  }
0x28: {  	s2 =	sld [smem:$0x3F9F]  }
0x29: {  	s4 =	sld [smem:$0x3FA1]  }
0x2a: {  	p0 =	seq.s32 s5, $0x0;
	s5 =	sld [smem:$0x3FA2]  }
0x2b: {  	s6 =	sld [smem:$0x3FA3]  }
0x2c: {  	s7 =	sld [smem:$0x3FA4]  }
0x2d: {  	s3 =	simm.s32 $0x108;
	s8 =	sld [smem:$0x3FA5]  }
0x2e: {  	s3 =	simm.s32 @!p0 $0x1082;
	s9 =	sld [smem:$0x3FA6]  }
0x2f: {  	lr =	sadd.s32 s0, s3;
	s0 =	sld [smem:$0x3F9D]  }
0x30: {  	s3 =	sld [smem:$0x3FA0]  }
0x31: {  	[smem:$0x3FA9] =	sst s10  }
0x32: {  	s10 =	sld [smem:$0x3FA7];
	_ =	sdelay $0x3  }
0x33: {  	p0 =	seq.s32 s10, $0x1;
	s10 =	sld [smem:$0x3FA9];
	_ =	sdelay $0x3  }
0x34: {  	[smem:$0x3FA9] =	sst s10  }
0x35: {  	s10 =	sld [smem:$0x3FA8];
	_ =	sdelay $0x3  }
0x36: {  	p1 =	seq.s32 s10, $0x1;
	s10 =	sld [smem:$0x3FA9];
	_ =	sdelay $0x3  }
0x37: {  	[smem:$0x3FA9] =	sst s10  }
0x38: {  	s10 =	sld [smem:$0x3FAA]  }
0x39: {  	_ = 	snop;
	(pc) =	sbr.ind lr, $3  }
0x3a: {  	_ = 	snop  }
0x3b: {  	_ = 	snop  }
0x3c: {  	p2 =	seq.s32 s10, $0x1;
	s10 =	sld [smem:$0x3FA9]  }
0x3d: {  	_ =	shalt  }
0x3e: {  	_ =	shalt  }
0x3f: {  	_ =	shalt  }
0x40: {  	_ =	shalt  }
0x41: {  	_ =	shalt  }
0x42: {  	_ =	shalt  }
0x43: {  	_ =	shalt  }
0x44: {  	_ =	shalt  }
0x45: {  	_ =	shalt  }
0x46: {  	_ =	shalt  }
0x47: {  	_ =	shalt  }
0x48: {  	_ =	shalt  }
0x49: {  	_ =	shalt  }
0x4a: {  	_ =	shalt  }
0x4b: {  	_ =	shalt  }
0x4c: {  	_ =	shalt  }
0x4d: {  	_ =	shalt  }
0x4e: {  	_ =	shalt  }
0x4f: {  	_ =	shalt  }
0x50: {  	_ =	shalt  }
0x51: {  	_ =	shalt  }
0x52: {  	_ =	shalt  }
0x53: {  	_ =	shalt  }
0x54: {  	_ =	shalt  }
0x55: {  	_ =	shalt  }
0x56: {  	_ =	shalt  }
0x57: {  	_ =	shalt  }
0x58: {  	_ =	shalt  }
0x59: {  	_ =	shalt  }
0x5a: {  	_ =	shalt  }
0x5b: {  	_ =	shalt  }
0x5c: {  	_ =	shalt  }
0x5d: {  	_ =	shalt  }
0x5e: {  	_ =	shalt  }
0x5f: {  	_ =	shalt  }
0x60: {  	_ =	shalt  }
0x61: {  	_ =	shalt  }
0x62: {  	_ =	shalt  }
0x63: {  	_ =	shalt  }
0x64: {  	_ =	shalt  }
0x65: {  	_ =	shalt  }
0x66: {  	_ =	shalt  }
0x67: {  	_ =	shalt  }
0x68: {  	_ =	shalt  }
0x69: {  	_ =	shalt  }
0x6a: {  	_ =	shalt  }
0x6b: {  	_ =	shalt  }
0x6c: {  	_ =	shalt  }
0x6d: {  	_ =	shalt  }
0x6e: {  	_ =	shalt  }
0x6f: {  	_ =	shalt  }
0x70: {  	_ =	shalt  }
0x71: {  	_ =	shalt  }
0x72: {  	_ =	shalt  }
0x73: {  	_ =	shalt  }
0x74: {  	_ =	shalt  }
0x75: {  	_ =	shalt  }
0x76: {  	_ =	shalt  }
0x77: {  	_ =	shalt  }
0x78: {  	_ =	shalt  }
0x79: {  	_ =	shalt  }
0x7a: {  	_ =	shalt  }
0x7b: {  	_ =	shalt  }
0x7c: {  	_ =	shalt  }
0x7d: {  	_ =	shalt  }
0x7e: {  	_ =	shalt  }
0x7f: {  	_ =	shalt  }
0x80: {  	_ =	shalt  }
0x81: {  	_ =	shalt  }
0x82: {  	_ =	shalt  }
0x83: {  	_ =	shalt  }
0x84: {  	_ =	shalt  }
0x85: {  	_ =	shalt  }
0x86: {  	_ =	shalt  }
0x87: {  	_ =	shalt  }
.Lfunc_end0:
.L_simem_size_0:
called_computation.3_lowered:
.L_overlay_start_0:
0x88: {  	s2 =	sld [smem:$0x3FD9]  }
0x89: {  	s3 =	sld [smem:$0x3FFE];
	_ =	sdelay $0x1  }
0x8a: {  	s1 =	srdreg.scid  }
0x8b: {  	s0 =	sand.u32 $0x1, s1  }
0x8c: {  	s16 =	sshll.u32 s0, $0xA;
	s2 =	sadd.s32 s3, s2  }
0x8d: {  	s2 =	sadd.s32 s2, s16  }
0x8e: {  	[smem:$0x3FB5] =	sst s2  }
0x8f: {  	_ = 	snop  }
0x90: {  	(tm) =	ssettm $0x1  }
0x91: {  	s17 =	sld [smem:$0x3FFB];
	_ =	sdelay $0x3  }
0x92: {  	_ =	strace s17  }
0x93: {  	s2 =	sld [smem:$0x3FFC];
	_ =	sdelay $0x3  }
0x94: {  	_ =	strace s2  }
0x95: {  	s2 =	sld [smem:$0x3FFD];
	_ =	sdelay $0x3  }
0x96: {  	_ =	strace s2  }
0x97: {  	_ =	strace $0x8FFFFFFF  }
0x98: {  	s18 =	sld [smem:$0x3FDB];
	_ =	sdelay $0x1  }
0x99: {  	s19 =	simm.s32 $_scs_section_size  }
0x9a: {  	s4 =	simm.s32 $_size__tile_overlayer_lowered;
	s5 =	simm.s32 $_tile_overlayer_lowered  }
0x9b: {  	s22 =	simm.s32 $0x1BFF;
	s21 =	sshll.u32 s5, $0x1;
	s2 =	sadd.s32 s19, s18  }
0x9c: {  	s6 =	simm.s32 $0x0;
	s20 =	sshll.u32 s4, $0x1;
	s4 =	sadd.s32 s21, s2  }
0x9d: {  	[timem:s6], [sflag:s22] =	dma.local [hbm:s4], s20  }
0x9e: {  	_ =	swait.ge [sflag:s22], s20  }
0x9f: {  	s3 =	ssub.s32 $0x0, s20;
	[sflag:s22] =	ssyncset.done $0x0  }
0xa0: {  	[sflag:s22] =	ssyncadd.s32 s3;
	_ =	sdelay $0x1  }
0xa1: {  	s23 =	simm.s32 $0x1B8B  }
0xa2: {  	_ =	swait.ge [sflag:s23], $0x1  }
0xa3: {  	[sflag:s23] =	ssyncset.done $0x0  }
0xa4: {  	s25 =	simm.s32 $0x1B8E;
	s24 =	sld [smem:$0x3FFE];
	[sflag:s23] =	ssyncadd.s32 $0xFFFFFFFF  }
0xa5: {  	s26 =	simm.s32 $execute0_lowered;
	[smem:$0x3FD2] =	sst s25  }
0xa6: {  	s4 =	sshll.u32 s26, $0x1;
	_ =	strace $0x8000004F;
	[dreg:$0x1] =	wrdreg $0xFFFFFFFF  }
0xa7: {  	s28 =	simm.s32 $_size_execute0_lowered;
	s2 =	sadd.s32 s2, s4;
	[dreg:$0x0] =	wrdreg $0x0  }
0xa8: {  	s4 =	sshll.u32 s28, $0x1;
	[dreg:$0x2] =	wrdreg s2  }
0xa9: {  	[dreg:$0x3] =	wrdreg s4  }
0xaa: {  	[dreg:$0x4] =	wrdreg $0xC0  }
0xab: {  	_ =	task [dreg:s6], $0x5FFFF  }
0xac: {  	[dreg:$0x1] =	wrdreg $0xFFFFFFFF  }
0xad: {  	[dreg:$0x0] =	wrdreg $0x60  }
0xae: {  	[dreg:$0x2] =	wrdreg s24  }
0xaf: {  	[dreg:$0x3] =	wrdreg $0xC1000  }
0xb0: {  	[dreg:$0x4] =	wrdreg $0x9  }
0xb1: {  	_ =	task.clear_ibuf [dreg:s6], $0x5FFFF;
	_ =	strace $0x9000004F  }
0xb2: {  	s29 =	simm.s32 $0x9;
	_ =	strace $0x80000051  }
0xb3: {  	_ =	swait.ge [sflag:s29], $0x1  }
0xb4: {  	[sflag:s29] =	ssyncadd.s32 $0xFFFFFFFF  }
0xb5: {  	_ =	strace $0x90000051  }
0xb6: {  	_ =	sfence  }
0xb7: {  	s30 =	sld [smem:$0x0];
	_ =	sdelay $0x2  }
0xb8: {  	s31 =	sshll.u32 s1, $0xD;
	s1 =	sshrl.u32 s1, $0x2  }
0xb9: {  	s3 =	sand.u32 $0x4000, s31;
	s1 =	sadd.s32 s1, s30  }
0xba: {  	s0 =	sor.u32 s3, s0;
	s1 =	sshll.u32 s1, $0x11  }
0xbb: {  	s0 =	sor.u32 s1, s0  }
0xbc: {  	s0 =	sadd.s32 $0x8F2B, s0  }
0xbd: {  	[sflag:s0] =	ssyncadd.remote.s32 $0x1  }
0xbe: {  	_ =	sfence.sel $0xFFFF  }
0xbf: {  	[dreg:$0x0] =	wrdreg $0xFFFFFFFF;
	(pc) =	sbr.abs _section_cstart, $3  }
0xc0: {  	[dreg:$0x1] =	wrdreg $0xFFFFFFFF  }
0xc1: {  	_ =	task.clear_ibuf [dreg:s6], $0x2FFFF;
	_ =	strace $0x9FFFFFFF  }
0xc2: {  	(tm) =	ssettm $0x7FFFFFFF  }
0xc3: {  	_ =	shalt  }
tec
execute0_lowered:
.L_overlay_start_1:
0x0: {  	(tag) =	ssettag $0x1  }
0x1: {  	s6 =	rddreg [dreg:$0x0]  }
0x2: {  	s0 =	srdreg.scid;
	s2 =	rddreg [dreg:$0x1]  }
0x3: {  	s3 =	simm.s32 $0x0;
	s14 =	simm.s32 $0x80;
	s15 =	simm.s32 $0xC000  }
0x4: {  	s16 =	simm.s32 $0x1;
	s17 =	simm.s32 $0xC080;
	s18 =	simm.s32 $0x2  }
0x5: {  	s19 =	simm.s32 $0x5F80;
	s20 =	simm.s32 $0xBF00;
	s21 =	simm.s32 $0xBF80  }
0x6: {  	s22 =	simm.s32 $0x0;
	s5 =	sand.u32 $0x1, s0;
	s0 =	stileid.u32  }
0x7: {  	[smem:$0x7FF] =	sst s3;
	s4 =	sadd.s32 $0x1C600, s6;
	s8 =	smul.u32 $0xC00, s0  }
0x8: {  	s1 =	sshll.u32 s5, $0x4;
	s9 =	smul.u32 $0xC000, s5;
	s30 =	ssub.s32 $0x2, s5  }
0x9: {  	s5 =	sadd.s32 $0x30600, s6;
	s31 =	sshll.u32 s0, $0x6;
	s1 =	sor.u32 s0, s1  }
0xa: {  	s11 =	sshrl.u32 s30, $0x1;
	s7 =	smul.u32 $0xC00, s1;
	s1 =	rddreg [dreg:$0x2]  }
0xb: {  	_ =	strace $0x80000050;
	s29 =	sadd.s32 s8, s9;
	s11 =	ssub.s32 s30, s11  }
0xc: {  	s13 =	sadd.s32 s8, s2;
	s10 =	sadd.s32 s7, s6;
	s7 =	sshrl.u32 s29, $0x3  }
0xd: {  	s12 =	sadd.s32 s7, s6;
	s6 =	sor.u32 $0x1C03, s31;
	s7 =	sadd.s32 $0x4600, s10  }
0xe: {  	s8 =	sadd.s32 $0xFD200, s10;
	s10 =	smax.u32 s11, $0x1;
	s11 =	sshrl.u32 s13, $0x3  }
0xf: {  	s13 =	simm.s32 $0x6000;
	s9 =	sadd.s32 $0x1DE00, s12;
	s12 =	simm.s32 $0x3  }
.LBB2_1:
0x10: {  	[spmem:s11], [sflag:s6] =	dma.local [hbm:s5], $0x180  }
0x11: {  	_ =	swait.ge [sflag:s12], $0x180  }
0x12: {  	[sflag:s12] =	ssyncset.done $0x0  }
0x13: {  	[sflag:s12] =	ssyncadd.s32 $0xFFFFFE80  }
0x14: {  	[tilespmem:s3], [sflag:$0x3] =	stream.linear.gather [hbm4b:s7+s3], $0x6000, $0x38;
	[tilespmem:$0xCD00] =	vst v63  }
0x15: {  	_ =	swait.ge [sflag:s12], $0x6000  }
0x16: {  	[sflag:s12] =	ssyncset.done $0x0  }
0x17: {  	[sflag:s12] =	ssyncadd.s32 $0xFFFFA000  }
0x18: {  	[tilespmem:s13], [sflag:$0x3] =	stream.linear.gather [hbm4b:s8+s3], $0x6000, $0x38;
	[tilespmem:$0xCD00] =	vst v63  }
0x19: {  	_ =	swait.ge [sflag:s12], $0x6000  }
0x1a: {  	[sflag:s12] =	ssyncset.done $0x0  }
0x1b: {  	[sflag:s12] =	ssyncadd.s32 $0xFFFFA000  }
0x1c: {  	[bflag:$0x0] =	sbarrier.arrive $0xFFFF  }
0x1d: {  	[tilespmem:s15], [sflag:$0x1] =	stream.indirect.gather [hbm4b:s4+s14], $0x1, s3, s14, $0xb8;
	[tilespmem:$0xCD00] =	vst v63  }
0x1e: {  	_ =	swait.ge [sflag:s16], $0x80  }
0x1f: {  	[sflag:s16] =	ssyncset.done $0x0  }
0x20: {  	s23 =	simm.s32 $0x80;
	[sflag:s16] =	ssyncadd.s32 $0xFFFFFF80  }
0x21: {  	[tilespmem:s17], [sflag:$0x2] =	stream.indirect.gather [hbm4b:s4+s14], $0x1, s23, s14, $0xb8;
	[tilespmem:$0xCD00] =	vst v63  }
0x22: {  	s29 =	simm.s32 $0x6000  }
0x23: {  	[spmem:s2] =	stream.indirect.scatter.add.f32 [tilespmem:s15], [sflag:$0x3], $0x1, s29, s14, $0xb8;
	[tilespmem:$0xCD00] =	vst v63  }
0x24: {  	_ =	swait.ge [sflag:s12], $0x80  }
0x25: {  	[sflag:s12] =	ssyncset.done $0x0  }
0x26: {  	[sflag:s12] =	ssyncadd.s32 $0xFFFFFF80  }
0x27: {  	_ =	swait.ge [sflag:s18], $0x80  }
0x28: {  	[sflag:s18] =	ssyncset.done $0x0  }
0x29: {  	s30 =	simm.s32 $0x100;
	[sflag:s18] =	ssyncadd.s32 $0xFFFFFF80  }
0x2a: {  	[tilespmem:s15], [sflag:$0x1] =	stream.indirect.gather [hbm4b:s4+s14], $0x1, s30, s14, $0xb8;
	[tilespmem:$0xCD00] =	vst v63  }
0x2b: {  	s31 =	simm.s32 $0x6080  }
0x2c: {  	[spmem:s2] =	stream.indirect.scatter.add.f32 [tilespmem:s17], [sflag:$0x3], $0x1, s31, s14, $0xb8;
	[tilespmem:$0xCD00] =	vst v63  }
0x2d: {  	_ =	swait.ge [sflag:s12], $0x80  }
0x2e: {  	s23 =	simm.s32 $0x400;
	[sflag:s12] =	ssyncset.done $0x0  }
.LBB2_2:
0x2f: {  	p0 =	sne.s32 s23, $0x17800  }
0x30: {  	[sflag:s12] =	ssyncadd.s32 $0xFFFFFF80;
	s24 =	smov.u32 s23;
	s23 =	sadd.s32 $0x400, s23  }
0x31: {  	_ = 	snop  }
0x32: {  	_ =	swait.ge [sflag:s16], $0x80  }
0x33: {  	s24 =	sshra.s32 s24, $0x2;
	[sflag:s16] =	ssyncset.done $0x0  }
0x34: {  	s25 =	sadd.s32 $0x80, s24;
	[sflag:s16] =	ssyncadd.s32 $0xFFFFFF80  }
0x35: {  	[tilespmem:s17], [sflag:$0x2] =	stream.indirect.gather [hbm4b:s4+s14], $0x1, s25, s14, $0xb8;
	[tilespmem:$0xCD00] =	vst v63  }
0x36: {  	s25 =	sadd.s32 $0x6000, s24  }
0x37: {  	[spmem:s2] =	stream.indirect.scatter.add.f32 [tilespmem:s15], [sflag:$0x3], $0x1, s25, s14, $0xb8;
	[tilespmem:$0xCD00] =	vst v63  }
0x38: {  	_ =	swait.ge [sflag:s12], $0x80  }
0x39: {  	[sflag:s12] =	ssyncset.done $0x0  }
0x3a: {  	[sflag:s12] =	ssyncadd.s32 $0xFFFFFF80  }
0x3b: {  	_ =	swait.ge [sflag:s18], $0x80  }
0x3c: {  	[sflag:s18] =	ssyncset.done $0x0  }
0x3d: {  	s25 =	sadd.s32 $0x100, s24;
	[sflag:s18] =	ssyncadd.s32 $0xFFFFFF80  }
0x3e: {  	[tilespmem:s15], [sflag:$0x1] =	stream.indirect.gather [hbm4b:s4+s14], $0x1, s25, s14, $0xb8;
	[tilespmem:$0xCD00] =	vst v63  }
.Ltmp0:
0x3f: {  	_ = 	snop;
	(pc) =	sbr.rel @p0 .LBB2_2-.Ltmp0, $4  }
0x40: {  	s24 =	sadd.s32 $0x6080, s24  }
0x41: {  	[spmem:s2] =	stream.indirect.scatter.add.f32 [tilespmem:s17], [sflag:$0x3], $0x1, s24, s14, $0xb8;
	[tilespmem:$0xCD00] =	vst v63  }
0x42: {  	_ =	swait.ge [sflag:s12], $0x80  }
0x43: {  	[sflag:s12] =	ssyncset.done $0x0  }
0x44: {  	[sflag:s12] =	ssyncadd.s32 $0xFFFFFF80  }
0x45: {  	_ =	swait.ge [sflag:s16], $0x80  }
0x46: {  	[sflag:s16] =	ssyncset.done $0x0  }
0x47: {  	[sflag:s16] =	ssyncadd.s32 $0xFFFFFF80  }
0x48: {  	[tilespmem:s17], [sflag:$0x2] =	stream.indirect.gather [hbm4b:s4+s14], $0x1, s19, s14, $0xb8;
	[tilespmem:$0xCD00] =	vst v63  }
0x49: {  	_ = 	snop  }
0x4a: {  	[spmem:s2] =	stream.indirect.scatter.add.f32 [tilespmem:s15], [sflag:$0x3], $0x1, s20, s14, $0xb8;
	[tilespmem:$0xCD00] =	vst v63  }
0x4b: {  	_ =	swait.ge [sflag:s12], $0x80  }
0x4c: {  	[sflag:s12] =	ssyncset.done $0x0  }
0x4d: {  	[sflag:s12] =	ssyncadd.s32 $0xFFFFFF80  }
0x4e: {  	_ =	swait.ge [sflag:s18], $0x80  }
0x4f: {  	[sflag:s18] =	ssyncset.done $0x0  }
0x50: {  	[sflag:s18] =	ssyncadd.s32 $0xFFFFFF80  }
0x51: {  	[spmem:s2] =	stream.indirect.scatter.add.f32 [tilespmem:s17], [sflag:$0x3], $0x1, s21, s14, $0xb8;
	[tilespmem:$0xCD00] =	vst v63  }
0x52: {  	_ =	swait.ge [sflag:s12], $0x80  }
0x53: {  	s22 =	sadd.s32 $0x1, s22;
	[sflag:s12] =	ssyncset.done $0x0  }
0x54: {  	p0 =	sne.s32 s22, s10;
	[sflag:s12] =	ssyncadd.s32 $0xFFFFFF80  }
.Ltmp1:
0x55: {  	[bflag:$0x0] =	sbarrier.arrive $0xFFFF;
	(pc) =	sbr.rel @p0 .LBB2_1-.Ltmp1, $4  }
0x56: {  	[hbm:s9], [sflag:s6] =	dma.local [spmem:s11], $0x180  }
0x57: {  	_ =	swait.ge [sflag:s12], $0x180  }
0x58: {  	[sflag:s12] =	ssyncset.done $0x0  }
0x59: {  	[sflag:s12] =	ssyncadd.s32 $0xFFFFFE80  }
0x5a: {  	_ =	sfence.sel $0x180000  }
0x5b: {  	[bflag:$0x0] =	sbarrier.arrive $0xFFFF  }
0x5c: {  	p0 =	sne.s32 s0, $0x0;
	_ =	strace $0x90000050  }
0x5d: {  	s0 =	sadd.s32 @!p0 $0x100000, s1;
	[bflag:$0x2] =	sbarrier.arrive $0xFFFF  }
0x5e: {  	[sflag:s0] =	ssyncadd.tile.s32 @!p0 $0x1;
	_ =	shalt  }
.Lfunc_end2:
_tile_overlayer_lowered:
.L_overlay_start_2:
0x5f: {  	(tag) =	ssettag $0x2  }
0x60: {  	s0 =	rddreg [dreg:$0x0];
	s2 =	stileid.u32  }
0x61: {  	s1 =	rddreg [dreg:$0x1];
	p0 =	sne.s32 s2, $0x0  }
0x62: {  	s3 =	rddreg [dreg:$0x2];
	[bflag:$0x3] =	sbarrier.arrive $0xFFFF;
	s2 =	simm.s32 @!p0 $0x1C03  }
0x63: {  	[timem:s3], [sflag:s2] =	dma.local @!p0 [hbm:s0], s1  }
0x64: {  	s0 =	simm.s32 @!p0 $0x3  }
0x65: {  	_ =	swait.ge @!p0 [sflag:s0], s1  }
0x66: {  	s1 =	ssub.s32 @!p0 $0x0, s1;
	[sflag:s0] =	ssyncset.done @!p0 $0x0  }
0x67: {  	[sflag:s0] =	ssyncadd.s32 @!p0 s1  }
0x68: {  	[bflag:$0x3] =	sbarrier.arrive $0xFFFF  }
0x69: {  	_ =	shalt  }

</sc_bundles>
